<compile_context>
chip_gen: v7x
topology: tpu7x:2x2x1
jax: 0.10.2.dev20260603
libtpu: 0.0.44.dev20260713+nightly
codegen_flags: <defaults>
</compile_context>

<pallas_src>
import functools

import jax
import jax.numpy as jnp
from jax import lax
from jax.experimental import pallas as pl
from jax.experimental.pallas import tpu as pltpu
from jax.experimental.pallas import tpu_sc as plsc

N = 10000
NP = 10240
E = 320000
D = 128
G = 128
C = 10
NC = 2
NS = 16
NW = NC * NS
EW = E // NW
CK = 48
NCHP = -(-EW // CK)
EWP = NCHP * CK
NT = NP // NS
DEGW = 16
ROWB = 2048

_mesh = plsc.VectorSubcoreMesh(core_axis_name="c", subcore_axis_name="s")


def _deg_body(dst_hbm, out_hbm, ones_v, didx_v, acc_sh, dsem0, dsem1):
    cid = lax.axis_index("c")
    sid = lax.axis_index("s")
    w = sid * NC + cid
    one16 = jnp.ones((16,), jnp.float32)

    def fill(i, carry):
        ones_v[i, :] = one16
        return carry

    lax.fori_loop(0, 128, fill, 0)

    def init(j, carry):
        pltpu.sync_copy(ones_v, acc_sh.at[pl.ds(sid * NT + j * 128, 128)])
        return carry

    lax.fori_loop(0, NT // 128, init, 0)
    pltpu.sync_copy(dst_hbm.at[w], didx_v)
    plsc.subcore_barrier()

    dsems = (dsem0, dsem1)

    def dscat_start(i, b):
        pltpu.async_copy(ones_v.at[pl.ds(0, CK)], acc_sh.at[didx_v.at[i]],
                         dsems[b], add=True)

    def dscat_wait(i, b):
        pltpu.make_async_copy(ones_v.at[pl.ds(0, CK)],
                              acc_sh.at[didx_v.at[i]], dsems[b]).wait()

    dscat_start(0, 0)
    dscat_start(1, 1)

    def pair(j, carry):
        for k in range(2):
            i = 2 * j + k + 2

            @pl.when(i < NCHP)
            def _(i=i, k=k):
                dscat_wait(i, k)
                dscat_start(i, k)
        return carry

    lax.fori_loop(0, (NCHP - 1) // 2, pair, 0)
    dscat_wait(0, 0)
    dscat_wait(0, 1)
    plsc.subcore_barrier()
    pltpu.sync_copy(acc_sh.at[pl.ds(sid * NT, NT)],
                    out_hbm.at[cid, pl.ds(sid * NT, NT)])


_deg_kernel = functools.partial(
    pl.kernel,
    mesh=_mesh,
    out_type=jax.ShapeDtypeStruct((NC, NP, DEGW), jnp.float32),
    scratch_types=[
        pltpu.VMEM((128, DEGW), jnp.float32),
        pltpu.VMEM((NCHP, CK), jnp.int32),
        pltpu.VMEM_SHARED((NP, DEGW), jnp.float32),
        pltpu.SemaphoreType.DMA,
        pltpu.SemaphoreType.DMA,
    ],
)(_deg_body)


def _agg_body(feat_hbm, ei_hbm, out_hbm, ei_v, rows_v, acc_sh,
              isem0, isem1, isem2, isem3, isem4, isem5, isem6, isem7,
              isem8, isem9,
              gsem0, gsem1, gsem2, gsem3, gsem4,
              ssem0, ssem1, ssem2, ssem3, ssem4):
    cid = lax.axis_index("c")
    sid = lax.axis_index("s")
    w = sid * NC + cid
    isems = (isem0, isem1, isem2, isem3, isem4, isem5, isem6, isem7,
             isem8, isem9)
    gsems = (gsem0, gsem1, gsem2, gsem3, gsem4)
    ssems = (ssem0, ssem1, ssem2, ssem3, ssem4)

    def idx_start(i, s):
        pltpu.async_copy(ei_hbm.at[w, i], ei_v.at[s], isems[s])

    def idx_wait(i, s):
        pltpu.make_async_copy(ei_hbm.at[w, i], ei_v.at[s], isems[s]).wait()

    def gather_start(s, c):
        pltpu.async_copy(feat_hbm.at[ei_v.at[s, 0]], rows_v.at[c], gsems[c])

    def gather_wait(s, c):
        pltpu.make_async_copy(feat_hbm.at[ei_v.at[s, 0]], rows_v.at[c],
                              gsems[c]).wait()

    def scat_start(s, c):
        pltpu.async_copy(rows_v.at[c], acc_sh.at[ei_v.at[s, 1]], ssems[c],
                         add=True)

    def scat_wait(s, c):
        pltpu.make_async_copy(rows_v.at[c], acc_sh.at[ei_v.at[s, 1]],
                              ssems[c]).wait()

    pltpu.sync_copy(feat_hbm.at[pl.ds(sid * NT, NT)],
                    acc_sh.at[pl.ds(sid * NT, NT)])
    plsc.subcore_barrier()

    idx_start(0, 0)
    idx_start(1, 1)
    idx_wait(0, 0)
    gather_start(0, 0)

    def deca(q, carry):
        for k in range(10):
            r = 10 * q + k

            @pl.when((r >= 4) & (r - 4 < NCHP))
            def _(r=r, k=k):
                scat_wait((k - 4) % 10, (k - 4) % 10 % 5)

            @pl.when(r + 2 < NCHP)
            def _(r=r, k=k):
                idx_start(r + 2, (k + 2) % 10)

            @pl.when(r + 1 < NCHP)
            def _(r=r, k=k):
                idx_wait(r + 1, (k + 1) % 10)
                gather_start((k + 1) % 10, (k + 1) % 10 % 5)

            @pl.when(r < NCHP)
            def _(r=r, k=k):
                gather_wait(k % 10, k % 10 % 5)
                scat_start(k % 10, k % 10 % 5)
        return carry

    lax.fori_loop(0, (NCHP + 4 + 9) // 10, deca, 0)
    plsc.subcore_barrier()
    pltpu.sync_copy(acc_sh.at[pl.ds(sid * NT, NT)],
                    out_hbm.at[cid, pl.ds(sid * NT, NT)])


_agg_kernel = functools.partial(
    pl.kernel,
    mesh=_mesh,
    out_type=jax.ShapeDtypeStruct((NC, NP, D), jnp.float32),
    scratch_types=[
        pltpu.VMEM((10, 2, CK), jnp.int32),
        pltpu.VMEM((5, CK, D), jnp.float32),
        pltpu.VMEM_SHARED((NP, D), jnp.float32),
    ] + [pltpu.SemaphoreType.DMA] * 20,
)(_agg_body)


def _pre_body(x_ref, w_ref, b_ref, dp_ref, p_ref, dinv_ref):
    deg = dp_ref[0] + dp_ref[1] - 1.0
    rowid = (pl.program_id(0) * ROWB
             + lax.broadcasted_iota(jnp.int32, (ROWB, DEGW), 0))
    dinv = jnp.where(rowid < N, lax.rsqrt(deg), 0.0)
    dinv_ref[...] = dinv
    h = jnp.dot(x_ref[...], w_ref[...],
                preferred_element_type=jnp.float32) + b_ref[...]
    p_ref[...] = h * dinv[:, 0:1]


def _mid_body(a_ref, p_ref, dinv_ref, w_ref, b_ref, g_ref, beta_ref,
              h_ref, pn_ref):
    dinv = dinv_ref[...][:, 0:1]
    agg = (a_ref[0] + a_ref[1] - p_ref[...]) * dinv
    z = jnp.dot(agg, w_ref[...],
                preferred_element_type=jnp.float32) + b_ref[...]
    mu = jnp.mean(z, axis=-1, keepdims=True)
    zc = z - mu
    var = jnp.mean(zc * zc, axis=-1, keepdims=True)
    zn = zc * lax.rsqrt(var + 1e-5)
    h = jnp.maximum(zn * g_ref[...] + beta_ref[...], 0.0)
    h_ref[...] = h
    pn_ref[...] = h * dinv


def _post_body(a_ref, p_ref, dinv_ref, w_ref, b_ref, g_ref, beta_ref,
               h1_ref, batch_ref, wpost_ref, bpost_ref, out_ref, acc_ref):
    i = pl.program_id(0)
    dinv = dinv_ref[...][:, 0:1]
    agg = (a_ref[0] + a_ref[1] - p_ref[...]) * dinv
    z = jnp.dot(agg, w_ref[...],
                preferred_element_type=jnp.float32) + b_ref[...]
    mu = jnp.mean(z, axis=-1, keepdims=True)
    zc = z - mu
    var = jnp.mean(zc * zc, axis=-1, keepdims=True)
    zn = zc * lax.rsqrt(var + 1e-5)
    h2 = jnp.maximum(zn * g_ref[...] + beta_ref[...], 0.0)
    skip = h1_ref[...] + h2
    seg = lax.broadcasted_iota(jnp.int32, (ROWB, G), 1)
    oh = jnp.where(batch_ref[...] == seg, 1.0, 0.0)
    contrib = lax.dot_general(oh, skip, (((0,), (0,)), ((), ())),
                              preferred_element_type=jnp.float32)

    @pl.when(i == 0)
    def _():
        acc_ref[...] = contrib

    @pl.when(i > 0)
    def _():
        acc_ref[...] = acc_ref[...] + contrib

    @pl.when(i == pl.num_programs(0) - 1)
    def _():
        out_ref[...] = jnp.dot(acc_ref[...], wpost_ref[...],
                               preferred_element_type=jnp.float32) + bpost_ref[...]


def _row_spec(width):
    return pl.BlockSpec((ROWB, width), lambda i: (i, 0))


def _fixed_spec(shape):
    return pl.BlockSpec(shape, lambda i: tuple(0 for _ in shape))


_PART_SPEC = pl.BlockSpec((NC, ROWB, D), lambda i: (0, i, 0))


def kernel(x, edge_index, batch, W_pre, b_pre, W1, b1, g1, beta1,
           W2, b2, g2, beta2, W_post, b_post):
    srcw = edge_index[0].reshape(NW, EW)
    dstw = edge_index[1].reshape(NW, EW)
    srcp = jnp.pad(srcw, ((0, 0), (0, EWP - EW)), constant_values=N)
    dstp = jnp.pad(dstw, ((0, 0), (0, EWP - EW)), constant_values=N)
    ei = jnp.stack([srcp.reshape(NW, NCHP, CK),
                    dstp.reshape(NW, NCHP, CK)], axis=2)
    dst_blocks = dstp.reshape(NW, NCHP, CK)
    x = jnp.pad(x, ((0, NP - N), (0, 0)))
    batch = jnp.pad(batch, (0, NP - N), constant_values=G)
    grid = (NP // ROWB,)

    dp = _deg_kernel(dst_blocks)

    p1, dinv16 = pl.pallas_call(
        _pre_body,
        grid=grid,
        in_specs=[
            _row_spec(D),
            _fixed_spec((D, D)),
            _fixed_spec((1, D)),
            pl.BlockSpec((NC, ROWB, DEGW), lambda i: (0, i, 0)),
        ],
        out_specs=[_row_spec(D), _row_spec(DEGW)],
        out_shape=[
            jax.ShapeDtypeStruct((NP, D), jnp.float32),
            jax.ShapeDtypeStruct((NP, DEGW), jnp.float32),
        ],
    )(x, W_pre, b_pre.reshape(1, D), dp)

    agg1 = _agg_kernel(p1, ei)

    h1, p2 = pl.pallas_call(
        _mid_body,
        grid=grid,
        in_specs=[
            _PART_SPEC,
            _row_spec(D),
            _row_spec(DEGW),
            _fixed_spec((D, D)),
            _fixed_spec((1, D)),
            _fixed_spec((1, D)),
            _fixed_spec((1, D)),
        ],
        out_specs=[_row_spec(D), _row_spec(D)],
        out_shape=[
            jax.ShapeDtypeStruct((NP, D), jnp.float32),
            jax.ShapeDtypeStruct((NP, D), jnp.float32),
        ],
    )(agg1, p1, dinv16, W1, b1.reshape(1, D), g1.reshape(1, D),
      beta1.reshape(1, D))

    agg2 = _agg_kernel(p2, ei)

    out = pl.pallas_call(
        _post_body,
        grid=grid,
        in_specs=[
            _PART_SPEC,
            _row_spec(D),
            _row_spec(DEGW),
            _fixed_spec((D, D)),
            _fixed_spec((1, D)),
            _fixed_spec((1, D)),
            _fixed_spec((1, D)),
            _row_spec(D),
            _row_spec(1),
            _fixed_spec((D, C)),
            _fixed_spec((1, C)),
        ],
        out_specs=pl.BlockSpec((G, C), lambda i: (0, 0)),
        out_shape=jax.ShapeDtypeStruct((G, C), jnp.float32),
        scratch_shapes=[pltpu.VMEM((G, G), jnp.float32)],
    )(agg2, p2, dinv16, W2, b2.reshape(1, D), g2.reshape(1, D),
      beta2.reshape(1, D), h1, batch.reshape(NP, 1), W_post,
      b_post.reshape(1, C))

    return out

# --- scband reference (transcript-rebuilt; emitter-appended) ---
"""Pipeline reference for scband-two-layer-micro-architecture-build-16784732192997 (READ-ONLY COPY).

The authoritative reference and input builder live on the scoring server;
editing this copy changes nothing except your own understanding.
"""

import jax, jax.numpy as jnp
import numpy as np

N = 10000
E = 320000
D_IN = 128
HID = 128
NUM_CLASSES = 10
NUM_GRAPHS = 128


def setup_inputs(seed: int = 0) -> dict:
    key = jax.random.key(seed)
    ks = jax.random.split(key, 16)
    x = jax.random.normal(ks[0], (N, D_IN), dtype=jnp.float32)
    edge_index = jax.random.randint(ks[1], (2, E), 0, N, dtype=jnp.int32)
    batch = jnp.sort(jax.random.randint(ks[2], (N,), 0, NUM_GRAPHS, dtype=jnp.int32))
    s = 0.05
    W_pre = jax.random.normal(ks[3], (D_IN, HID), dtype=jnp.float32) * s
    b_pre = jnp.zeros((HID,), dtype=jnp.float32)
    W1 = jax.random.normal(ks[4], (HID, HID), dtype=jnp.float32) * s
    b1 = jnp.zeros((HID,), dtype=jnp.float32)
    g1 = jnp.ones((HID,), dtype=jnp.float32)
    beta1 = jnp.zeros((HID,), dtype=jnp.float32)
    W2 = jax.random.normal(ks[5], (HID, HID), dtype=jnp.float32) * s
    b2 = jnp.zeros((HID,), dtype=jnp.float32)
    g2 = jnp.ones((HID,), dtype=jnp.float32)
    beta2 = jnp.zeros((HID,), dtype=jnp.float32)
    W_post = jax.random.normal(ks[6], (HID, NUM_CLASSES), dtype=jnp.float32) * s
    b_post = jnp.zeros((NUM_CLASSES,), dtype=jnp.float32)
    return {
        'x': x, 'edge_index': edge_index, 'batch': batch,
        'W_pre': W_pre, 'b_pre': b_pre,
        'W1': W1, 'b1': b1, 'g1': g1, 'beta1': beta1,
        'W2': W2, 'b2': b2, 'g2': g2, 'beta2': beta2,
        'W_post': W_post, 'b_post': b_post,
    }


def _gcn_conv(x, edge_index, W, b):
    # PyG GCNConv: linear transform, add self-loops, sym-normalized scatter-add
    n = x.shape[0]
    h = x @ W
    src = edge_index[0]
    dst = edge_index[1]
    sl = jnp.arange(n, dtype=src.dtype)
    src = jnp.concatenate([src, sl])
    dst = jnp.concatenate([dst, sl])
    deg = jnp.zeros((n,), dtype=h.dtype).at[dst].add(1.0)
    dinv = jnp.where(deg > 0, 1.0 / jnp.sqrt(deg), 0.0)
    norm = dinv[src] * dinv[dst]
    msg = h[src] * norm[:, None]
    out = jnp.zeros_like(h).at[dst].add(msg)
    return out + b


def _layer_norm(x, g, b, eps=1e-5):
    mu = jnp.mean(x, axis=-1, keepdims=True)
    var = jnp.var(x, axis=-1, keepdims=True)
    return (x - mu) / jnp.sqrt(var + eps) * g + b


def reference(x, edge_index, batch, W_pre, b_pre, W1, b1, g1, beta1, W2, b2, g2, beta2, W_post, b_post):
    h = x @ W_pre + b_pre
    h1 = _gcn_conv(h, edge_index, W1, b1)
    h1 = _layer_norm(h1, g1, beta1)
    h1 = jax.nn.relu(h1)
    h2 = _gcn_conv(h1, edge_index, W2, b2)
    h2 = _layer_norm(h2, g2, beta2)
    h2 = jax.nn.relu(h2)
    skip = h1 + h2
    readout = jax.ops.segment_sum(skip, batch, num_segments=NUM_GRAPHS)
    out = readout @ W_post + b_post
    return out

if __name__ == "__main__":
    import jax
    _d = setup_inputs()
    print(jax.jit(kernel)(*tuple(_d.values())))

</pallas_src>

<mosaic_0001>
#map = affine_map<(d0, d1) -> (0, 0, 0)>
module attributes {stable_mosaic.version = 14 : i64} {
  func.func @_deg_body(%arg0: i32, %arg1: i32, %arg2: memref<32x209x48xi32, #tpu.memory_space<hbm>>, %arg3: memref<2x10240x16xf32, #tpu.memory_space<hbm>>, %arg4: memref<128x16xf32, #tpu.memory_space<vmem>>, %arg5: memref<209x48xi32, #tpu.memory_space<vmem>>, %arg6: memref<10240x16xf32, #tpu.memory_space<vmem_shared>>, %arg7: memref<!tpu.dma_semaphore, #tpu.memory_space<semaphore_mem>>, %arg8: memref<!tpu.dma_semaphore, #tpu.memory_space<semaphore_mem>>) attributes {dimension_semantics = [#tpu.dimension_semantics<core_parallel>, #tpu.dimension_semantics<subcore_parallel>], iteration_bounds = array<i64: 2, 16>, scalar_prefetch = 0 : i64, scratch_operands = 5 : i64, tpu.core_type = #tpu.core_type<sc_vector_subcore>, window_params = [{transform_indices = #map}, {transform_indices = #map}]} {
    %mul3A = arith.constant 2 : i32
    %mul3A_0 = arith.muli %arg1, %mul3A : i32
    %add3A = arith.addi %mul3A_0, %arg0 : i32
    %broadcast_in_dim3A = arith.constant 1.000000e+00 : f32
    %broadcast_in_dim3A_1 = vector.broadcast %broadcast_in_dim3A : f32 to vector<16xf32>
    %scan3A = arith.constant 0 : i32
    %scan3A_2 = arith.constant 0 : i32
    %scan3A_3 = arith.constant 128 : i32
    %scan3A_4 = arith.addi %scan3A_2, %scan3A_3 : i32
    %scan3A_5 = arith.constant 1 : i32
    scf.for %scan3A_62 = %scan3A_2 to %scan3A_4 step %scan3A_5  : i32 {
      %swap3A = arith.index_cast %scan3A_62 : i32 to index
      %swap3A_63 = arith.constant 0 : index
      %swap3A_64 = tpu.vector_load %arg4[%swap3A, %swap3A_63] {strides = array<i32>} : memref<128x16xf32, #tpu.memory_space<vmem>>, vector<1x16xf32>,
      %swap3A_65 = vector.shape_cast %swap3A_64 : vector<1x16xf32> to vector<16xf32>
      %swap3A_66 = vector.shape_cast %broadcast_in_dim3A_1 : vector<16xf32> to vector<1x16xf32>
      tpu.vector_store %arg4[%swap3A, %swap3A_63], %swap3A_66 {strides = array<i32>} : memref<128x16xf32, #tpu.memory_space<vmem>>, vector<1x16xf32>,
    }
    %scan3A_6 = arith.constant 128 : i32
    %scan3A_7 = arith.constant 0 : i32
    %scan3A_8 = arith.constant 0 : i32
    %scan3A_9 = arith.constant 5 : i32
    %scan3A_10 = arith.addi %scan3A_8, %scan3A_9 : i32
    %scan3A_11 = arith.constant 1 : i32
    scf.for %scan3A_62 = %scan3A_8 to %scan3A_10 step %scan3A_11  : i32 {
      %mul3A_63 = arith.constant 640 : i32
      %mul3A_64 = arith.muli %arg1, %mul3A_63 : i32
      %mul3A_65 = arith.constant 128 : i32
      %mul3A_66 = arith.muli %scan3A_62, %mul3A_65 : i32
      %add3A_67 = arith.addi %mul3A_64, %mul3A_66 : i32
      "tpu.region"() ({
        %run_scoped3A = tpu.sem_alloc : memref<!tpu.dma_semaphore, #tpu.memory_space<semaphore_mem>>
        %dma_start3A_68 = arith.constant 0 : i32
        %dma_start3A_69 = tpu.memref_slice %arg6[%add3A_67, %dma_start3A_68] : memref<10240x16xf32, #tpu.memory_space<vmem_shared>> -> memref<128x16xf32, #tpu.memory_space<vmem_shared>>
        %dma_start3A_70 = arith.constant 0 : i32
        %dma_start3A_71 = tpu.memref_slice %arg6[%add3A_67, %dma_start3A_70] : memref<10240x16xf32, #tpu.memory_space<vmem_shared>> -> memref<128x16xf32, #tpu.memory_space<vmem_shared>>
        tpu.enqueue_dma source(%arg4 : memref<128x16xf32, #tpu.memory_space<vmem>>) target(%dma_start3A_71 : memref<128x16xf32, #tpu.memory_space<vmem_shared>>) target_semaphore(%run_scoped3A : memref<!tpu.dma_semaphore, #tpu.memory_space<semaphore_mem>>)
        %dma_wait3A_72 = arith.constant 0 : i32
        %dma_wait3A_73 = tpu.memref_slice %arg6[%add3A_67, %dma_wait3A_72] : memref<10240x16xf32, #tpu.memory_space<vmem_shared>> -> memref<128x16xf32, #tpu.memory_space<vmem_shared>>
        %dma_wait3A_74 = arith.constant 0 : i32
        %dma_wait3A_75 = tpu.memref_slice %arg6[%add3A_67, %dma_wait3A_74] : memref<10240x16xf32, #tpu.memory_space<vmem_shared>> -> memref<128x16xf32, #tpu.memory_space<vmem_shared>>
        tpu.wait_dma2 semaphore(%run_scoped3A : memref<!tpu.dma_semaphore, #tpu.memory_space<semaphore_mem>>) src(%arg4 : memref<128x16xf32, #tpu.memory_space<vmem>>) dst(%dma_wait3A_75 : memref<128x16xf32, #tpu.memory_space<vmem_shared>>)
        tpu.yield
      }) : () -> ()
    }
    %scan3A_12 = arith.constant 5 : i32
    "tpu.region"() ({
      %run_scoped3A = tpu.sem_alloc : memref<!tpu.dma_semaphore, #tpu.memory_space<semaphore_mem>>
      %dma_start3A_62 = arith.constant 0 : i32
      %dma_start3A_63 = arith.constant 0 : i32
      %dma_start3A_64 = tpu.memref_slice %arg2[%add3A, %dma_start3A_62, %dma_start3A_63] : memref<32x209x48xi32, #tpu.memory_space<hbm>> -> memref<1x209x48xi32, #tpu.memory_space<hbm>>
      %dma_start3A_65 = tpu.memref_squeeze %dma_start3A_64 : memref<1x209x48xi32, #tpu.memory_space<hbm>> -> memref<209x48xi32, #tpu.memory_space<hbm>>
      %dma_start3A_66 = arith.constant 0 : i32
      %dma_start3A_67 = arith.constant 0 : i32
      %dma_start3A_68 = tpu.memref_slice %arg2[%add3A, %dma_start3A_66, %dma_start3A_67] : memref<32x209x48xi32, #tpu.memory_space<hbm>> -> memref<1x209x48xi32, #tpu.memory_space<hbm>>
      %dma_start3A_69 = tpu.memref_squeeze %dma_start3A_68 : memref<1x209x48xi32, #tpu.memory_space<hbm>> -> memref<209x48xi32, #tpu.memory_space<hbm>>
      tpu.enqueue_dma source(%dma_start3A_69 : memref<209x48xi32, #tpu.memory_space<hbm>>) target(%arg5 : memref<209x48xi32, #tpu.memory_space<vmem>>) target_semaphore(%run_scoped3A : memref<!tpu.dma_semaphore, #tpu.memory_space<semaphore_mem>>)
      %dma_wait3A_70 = arith.constant 0 : i32
      %dma_wait3A_71 = arith.constant 0 : i32
      %dma_wait3A_72 = tpu.memref_slice %arg2[%add3A, %dma_wait3A_70, %dma_wait3A_71] : memref<32x209x48xi32, #tpu.memory_space<hbm>> -> memref<1x209x48xi32, #tpu.memory_space<hbm>>
      %dma_wait3A_73 = tpu.memref_squeeze %dma_wait3A_72 : memref<1x209x48xi32, #tpu.memory_space<hbm>> -> memref<209x48xi32, #tpu.memory_space<hbm>>
      %dma_wait3A_74 = arith.constant 0 : i32
      %dma_wait3A_75 = arith.constant 0 : i32
      %dma_wait3A_76 = tpu.memref_slice %arg2[%add3A, %dma_wait3A_74, %dma_wait3A_75] : memref<32x209x48xi32, #tpu.memory_space<hbm>> -> memref<1x209x48xi32, #tpu.memory_space<hbm>>
      %dma_wait3A_77 = tpu.memref_squeeze %dma_wait3A_76 : memref<1x209x48xi32, #tpu.memory_space<hbm>> -> memref<209x48xi32, #tpu.memory_space<hbm>>
      tpu.wait_dma2 semaphore(%run_scoped3A : memref<!tpu.dma_semaphore, #tpu.memory_space<semaphore_mem>>) src(%dma_wait3A_77 : memref<209x48xi32, #tpu.memory_space<hbm>>) dst(%arg5 : memref<209x48xi32, #tpu.memory_space<vmem>>)
      tpu.yield
    }) : () -> ()
    %barrier3A = arith.constant 0 : index
    tpu.barrier barrier_id(%barrier3A)
    %dma_start3A = arith.constant 0 : i32
    %dma_start3A_13 = arith.constant 0 : i32
    %dma_start3A_14 = arith.constant 0 : i32
    %dma_start3A_15 = tpu.memref_slice %arg4[%dma_start3A_13, %dma_start3A_14] : memref<128x16xf32, #tpu.memory_space<vmem>> -> memref<48x16xf32, #tpu.memory_space<vmem>>
    %dma_start3A_16 = arith.constant 0 : i32
    %dma_start3A_17 = tpu.memref_slice %arg5[%dma_start3A, %dma_start3A_16] : memref<209x48xi32, #tpu.memory_space<vmem>> -> memref<1x48xi32, #tpu.memory_space<vmem>>
    %dma_start3A_18 = tpu.memref_squeeze %dma_start3A_17 : memref<1x48xi32, #tpu.memory_space<vmem>> -> memref<48xi32, #tpu.memory_space<vmem>>
    %dma_start3A_19 = arith.constant 0 : i32
    %dma_start3A_20 = arith.constant 0 : i32
    %dma_start3A_21 = tpu.memref_slice %arg6[%dma_start3A_19, %dma_start3A_20] : memref<10240x16xf32, #tpu.memory_space<vmem_shared>> -> memref<10240x16xf32, #tpu.memory_space<vmem_shared>>
    tpu.enqueue_indirect_dma source(%dma_start3A_15 : memref<48x16xf32, #tpu.memory_space<vmem>>) target(%dma_start3A_21 : memref<10240x16xf32, #tpu.memory_space<vmem_shared>>) offsets(%dma_start3A_18 : memref<48xi32, #tpu.memory_space<vmem>>) semaphore(%arg7 : memref<!tpu.dma_semaphore, #tpu.memory_space<semaphore_mem>>) {add = true}
    %dma_start3A_22 = arith.constant 1 : i32
    %dma_start3A_23 = arith.constant 0 : i32
    %dma_start3A_24 = arith.constant 0 : i32
    %dma_start3A_25 = tpu.memref_slice %arg4[%dma_start3A_23, %dma_start3A_24] : memref<128x16xf32, #tpu.memory_space<vmem>> -> memref<48x16xf32, #tpu.memory_space<vmem>>
    %dma_start3A_26 = arith.constant 0 : i32
    %dma_start3A_27 = tpu.memref_slice %arg5[%dma_start3A_22, %dma_start3A_26] : memref<209x48xi32, #tpu.memory_space<vmem>> -> memref<1x48xi32, #tpu.memory_space<vmem>>
    %dma_start3A_28 = tpu.memref_squeeze %dma_start3A_27 : memref<1x48xi32, #tpu.memory_space<vmem>> -> memref<48xi32, #tpu.memory_space<vmem>>
    %dma_start3A_29 = arith.constant 0 : i32
    %dma_start3A_30 = arith.constant 0 : i32
    %dma_start3A_31 = tpu.memref_slice %arg6[%dma_start3A_29, %dma_start3A_30] : memref<10240x16xf32, #tpu.memory_space<vmem_shared>> -> memref<10240x16xf32, #tpu.memory_space<vmem_shared>>
    tpu.enqueue_indirect_dma source(%dma_start3A_25 : memref<48x16xf32, #tpu.memory_space<vmem>>) target(%dma_start3A_31 : memref<10240x16xf32, #tpu.memory_space<vmem_shared>>) offsets(%dma_start3A_28 : memref<48xi32, #tpu.memory_space<vmem>>) semaphore(%arg8 : memref<!tpu.dma_semaphore, #tpu.memory_space<semaphore_mem>>) {add = true}
    %scan3A_32 = arith.constant 0 : i32
    %scan3A_33 = arith.constant 0 : i32
    %scan3A_34 = arith.constant 104 : i32
    %scan3A_35 = arith.addi %scan3A_33, %scan3A_34 : i32
    %scan3A_36 = arith.constant 1 : i32
    scf.for %scan3A_62 = %scan3A_33 to %scan3A_35 step %scan3A_36  : i32 {
      %mul3A_63 = arith.constant 2 : i32
      %mul3A_64 = arith.muli %mul3A_63, %scan3A_62 : i32
      %add3A_65 = arith.constant 0 : i32
      %add3A_66 = arith.addi %mul3A_64, %add3A_65 : i32
      %add3A_67 = arith.constant 2 : i32
      %add3A_68 = arith.addi %add3A_66, %add3A_67 : i32
      %lt3A = arith.constant 209 : i32
      %lt3A_69 = arith.cmpi slt, %add3A_68, %lt3A : i32
      %convert_element_type3A = arith.extui %lt3A_69 : i1 to i32
      %cond3A = arith.constant 0 : i32
      %cond3A_70 = arith.cmpi ne, %convert_element_type3A, %cond3A : i32
      scf.if %cond3A_70 {
        %dma_wait3A_82 = arith.constant 0 : i32
        %dma_wait3A_83 = arith.constant 0 : i32
        %dma_wait3A_84 = tpu.memref_slice %arg4[%dma_wait3A_82, %dma_wait3A_83] : memref<128x16xf32, #tpu.memory_space<vmem>> -> memref<48x16xf32, #tpu.memory_space<vmem>>
        %dma_wait3A_85 = arith.constant 0 : i32
        %dma_wait3A_86 = tpu.memref_slice %arg5[%add3A_68, %dma_wait3A_85] : memref<209x48xi32, #tpu.memory_space<vmem>> -> memref<1x48xi32, #tpu.memory_space<vmem>>
        %dma_wait3A_87 = tpu.memref_squeeze %dma_wait3A_86 : memref<1x48xi32, #tpu.memory_space<vmem>> -> memref<48xi32, #tpu.memory_space<vmem>>
        %dma_wait3A_88 = arith.constant 0 : i32
        %dma_wait3A_89 = arith.constant 0 : i32
        %dma_wait3A_90 = tpu.memref_slice %arg6[%dma_wait3A_88, %dma_wait3A_89] : memref<10240x16xf32, #tpu.memory_space<vmem_shared>> -> memref<10240x16xf32, #tpu.memory_space<vmem_shared>>
        tpu.wait_indirect_dma semaphore(%arg7 : memref<!tpu.dma_semaphore, #tpu.memory_space<semaphore_mem>>) src(%dma_wait3A_84 : memref<48x16xf32, #tpu.memory_space<vmem>>) dst(%dma_wait3A_90 : memref<10240x16xf32, #tpu.memory_space<vmem_shared>>)
        %dma_start3A_91 = arith.constant 0 : i32
        %dma_start3A_92 = arith.constant 0 : i32
        %dma_start3A_93 = tpu.memref_slice %arg4[%dma_start3A_91, %dma_start3A_92] : memref<128x16xf32, #tpu.memory_space<vmem>> -> memref<48x16xf32, #tpu.memory_space<vmem>>
        %dma_start3A_94 = arith.constant 0 : i32
        %dma_start3A_95 = tpu.memref_slice %arg5[%add3A_68, %dma_start3A_94] : memref<209x48xi32, #tpu.memory_space<vmem>> -> memref<1x48xi32, #tpu.memory_space<vmem>>
        %dma_start3A_96 = tpu.memref_squeeze %dma_start3A_95 : memref<1x48xi32, #tpu.memory_space<vmem>> -> memref<48xi32, #tpu.memory_space<vmem>>
        %dma_start3A_97 = arith.constant 0 : i32
        %dma_start3A_98 = arith.constant 0 : i32
        %dma_start3A_99 = tpu.memref_slice %arg6[%dma_start3A_97, %dma_start3A_98] : memref<10240x16xf32, #tpu.memory_space<vmem_shared>> -> memref<10240x16xf32, #tpu.memory_space<vmem_shared>>
        tpu.enqueue_indirect_dma source(%dma_start3A_93 : memref<48x16xf32, #tpu.memory_space<vmem>>) target(%dma_start3A_99 : memref<10240x16xf32, #tpu.memory_space<vmem_shared>>) offsets(%dma_start3A_96 : memref<48xi32, #tpu.memory_space<vmem>>) semaphore(%arg7 : memref<!tpu.dma_semaphore, #tpu.memory_space<semaphore_mem>>) {add = true}
      } else {
      }
      %mul3A_71 = arith.constant 2 : i32
      %mul3A_72 = arith.muli %mul3A_71, %scan3A_62 : i32
      %add3A_73 = arith.constant 1 : i32
      %add3A_74 = arith.addi %mul3A_72, %add3A_73 : i32
      %add3A_75 = arith.constant 2 : i32
      %add3A_76 = arith.addi %add3A_74, %add3A_75 : i32
      %lt3A_77 = arith.constant 209 : i32
      %lt3A_78 = arith.cmpi slt, %add3A_76, %lt3A_77 : i32
      %convert_element_type3A_79 = arith.extui %lt3A_78 : i1 to i32
      %cond3A_80 = arith.constant 0 : i32
      %cond3A_81 = arith.cmpi ne, %convert_element_type3A_79, %cond3A_80 : i32
      scf.if %cond3A_81 {
        %dma_wait3A_82 = arith.constant 0 : i32
        %dma_wait3A_83 = arith.constant 0 : i32
        %dma_wait3A_84 = tpu.memref_slice %arg4[%dma_wait3A_82, %dma_wait3A_83] : memref<128x16xf32, #tpu.memory_space<vmem>> -> memref<48x16xf32, #tpu.memory_space<vmem>>
        %dma_wait3A_85 = arith.constant 0 : i32
        %dma_wait3A_86 = tpu.memref_slice %arg5[%add3A_76, %dma_wait3A_85] : memref<209x48xi32, #tpu.memory_space<vmem>> -> memref<1x48xi32, #tpu.memory_space<vmem>>
        %dma_wait3A_87 = tpu.memref_squeeze %dma_wait3A_86 : memref<1x48xi32, #tpu.memory_space<vmem>> -> memref<48xi32, #tpu.memory_space<vmem>>
        %dma_wait3A_88 = arith.constant 0 : i32
        %dma_wait3A_89 = arith.constant 0 : i32
        %dma_wait3A_90 = tpu.memref_slice %arg6[%dma_wait3A_88, %dma_wait3A_89] : memref<10240x16xf32, #tpu.memory_space<vmem_shared>> -> memref<10240x16xf32, #tpu.memory_space<vmem_shared>>
        tpu.wait_indirect_dma semaphore(%arg8 : memref<!tpu.dma_semaphore, #tpu.memory_space<semaphore_mem>>) src(%dma_wait3A_84 : memref<48x16xf32, #tpu.memory_space<vmem>>) dst(%dma_wait3A_90 : memref<10240x16xf32, #tpu.memory_space<vmem_shared>>)
        %dma_start3A_91 = arith.constant 0 : i32
        %dma_start3A_92 = arith.constant 0 : i32
        %dma_start3A_93 = tpu.memref_slice %arg4[%dma_start3A_91, %dma_start3A_92] : memref<128x16xf32, #tpu.memory_space<vmem>> -> memref<48x16xf32, #tpu.memory_space<vmem>>
        %dma_start3A_94 = arith.constant 0 : i32
        %dma_start3A_95 = tpu.memref_slice %arg5[%add3A_76, %dma_start3A_94] : memref<209x48xi32, #tpu.memory_space<vmem>> -> memref<1x48xi32, #tpu.memory_space<vmem>>
        %dma_start3A_96 = tpu.memref_squeeze %dma_start3A_95 : memref<1x48xi32, #tpu.memory_space<vmem>> -> memref<48xi32, #tpu.memory_space<vmem>>
        %dma_start3A_97 = arith.constant 0 : i32
        %dma_start3A_98 = arith.constant 0 : i32
        %dma_start3A_99 = tpu.memref_slice %arg6[%dma_start3A_97, %dma_start3A_98] : memref<10240x16xf32, #tpu.memory_space<vmem_shared>> -> memref<10240x16xf32, #tpu.memory_space<vmem_shared>>
        tpu.enqueue_indirect_dma source(%dma_start3A_93 : memref<48x16xf32, #tpu.memory_space<vmem>>) target(%dma_start3A_99 : memref<10240x16xf32, #tpu.memory_space<vmem_shared>>) offsets(%dma_start3A_96 : memref<48xi32, #tpu.memory_space<vmem>>) semaphore(%arg8 : memref<!tpu.dma_semaphore, #tpu.memory_space<semaphore_mem>>) {add = true}
      } else {
      }
    }
    %scan3A_37 = arith.constant 104 : i32
    %dma_wait3A = arith.constant 0 : i32
    %dma_wait3A_38 = arith.constant 0 : i32
    %dma_wait3A_39 = arith.constant 0 : i32
    %dma_wait3A_40 = tpu.memref_slice %arg4[%dma_wait3A_38, %dma_wait3A_39] : memref<128x16xf32, #tpu.memory_space<vmem>> -> memref<48x16xf32, #tpu.memory_space<vmem>>
    %dma_wait3A_41 = arith.constant 0 : i32
    %dma_wait3A_42 = tpu.memref_slice %arg5[%dma_wait3A, %dma_wait3A_41] : memref<209x48xi32, #tpu.memory_space<vmem>> -> memref<1x48xi32, #tpu.memory_space<vmem>>
    %dma_wait3A_43 = tpu.memref_squeeze %dma_wait3A_42 : memref<1x48xi32, #tpu.memory_space<vmem>> -> memref<48xi32, #tpu.memory_space<vmem>>
    %dma_wait3A_44 = arith.constant 0 : i32
    %dma_wait3A_45 = arith.constant 0 : i32
    %dma_wait3A_46 = tpu.memref_slice %arg6[%dma_wait3A_44, %dma_wait3A_45] : memref<10240x16xf32, #tpu.memory_space<vmem_shared>> -> memref<10240x16xf32, #tpu.memory_space<vmem_shared>>
    tpu.wait_indirect_dma semaphore(%arg7 : memref<!tpu.dma_semaphore, #tpu.memory_space<semaphore_mem>>) src(%dma_wait3A_40 : memref<48x16xf32, #tpu.memory_space<vmem>>) dst(%dma_wait3A_46 : memref<10240x16xf32, #tpu.memory_space<vmem_shared>>)
    %dma_wait3A_47 = arith.constant 0 : i32
    %dma_wait3A_48 = arith.constant 0 : i32
    %dma_wait3A_49 = arith.constant 0 : i32
    %dma_wait3A_50 = tpu.memref_slice %arg4[%dma_wait3A_48, %dma_wait3A_49] : memref<128x16xf32, #tpu.memory_space<vmem>> -> memref<48x16xf32, #tpu.memory_space<vmem>>
    %dma_wait3A_51 = arith.constant 0 : i32
    %dma_wait3A_52 = tpu.memref_slice %arg5[%dma_wait3A_47, %dma_wait3A_51] : memref<209x48xi32, #tpu.memory_space<vmem>> -> memref<1x48xi32, #tpu.memory_space<vmem>>
    %dma_wait3A_53 = tpu.memref_squeeze %dma_wait3A_52 : memref<1x48xi32, #tpu.memory_space<vmem>> -> memref<48xi32, #tpu.memory_space<vmem>>
    %dma_wait3A_54 = arith.constant 0 : i32
    %dma_wait3A_55 = arith.constant 0 : i32
    %dma_wait3A_56 = tpu.memref_slice %arg6[%dma_wait3A_54, %dma_wait3A_55] : memref<10240x16xf32, #tpu.memory_space<vmem_shared>> -> memref<10240x16xf32, #tpu.memory_space<vmem_shared>>
    tpu.wait_indirect_dma semaphore(%arg8 : memref<!tpu.dma_semaphore, #tpu.memory_space<semaphore_mem>>) src(%dma_wait3A_50 : memref<48x16xf32, #tpu.memory_space<vmem>>) dst(%dma_wait3A_56 : memref<10240x16xf32, #tpu.memory_space<vmem_shared>>)
    %barrier3A_57 = arith.constant 0 : index
    tpu.barrier barrier_id(%barrier3A_57)
    %mul3A_58 = arith.constant 640 : i32
    %mul3A_59 = arith.muli %arg1, %mul3A_58 : i32
    %mul3A_60 = arith.constant 640 : i32
    %mul3A_61 = arith.muli %arg1, %mul3A_60 : i32
    "tpu.region"() ({
      %run_scoped3A = tpu.sem_alloc : memref<!tpu.dma_semaphore, #tpu.memory_space<semaphore_mem>>
      %dma_start3A_62 = arith.constant 0 : i32
      %dma_start3A_63 = tpu.memref_slice %arg3[%arg0, %mul3A_61, %dma_start3A_62] : memref<2x10240x16xf32, #tpu.memory_space<hbm>> -> memref<1x640x16xf32, #tpu.memory_space<hbm>>
      %dma_start3A_64 = tpu.memref_squeeze %dma_start3A_63 : memref<1x640x16xf32, #tpu.memory_space<hbm>> -> memref<640x16xf32, #tpu.memory_space<hbm>>
      %dma_start3A_65 = arith.constant 0 : i32
      %dma_start3A_66 = tpu.memref_slice %arg6[%mul3A_59, %dma_start3A_65] : memref<10240x16xf32, #tpu.memory_space<vmem_shared>> -> memref<640x16xf32, #tpu.memory_space<vmem_shared>>
      tpu.enqueue_dma source(%dma_start3A_66 : memref<640x16xf32, #tpu.memory_space<vmem_shared>>) target(%dma_start3A_64 : memref<640x16xf32, #tpu.memory_space<hbm>>) target_semaphore(%run_scoped3A : memref<!tpu.dma_semaphore, #tpu.memory_space<semaphore_mem>>)
      %dma_wait3A_67 = arith.constant 0 : i32
      %dma_wait3A_68 = tpu.memref_slice %arg3[%arg0, %mul3A_61, %dma_wait3A_67] : memref<2x10240x16xf32, #tpu.memory_space<hbm>> -> memref<1x640x16xf32, #tpu.memory_space<hbm>>
      %dma_wait3A_69 = tpu.memref_squeeze %dma_wait3A_68 : memref<1x640x16xf32, #tpu.memory_space<hbm>> -> memref<640x16xf32, #tpu.memory_space<hbm>>
      %dma_wait3A_70 = arith.constant 0 : i32
      %dma_wait3A_71 = tpu.memref_slice %arg6[%mul3A_59, %dma_wait3A_70] : memref<10240x16xf32, #tpu.memory_space<vmem_shared>> -> memref<640x16xf32, #tpu.memory_space<vmem_shared>>
      tpu.wait_dma2 semaphore(%run_scoped3A : memref<!tpu.dma_semaphore, #tpu.memory_space<semaphore_mem>>) src(%dma_wait3A_71 : memref<640x16xf32, #tpu.memory_space<vmem_shared>>) dst(%dma_wait3A_69 : memref<640x16xf32, #tpu.memory_space<hbm>>)
      tpu.yield
    }) : () -> ()
    return
  }
}

#map = affine_map<(d0, d1) -> (0, 0)>
#map1 = affine_map<(d0, d1) -> (0, 0, 0, 0)>
#map2 = affine_map<(d0, d1) -> (0, 0, 0)>
module attributes {stable_mosaic.version = 14 : i64} {
  func.func @_agg_body(%arg0: i32, %arg1: i32, %arg2: memref<10240x128xf32, #tpu.memory_space<hbm>>, %arg3: memref<32x209x2x48xi32, #tpu.memory_space<hbm>>, %arg4: memref<2x10240x128xf32, #tpu.memory_space<hbm>>, %arg5: memref<10x2x48xi32, #tpu.memory_space<vmem>>, %arg6: memref<5x48x128xf32, #tpu.memory_space<vmem>>, %arg7: memref<10240x128xf32, #tpu.memory_space<vmem_shared>>, %arg8: memref<!tpu.dma_semaphore, #tpu.memory_space<semaphore_mem>>, %arg9: memref<!tpu.dma_semaphore, #tpu.memory_space<semaphore_mem>>, %arg10: memref<!tpu.dma_semaphore, #tpu.memory_space<semaphore_mem>>, %arg11: memref<!tpu.dma_semaphore, #tpu.memory_space<semaphore_mem>>, %arg12: memref<!tpu.dma_semaphore, #tpu.memory_space<semaphore_mem>>, %arg13: memref<!tpu.dma_semaphore, #tpu.memory_space<semaphore_mem>>, %arg14: memref<!tpu.dma_semaphore, #tpu.memory_space<semaphore_mem>>, %arg15: memref<!tpu.dma_semaphore, #tpu.memory_space<semaphore_mem>>, %arg16: memref<!tpu.dma_semaphore, #tpu.memory_space<semaphore_mem>>, %arg17: memref<!tpu.dma_semaphore, #tpu.memory_space<semaphore_mem>>, %arg18: memref<!tpu.dma_semaphore, #tpu.memory_space<semaphore_mem>>, %arg19: memref<!tpu.dma_semaphore, #tpu.memory_space<semaphore_mem>>, %arg20: memref<!tpu.dma_semaphore, #tpu.memory_space<semaphore_mem>>, %arg21: memref<!tpu.dma_semaphore, #tpu.memory_space<semaphore_mem>>, %arg22: memref<!tpu.dma_semaphore, #tpu.memory_space<semaphore_mem>>, %arg23: memref<!tpu.dma_semaphore, #tpu.memory_space<semaphore_mem>>, %arg24: memref<!tpu.dma_semaphore, #tpu.memory_space<semaphore_mem>>, %arg25: memref<!tpu.dma_semaphore, #tpu.memory_space<semaphore_mem>>, %arg26: memref<!tpu.dma_semaphore, #tpu.memory_space<semaphore_mem>>, %arg27: memref<!tpu.dma_semaphore, #tpu.memory_space<semaphore_mem>>) attributes {dimension_semantics = [#tpu.dimension_semantics<core_parallel>, #tpu.dimension_semantics<subcore_parallel>], iteration_bounds = array<i64: 2, 16>, scalar_prefetch = 0 : i64, scratch_operands = 23 : i64, tpu.core_type = #tpu.core_type<sc_vector_subcore>, window_params = [{transform_indices = #map}, {transform_indices = #map1}, {transform_indices = #map2}]} {
    %mul3A = arith.constant 2 : i32
    %mul3A_0 = arith.muli %arg1, %mul3A : i32
    %add3A = arith.addi %mul3A_0, %arg0 : i32
    %mul3A_1 = arith.constant 640 : i32
    %mul3A_2 = arith.muli %arg1, %mul3A_1 : i32
    %mul3A_3 = arith.constant 640 : i32
    %mul3A_4 = arith.muli %arg1, %mul3A_3 : i32
    "tpu.region"() ({
      %run_scoped3A = tpu.sem_alloc : memref<!tpu.dma_semaphore, #tpu.memory_space<semaphore_mem>>
      %dma_start3A_80 = arith.constant 0 : i32
      %dma_start3A_81 = tpu.memref_slice %arg7[%mul3A_4, %dma_start3A_80] : memref<10240x128xf32, #tpu.memory_space<vmem_shared>> -> memref<640x128xf32, #tpu.memory_space<vmem_shared>>
      %dma_start3A_82 = arith.constant 0 : i32
      %dma_start3A_83 = tpu.memref_slice %arg2[%mul3A_2, %dma_start3A_82] : memref<10240x128xf32, #tpu.memory_space<hbm>> -> memref<640x128xf32, #tpu.memory_space<hbm>>
      tpu.enqueue_dma source(%dma_start3A_83 : memref<640x128xf32, #tpu.memory_space<hbm>>) target(%dma_start3A_81 : memref<640x128xf32, #tpu.memory_space<vmem_shared>>) target_semaphore(%run_scoped3A : memref<!tpu.dma_semaphore, #tpu.memory_space<semaphore_mem>>)
      %dma_wait3A_84 = arith.constant 0 : i32
      %dma_wait3A_85 = tpu.memref_slice %arg7[%mul3A_4, %dma_wait3A_84] : memref<10240x128xf32, #tpu.memory_space<vmem_shared>> -> memref<640x128xf32, #tpu.memory_space<vmem_shared>>
      %dma_wait3A_86 = arith.constant 0 : i32
      %dma_wait3A_87 = tpu.memref_slice %arg2[%mul3A_2, %dma_wait3A_86] : memref<10240x128xf32, #tpu.memory_space<hbm>> -> memref<640x128xf32, #tpu.memory_space<hbm>>
      tpu.wait_dma2 semaphore(%run_scoped3A : memref<!tpu.dma_semaphore, #tpu.memory_space<semaphore_mem>>) src(%dma_wait3A_87 : memref<640x128xf32, #tpu.memory_space<hbm>>) dst(%dma_wait3A_85 : memref<640x128xf32, #tpu.memory_space<vmem_shared>>)
      tpu.yield
    }) : () -> ()
    %barrier3A = arith.constant 0 : index
    tpu.barrier barrier_id(%barrier3A)
    %dma_start3A = arith.constant 0 : i32
    %dma_start3A_5 = arith.constant 0 : i32
    %dma_start3A_6 = arith.constant 0 : i32
    %dma_start3A_7 = arith.constant 0 : i32
    %dma_start3A_8 = tpu.memref_slice %arg5[%dma_start3A_5, %dma_start3A_6, %dma_start3A_7] : memref<10x2x48xi32, #tpu.memory_space<vmem>> -> memref<1x2x48xi32, #tpu.memory_space<vmem>>
    %dma_start3A_9 = tpu.memref_squeeze %dma_start3A_8 : memref<1x2x48xi32, #tpu.memory_space<vmem>> -> memref<2x48xi32, #tpu.memory_space<vmem>>
    %dma_start3A_10 = arith.constant 0 : i32
    %dma_start3A_11 = arith.constant 0 : i32
    %dma_start3A_12 = tpu.memref_slice %arg3[%add3A, %dma_start3A, %dma_start3A_10, %dma_start3A_11] : memref<32x209x2x48xi32, #tpu.memory_space<hbm>> -> memref<1x1x2x48xi32, #tpu.memory_space<hbm>>
    %dma_start3A_13 = tpu.memref_squeeze %dma_start3A_12 : memref<1x1x2x48xi32, #tpu.memory_space<hbm>> -> memref<2x48xi32, #tpu.memory_space<hbm>>
    %dma_start3A_14 = arith.constant 0 : i32
    %dma_start3A_15 = arith.constant 0 : i32
    %dma_start3A_16 = tpu.memref_slice %arg5[%dma_start3A_5, %dma_start3A_14, %dma_start3A_15] : memref<10x2x48xi32, #tpu.memory_space<vmem>> -> memref<1x2x48xi32, #tpu.memory_space<vmem>>
    %dma_start3A_17 = tpu.memref_squeeze %dma_start3A_16 : memref<1x2x48xi32, #tpu.memory_space<vmem>> -> memref<2x48xi32, #tpu.memory_space<vmem>>
    %dma_start3A_18 = arith.constant 0 : i32
    %dma_start3A_19 = arith.constant 0 : i32
    %dma_start3A_20 = tpu.memref_slice %arg3[%add3A, %dma_start3A, %dma_start3A_18, %dma_start3A_19] : memref<32x209x2x48xi32, #tpu.memory_space<hbm>> -> memref<1x1x2x48xi32, #tpu.memory_space<hbm>>
    %dma_start3A_21 = tpu.memref_squeeze %dma_start3A_20 : memref<1x1x2x48xi32, #tpu.memory_space<hbm>> -> memref<2x48xi32, #tpu.memory_space<hbm>>
    tpu.enqueue_dma source(%dma_start3A_21 : memref<2x48xi32, #tpu.memory_space<hbm>>) target(%dma_start3A_17 : memref<2x48xi32, #tpu.memory_space<vmem>>) target_semaphore(%arg8 : memref<!tpu.dma_semaphore, #tpu.memory_space<semaphore_mem>>)
    %dma_start3A_22 = arith.constant 1 : i32
    %dma_start3A_23 = arith.constant 1 : i32
    %dma_start3A_24 = arith.constant 0 : i32
    %dma_start3A_25 = arith.constant 0 : i32
    %dma_start3A_26 = tpu.memref_slice %arg5[%dma_start3A_23, %dma_start3A_24, %dma_start3A_25] : memref<10x2x48xi32, #tpu.memory_space<vmem>> -> memref<1x2x48xi32, #tpu.memory_space<vmem>>
    %dma_start3A_27 = tpu.memref_squeeze %dma_start3A_26 : memref<1x2x48xi32, #tpu.memory_space<vmem>> -> memref<2x48xi32, #tpu.memory_space<vmem>>
    %dma_start3A_28 = arith.constant 0 : i32
    %dma_start3A_29 = arith.constant 0 : i32
    %dma_start3A_30 = tpu.memref_slice %arg3[%add3A, %dma_start3A_22, %dma_start3A_28, %dma_start3A_29] : memref<32x209x2x48xi32, #tpu.memory_space<hbm>> -> memref<1x1x2x48xi32, #tpu.memory_space<hbm>>
    %dma_start3A_31 = tpu.memref_squeeze %dma_start3A_30 : memref<1x1x2x48xi32, #tpu.memory_space<hbm>> -> memref<2x48xi32, #tpu.memory_space<hbm>>
    %dma_start3A_32 = arith.constant 0 : i32
    %dma_start3A_33 = arith.constant 0 : i32
    %dma_start3A_34 = tpu.memref_slice %arg5[%dma_start3A_23, %dma_start3A_32, %dma_start3A_33] : memref<10x2x48xi32, #tpu.memory_space<vmem>> -> memref<1x2x48xi32, #tpu.memory_space<vmem>>
    %dma_start3A_35 = tpu.memref_squeeze %dma_start3A_34 : memref<1x2x48xi32, #tpu.memory_space<vmem>> -> memref<2x48xi32, #tpu.memory_space<vmem>>
    %dma_start3A_36 = arith.constant 0 : i32
    %dma_start3A_37 = arith.constant 0 : i32
    %dma_start3A_38 = tpu.memref_slice %arg3[%add3A, %dma_start3A_22, %dma_start3A_36, %dma_start3A_37] : memref<32x209x2x48xi32, #tpu.memory_space<hbm>> -> memref<1x1x2x48xi32, #tpu.memory_space<hbm>>
    %dma_start3A_39 = tpu.memref_squeeze %dma_start3A_38 : memref<1x1x2x48xi32, #tpu.memory_space<hbm>> -> memref<2x48xi32, #tpu.memory_space<hbm>>
    tpu.enqueue_dma source(%dma_start3A_39 : memref<2x48xi32, #tpu.memory_space<hbm>>) target(%dma_start3A_35 : memref<2x48xi32, #tpu.memory_space<vmem>>) target_semaphore(%arg9 : memref<!tpu.dma_semaphore, #tpu.memory_space<semaphore_mem>>)
    %dma_wait3A = arith.constant 0 : i32
    %dma_wait3A_40 = arith.constant 0 : i32
    %dma_wait3A_41 = arith.constant 0 : i32
    %dma_wait3A_42 = arith.constant 0 : i32
    %dma_wait3A_43 = tpu.memref_slice %arg5[%dma_wait3A_40, %dma_wait3A_41, %dma_wait3A_42] : memref<10x2x48xi32, #tpu.memory_space<vmem>> -> memref<1x2x48xi32, #tpu.memory_space<vmem>>
    %dma_wait3A_44 = tpu.memref_squeeze %dma_wait3A_43 : memref<1x2x48xi32, #tpu.memory_space<vmem>> -> memref<2x48xi32, #tpu.memory_space<vmem>>
    %dma_wait3A_45 = arith.constant 0 : i32
    %dma_wait3A_46 = arith.constant 0 : i32
    %dma_wait3A_47 = tpu.memref_slice %arg3[%add3A, %dma_wait3A, %dma_wait3A_45, %dma_wait3A_46] : memref<32x209x2x48xi32, #tpu.memory_space<hbm>> -> memref<1x1x2x48xi32, #tpu.memory_space<hbm>>
    %dma_wait3A_48 = tpu.memref_squeeze %dma_wait3A_47 : memref<1x1x2x48xi32, #tpu.memory_space<hbm>> -> memref<2x48xi32, #tpu.memory_space<hbm>>
    %dma_wait3A_49 = arith.constant 0 : i32
    %dma_wait3A_50 = arith.constant 0 : i32
    %dma_wait3A_51 = tpu.memref_slice %arg5[%dma_wait3A_40, %dma_wait3A_49, %dma_wait3A_50] : memref<10x2x48xi32, #tpu.memory_space<vmem>> -> memref<1x2x48xi32, #tpu.memory_space<vmem>>
    %dma_wait3A_52 = tpu.memref_squeeze %dma_wait3A_51 : memref<1x2x48xi32, #tpu.memory_space<vmem>> -> memref<2x48xi32, #tpu.memory_space<vmem>>
    %dma_wait3A_53 = arith.constant 0 : i32
    %dma_wait3A_54 = arith.constant 0 : i32
    %dma_wait3A_55 = tpu.memref_slice %arg3[%add3A, %dma_wait3A, %dma_wait3A_53, %dma_wait3A_54] : memref<32x209x2x48xi32, #tpu.memory_space<hbm>> -> memref<1x1x2x48xi32, #tpu.memory_space<hbm>>
    %dma_wait3A_56 = tpu.memref_squeeze %dma_wait3A_55 : memref<1x1x2x48xi32, #tpu.memory_space<hbm>> -> memref<2x48xi32, #tpu.memory_space<hbm>>
    tpu.wait_dma2 semaphore(%arg8 : memref<!tpu.dma_semaphore, #tpu.memory_space<semaphore_mem>>) src(%dma_wait3A_56 : memref<2x48xi32, #tpu.memory_space<hbm>>) dst(%dma_wait3A_52 : memref<2x48xi32, #tpu.memory_space<vmem>>)
    %dma_start3A_57 = arith.constant 0 : i32
    %dma_start3A_58 = arith.constant 0 : i32
    %dma_start3A_59 = arith.constant 0 : i32
    %dma_start3A_60 = arith.constant 0 : i32
    %dma_start3A_61 = arith.constant 0 : i32
    %dma_start3A_62 = tpu.memref_slice %arg6[%dma_start3A_59, %dma_start3A_60, %dma_start3A_61] : memref<5x48x128xf32, #tpu.memory_space<vmem>> -> memref<1x48x128xf32, #tpu.memory_space<vmem>>
    %dma_start3A_63 = tpu.memref_squeeze %dma_start3A_62 : memref<1x48x128xf32, #tpu.memory_space<vmem>> -> memref<48x128xf32, #tpu.memory_space<vmem>>
    %dma_start3A_64 = arith.constant 0 : i32
    %dma_start3A_65 = tpu.memref_slice %arg5[%dma_start3A_57, %dma_start3A_58, %dma_start3A_64] : memref<10x2x48xi32, #tpu.memory_space<vmem>> -> memref<1x1x48xi32, #tpu.memory_space<vmem>>
    %dma_start3A_66 = tpu.memref_squeeze %dma_start3A_65 : memref<1x1x48xi32, #tpu.memory_space<vmem>> -> memref<48xi32, #tpu.memory_space<vmem>>
    %dma_start3A_67 = arith.constant 0 : i32
    %dma_start3A_68 = arith.constant 0 : i32
    %dma_start3A_69 = tpu.memref_slice %arg2[%dma_start3A_67, %dma_start3A_68] : memref<10240x128xf32, #tpu.memory_space<hbm>> -> memref<10240x128xf32, #tpu.memory_space<hbm>>
    tpu.enqueue_indirect_dma source(%dma_start3A_69 : memref<10240x128xf32, #tpu.memory_space<hbm>>) target(%dma_start3A_63 : memref<48x128xf32, #tpu.memory_space<vmem>>) offsets(%dma_start3A_66 : memref<48xi32, #tpu.memory_space<vmem>>) semaphore(%arg18 : memref<!tpu.dma_semaphore, #tpu.memory_space<semaphore_mem>>)
    %scan3A = arith.constant 0 : i32
    %scan3A_70 = arith.constant 0 : i32
    %scan3A_71 = arith.constant 22 : i32
    %scan3A_72 = arith.addi %scan3A_70, %scan3A_71 : i32
    %scan3A_73 = arith.constant 1 : i32
    scf.for %scan3A_80 = %scan3A_70 to %scan3A_72 step %scan3A_73  : i32 {
      %mul3A_81 = arith.constant 10 : i32
      %mul3A_82 = arith.muli %mul3A_81, %scan3A_80 : i32
      %add3A_83 = arith.constant 0 : i32
      %add3A_84 = arith.addi %mul3A_82, %add3A_83 : i32
      %ge3A = arith.constant 4 : i32
      %ge3A_85 = arith.cmpi sge, %add3A_84, %ge3A : i32
      %sub3A = arith.constant 4 : i32
      %sub3A_86 = arith.subi %add3A_84, %sub3A : i32
      %lt3A = arith.constant 209 : i32
      %lt3A_87 = arith.cmpi slt, %sub3A_86, %lt3A : i32
      %and3A = arith.andi %ge3A_85, %lt3A_87 : i1
      %convert_element_type3A = arith.extui %and3A : i1 to i32
      %cond3A = arith.constant 0 : i32
      %cond3A_88 = arith.cmpi ne, %convert_element_type3A, %cond3A : i32
      scf.if %cond3A_88 {
        %dma_wait3A_405 = arith.constant 1 : i32
        %dma_wait3A_406 = arith.constant 6 : i32
        %dma_wait3A_407 = arith.constant 1 : i32
        %dma_wait3A_408 = arith.constant 0 : i32
        %dma_wait3A_409 = arith.constant 0 : i32
        %dma_wait3A_410 = tpu.memref_slice %arg6[%dma_wait3A_405, %dma_wait3A_408, %dma_wait3A_409] : memref<5x48x128xf32, #tpu.memory_space<vmem>> -> memref<1x48x128xf32, #tpu.memory_space<vmem>>
        %dma_wait3A_411 = tpu.memref_squeeze %dma_wait3A_410 : memref<1x48x128xf32, #tpu.memory_space<vmem>> -> memref<48x128xf32, #tpu.memory_space<vmem>>
        %dma_wait3A_412 = arith.constant 0 : i32
        %dma_wait3A_413 = tpu.memref_slice %arg5[%dma_wait3A_406, %dma_wait3A_407, %dma_wait3A_412] : memref<10x2x48xi32, #tpu.memory_space<vmem>> -> memref<1x1x48xi32, #tpu.memory_space<vmem>>
        %dma_wait3A_414 = tpu.memref_squeeze %dma_wait3A_413 : memref<1x1x48xi32, #tpu.memory_space<vmem>> -> memref<48xi32, #tpu.memory_space<vmem>>
        %dma_wait3A_415 = arith.constant 0 : i32
        %dma_wait3A_416 = arith.constant 0 : i32
        %dma_wait3A_417 = tpu.memref_slice %arg7[%dma_wait3A_415, %dma_wait3A_416] : memref<10240x128xf32, #tpu.memory_space<vmem_shared>> -> memref<10240x128xf32, #tpu.memory_space<vmem_shared>>
        tpu.wait_indirect_dma semaphore(%arg24 : memref<!tpu.dma_semaphore, #tpu.memory_space<semaphore_mem>>) src(%dma_wait3A_411 : memref<48x128xf32, #tpu.memory_space<vmem>>) dst(%dma_wait3A_417 : memref<10240x128xf32, #tpu.memory_space<vmem_shared>>)
      } else {
      }
      %add3A_89 = arith.constant 2 : i32
      %add3A_90 = arith.addi %add3A_84, %add3A_89 : i32
      %lt3A_91 = arith.constant 209 : i32
      %lt3A_92 = arith.cmpi slt, %add3A_90, %lt3A_91 : i32
      %convert_element_type3A_93 = arith.extui %lt3A_92 : i1 to i32
      %cond3A_94 = arith.constant 0 : i32
      %cond3A_95 = arith.cmpi ne, %convert_element_type3A_93, %cond3A_94 : i32
      scf.if %cond3A_95 {
        %add3A_405 = arith.constant 2 : i32
        %add3A_406 = arith.addi %add3A_84, %add3A_405 : i32
        %dma_start3A_407 = arith.constant 2 : i32
        %dma_start3A_408 = arith.constant 0 : i32
        %dma_start3A_409 = arith.constant 0 : i32
        %dma_start3A_410 = tpu.memref_slice %arg5[%dma_start3A_407, %dma_start3A_408, %dma_start3A_409] : memref<10x2x48xi32, #tpu.memory_space<vmem>> -> memref<1x2x48xi32, #tpu.memory_space<vmem>>
        %dma_start3A_411 = tpu.memref_squeeze %dma_start3A_410 : memref<1x2x48xi32, #tpu.memory_space<vmem>> -> memref<2x48xi32, #tpu.memory_space<vmem>>
        %dma_start3A_412 = arith.constant 0 : i32
        %dma_start3A_413 = arith.constant 0 : i32
        %dma_start3A_414 = tpu.memref_slice %arg3[%add3A, %add3A_406, %dma_start3A_412, %dma_start3A_413] : memref<32x209x2x48xi32, #tpu.memory_space<hbm>> -> memref<1x1x2x48xi32, #tpu.memory_space<hbm>>
        %dma_start3A_415 = tpu.memref_squeeze %dma_start3A_414 : memref<1x1x2x48xi32, #tpu.memory_space<hbm>> -> memref<2x48xi32, #tpu.memory_space<hbm>>
        %dma_start3A_416 = arith.constant 0 : i32
        %dma_start3A_417 = arith.constant 0 : i32
        %dma_start3A_418 = tpu.memref_slice %arg5[%dma_start3A_407, %dma_start3A_416, %dma_start3A_417] : memref<10x2x48xi32, #tpu.memory_space<vmem>> -> memref<1x2x48xi32, #tpu.memory_space<vmem>>
        %dma_start3A_419 = tpu.memref_squeeze %dma_start3A_418 : memref<1x2x48xi32, #tpu.memory_space<vmem>> -> memref<2x48xi32, #tpu.memory_space<vmem>>
        %dma_start3A_420 = arith.constant 0 : i32
        %dma_start3A_421 = arith.constant 0 : i32
        %dma_start3A_422 = tpu.memref_slice %arg3[%add3A, %add3A_406, %dma_start3A_420, %dma_start3A_421] : memref<32x209x2x48xi32, #tpu.memory_space<hbm>> -> memref<1x1x2x48xi32, #tpu.memory_space<hbm>>
        %dma_start3A_423 = tpu.memref_squeeze %dma_start3A_422 : memref<1x1x2x48xi32, #tpu.memory_space<hbm>> -> memref<2x48xi32, #tpu.memory_space<hbm>>
        tpu.enqueue_dma source(%dma_start3A_423 : memref<2x48xi32, #tpu.memory_space<hbm>>) target(%dma_start3A_419 : memref<2x48xi32, #tpu.memory_space<vmem>>) target_semaphore(%arg10 : memref<!tpu.dma_semaphore, #tpu.memory_space<semaphore_mem>>)
      } else {
      }
      %add3A_96 = arith.constant 1 : i32
      %add3A_97 = arith.addi %add3A_84, %add3A_96 : i32
      %lt3A_98 = arith.constant 209 : i32
      %lt3A_99 = arith.cmpi slt, %add3A_97, %lt3A_98 : i32
      %convert_element_type3A_100 = arith.extui %lt3A_99 : i1 to i32
      %cond3A_101 = arith.constant 0 : i32
      %cond3A_102 = arith.cmpi ne, %convert_element_type3A_100, %cond3A_101 : i32
      scf.if %cond3A_102 {
        %add3A_405 = arith.constant 1 : i32
        %add3A_406 = arith.addi %add3A_84, %add3A_405 : i32
        %dma_wait3A_407 = arith.constant 1 : i32
        %dma_wait3A_408 = arith.constant 0 : i32
        %dma_wait3A_409 = arith.constant 0 : i32
        %dma_wait3A_410 = tpu.memref_slice %arg5[%dma_wait3A_407, %dma_wait3A_408, %dma_wait3A_409] : memref<10x2x48xi32, #tpu.memory_space<vmem>> -> memref<1x2x48xi32, #tpu.memory_space<vmem>>
        %dma_wait3A_411 = tpu.memref_squeeze %dma_wait3A_410 : memref<1x2x48xi32, #tpu.memory_space<vmem>> -> memref<2x48xi32, #tpu.memory_space<vmem>>
        %dma_wait3A_412 = arith.constant 0 : i32
        %dma_wait3A_413 = arith.constant 0 : i32
        %dma_wait3A_414 = tpu.memref_slice %arg3[%add3A, %add3A_406, %dma_wait3A_412, %dma_wait3A_413] : memref<32x209x2x48xi32, #tpu.memory_space<hbm>> -> memref<1x1x2x48xi32, #tpu.memory_space<hbm>>
        %dma_wait3A_415 = tpu.memref_squeeze %dma_wait3A_414 : memref<1x1x2x48xi32, #tpu.memory_space<hbm>> -> memref<2x48xi32, #tpu.memory_space<hbm>>
        %dma_wait3A_416 = arith.constant 0 : i32
        %dma_wait3A_417 = arith.constant 0 : i32
        %dma_wait3A_418 = tpu.memref_slice %arg5[%dma_wait3A_407, %dma_wait3A_416, %dma_wait3A_417] : memref<10x2x48xi32, #tpu.memory_space<vmem>> -> memref<1x2x48xi32, #tpu.memory_space<vmem>>
        %dma_wait3A_419 = tpu.memref_squeeze %dma_wait3A_418 : memref<1x2x48xi32, #tpu.memory_space<vmem>> -> memref<2x48xi32, #tpu.memory_space<vmem>>
        %dma_wait3A_420 = arith.constant 0 : i32
        %dma_wait3A_421 = arith.constant 0 : i32
        %dma_wait3A_422 = tpu.memref_slice %arg3[%add3A, %add3A_406, %dma_wait3A_420, %dma_wait3A_421] : memref<32x209x2x48xi32, #tpu.memory_space<hbm>> -> memref<1x1x2x48xi32, #tpu.memory_space<hbm>>
        %dma_wait3A_423 = tpu.memref_squeeze %dma_wait3A_422 : memref<1x1x2x48xi32, #tpu.memory_space<hbm>> -> memref<2x48xi32, #tpu.memory_space<hbm>>
        tpu.wait_dma2 semaphore(%arg9 : memref<!tpu.dma_semaphore, #tpu.memory_space<semaphore_mem>>) src(%dma_wait3A_423 : memref<2x48xi32, #tpu.memory_space<hbm>>) dst(%dma_wait3A_419 : memref<2x48xi32, #tpu.memory_space<vmem>>)
        %dma_start3A_424 = arith.constant 1 : i32
        %dma_start3A_425 = arith.constant 0 : i32
        %dma_start3A_426 = arith.constant 1 : i32
        %dma_start3A_427 = arith.constant 0 : i32
        %dma_start3A_428 = arith.constant 0 : i32
        %dma_start3A_429 = tpu.memref_slice %arg6[%dma_start3A_426, %dma_start3A_427, %dma_start3A_428] : memref<5x48x128xf32, #tpu.memory_space<vmem>> -> memref<1x48x128xf32, #tpu.memory_space<vmem>>
        %dma_start3A_430 = tpu.memref_squeeze %dma_start3A_429 : memref<1x48x128xf32, #tpu.memory_space<vmem>> -> memref<48x128xf32, #tpu.memory_space<vmem>>
        %dma_start3A_431 = arith.constant 0 : i32
        %dma_start3A_432 = tpu.memref_slice %arg5[%dma_start3A_424, %dma_start3A_425, %dma_start3A_431] : memref<10x2x48xi32, #tpu.memory_space<vmem>> -> memref<1x1x48xi32, #tpu.memory_space<vmem>>
        %dma_start3A_433 = tpu.memref_squeeze %dma_start3A_432 : memref<1x1x48xi32, #tpu.memory_space<vmem>> -> memref<48xi32, #tpu.memory_space<vmem>>
        %dma_start3A_434 = arith.constant 0 : i32
        %dma_start3A_435 = arith.constant 0 : i32
        %dma_start3A_436 = tpu.memref_slice %arg2[%dma_start3A_434, %dma_start3A_435] : memref<10240x128xf32, #tpu.memory_space<hbm>> -> memref<10240x128xf32, #tpu.memory_space<hbm>>
        tpu.enqueue_indirect_dma source(%dma_start3A_436 : memref<10240x128xf32, #tpu.memory_space<hbm>>) target(%dma_start3A_430 : memref<48x128xf32, #tpu.memory_space<vmem>>) offsets(%dma_start3A_433 : memref<48xi32, #tpu.memory_space<vmem>>) semaphore(%arg19 : memref<!tpu.dma_semaphore, #tpu.memory_space<semaphore_mem>>)
      } else {
      }
      %lt3A_103 = arith.constant 209 : i32
      %lt3A_104 = arith.cmpi slt, %add3A_84, %lt3A_103 : i32
      %convert_element_type3A_105 = arith.extui %lt3A_104 : i1 to i32
      %cond3A_106 = arith.constant 0 : i32
      %cond3A_107 = arith.cmpi ne, %convert_element_type3A_105, %cond3A_106 : i32
      scf.if %cond3A_107 {
        %dma_wait3A_405 = arith.constant 0 : i32
        %dma_wait3A_406 = arith.constant 0 : i32
        %dma_wait3A_407 = arith.constant 0 : i32
        %dma_wait3A_408 = arith.constant 0 : i32
        %dma_wait3A_409 = arith.constant 0 : i32
        %dma_wait3A_410 = tpu.memref_slice %arg6[%dma_wait3A_407, %dma_wait3A_408, %dma_wait3A_409] : memref<5x48x128xf32, #tpu.memory_space<vmem>> -> memref<1x48x128xf32, #tpu.memory_space<vmem>>
        %dma_wait3A_411 = tpu.memref_squeeze %dma_wait3A_410 : memref<1x48x128xf32, #tpu.memory_space<vmem>> -> memref<48x128xf32, #tpu.memory_space<vmem>>
        %dma_wait3A_412 = arith.constant 0 : i32
        %dma_wait3A_413 = tpu.memref_slice %arg5[%dma_wait3A_405, %dma_wait3A_406, %dma_wait3A_412] : memref<10x2x48xi32, #tpu.memory_space<vmem>> -> memref<1x1x48xi32, #tpu.memory_space<vmem>>
        %dma_wait3A_414 = tpu.memref_squeeze %dma_wait3A_413 : memref<1x1x48xi32, #tpu.memory_space<vmem>> -> memref<48xi32, #tpu.memory_space<vmem>>
        %dma_wait3A_415 = arith.constant 0 : i32
        %dma_wait3A_416 = arith.constant 0 : i32
        %dma_wait3A_417 = tpu.memref_slice %arg2[%dma_wait3A_415, %dma_wait3A_416] : memref<10240x128xf32, #tpu.memory_space<hbm>> -> memref<10240x128xf32, #tpu.memory_space<hbm>>
        tpu.wait_indirect_dma semaphore(%arg18 : memref<!tpu.dma_semaphore, #tpu.memory_space<semaphore_mem>>) src(%dma_wait3A_417 : memref<10240x128xf32, #tpu.memory_space<hbm>>) dst(%dma_wait3A_411 : memref<48x128xf32, #tpu.memory_space<vmem>>)
        %dma_start3A_418 = arith.constant 0 : i32
        %dma_start3A_419 = arith.constant 0 : i32
        %dma_start3A_420 = arith.constant 1 : i32
        %dma_start3A_421 = arith.constant 0 : i32
        %dma_start3A_422 = arith.constant 0 : i32
        %dma_start3A_423 = tpu.memref_slice %arg6[%dma_start3A_418, %dma_start3A_421, %dma_start3A_422] : memref<5x48x128xf32, #tpu.memory_space<vmem>> -> memref<1x48x128xf32, #tpu.memory_space<vmem>>
        %dma_start3A_424 = tpu.memref_squeeze %dma_start3A_423 : memref<1x48x128xf32, #tpu.memory_space<vmem>> -> memref<48x128xf32, #tpu.memory_space<vmem>>
        %dma_start3A_425 = arith.constant 0 : i32
        %dma_start3A_426 = tpu.memref_slice %arg5[%dma_start3A_419, %dma_start3A_420, %dma_start3A_425] : memref<10x2x48xi32, #tpu.memory_space<vmem>> -> memref<1x1x48xi32, #tpu.memory_space<vmem>>
        %dma_start3A_427 = tpu.memref_squeeze %dma_start3A_426 : memref<1x1x48xi32, #tpu.memory_space<vmem>> -> memref<48xi32, #tpu.memory_space<vmem>>
        %dma_start3A_428 = arith.constant 0 : i32
        %dma_start3A_429 = arith.constant 0 : i32
        %dma_start3A_430 = tpu.memref_slice %arg7[%dma_start3A_428, %dma_start3A_429] : memref<10240x128xf32, #tpu.memory_space<vmem_shared>> -> memref<10240x128xf32, #tpu.memory_space<vmem_shared>>
        tpu.enqueue_indirect_dma source(%dma_start3A_424 : memref<48x128xf32, #tpu.memory_space<vmem>>) target(%dma_start3A_430 : memref<10240x128xf32, #tpu.memory_space<vmem_shared>>) offsets(%dma_start3A_427 : memref<48xi32, #tpu.memory_space<vmem>>) semaphore(%arg23 : memref<!tpu.dma_semaphore, #tpu.memory_space<semaphore_mem>>) {add = true}
      } else {
      }
      %mul3A_108 = arith.constant 10 : i32
      %mul3A_109 = arith.muli %mul3A_108, %scan3A_80 : i32
      %add3A_110 = arith.constant 1 : i32
      %add3A_111 = arith.addi %mul3A_109, %add3A_110 : i32
      %ge3A_112 = arith.constant 4 : i32
      %ge3A_113 = arith.cmpi sge, %add3A_111, %ge3A_112 : i32
      %sub3A_114 = arith.constant 4 : i32
      %sub3A_115 = arith.subi %add3A_111, %sub3A_114 : i32
      %lt3A_116 = arith.constant 209 : i32
      %lt3A_117 = arith.cmpi slt, %sub3A_115, %lt3A_116 : i32
      %and3A_118 = arith.andi %ge3A_113, %lt3A_117 : i1
      %convert_element_type3A_119 = arith.extui %and3A_118 : i1 to i32
      %cond3A_120 = arith.constant 0 : i32
      %cond3A_121 = arith.cmpi ne, %convert_element_type3A_119, %cond3A_120 : i32
      scf.if %cond3A_121 {
        %dma_wait3A_405 = arith.constant 2 : i32
        %dma_wait3A_406 = arith.constant 7 : i32
        %dma_wait3A_407 = arith.constant 1 : i32
        %dma_wait3A_408 = arith.constant 0 : i32
        %dma_wait3A_409 = arith.constant 0 : i32
        %dma_wait3A_410 = tpu.memref_slice %arg6[%dma_wait3A_405, %dma_wait3A_408, %dma_wait3A_409] : memref<5x48x128xf32, #tpu.memory_space<vmem>> -> memref<1x48x128xf32, #tpu.memory_space<vmem>>
        %dma_wait3A_411 = tpu.memref_squeeze %dma_wait3A_410 : memref<1x48x128xf32, #tpu.memory_space<vmem>> -> memref<48x128xf32, #tpu.memory_space<vmem>>
        %dma_wait3A_412 = arith.constant 0 : i32
        %dma_wait3A_413 = tpu.memref_slice %arg5[%dma_wait3A_406, %dma_wait3A_407, %dma_wait3A_412] : memref<10x2x48xi32, #tpu.memory_space<vmem>> -> memref<1x1x48xi32, #tpu.memory_space<vmem>>
        %dma_wait3A_414 = tpu.memref_squeeze %dma_wait3A_413 : memref<1x1x48xi32, #tpu.memory_space<vmem>> -> memref<48xi32, #tpu.memory_space<vmem>>
        %dma_wait3A_415 = arith.constant 0 : i32
        %dma_wait3A_416 = arith.constant 0 : i32
        %dma_wait3A_417 = tpu.memref_slice %arg7[%dma_wait3A_415, %dma_wait3A_416] : memref<10240x128xf32, #tpu.memory_space<vmem_shared>> -> memref<10240x128xf32, #tpu.memory_space<vmem_shared>>
        tpu.wait_indirect_dma semaphore(%arg25 : memref<!tpu.dma_semaphore, #tpu.memory_space<semaphore_mem>>) src(%dma_wait3A_411 : memref<48x128xf32, #tpu.memory_space<vmem>>) dst(%dma_wait3A_417 : memref<10240x128xf32, #tpu.memory_space<vmem_shared>>)
      } else {
      }
      %add3A_122 = arith.constant 2 : i32
      %add3A_123 = arith.addi %add3A_111, %add3A_122 : i32
      %lt3A_124 = arith.constant 209 : i32
      %lt3A_125 = arith.cmpi slt, %add3A_123, %lt3A_124 : i32
      %convert_element_type3A_126 = arith.extui %lt3A_125 : i1 to i32
      %cond3A_127 = arith.constant 0 : i32
      %cond3A_128 = arith.cmpi ne, %convert_element_type3A_126, %cond3A_127 : i32
      scf.if %cond3A_128 {
        %add3A_405 = arith.constant 2 : i32
        %add3A_406 = arith.addi %add3A_111, %add3A_405 : i32
        %dma_start3A_407 = arith.constant 3 : i32
        %dma_start3A_408 = arith.constant 0 : i32
        %dma_start3A_409 = arith.constant 0 : i32
        %dma_start3A_410 = tpu.memref_slice %arg5[%dma_start3A_407, %dma_start3A_408, %dma_start3A_409] : memref<10x2x48xi32, #tpu.memory_space<vmem>> -> memref<1x2x48xi32, #tpu.memory_space<vmem>>
        %dma_start3A_411 = tpu.memref_squeeze %dma_start3A_410 : memref<1x2x48xi32, #tpu.memory_space<vmem>> -> memref<2x48xi32, #tpu.memory_space<vmem>>
        %dma_start3A_412 = arith.constant 0 : i32
        %dma_start3A_413 = arith.constant 0 : i32
        %dma_start3A_414 = tpu.memref_slice %arg3[%add3A, %add3A_406, %dma_start3A_412, %dma_start3A_413] : memref<32x209x2x48xi32, #tpu.memory_space<hbm>> -> memref<1x1x2x48xi32, #tpu.memory_space<hbm>>
        %dma_start3A_415 = tpu.memref_squeeze %dma_start3A_414 : memref<1x1x2x48xi32, #tpu.memory_space<hbm>> -> memref<2x48xi32, #tpu.memory_space<hbm>>
        %dma_start3A_416 = arith.constant 0 : i32
        %dma_start3A_417 = arith.constant 0 : i32
        %dma_start3A_418 = tpu.memref_slice %arg5[%dma_start3A_407, %dma_start3A_416, %dma_start3A_417] : memref<10x2x48xi32, #tpu.memory_space<vmem>> -> memref<1x2x48xi32, #tpu.memory_space<vmem>>
        %dma_start3A_419 = tpu.memref_squeeze %dma_start3A_418 : memref<1x2x48xi32, #tpu.memory_space<vmem>> -> memref<2x48xi32, #tpu.memory_space<vmem>>
        %dma_start3A_420 = arith.constant 0 : i32
        %dma_start3A_421 = arith.constant 0 : i32
        %dma_start3A_422 = tpu.memref_slice %arg3[%add3A, %add3A_406, %dma_start3A_420, %dma_start3A_421] : memref<32x209x2x48xi32, #tpu.memory_space<hbm>> -> memref<1x1x2x48xi32, #tpu.memory_space<hbm>>
        %dma_start3A_423 = tpu.memref_squeeze %dma_start3A_422 : memref<1x1x2x48xi32, #tpu.memory_space<hbm>> -> memref<2x48xi32, #tpu.memory_space<hbm>>
        tpu.enqueue_dma source(%dma_start3A_423 : memref<2x48xi32, #tpu.memory_space<hbm>>) target(%dma_start3A_419 : memref<2x48xi32, #tpu.memory_space<vmem>>) target_semaphore(%arg11 : memref<!tpu.dma_semaphore, #tpu.memory_space<semaphore_mem>>)
      } else {
      }
      %add3A_129 = arith.constant 1 : i32
      %add3A_130 = arith.addi %add3A_111, %add3A_129 : i32
      %lt3A_131 = arith.constant 209 : i32
      %lt3A_132 = arith.cmpi slt, %add3A_130, %lt3A_131 : i32
      %convert_element_type3A_133 = arith.extui %lt3A_132 : i1 to i32
      %cond3A_134 = arith.constant 0 : i32
      %cond3A_135 = arith.cmpi ne, %convert_element_type3A_133, %cond3A_134 : i32
      scf.if %cond3A_135 {
        %add3A_405 = arith.constant 1 : i32
        %add3A_406 = arith.addi %add3A_111, %add3A_405 : i32
        %dma_wait3A_407 = arith.constant 2 : i32
        %dma_wait3A_408 = arith.constant 0 : i32
        %dma_wait3A_409 = arith.constant 0 : i32
        %dma_wait3A_410 = tpu.memref_slice %arg5[%dma_wait3A_407, %dma_wait3A_408, %dma_wait3A_409] : memref<10x2x48xi32, #tpu.memory_space<vmem>> -> memref<1x2x48xi32, #tpu.memory_space<vmem>>
        %dma_wait3A_411 = tpu.memref_squeeze %dma_wait3A_410 : memref<1x2x48xi32, #tpu.memory_space<vmem>> -> memref<2x48xi32, #tpu.memory_space<vmem>>
        %dma_wait3A_412 = arith.constant 0 : i32
        %dma_wait3A_413 = arith.constant 0 : i32
        %dma_wait3A_414 = tpu.memref_slice %arg3[%add3A, %add3A_406, %dma_wait3A_412, %dma_wait3A_413] : memref<32x209x2x48xi32, #tpu.memory_space<hbm>> -> memref<1x1x2x48xi32, #tpu.memory_space<hbm>>
        %dma_wait3A_415 = tpu.memref_squeeze %dma_wait3A_414 : memref<1x1x2x48xi32, #tpu.memory_space<hbm>> -> memref<2x48xi32, #tpu.memory_space<hbm>>
        %dma_wait3A_416 = arith.constant 0 : i32
        %dma_wait3A_417 = arith.constant 0 : i32
        %dma_wait3A_418 = tpu.memref_slice %arg5[%dma_wait3A_407, %dma_wait3A_416, %dma_wait3A_417] : memref<10x2x48xi32, #tpu.memory_space<vmem>> -> memref<1x2x48xi32, #tpu.memory_space<vmem>>
        %dma_wait3A_419 = tpu.memref_squeeze %dma_wait3A_418 : memref<1x2x48xi32, #tpu.memory_space<vmem>> -> memref<2x48xi32, #tpu.memory_space<vmem>>
        %dma_wait3A_420 = arith.constant 0 : i32
        %dma_wait3A_421 = arith.constant 0 : i32
        %dma_wait3A_422 = tpu.memref_slice %arg3[%add3A, %add3A_406, %dma_wait3A_420, %dma_wait3A_421] : memref<32x209x2x48xi32, #tpu.memory_space<hbm>> -> memref<1x1x2x48xi32, #tpu.memory_space<hbm>>
        %dma_wait3A_423 = tpu.memref_squeeze %dma_wait3A_422 : memref<1x1x2x48xi32, #tpu.memory_space<hbm>> -> memref<2x48xi32, #tpu.memory_space<hbm>>
        tpu.wait_dma2 semaphore(%arg10 : memref<!tpu.dma_semaphore, #tpu.memory_space<semaphore_mem>>) src(%dma_wait3A_423 : memref<2x48xi32, #tpu.memory_space<hbm>>) dst(%dma_wait3A_419 : memref<2x48xi32, #tpu.memory_space<vmem>>)
        %dma_start3A_424 = arith.constant 2 : i32
        %dma_start3A_425 = arith.constant 0 : i32
        %dma_start3A_426 = arith.constant 2 : i32
        %dma_start3A_427 = arith.constant 0 : i32
        %dma_start3A_428 = arith.constant 0 : i32
        %dma_start3A_429 = tpu.memref_slice %arg6[%dma_start3A_426, %dma_start3A_427, %dma_start3A_428] : memref<5x48x128xf32, #tpu.memory_space<vmem>> -> memref<1x48x128xf32, #tpu.memory_space<vmem>>
        %dma_start3A_430 = tpu.memref_squeeze %dma_start3A_429 : memref<1x48x128xf32, #tpu.memory_space<vmem>> -> memref<48x128xf32, #tpu.memory_space<vmem>>
        %dma_start3A_431 = arith.constant 0 : i32
        %dma_start3A_432 = tpu.memref_slice %arg5[%dma_start3A_424, %dma_start3A_425, %dma_start3A_431] : memref<10x2x48xi32, #tpu.memory_space<vmem>> -> memref<1x1x48xi32, #tpu.memory_space<vmem>>
        %dma_start3A_433 = tpu.memref_squeeze %dma_start3A_432 : memref<1x1x48xi32, #tpu.memory_space<vmem>> -> memref<48xi32, #tpu.memory_space<vmem>>
        %dma_start3A_434 = arith.constant 0 : i32
        %dma_start3A_435 = arith.constant 0 : i32
        %dma_start3A_436 = tpu.memref_slice %arg2[%dma_start3A_434, %dma_start3A_435] : memref<10240x128xf32, #tpu.memory_space<hbm>> -> memref<10240x128xf32, #tpu.memory_space<hbm>>
        tpu.enqueue_indirect_dma source(%dma_start3A_436 : memref<10240x128xf32, #tpu.memory_space<hbm>>) target(%dma_start3A_430 : memref<48x128xf32, #tpu.memory_space<vmem>>) offsets(%dma_start3A_433 : memref<48xi32, #tpu.memory_space<vmem>>) semaphore(%arg20 : memref<!tpu.dma_semaphore, #tpu.memory_space<semaphore_mem>>)
      } else {
      }
      %lt3A_136 = arith.constant 209 : i32
      %lt3A_137 = arith.cmpi slt, %add3A_111, %lt3A_136 : i32
      %convert_element_type3A_138 = arith.extui %lt3A_137 : i1 to i32
      %cond3A_139 = arith.constant 0 : i32
      %cond3A_140 = arith.cmpi ne, %convert_element_type3A_138, %cond3A_139 : i32
      scf.if %cond3A_140 {
        %dma_wait3A_405 = arith.constant 1 : i32
        %dma_wait3A_406 = arith.constant 0 : i32
        %dma_wait3A_407 = arith.constant 1 : i32
        %dma_wait3A_408 = arith.constant 0 : i32
        %dma_wait3A_409 = arith.constant 0 : i32
        %dma_wait3A_410 = tpu.memref_slice %arg6[%dma_wait3A_407, %dma_wait3A_408, %dma_wait3A_409] : memref<5x48x128xf32, #tpu.memory_space<vmem>> -> memref<1x48x128xf32, #tpu.memory_space<vmem>>
        %dma_wait3A_411 = tpu.memref_squeeze %dma_wait3A_410 : memref<1x48x128xf32, #tpu.memory_space<vmem>> -> memref<48x128xf32, #tpu.memory_space<vmem>>
        %dma_wait3A_412 = arith.constant 0 : i32
        %dma_wait3A_413 = tpu.memref_slice %arg5[%dma_wait3A_405, %dma_wait3A_406, %dma_wait3A_412] : memref<10x2x48xi32, #tpu.memory_space<vmem>> -> memref<1x1x48xi32, #tpu.memory_space<vmem>>
        %dma_wait3A_414 = tpu.memref_squeeze %dma_wait3A_413 : memref<1x1x48xi32, #tpu.memory_space<vmem>> -> memref<48xi32, #tpu.memory_space<vmem>>
        %dma_wait3A_415 = arith.constant 0 : i32
        %dma_wait3A_416 = arith.constant 0 : i32
        %dma_wait3A_417 = tpu.memref_slice %arg2[%dma_wait3A_415, %dma_wait3A_416] : memref<10240x128xf32, #tpu.memory_space<hbm>> -> memref<10240x128xf32, #tpu.memory_space<hbm>>
        tpu.wait_indirect_dma semaphore(%arg19 : memref<!tpu.dma_semaphore, #tpu.memory_space<semaphore_mem>>) src(%dma_wait3A_417 : memref<10240x128xf32, #tpu.memory_space<hbm>>) dst(%dma_wait3A_411 : memref<48x128xf32, #tpu.memory_space<vmem>>)
        %dma_start3A_418 = arith.constant 1 : i32
        %dma_start3A_419 = arith.constant 1 : i32
        %dma_start3A_420 = arith.constant 1 : i32
        %dma_start3A_421 = arith.constant 0 : i32
        %dma_start3A_422 = arith.constant 0 : i32
        %dma_start3A_423 = tpu.memref_slice %arg6[%dma_start3A_418, %dma_start3A_421, %dma_start3A_422] : memref<5x48x128xf32, #tpu.memory_space<vmem>> -> memref<1x48x128xf32, #tpu.memory_space<vmem>>
        %dma_start3A_424 = tpu.memref_squeeze %dma_start3A_423 : memref<1x48x128xf32, #tpu.memory_space<vmem>> -> memref<48x128xf32, #tpu.memory_space<vmem>>
        %dma_start3A_425 = arith.constant 0 : i32
        %dma_start3A_426 = tpu.memref_slice %arg5[%dma_start3A_419, %dma_start3A_420, %dma_start3A_425] : memref<10x2x48xi32, #tpu.memory_space<vmem>> -> memref<1x1x48xi32, #tpu.memory_space<vmem>>
        %dma_start3A_427 = tpu.memref_squeeze %dma_start3A_426 : memref<1x1x48xi32, #tpu.memory_space<vmem>> -> memref<48xi32, #tpu.memory_space<vmem>>
        %dma_start3A_428 = arith.constant 0 : i32
        %dma_start3A_429 = arith.constant 0 : i32
        %dma_start3A_430 = tpu.memref_slice %arg7[%dma_start3A_428, %dma_start3A_429] : memref<10240x128xf32, #tpu.memory_space<vmem_shared>> -> memref<10240x128xf32, #tpu.memory_space<vmem_shared>>
        tpu.enqueue_indirect_dma source(%dma_start3A_424 : memref<48x128xf32, #tpu.memory_space<vmem>>) target(%dma_start3A_430 : memref<10240x128xf32, #tpu.memory_space<vmem_shared>>) offsets(%dma_start3A_427 : memref<48xi32, #tpu.memory_space<vmem>>) semaphore(%arg24 : memref<!tpu.dma_semaphore, #tpu.memory_space<semaphore_mem>>) {add = true}
      } else {
      }
      %mul3A_141 = arith.constant 10 : i32
      %mul3A_142 = arith.muli %mul3A_141, %scan3A_80 : i32
      %add3A_143 = arith.constant 2 : i32
      %add3A_144 = arith.addi %mul3A_142, %add3A_143 : i32
      %ge3A_145 = arith.constant 4 : i32
      %ge3A_146 = arith.cmpi sge, %add3A_144, %ge3A_145 : i32
      %sub3A_147 = arith.constant 4 : i32
      %sub3A_148 = arith.subi %add3A_144, %sub3A_147 : i32
      %lt3A_149 = arith.constant 209 : i32
      %lt3A_150 = arith.cmpi slt, %sub3A_148, %lt3A_149 : i32
      %and3A_151 = arith.andi %ge3A_146, %lt3A_150 : i1
      %convert_element_type3A_152 = arith.extui %and3A_151 : i1 to i32
      %cond3A_153 = arith.constant 0 : i32
      %cond3A_154 = arith.cmpi ne, %convert_element_type3A_152, %cond3A_153 : i32
      scf.if %cond3A_154 {
        %dma_wait3A_405 = arith.constant 3 : i32
        %dma_wait3A_406 = arith.constant 8 : i32
        %dma_wait3A_407 = arith.constant 1 : i32
        %dma_wait3A_408 = arith.constant 0 : i32
        %dma_wait3A_409 = arith.constant 0 : i32
        %dma_wait3A_410 = tpu.memref_slice %arg6[%dma_wait3A_405, %dma_wait3A_408, %dma_wait3A_409] : memref<5x48x128xf32, #tpu.memory_space<vmem>> -> memref<1x48x128xf32, #tpu.memory_space<vmem>>
        %dma_wait3A_411 = tpu.memref_squeeze %dma_wait3A_410 : memref<1x48x128xf32, #tpu.memory_space<vmem>> -> memref<48x128xf32, #tpu.memory_space<vmem>>
        %dma_wait3A_412 = arith.constant 0 : i32
        %dma_wait3A_413 = tpu.memref_slice %arg5[%dma_wait3A_406, %dma_wait3A_407, %dma_wait3A_412] : memref<10x2x48xi32, #tpu.memory_space<vmem>> -> memref<1x1x48xi32, #tpu.memory_space<vmem>>
        %dma_wait3A_414 = tpu.memref_squeeze %dma_wait3A_413 : memref<1x1x48xi32, #tpu.memory_space<vmem>> -> memref<48xi32, #tpu.memory_space<vmem>>
        %dma_wait3A_415 = arith.constant 0 : i32
        %dma_wait3A_416 = arith.constant 0 : i32
        %dma_wait3A_417 = tpu.memref_slice %arg7[%dma_wait3A_415, %dma_wait3A_416] : memref<10240x128xf32, #tpu.memory_space<vmem_shared>> -> memref<10240x128xf32, #tpu.memory_space<vmem_shared>>
        tpu.wait_indirect_dma semaphore(%arg26 : memref<!tpu.dma_semaphore, #tpu.memory_space<semaphore_mem>>) src(%dma_wait3A_411 : memref<48x128xf32, #tpu.memory_space<vmem>>) dst(%dma_wait3A_417 : memref<10240x128xf32, #tpu.memory_space<vmem_shared>>)
      } else {
      }
      %add3A_155 = arith.constant 2 : i32
      %add3A_156 = arith.addi %add3A_144, %add3A_155 : i32
      %lt3A_157 = arith.constant 209 : i32
      %lt3A_158 = arith.cmpi slt, %add3A_156, %lt3A_157 : i32
      %convert_element_type3A_159 = arith.extui %lt3A_158 : i1 to i32
      %cond3A_160 = arith.constant 0 : i32
      %cond3A_161 = arith.cmpi ne, %convert_element_type3A_159, %cond3A_160 : i32
      scf.if %cond3A_161 {
        %add3A_405 = arith.constant 2 : i32
        %add3A_406 = arith.addi %add3A_144, %add3A_405 : i32
        %dma_start3A_407 = arith.constant 4 : i32
        %dma_start3A_408 = arith.constant 0 : i32
        %dma_start3A_409 = arith.constant 0 : i32
        %dma_start3A_410 = tpu.memref_slice %arg5[%dma_start3A_407, %dma_start3A_408, %dma_start3A_409] : memref<10x2x48xi32, #tpu.memory_space<vmem>> -> memref<1x2x48xi32, #tpu.memory_space<vmem>>
        %dma_start3A_411 = tpu.memref_squeeze %dma_start3A_410 : memref<1x2x48xi32, #tpu.memory_space<vmem>> -> memref<2x48xi32, #tpu.memory_space<vmem>>
        %dma_start3A_412 = arith.constant 0 : i32
        %dma_start3A_413 = arith.constant 0 : i32
        %dma_start3A_414 = tpu.memref_slice %arg3[%add3A, %add3A_406, %dma_start3A_412, %dma_start3A_413] : memref<32x209x2x48xi32, #tpu.memory_space<hbm>> -> memref<1x1x2x48xi32, #tpu.memory_space<hbm>>
        %dma_start3A_415 = tpu.memref_squeeze %dma_start3A_414 : memref<1x1x2x48xi32, #tpu.memory_space<hbm>> -> memref<2x48xi32, #tpu.memory_space<hbm>>
        %dma_start3A_416 = arith.constant 0 : i32
        %dma_start3A_417 = arith.constant 0 : i32
        %dma_start3A_418 = tpu.memref_slice %arg5[%dma_start3A_407, %dma_start3A_416, %dma_start3A_417] : memref<10x2x48xi32, #tpu.memory_space<vmem>> -> memref<1x2x48xi32, #tpu.memory_space<vmem>>
        %dma_start3A_419 = tpu.memref_squeeze %dma_start3A_418 : memref<1x2x48xi32, #tpu.memory_space<vmem>> -> memref<2x48xi32, #tpu.memory_space<vmem>>
        %dma_start3A_420 = arith.constant 0 : i32
        %dma_start3A_421 = arith.constant 0 : i32
        %dma_start3A_422 = tpu.memref_slice %arg3[%add3A, %add3A_406, %dma_start3A_420, %dma_start3A_421] : memref<32x209x2x48xi32, #tpu.memory_space<hbm>> -> memref<1x1x2x48xi32, #tpu.memory_space<hbm>>
        %dma_start3A_423 = tpu.memref_squeeze %dma_start3A_422 : memref<1x1x2x48xi32, #tpu.memory_space<hbm>> -> memref<2x48xi32, #tpu.memory_space<hbm>>
        tpu.enqueue_dma source(%dma_start3A_423 : memref<2x48xi32, #tpu.memory_space<hbm>>) target(%dma_start3A_419 : memref<2x48xi32, #tpu.memory_space<vmem>>) target_semaphore(%arg12 : memref<!tpu.dma_semaphore, #tpu.memory_space<semaphore_mem>>)
      } else {
      }
      %add3A_162 = arith.constant 1 : i32
      %add3A_163 = arith.addi %add3A_144, %add3A_162 : i32
      %lt3A_164 = arith.constant 209 : i32
      %lt3A_165 = arith.cmpi slt, %add3A_163, %lt3A_164 : i32
      %convert_element_type3A_166 = arith.extui %lt3A_165 : i1 to i32
      %cond3A_167 = arith.constant 0 : i32
      %cond3A_168 = arith.cmpi ne, %convert_element_type3A_166, %cond3A_167 : i32
      scf.if %cond3A_168 {
        %add3A_405 = arith.constant 1 : i32
        %add3A_406 = arith.addi %add3A_144, %add3A_405 : i32
        %dma_wait3A_407 = arith.constant 3 : i32
        %dma_wait3A_408 = arith.constant 0 : i32
        %dma_wait3A_409 = arith.constant 0 : i32
        %dma_wait3A_410 = tpu.memref_slice %arg5[%dma_wait3A_407, %dma_wait3A_408, %dma_wait3A_409] : memref<10x2x48xi32, #tpu.memory_space<vmem>> -> memref<1x2x48xi32, #tpu.memory_space<vmem>>
        %dma_wait3A_411 = tpu.memref_squeeze %dma_wait3A_410 : memref<1x2x48xi32, #tpu.memory_space<vmem>> -> memref<2x48xi32, #tpu.memory_space<vmem>>
        %dma_wait3A_412 = arith.constant 0 : i32
        %dma_wait3A_413 = arith.constant 0 : i32
        %dma_wait3A_414 = tpu.memref_slice %arg3[%add3A, %add3A_406, %dma_wait3A_412, %dma_wait3A_413] : memref<32x209x2x48xi32, #tpu.memory_space<hbm>> -> memref<1x1x2x48xi32, #tpu.memory_space<hbm>>
        %dma_wait3A_415 = tpu.memref_squeeze %dma_wait3A_414 : memref<1x1x2x48xi32, #tpu.memory_space<hbm>> -> memref<2x48xi32, #tpu.memory_space<hbm>>
        %dma_wait3A_416 = arith.constant 0 : i32
        %dma_wait3A_417 = arith.constant 0 : i32
        %dma_wait3A_418 = tpu.memref_slice %arg5[%dma_wait3A_407, %dma_wait3A_416, %dma_wait3A_417] : memref<10x2x48xi32, #tpu.memory_space<vmem>> -> memref<1x2x48xi32, #tpu.memory_space<vmem>>
        %dma_wait3A_419 = tpu.memref_squeeze %dma_wait3A_418 : memref<1x2x48xi32, #tpu.memory_space<vmem>> -> memref<2x48xi32, #tpu.memory_space<vmem>>
        %dma_wait3A_420 = arith.constant 0 : i32
        %dma_wait3A_421 = arith.constant 0 : i32
        %dma_wait3A_422 = tpu.memref_slice %arg3[%add3A, %add3A_406, %dma_wait3A_420, %dma_wait3A_421] : memref<32x209x2x48xi32, #tpu.memory_space<hbm>> -> memref<1x1x2x48xi32, #tpu.memory_space<hbm>>
        %dma_wait3A_423 = tpu.memref_squeeze %dma_wait3A_422 : memref<1x1x2x48xi32, #tpu.memory_space<hbm>> -> memref<2x48xi32, #tpu.memory_space<hbm>>
        tpu.wait_dma2 semaphore(%arg11 : memref<!tpu.dma_semaphore, #tpu.memory_space<semaphore_mem>>) src(%dma_wait3A_423 : memref<2x48xi32, #tpu.memory_space<hbm>>) dst(%dma_wait3A_419 : memref<2x48xi32, #tpu.memory_space<vmem>>)
        %dma_start3A_424 = arith.constant 3 : i32
        %dma_start3A_425 = arith.constant 0 : i32
        %dma_start3A_426 = arith.constant 3 : i32
        %dma_start3A_427 = arith.constant 0 : i32
        %dma_start3A_428 = arith.constant 0 : i32
        %dma_start3A_429 = tpu.memref_slice %arg6[%dma_start3A_426, %dma_start3A_427, %dma_start3A_428] : memref<5x48x128xf32, #tpu.memory_space<vmem>> -> memref<1x48x128xf32, #tpu.memory_space<vmem>>
        %dma_start3A_430 = tpu.memref_squeeze %dma_start3A_429 : memref<1x48x128xf32, #tpu.memory_space<vmem>> -> memref<48x128xf32, #tpu.memory_space<vmem>>
        %dma_start3A_431 = arith.constant 0 : i32
        %dma_start3A_432 = tpu.memref_slice %arg5[%dma_start3A_424, %dma_start3A_425, %dma_start3A_431] : memref<10x2x48xi32, #tpu.memory_space<vmem>> -> memref<1x1x48xi32, #tpu.memory_space<vmem>>
        %dma_start3A_433 = tpu.memref_squeeze %dma_start3A_432 : memref<1x1x48xi32, #tpu.memory_space<vmem>> -> memref<48xi32, #tpu.memory_space<vmem>>
        %dma_start3A_434 = arith.constant 0 : i32
        %dma_start3A_435 = arith.constant 0 : i32
        %dma_start3A_436 = tpu.memref_slice %arg2[%dma_start3A_434, %dma_start3A_435] : memref<10240x128xf32, #tpu.memory_space<hbm>> -> memref<10240x128xf32, #tpu.memory_space<hbm>>
        tpu.enqueue_indirect_dma source(%dma_start3A_436 : memref<10240x128xf32, #tpu.memory_space<hbm>>) target(%dma_start3A_430 : memref<48x128xf32, #tpu.memory_space<vmem>>) offsets(%dma_start3A_433 : memref<48xi32, #tpu.memory_space<vmem>>) semaphore(%arg21 : memref<!tpu.dma_semaphore, #tpu.memory_space<semaphore_mem>>)
      } else {
      }
      %lt3A_169 = arith.constant 209 : i32
      %lt3A_170 = arith.cmpi slt, %add3A_144, %lt3A_169 : i32
      %convert_element_type3A_171 = arith.extui %lt3A_170 : i1 to i32
      %cond3A_172 = arith.constant 0 : i32
      %cond3A_173 = arith.cmpi ne, %convert_element_type3A_171, %cond3A_172 : i32
      scf.if %cond3A_173 {
        %dma_wait3A_405 = arith.constant 2 : i32
        %dma_wait3A_406 = arith.constant 0 : i32
        %dma_wait3A_407 = arith.constant 2 : i32
        %dma_wait3A_408 = arith.constant 0 : i32
        %dma_wait3A_409 = arith.constant 0 : i32
        %dma_wait3A_410 = tpu.memref_slice %arg6[%dma_wait3A_407, %dma_wait3A_408, %dma_wait3A_409] : memref<5x48x128xf32, #tpu.memory_space<vmem>> -> memref<1x48x128xf32, #tpu.memory_space<vmem>>
        %dma_wait3A_411 = tpu.memref_squeeze %dma_wait3A_410 : memref<1x48x128xf32, #tpu.memory_space<vmem>> -> memref<48x128xf32, #tpu.memory_space<vmem>>
        %dma_wait3A_412 = arith.constant 0 : i32
        %dma_wait3A_413 = tpu.memref_slice %arg5[%dma_wait3A_405, %dma_wait3A_406, %dma_wait3A_412] : memref<10x2x48xi32, #tpu.memory_space<vmem>> -> memref<1x1x48xi32, #tpu.memory_space<vmem>>
        %dma_wait3A_414 = tpu.memref_squeeze %dma_wait3A_413 : memref<1x1x48xi32, #tpu.memory_space<vmem>> -> memref<48xi32, #tpu.memory_space<vmem>>
        %dma_wait3A_415 = arith.constant 0 : i32
        %dma_wait3A_416 = arith.constant 0 : i32
        %dma_wait3A_417 = tpu.memref_slice %arg2[%dma_wait3A_415, %dma_wait3A_416] : memref<10240x128xf32, #tpu.memory_space<hbm>> -> memref<10240x128xf32, #tpu.memory_space<hbm>>
        tpu.wait_indirect_dma semaphore(%arg20 : memref<!tpu.dma_semaphore, #tpu.memory_space<semaphore_mem>>) src(%dma_wait3A_417 : memref<10240x128xf32, #tpu.memory_space<hbm>>) dst(%dma_wait3A_411 : memref<48x128xf32, #tpu.memory_space<vmem>>)
        %dma_start3A_418 = arith.constant 2 : i32
        %dma_start3A_419 = arith.constant 2 : i32
        %dma_start3A_420 = arith.constant 1 : i32
        %dma_start3A_421 = arith.constant 0 : i32
        %dma_start3A_422 = arith.constant 0 : i32
        %dma_start3A_423 = tpu.memref_slice %arg6[%dma_start3A_418, %dma_start3A_421, %dma_start3A_422] : memref<5x48x128xf32, #tpu.memory_space<vmem>> -> memref<1x48x128xf32, #tpu.memory_space<vmem>>
        %dma_start3A_424 = tpu.memref_squeeze %dma_start3A_423 : memref<1x48x128xf32, #tpu.memory_space<vmem>> -> memref<48x128xf32, #tpu.memory_space<vmem>>
        %dma_start3A_425 = arith.constant 0 : i32
        %dma_start3A_426 = tpu.memref_slice %arg5[%dma_start3A_419, %dma_start3A_420, %dma_start3A_425] : memref<10x2x48xi32, #tpu.memory_space<vmem>> -> memref<1x1x48xi32, #tpu.memory_space<vmem>>
        %dma_start3A_427 = tpu.memref_squeeze %dma_start3A_426 : memref<1x1x48xi32, #tpu.memory_space<vmem>> -> memref<48xi32, #tpu.memory_space<vmem>>
        %dma_start3A_428 = arith.constant 0 : i32
        %dma_start3A_429 = arith.constant 0 : i32
        %dma_start3A_430 = tpu.memref_slice %arg7[%dma_start3A_428, %dma_start3A_429] : memref<10240x128xf32, #tpu.memory_space<vmem_shared>> -> memref<10240x128xf32, #tpu.memory_space<vmem_shared>>
        tpu.enqueue_indirect_dma source(%dma_start3A_424 : memref<48x128xf32, #tpu.memory_space<vmem>>) target(%dma_start3A_430 : memref<10240x128xf32, #tpu.memory_space<vmem_shared>>) offsets(%dma_start3A_427 : memref<48xi32, #tpu.memory_space<vmem>>) semaphore(%arg25 : memref<!tpu.dma_semaphore, #tpu.memory_space<semaphore_mem>>) {add = true}
      } else {
      }
      %mul3A_174 = arith.constant 10 : i32
      %mul3A_175 = arith.muli %mul3A_174, %scan3A_80 : i32
      %add3A_176 = arith.constant 3 : i32
      %add3A_177 = arith.addi %mul3A_175, %add3A_176 : i32
      %ge3A_178 = arith.constant 4 : i32
      %ge3A_179 = arith.cmpi sge, %add3A_177, %ge3A_178 : i32
      %sub3A_180 = arith.constant 4 : i32
      %sub3A_181 = arith.subi %add3A_177, %sub3A_180 : i32
      %lt3A_182 = arith.constant 209 : i32
      %lt3A_183 = arith.cmpi slt, %sub3A_181, %lt3A_182 : i32
      %and3A_184 = arith.andi %ge3A_179, %lt3A_183 : i1
      %convert_element_type3A_185 = arith.extui %and3A_184 : i1 to i32
      %cond3A_186 = arith.constant 0 : i32
      %cond3A_187 = arith.cmpi ne, %convert_element_type3A_185, %cond3A_186 : i32
      scf.if %cond3A_187 {
        %dma_wait3A_405 = arith.constant 4 : i32
        %dma_wait3A_406 = arith.constant 9 : i32
        %dma_wait3A_407 = arith.constant 1 : i32
        %dma_wait3A_408 = arith.constant 0 : i32
        %dma_wait3A_409 = arith.constant 0 : i32
        %dma_wait3A_410 = tpu.memref_slice %arg6[%dma_wait3A_405, %dma_wait3A_408, %dma_wait3A_409] : memref<5x48x128xf32, #tpu.memory_space<vmem>> -> memref<1x48x128xf32, #tpu.memory_space<vmem>>
        %dma_wait3A_411 = tpu.memref_squeeze %dma_wait3A_410 : memref<1x48x128xf32, #tpu.memory_space<vmem>> -> memref<48x128xf32, #tpu.memory_space<vmem>>
        %dma_wait3A_412 = arith.constant 0 : i32
        %dma_wait3A_413 = tpu.memref_slice %arg5[%dma_wait3A_406, %dma_wait3A_407, %dma_wait3A_412] : memref<10x2x48xi32, #tpu.memory_space<vmem>> -> memref<1x1x48xi32, #tpu.memory_space<vmem>>
        %dma_wait3A_414 = tpu.memref_squeeze %dma_wait3A_413 : memref<1x1x48xi32, #tpu.memory_space<vmem>> -> memref<48xi32, #tpu.memory_space<vmem>>
        %dma_wait3A_415 = arith.constant 0 : i32
        %dma_wait3A_416 = arith.constant 0 : i32
        %dma_wait3A_417 = tpu.memref_slice %arg7[%dma_wait3A_415, %dma_wait3A_416] : memref<10240x128xf32, #tpu.memory_space<vmem_shared>> -> memref<10240x128xf32, #tpu.memory_space<vmem_shared>>
        tpu.wait_indirect_dma semaphore(%arg27 : memref<!tpu.dma_semaphore, #tpu.memory_space<semaphore_mem>>) src(%dma_wait3A_411 : memref<48x128xf32, #tpu.memory_space<vmem>>) dst(%dma_wait3A_417 : memref<10240x128xf32, #tpu.memory_space<vmem_shared>>)
      } else {
      }
      %add3A_188 = arith.constant 2 : i32
      %add3A_189 = arith.addi %add3A_177, %add3A_188 : i32
      %lt3A_190 = arith.constant 209 : i32
      %lt3A_191 = arith.cmpi slt, %add3A_189, %lt3A_190 : i32
      %convert_element_type3A_192 = arith.extui %lt3A_191 : i1 to i32
      %cond3A_193 = arith.constant 0 : i32
      %cond3A_194 = arith.cmpi ne, %convert_element_type3A_192, %cond3A_193 : i32
      scf.if %cond3A_194 {
        %add3A_405 = arith.constant 2 : i32
        %add3A_406 = arith.addi %add3A_177, %add3A_405 : i32
        %dma_start3A_407 = arith.constant 5 : i32
        %dma_start3A_408 = arith.constant 0 : i32
        %dma_start3A_409 = arith.constant 0 : i32
        %dma_start3A_410 = tpu.memref_slice %arg5[%dma_start3A_407, %dma_start3A_408, %dma_start3A_409] : memref<10x2x48xi32, #tpu.memory_space<vmem>> -> memref<1x2x48xi32, #tpu.memory_space<vmem>>
        %dma_start3A_411 = tpu.memref_squeeze %dma_start3A_410 : memref<1x2x48xi32, #tpu.memory_space<vmem>> -> memref<2x48xi32, #tpu.memory_space<vmem>>
        %dma_start3A_412 = arith.constant 0 : i32
        %dma_start3A_413 = arith.constant 0 : i32
        %dma_start3A_414 = tpu.memref_slice %arg3[%add3A, %add3A_406, %dma_start3A_412, %dma_start3A_413] : memref<32x209x2x48xi32, #tpu.memory_space<hbm>> -> memref<1x1x2x48xi32, #tpu.memory_space<hbm>>
        %dma_start3A_415 = tpu.memref_squeeze %dma_start3A_414 : memref<1x1x2x48xi32, #tpu.memory_space<hbm>> -> memref<2x48xi32, #tpu.memory_space<hbm>>
        %dma_start3A_416 = arith.constant 0 : i32
        %dma_start3A_417 = arith.constant 0 : i32
        %dma_start3A_418 = tpu.memref_slice %arg5[%dma_start3A_407, %dma_start3A_416, %dma_start3A_417] : memref<10x2x48xi32, #tpu.memory_space<vmem>> -> memref<1x2x48xi32, #tpu.memory_space<vmem>>
        %dma_start3A_419 = tpu.memref_squeeze %dma_start3A_418 : memref<1x2x48xi32, #tpu.memory_space<vmem>> -> memref<2x48xi32, #tpu.memory_space<vmem>>
        %dma_start3A_420 = arith.constant 0 : i32
        %dma_start3A_421 = arith.constant 0 : i32
        %dma_start3A_422 = tpu.memref_slice %arg3[%add3A, %add3A_406, %dma_start3A_420, %dma_start3A_421] : memref<32x209x2x48xi32, #tpu.memory_space<hbm>> -> memref<1x1x2x48xi32, #tpu.memory_space<hbm>>
        %dma_start3A_423 = tpu.memref_squeeze %dma_start3A_422 : memref<1x1x2x48xi32, #tpu.memory_space<hbm>> -> memref<2x48xi32, #tpu.memory_space<hbm>>
        tpu.enqueue_dma source(%dma_start3A_423 : memref<2x48xi32, #tpu.memory_space<hbm>>) target(%dma_start3A_419 : memref<2x48xi32, #tpu.memory_space<vmem>>) target_semaphore(%arg13 : memref<!tpu.dma_semaphore, #tpu.memory_space<semaphore_mem>>)
      } else {
      }
      %add3A_195 = arith.constant 1 : i32
      %add3A_196 = arith.addi %add3A_177, %add3A_195 : i32
      %lt3A_197 = arith.constant 209 : i32
      %lt3A_198 = arith.cmpi slt, %add3A_196, %lt3A_197 : i32
      %convert_element_type3A_199 = arith.extui %lt3A_198 : i1 to i32
      %cond3A_200 = arith.constant 0 : i32
      %cond3A_201 = arith.cmpi ne, %convert_element_type3A_199, %cond3A_200 : i32
      scf.if %cond3A_201 {
        %add3A_405 = arith.constant 1 : i32
        %add3A_406 = arith.addi %add3A_177, %add3A_405 : i32
        %dma_wait3A_407 = arith.constant 4 : i32
        %dma_wait3A_408 = arith.constant 0 : i32
        %dma_wait3A_409 = arith.constant 0 : i32
        %dma_wait3A_410 = tpu.memref_slice %arg5[%dma_wait3A_407, %dma_wait3A_408, %dma_wait3A_409] : memref<10x2x48xi32, #tpu.memory_space<vmem>> -> memref<1x2x48xi32, #tpu.memory_space<vmem>>
        %dma_wait3A_411 = tpu.memref_squeeze %dma_wait3A_410 : memref<1x2x48xi32, #tpu.memory_space<vmem>> -> memref<2x48xi32, #tpu.memory_space<vmem>>
        %dma_wait3A_412 = arith.constant 0 : i32
        %dma_wait3A_413 = arith.constant 0 : i32
        %dma_wait3A_414 = tpu.memref_slice %arg3[%add3A, %add3A_406, %dma_wait3A_412, %dma_wait3A_413] : memref<32x209x2x48xi32, #tpu.memory_space<hbm>> -> memref<1x1x2x48xi32, #tpu.memory_space<hbm>>
        %dma_wait3A_415 = tpu.memref_squeeze %dma_wait3A_414 : memref<1x1x2x48xi32, #tpu.memory_space<hbm>> -> memref<2x48xi32, #tpu.memory_space<hbm>>
        %dma_wait3A_416 = arith.constant 0 : i32
        %dma_wait3A_417 = arith.constant 0 : i32
        %dma_wait3A_418 = tpu.memref_slice %arg5[%dma_wait3A_407, %dma_wait3A_416, %dma_wait3A_417] : memref<10x2x48xi32, #tpu.memory_space<vmem>> -> memref<1x2x48xi32, #tpu.memory_space<vmem>>
        %dma_wait3A_419 = tpu.memref_squeeze %dma_wait3A_418 : memref<1x2x48xi32, #tpu.memory_space<vmem>> -> memref<2x48xi32, #tpu.memory_space<vmem>>
        %dma_wait3A_420 = arith.constant 0 : i32
        %dma_wait3A_421 = arith.constant 0 : i32
        %dma_wait3A_422 = tpu.memref_slice %arg3[%add3A, %add3A_406, %dma_wait3A_420, %dma_wait3A_421] : memref<32x209x2x48xi32, #tpu.memory_space<hbm>> -> memref<1x1x2x48xi32, #tpu.memory_space<hbm>>
        %dma_wait3A_423 = tpu.memref_squeeze %dma_wait3A_422 : memref<1x1x2x48xi32, #tpu.memory_space<hbm>> -> memref<2x48xi32, #tpu.memory_space<hbm>>
        tpu.wait_dma2 semaphore(%arg12 : memref<!tpu.dma_semaphore, #tpu.memory_space<semaphore_mem>>) src(%dma_wait3A_423 : memref<2x48xi32, #tpu.memory_space<hbm>>) dst(%dma_wait3A_419 : memref<2x48xi32, #tpu.memory_space<vmem>>)
        %dma_start3A_424 = arith.constant 4 : i32
        %dma_start3A_425 = arith.constant 0 : i32
        %dma_start3A_426 = arith.constant 4 : i32
        %dma_start3A_427 = arith.constant 0 : i32
        %dma_start3A_428 = arith.constant 0 : i32
        %dma_start3A_429 = tpu.memref_slice %arg6[%dma_start3A_426, %dma_start3A_427, %dma_start3A_428] : memref<5x48x128xf32, #tpu.memory_space<vmem>> -> memref<1x48x128xf32, #tpu.memory_space<vmem>>
        %dma_start3A_430 = tpu.memref_squeeze %dma_start3A_429 : memref<1x48x128xf32, #tpu.memory_space<vmem>> -> memref<48x128xf32, #tpu.memory_space<vmem>>
        %dma_start3A_431 = arith.constant 0 : i32
        %dma_start3A_432 = tpu.memref_slice %arg5[%dma_start3A_424, %dma_start3A_425, %dma_start3A_431] : memref<10x2x48xi32, #tpu.memory_space<vmem>> -> memref<1x1x48xi32, #tpu.memory_space<vmem>>
        %dma_start3A_433 = tpu.memref_squeeze %dma_start3A_432 : memref<1x1x48xi32, #tpu.memory_space<vmem>> -> memref<48xi32, #tpu.memory_space<vmem>>
        %dma_start3A_434 = arith.constant 0 : i32
        %dma_start3A_435 = arith.constant 0 : i32
        %dma_start3A_436 = tpu.memref_slice %arg2[%dma_start3A_434, %dma_start3A_435] : memref<10240x128xf32, #tpu.memory_space<hbm>> -> memref<10240x128xf32, #tpu.memory_space<hbm>>
        tpu.enqueue_indirect_dma source(%dma_start3A_436 : memref<10240x128xf32, #tpu.memory_space<hbm>>) target(%dma_start3A_430 : memref<48x128xf32, #tpu.memory_space<vmem>>) offsets(%dma_start3A_433 : memref<48xi32, #tpu.memory_space<vmem>>) semaphore(%arg22 : memref<!tpu.dma_semaphore, #tpu.memory_space<semaphore_mem>>)
      } else {
      }
      %lt3A_202 = arith.constant 209 : i32
      %lt3A_203 = arith.cmpi slt, %add3A_177, %lt3A_202 : i32
      %convert_element_type3A_204 = arith.extui %lt3A_203 : i1 to i32
      %cond3A_205 = arith.constant 0 : i32
      %cond3A_206 = arith.cmpi ne, %convert_element_type3A_204, %cond3A_205 : i32
      scf.if %cond3A_206 {
        %dma_wait3A_405 = arith.constant 3 : i32
        %dma_wait3A_406 = arith.constant 0 : i32
        %dma_wait3A_407 = arith.constant 3 : i32
        %dma_wait3A_408 = arith.constant 0 : i32
        %dma_wait3A_409 = arith.constant 0 : i32
        %dma_wait3A_410 = tpu.memref_slice %arg6[%dma_wait3A_407, %dma_wait3A_408, %dma_wait3A_409] : memref<5x48x128xf32, #tpu.memory_space<vmem>> -> memref<1x48x128xf32, #tpu.memory_space<vmem>>
        %dma_wait3A_411 = tpu.memref_squeeze %dma_wait3A_410 : memref<1x48x128xf32, #tpu.memory_space<vmem>> -> memref<48x128xf32, #tpu.memory_space<vmem>>
        %dma_wait3A_412 = arith.constant 0 : i32
        %dma_wait3A_413 = tpu.memref_slice %arg5[%dma_wait3A_405, %dma_wait3A_406, %dma_wait3A_412] : memref<10x2x48xi32, #tpu.memory_space<vmem>> -> memref<1x1x48xi32, #tpu.memory_space<vmem>>
        %dma_wait3A_414 = tpu.memref_squeeze %dma_wait3A_413 : memref<1x1x48xi32, #tpu.memory_space<vmem>> -> memref<48xi32, #tpu.memory_space<vmem>>
        %dma_wait3A_415 = arith.constant 0 : i32
        %dma_wait3A_416 = arith.constant 0 : i32
        %dma_wait3A_417 = tpu.memref_slice %arg2[%dma_wait3A_415, %dma_wait3A_416] : memref<10240x128xf32, #tpu.memory_space<hbm>> -> memref<10240x128xf32, #tpu.memory_space<hbm>>
        tpu.wait_indirect_dma semaphore(%arg21 : memref<!tpu.dma_semaphore, #tpu.memory_space<semaphore_mem>>) src(%dma_wait3A_417 : memref<10240x128xf32, #tpu.memory_space<hbm>>) dst(%dma_wait3A_411 : memref<48x128xf32, #tpu.memory_space<vmem>>)
        %dma_start3A_418 = arith.constant 3 : i32
        %dma_start3A_419 = arith.constant 3 : i32
        %dma_start3A_420 = arith.constant 1 : i32
        %dma_start3A_421 = arith.constant 0 : i32
        %dma_start3A_422 = arith.constant 0 : i32
        %dma_start3A_423 = tpu.memref_slice %arg6[%dma_start3A_418, %dma_start3A_421, %dma_start3A_422] : memref<5x48x128xf32, #tpu.memory_space<vmem>> -> memref<1x48x128xf32, #tpu.memory_space<vmem>>
        %dma_start3A_424 = tpu.memref_squeeze %dma_start3A_423 : memref<1x48x128xf32, #tpu.memory_space<vmem>> -> memref<48x128xf32, #tpu.memory_space<vmem>>
        %dma_start3A_425 = arith.constant 0 : i32
        %dma_start3A_426 = tpu.memref_slice %arg5[%dma_start3A_419, %dma_start3A_420, %dma_start3A_425] : memref<10x2x48xi32, #tpu.memory_space<vmem>> -> memref<1x1x48xi32, #tpu.memory_space<vmem>>
        %dma_start3A_427 = tpu.memref_squeeze %dma_start3A_426 : memref<1x1x48xi32, #tpu.memory_space<vmem>> -> memref<48xi32, #tpu.memory_space<vmem>>
        %dma_start3A_428 = arith.constant 0 : i32
        %dma_start3A_429 = arith.constant 0 : i32
        %dma_start3A_430 = tpu.memref_slice %arg7[%dma_start3A_428, %dma_start3A_429] : memref<10240x128xf32, #tpu.memory_space<vmem_shared>> -> memref<10240x128xf32, #tpu.memory_space<vmem_shared>>
        tpu.enqueue_indirect_dma source(%dma_start3A_424 : memref<48x128xf32, #tpu.memory_space<vmem>>) target(%dma_start3A_430 : memref<10240x128xf32, #tpu.memory_space<vmem_shared>>) offsets(%dma_start3A_427 : memref<48xi32, #tpu.memory_space<vmem>>) semaphore(%arg26 : memref<!tpu.dma_semaphore, #tpu.memory_space<semaphore_mem>>) {add = true}
      } else {
      }
      %mul3A_207 = arith.constant 10 : i32
      %mul3A_208 = arith.muli %mul3A_207, %scan3A_80 : i32
      %add3A_209 = arith.constant 4 : i32
      %add3A_210 = arith.addi %mul3A_208, %add3A_209 : i32
      %ge3A_211 = arith.constant 4 : i32
      %ge3A_212 = arith.cmpi sge, %add3A_210, %ge3A_211 : i32
      %sub3A_213 = arith.constant 4 : i32
      %sub3A_214 = arith.subi %add3A_210, %sub3A_213 : i32
      %lt3A_215 = arith.constant 209 : i32
      %lt3A_216 = arith.cmpi slt, %sub3A_214, %lt3A_215 : i32
      %and3A_217 = arith.andi %ge3A_212, %lt3A_216 : i1
      %convert_element_type3A_218 = arith.extui %and3A_217 : i1 to i32
      %cond3A_219 = arith.constant 0 : i32
      %cond3A_220 = arith.cmpi ne, %convert_element_type3A_218, %cond3A_219 : i32
      scf.if %cond3A_220 {
        %dma_wait3A_405 = arith.constant 0 : i32
        %dma_wait3A_406 = arith.constant 0 : i32
        %dma_wait3A_407 = arith.constant 1 : i32
        %dma_wait3A_408 = arith.constant 0 : i32
        %dma_wait3A_409 = arith.constant 0 : i32
        %dma_wait3A_410 = tpu.memref_slice %arg6[%dma_wait3A_405, %dma_wait3A_408, %dma_wait3A_409] : memref<5x48x128xf32, #tpu.memory_space<vmem>> -> memref<1x48x128xf32, #tpu.memory_space<vmem>>
        %dma_wait3A_411 = tpu.memref_squeeze %dma_wait3A_410 : memref<1x48x128xf32, #tpu.memory_space<vmem>> -> memref<48x128xf32, #tpu.memory_space<vmem>>
        %dma_wait3A_412 = arith.constant 0 : i32
        %dma_wait3A_413 = tpu.memref_slice %arg5[%dma_wait3A_406, %dma_wait3A_407, %dma_wait3A_412] : memref<10x2x48xi32, #tpu.memory_space<vmem>> -> memref<1x1x48xi32, #tpu.memory_space<vmem>>
        %dma_wait3A_414 = tpu.memref_squeeze %dma_wait3A_413 : memref<1x1x48xi32, #tpu.memory_space<vmem>> -> memref<48xi32, #tpu.memory_space<vmem>>
        %dma_wait3A_415 = arith.constant 0 : i32
        %dma_wait3A_416 = arith.constant 0 : i32
        %dma_wait3A_417 = tpu.memref_slice %arg7[%dma_wait3A_415, %dma_wait3A_416] : memref<10240x128xf32, #tpu.memory_space<vmem_shared>> -> memref<10240x128xf32, #tpu.memory_space<vmem_shared>>
        tpu.wait_indirect_dma semaphore(%arg23 : memref<!tpu.dma_semaphore, #tpu.memory_space<semaphore_mem>>) src(%dma_wait3A_411 : memref<48x128xf32, #tpu.memory_space<vmem>>) dst(%dma_wait3A_417 : memref<10240x128xf32, #tpu.memory_space<vmem_shared>>)
      } else {
      }
      %add3A_221 = arith.constant 2 : i32
      %add3A_222 = arith.addi %add3A_210, %add3A_221 : i32
      %lt3A_223 = arith.constant 209 : i32
      %lt3A_224 = arith.cmpi slt, %add3A_222, %lt3A_223 : i32
      %convert_element_type3A_225 = arith.extui %lt3A_224 : i1 to i32
      %cond3A_226 = arith.constant 0 : i32
      %cond3A_227 = arith.cmpi ne, %convert_element_type3A_225, %cond3A_226 : i32
      scf.if %cond3A_227 {
        %add3A_405 = arith.constant 2 : i32
        %add3A_406 = arith.addi %add3A_210, %add3A_405 : i32
        %dma_start3A_407 = arith.constant 6 : i32
        %dma_start3A_408 = arith.constant 0 : i32
        %dma_start3A_409 = arith.constant 0 : i32
        %dma_start3A_410 = tpu.memref_slice %arg5[%dma_start3A_407, %dma_start3A_408, %dma_start3A_409] : memref<10x2x48xi32, #tpu.memory_space<vmem>> -> memref<1x2x48xi32, #tpu.memory_space<vmem>>
        %dma_start3A_411 = tpu.memref_squeeze %dma_start3A_410 : memref<1x2x48xi32, #tpu.memory_space<vmem>> -> memref<2x48xi32, #tpu.memory_space<vmem>>
        %dma_start3A_412 = arith.constant 0 : i32
        %dma_start3A_413 = arith.constant 0 : i32
        %dma_start3A_414 = tpu.memref_slice %arg3[%add3A, %add3A_406, %dma_start3A_412, %dma_start3A_413] : memref<32x209x2x48xi32, #tpu.memory_space<hbm>> -> memref<1x1x2x48xi32, #tpu.memory_space<hbm>>
        %dma_start3A_415 = tpu.memref_squeeze %dma_start3A_414 : memref<1x1x2x48xi32, #tpu.memory_space<hbm>> -> memref<2x48xi32, #tpu.memory_space<hbm>>
        %dma_start3A_416 = arith.constant 0 : i32
        %dma_start3A_417 = arith.constant 0 : i32
        %dma_start3A_418 = tpu.memref_slice %arg5[%dma_start3A_407, %dma_start3A_416, %dma_start3A_417] : memref<10x2x48xi32, #tpu.memory_space<vmem>> -> memref<1x2x48xi32, #tpu.memory_space<vmem>>
        %dma_start3A_419 = tpu.memref_squeeze %dma_start3A_418 : memref<1x2x48xi32, #tpu.memory_space<vmem>> -> memref<2x48xi32, #tpu.memory_space<vmem>>
        %dma_start3A_420 = arith.constant 0 : i32
        %dma_start3A_421 = arith.constant 0 : i32
        %dma_start3A_422 = tpu.memref_slice %arg3[%add3A, %add3A_406, %dma_start3A_420, %dma_start3A_421] : memref<32x209x2x48xi32, #tpu.memory_space<hbm>> -> memref<1x1x2x48xi32, #tpu.memory_space<hbm>>
        %dma_start3A_423 = tpu.memref_squeeze %dma_start3A_422 : memref<1x1x2x48xi32, #tpu.memory_space<hbm>> -> memref<2x48xi32, #tpu.memory_space<hbm>>
        tpu.enqueue_dma source(%dma_start3A_423 : memref<2x48xi32, #tpu.memory_space<hbm>>) target(%dma_start3A_419 : memref<2x48xi32, #tpu.memory_space<vmem>>) target_semaphore(%arg14 : memref<!tpu.dma_semaphore, #tpu.memory_space<semaphore_mem>>)
      } else {
      }
      %add3A_228 = arith.constant 1 : i32
      %add3A_229 = arith.addi %add3A_210, %add3A_228 : i32
      %lt3A_230 = arith.constant 209 : i32
      %lt3A_231 = arith.cmpi slt, %add3A_229, %lt3A_230 : i32
      %convert_element_type3A_232 = arith.extui %lt3A_231 : i1 to i32
      %cond3A_233 = arith.constant 0 : i32
      %cond3A_234 = arith.cmpi ne, %convert_element_type3A_232, %cond3A_233 : i32
      scf.if %cond3A_234 {
        %add3A_405 = arith.constant 1 : i32
        %add3A_406 = arith.addi %add3A_210, %add3A_405 : i32
        %dma_wait3A_407 = arith.constant 5 : i32
        %dma_wait3A_408 = arith.constant 0 : i32
        %dma_wait3A_409 = arith.constant 0 : i32
        %dma_wait3A_410 = tpu.memref_slice %arg5[%dma_wait3A_407, %dma_wait3A_408, %dma_wait3A_409] : memref<10x2x48xi32, #tpu.memory_space<vmem>> -> memref<1x2x48xi32, #tpu.memory_space<vmem>>
        %dma_wait3A_411 = tpu.memref_squeeze %dma_wait3A_410 : memref<1x2x48xi32, #tpu.memory_space<vmem>> -> memref<2x48xi32, #tpu.memory_space<vmem>>
        %dma_wait3A_412 = arith.constant 0 : i32
        %dma_wait3A_413 = arith.constant 0 : i32
        %dma_wait3A_414 = tpu.memref_slice %arg3[%add3A, %add3A_406, %dma_wait3A_412, %dma_wait3A_413] : memref<32x209x2x48xi32, #tpu.memory_space<hbm>> -> memref<1x1x2x48xi32, #tpu.memory_space<hbm>>
        %dma_wait3A_415 = tpu.memref_squeeze %dma_wait3A_414 : memref<1x1x2x48xi32, #tpu.memory_space<hbm>> -> memref<2x48xi32, #tpu.memory_space<hbm>>
        %dma_wait3A_416 = arith.constant 0 : i32
        %dma_wait3A_417 = arith.constant 0 : i32
        %dma_wait3A_418 = tpu.memref_slice %arg5[%dma_wait3A_407, %dma_wait3A_416, %dma_wait3A_417] : memref<10x2x48xi32, #tpu.memory_space<vmem>> -> memref<1x2x48xi32, #tpu.memory_space<vmem>>
        %dma_wait3A_419 = tpu.memref_squeeze %dma_wait3A_418 : memref<1x2x48xi32, #tpu.memory_space<vmem>> -> memref<2x48xi32, #tpu.memory_space<vmem>>
        %dma_wait3A_420 = arith.constant 0 : i32
        %dma_wait3A_421 = arith.constant 0 : i32
        %dma_wait3A_422 = tpu.memref_slice %arg3[%add3A, %add3A_406, %dma_wait3A_420, %dma_wait3A_421] : memref<32x209x2x48xi32, #tpu.memory_space<hbm>> -> memref<1x1x2x48xi32, #tpu.memory_space<hbm>>
        %dma_wait3A_423 = tpu.memref_squeeze %dma_wait3A_422 : memref<1x1x2x48xi32, #tpu.memory_space<hbm>> -> memref<2x48xi32, #tpu.memory_space<hbm>>
        tpu.wait_dma2 semaphore(%arg13 : memref<!tpu.dma_semaphore, #tpu.memory_space<semaphore_mem>>) src(%dma_wait3A_423 : memref<2x48xi32, #tpu.memory_space<hbm>>) dst(%dma_wait3A_419 : memref<2x48xi32, #tpu.memory_space<vmem>>)
        %dma_start3A_424 = arith.constant 5 : i32
        %dma_start3A_425 = arith.constant 0 : i32
        %dma_start3A_426 = arith.constant 0 : i32
        %dma_start3A_427 = arith.constant 0 : i32
        %dma_start3A_428 = arith.constant 0 : i32
        %dma_start3A_429 = tpu.memref_slice %arg6[%dma_start3A_426, %dma_start3A_427, %dma_start3A_428] : memref<5x48x128xf32, #tpu.memory_space<vmem>> -> memref<1x48x128xf32, #tpu.memory_space<vmem>>
        %dma_start3A_430 = tpu.memref_squeeze %dma_start3A_429 : memref<1x48x128xf32, #tpu.memory_space<vmem>> -> memref<48x128xf32, #tpu.memory_space<vmem>>
        %dma_start3A_431 = arith.constant 0 : i32
        %dma_start3A_432 = tpu.memref_slice %arg5[%dma_start3A_424, %dma_start3A_425, %dma_start3A_431] : memref<10x2x48xi32, #tpu.memory_space<vmem>> -> memref<1x1x48xi32, #tpu.memory_space<vmem>>
        %dma_start3A_433 = tpu.memref_squeeze %dma_start3A_432 : memref<1x1x48xi32, #tpu.memory_space<vmem>> -> memref<48xi32, #tpu.memory_space<vmem>>
        %dma_start3A_434 = arith.constant 0 : i32
        %dma_start3A_435 = arith.constant 0 : i32
        %dma_start3A_436 = tpu.memref_slice %arg2[%dma_start3A_434, %dma_start3A_435] : memref<10240x128xf32, #tpu.memory_space<hbm>> -> memref<10240x128xf32, #tpu.memory_space<hbm>>
        tpu.enqueue_indirect_dma source(%dma_start3A_436 : memref<10240x128xf32, #tpu.memory_space<hbm>>) target(%dma_start3A_430 : memref<48x128xf32, #tpu.memory_space<vmem>>) offsets(%dma_start3A_433 : memref<48xi32, #tpu.memory_space<vmem>>) semaphore(%arg18 : memref<!tpu.dma_semaphore, #tpu.memory_space<semaphore_mem>>)
      } else {
      }
      %lt3A_235 = arith.constant 209 : i32
      %lt3A_236 = arith.cmpi slt, %add3A_210, %lt3A_235 : i32
      %convert_element_type3A_237 = arith.extui %lt3A_236 : i1 to i32
      %cond3A_238 = arith.constant 0 : i32
      %cond3A_239 = arith.cmpi ne, %convert_element_type3A_237, %cond3A_238 : i32
      scf.if %cond3A_239 {
        %dma_wait3A_405 = arith.constant 4 : i32
        %dma_wait3A_406 = arith.constant 0 : i32
        %dma_wait3A_407 = arith.constant 4 : i32
        %dma_wait3A_408 = arith.constant 0 : i32
        %dma_wait3A_409 = arith.constant 0 : i32
        %dma_wait3A_410 = tpu.memref_slice %arg6[%dma_wait3A_407, %dma_wait3A_408, %dma_wait3A_409] : memref<5x48x128xf32, #tpu.memory_space<vmem>> -> memref<1x48x128xf32, #tpu.memory_space<vmem>>
        %dma_wait3A_411 = tpu.memref_squeeze %dma_wait3A_410 : memref<1x48x128xf32, #tpu.memory_space<vmem>> -> memref<48x128xf32, #tpu.memory_space<vmem>>
        %dma_wait3A_412 = arith.constant 0 : i32
        %dma_wait3A_413 = tpu.memref_slice %arg5[%dma_wait3A_405, %dma_wait3A_406, %dma_wait3A_412] : memref<10x2x48xi32, #tpu.memory_space<vmem>> -> memref<1x1x48xi32, #tpu.memory_space<vmem>>
        %dma_wait3A_414 = tpu.memref_squeeze %dma_wait3A_413 : memref<1x1x48xi32, #tpu.memory_space<vmem>> -> memref<48xi32, #tpu.memory_space<vmem>>
        %dma_wait3A_415 = arith.constant 0 : i32
        %dma_wait3A_416 = arith.constant 0 : i32
        %dma_wait3A_417 = tpu.memref_slice %arg2[%dma_wait3A_415, %dma_wait3A_416] : memref<10240x128xf32, #tpu.memory_space<hbm>> -> memref<10240x128xf32, #tpu.memory_space<hbm>>
        tpu.wait_indirect_dma semaphore(%arg22 : memref<!tpu.dma_semaphore, #tpu.memory_space<semaphore_mem>>) src(%dma_wait3A_417 : memref<10240x128xf32, #tpu.memory_space<hbm>>) dst(%dma_wait3A_411 : memref<48x128xf32, #tpu.memory_space<vmem>>)
        %dma_start3A_418 = arith.constant 4 : i32
        %dma_start3A_419 = arith.constant 4 : i32
        %dma_start3A_420 = arith.constant 1 : i32
        %dma_start3A_421 = arith.constant 0 : i32
        %dma_start3A_422 = arith.constant 0 : i32
        %dma_start3A_423 = tpu.memref_slice %arg6[%dma_start3A_418, %dma_start3A_421, %dma_start3A_422] : memref<5x48x128xf32, #tpu.memory_space<vmem>> -> memref<1x48x128xf32, #tpu.memory_space<vmem>>
        %dma_start3A_424 = tpu.memref_squeeze %dma_start3A_423 : memref<1x48x128xf32, #tpu.memory_space<vmem>> -> memref<48x128xf32, #tpu.memory_space<vmem>>
        %dma_start3A_425 = arith.constant 0 : i32
        %dma_start3A_426 = tpu.memref_slice %arg5[%dma_start3A_419, %dma_start3A_420, %dma_start3A_425] : memref<10x2x48xi32, #tpu.memory_space<vmem>> -> memref<1x1x48xi32, #tpu.memory_space<vmem>>
        %dma_start3A_427 = tpu.memref_squeeze %dma_start3A_426 : memref<1x1x48xi32, #tpu.memory_space<vmem>> -> memref<48xi32, #tpu.memory_space<vmem>>
        %dma_start3A_428 = arith.constant 0 : i32
        %dma_start3A_429 = arith.constant 0 : i32
        %dma_start3A_430 = tpu.memref_slice %arg7[%dma_start3A_428, %dma_start3A_429] : memref<10240x128xf32, #tpu.memory_space<vmem_shared>> -> memref<10240x128xf32, #tpu.memory_space<vmem_shared>>
        tpu.enqueue_indirect_dma source(%dma_start3A_424 : memref<48x128xf32, #tpu.memory_space<vmem>>) target(%dma_start3A_430 : memref<10240x128xf32, #tpu.memory_space<vmem_shared>>) offsets(%dma_start3A_427 : memref<48xi32, #tpu.memory_space<vmem>>) semaphore(%arg27 : memref<!tpu.dma_semaphore, #tpu.memory_space<semaphore_mem>>) {add = true}
      } else {
      }
      %mul3A_240 = arith.constant 10 : i32
      %mul3A_241 = arith.muli %mul3A_240, %scan3A_80 : i32
      %add3A_242 = arith.constant 5 : i32
      %add3A_243 = arith.addi %mul3A_241, %add3A_242 : i32
      %ge3A_244 = arith.constant 4 : i32
      %ge3A_245 = arith.cmpi sge, %add3A_243, %ge3A_244 : i32
      %sub3A_246 = arith.constant 4 : i32
      %sub3A_247 = arith.subi %add3A_243, %sub3A_246 : i32
      %lt3A_248 = arith.constant 209 : i32
      %lt3A_249 = arith.cmpi slt, %sub3A_247, %lt3A_248 : i32
      %and3A_250 = arith.andi %ge3A_245, %lt3A_249 : i1
      %convert_element_type3A_251 = arith.extui %and3A_250 : i1 to i32
      %cond3A_252 = arith.constant 0 : i32
      %cond3A_253 = arith.cmpi ne, %convert_element_type3A_251, %cond3A_252 : i32
      scf.if %cond3A_253 {
        %dma_wait3A_405 = arith.constant 1 : i32
        %dma_wait3A_406 = arith.constant 1 : i32
        %dma_wait3A_407 = arith.constant 1 : i32
        %dma_wait3A_408 = arith.constant 0 : i32
        %dma_wait3A_409 = arith.constant 0 : i32
        %dma_wait3A_410 = tpu.memref_slice %arg6[%dma_wait3A_405, %dma_wait3A_408, %dma_wait3A_409] : memref<5x48x128xf32, #tpu.memory_space<vmem>> -> memref<1x48x128xf32, #tpu.memory_space<vmem>>
        %dma_wait3A_411 = tpu.memref_squeeze %dma_wait3A_410 : memref<1x48x128xf32, #tpu.memory_space<vmem>> -> memref<48x128xf32, #tpu.memory_space<vmem>>
        %dma_wait3A_412 = arith.constant 0 : i32
        %dma_wait3A_413 = tpu.memref_slice %arg5[%dma_wait3A_406, %dma_wait3A_407, %dma_wait3A_412] : memref<10x2x48xi32, #tpu.memory_space<vmem>> -> memref<1x1x48xi32, #tpu.memory_space<vmem>>
        %dma_wait3A_414 = tpu.memref_squeeze %dma_wait3A_413 : memref<1x1x48xi32, #tpu.memory_space<vmem>> -> memref<48xi32, #tpu.memory_space<vmem>>
        %dma_wait3A_415 = arith.constant 0 : i32
        %dma_wait3A_416 = arith.constant 0 : i32
        %dma_wait3A_417 = tpu.memref_slice %arg7[%dma_wait3A_415, %dma_wait3A_416] : memref<10240x128xf32, #tpu.memory_space<vmem_shared>> -> memref<10240x128xf32, #tpu.memory_space<vmem_shared>>
        tpu.wait_indirect_dma semaphore(%arg24 : memref<!tpu.dma_semaphore, #tpu.memory_space<semaphore_mem>>) src(%dma_wait3A_411 : memref<48x128xf32, #tpu.memory_space<vmem>>) dst(%dma_wait3A_417 : memref<10240x128xf32, #tpu.memory_space<vmem_shared>>)
      } else {
      }
      %add3A_254 = arith.constant 2 : i32
      %add3A_255 = arith.addi %add3A_243, %add3A_254 : i32
      %lt3A_256 = arith.constant 209 : i32
      %lt3A_257 = arith.cmpi slt, %add3A_255, %lt3A_256 : i32
      %convert_element_type3A_258 = arith.extui %lt3A_257 : i1 to i32
      %cond3A_259 = arith.constant 0 : i32
      %cond3A_260 = arith.cmpi ne, %convert_element_type3A_258, %cond3A_259 : i32
      scf.if %cond3A_260 {
        %add3A_405 = arith.constant 2 : i32
        %add3A_406 = arith.addi %add3A_243, %add3A_405 : i32
        %dma_start3A_407 = arith.constant 7 : i32
        %dma_start3A_408 = arith.constant 0 : i32
        %dma_start3A_409 = arith.constant 0 : i32
        %dma_start3A_410 = tpu.memref_slice %arg5[%dma_start3A_407, %dma_start3A_408, %dma_start3A_409] : memref<10x2x48xi32, #tpu.memory_space<vmem>> -> memref<1x2x48xi32, #tpu.memory_space<vmem>>
        %dma_start3A_411 = tpu.memref_squeeze %dma_start3A_410 : memref<1x2x48xi32, #tpu.memory_space<vmem>> -> memref<2x48xi32, #tpu.memory_space<vmem>>
        %dma_start3A_412 = arith.constant 0 : i32
        %dma_start3A_413 = arith.constant 0 : i32
        %dma_start3A_414 = tpu.memref_slice %arg3[%add3A, %add3A_406, %dma_start3A_412, %dma_start3A_413] : memref<32x209x2x48xi32, #tpu.memory_space<hbm>> -> memref<1x1x2x48xi32, #tpu.memory_space<hbm>>
        %dma_start3A_415 = tpu.memref_squeeze %dma_start3A_414 : memref<1x1x2x48xi32, #tpu.memory_space<hbm>> -> memref<2x48xi32, #tpu.memory_space<hbm>>
        %dma_start3A_416 = arith.constant 0 : i32
        %dma_start3A_417 = arith.constant 0 : i32
        %dma_start3A_418 = tpu.memref_slice %arg5[%dma_start3A_407, %dma_start3A_416, %dma_start3A_417] : memref<10x2x48xi32, #tpu.memory_space<vmem>> -> memref<1x2x48xi32, #tpu.memory_space<vmem>>
        %dma_start3A_419 = tpu.memref_squeeze %dma_start3A_418 : memref<1x2x48xi32, #tpu.memory_space<vmem>> -> memref<2x48xi32, #tpu.memory_space<vmem>>
        %dma_start3A_420 = arith.constant 0 : i32
        %dma_start3A_421 = arith.constant 0 : i32
        %dma_start3A_422 = tpu.memref_slice %arg3[%add3A, %add3A_406, %dma_start3A_420, %dma_start3A_421] : memref<32x209x2x48xi32, #tpu.memory_space<hbm>> -> memref<1x1x2x48xi32, #tpu.memory_space<hbm>>
        %dma_start3A_423 = tpu.memref_squeeze %dma_start3A_422 : memref<1x1x2x48xi32, #tpu.memory_space<hbm>> -> memref<2x48xi32, #tpu.memory_space<hbm>>
        tpu.enqueue_dma source(%dma_start3A_423 : memref<2x48xi32, #tpu.memory_space<hbm>>) target(%dma_start3A_419 : memref<2x48xi32, #tpu.memory_space<vmem>>) target_semaphore(%arg15 : memref<!tpu.dma_semaphore, #tpu.memory_space<semaphore_mem>>)
      } else {
      }
      %add3A_261 = arith.constant 1 : i32
      %add3A_262 = arith.addi %add3A_243, %add3A_261 : i32
      %lt3A_263 = arith.constant 209 : i32
      %lt3A_264 = arith.cmpi slt, %add3A_262, %lt3A_263 : i32
      %convert_element_type3A_265 = arith.extui %lt3A_264 : i1 to i32
      %cond3A_266 = arith.constant 0 : i32
      %cond3A_267 = arith.cmpi ne, %convert_element_type3A_265, %cond3A_266 : i32
      scf.if %cond3A_267 {
        %add3A_405 = arith.constant 1 : i32
        %add3A_406 = arith.addi %add3A_243, %add3A_405 : i32
        %dma_wait3A_407 = arith.constant 6 : i32
        %dma_wait3A_408 = arith.constant 0 : i32
        %dma_wait3A_409 = arith.constant 0 : i32
        %dma_wait3A_410 = tpu.memref_slice %arg5[%dma_wait3A_407, %dma_wait3A_408, %dma_wait3A_409] : memref<10x2x48xi32, #tpu.memory_space<vmem>> -> memref<1x2x48xi32, #tpu.memory_space<vmem>>
        %dma_wait3A_411 = tpu.memref_squeeze %dma_wait3A_410 : memref<1x2x48xi32, #tpu.memory_space<vmem>> -> memref<2x48xi32, #tpu.memory_space<vmem>>
        %dma_wait3A_412 = arith.constant 0 : i32
        %dma_wait3A_413 = arith.constant 0 : i32
        %dma_wait3A_414 = tpu.memref_slice %arg3[%add3A, %add3A_406, %dma_wait3A_412, %dma_wait3A_413] : memref<32x209x2x48xi32, #tpu.memory_space<hbm>> -> memref<1x1x2x48xi32, #tpu.memory_space<hbm>>
        %dma_wait3A_415 = tpu.memref_squeeze %dma_wait3A_414 : memref<1x1x2x48xi32, #tpu.memory_space<hbm>> -> memref<2x48xi32, #tpu.memory_space<hbm>>
        %dma_wait3A_416 = arith.constant 0 : i32
        %dma_wait3A_417 = arith.constant 0 : i32
        %dma_wait3A_418 = tpu.memref_slice %arg5[%dma_wait3A_407, %dma_wait3A_416, %dma_wait3A_417] : memref<10x2x48xi32, #tpu.memory_space<vmem>> -> memref<1x2x48xi32, #tpu.memory_space<vmem>>
        %dma_wait3A_419 = tpu.memref_squeeze %dma_wait3A_418 : memref<1x2x48xi32, #tpu.memory_space<vmem>> -> memref<2x48xi32, #tpu.memory_space<vmem>>
        %dma_wait3A_420 = arith.constant 0 : i32
        %dma_wait3A_421 = arith.constant 0 : i32
        %dma_wait3A_422 = tpu.memref_slice %arg3[%add3A, %add3A_406, %dma_wait3A_420, %dma_wait3A_421] : memref<32x209x2x48xi32, #tpu.memory_space<hbm>> -> memref<1x1x2x48xi32, #tpu.memory_space<hbm>>
        %dma_wait3A_423 = tpu.memref_squeeze %dma_wait3A_422 : memref<1x1x2x48xi32, #tpu.memory_space<hbm>> -> memref<2x48xi32, #tpu.memory_space<hbm>>
        tpu.wait_dma2 semaphore(%arg14 : memref<!tpu.dma_semaphore, #tpu.memory_space<semaphore_mem>>) src(%dma_wait3A_423 : memref<2x48xi32, #tpu.memory_space<hbm>>) dst(%dma_wait3A_419 : memref<2x48xi32, #tpu.memory_space<vmem>>)
        %dma_start3A_424 = arith.constant 6 : i32
        %dma_start3A_425 = arith.constant 0 : i32
        %dma_start3A_426 = arith.constant 1 : i32
        %dma_start3A_427 = arith.constant 0 : i32
        %dma_start3A_428 = arith.constant 0 : i32
        %dma_start3A_429 = tpu.memref_slice %arg6[%dma_start3A_426, %dma_start3A_427, %dma_start3A_428] : memref<5x48x128xf32, #tpu.memory_space<vmem>> -> memref<1x48x128xf32, #tpu.memory_space<vmem>>
        %dma_start3A_430 = tpu.memref_squeeze %dma_start3A_429 : memref<1x48x128xf32, #tpu.memory_space<vmem>> -> memref<48x128xf32, #tpu.memory_space<vmem>>
        %dma_start3A_431 = arith.constant 0 : i32
        %dma_start3A_432 = tpu.memref_slice %arg5[%dma_start3A_424, %dma_start3A_425, %dma_start3A_431] : memref<10x2x48xi32, #tpu.memory_space<vmem>> -> memref<1x1x48xi32, #tpu.memory_space<vmem>>
        %dma_start3A_433 = tpu.memref_squeeze %dma_start3A_432 : memref<1x1x48xi32, #tpu.memory_space<vmem>> -> memref<48xi32, #tpu.memory_space<vmem>>
        %dma_start3A_434 = arith.constant 0 : i32
        %dma_start3A_435 = arith.constant 0 : i32
        %dma_start3A_436 = tpu.memref_slice %arg2[%dma_start3A_434, %dma_start3A_435] : memref<10240x128xf32, #tpu.memory_space<hbm>> -> memref<10240x128xf32, #tpu.memory_space<hbm>>
        tpu.enqueue_indirect_dma source(%dma_start3A_436 : memref<10240x128xf32, #tpu.memory_space<hbm>>) target(%dma_start3A_430 : memref<48x128xf32, #tpu.memory_space<vmem>>) offsets(%dma_start3A_433 : memref<48xi32, #tpu.memory_space<vmem>>) semaphore(%arg19 : memref<!tpu.dma_semaphore, #tpu.memory_space<semaphore_mem>>)
      } else {
      }
      %lt3A_268 = arith.constant 209 : i32
      %lt3A_269 = arith.cmpi slt, %add3A_243, %lt3A_268 : i32
      %convert_element_type3A_270 = arith.extui %lt3A_269 : i1 to i32
      %cond3A_271 = arith.constant 0 : i32
      %cond3A_272 = arith.cmpi ne, %convert_element_type3A_270, %cond3A_271 : i32
      scf.if %cond3A_272 {
        %dma_wait3A_405 = arith.constant 5 : i32
        %dma_wait3A_406 = arith.constant 0 : i32
        %dma_wait3A_407 = arith.constant 0 : i32
        %dma_wait3A_408 = arith.constant 0 : i32
        %dma_wait3A_409 = arith.constant 0 : i32
        %dma_wait3A_410 = tpu.memref_slice %arg6[%dma_wait3A_407, %dma_wait3A_408, %dma_wait3A_409] : memref<5x48x128xf32, #tpu.memory_space<vmem>> -> memref<1x48x128xf32, #tpu.memory_space<vmem>>
        %dma_wait3A_411 = tpu.memref_squeeze %dma_wait3A_410 : memref<1x48x128xf32, #tpu.memory_space<vmem>> -> memref<48x128xf32, #tpu.memory_space<vmem>>
        %dma_wait3A_412 = arith.constant 0 : i32
        %dma_wait3A_413 = tpu.memref_slice %arg5[%dma_wait3A_405, %dma_wait3A_406, %dma_wait3A_412] : memref<10x2x48xi32, #tpu.memory_space<vmem>> -> memref<1x1x48xi32, #tpu.memory_space<vmem>>
        %dma_wait3A_414 = tpu.memref_squeeze %dma_wait3A_413 : memref<1x1x48xi32, #tpu.memory_space<vmem>> -> memref<48xi32, #tpu.memory_space<vmem>>
        %dma_wait3A_415 = arith.constant 0 : i32
        %dma_wait3A_416 = arith.constant 0 : i32
        %dma_wait3A_417 = tpu.memref_slice %arg2[%dma_wait3A_415, %dma_wait3A_416] : memref<10240x128xf32, #tpu.memory_space<hbm>> -> memref<10240x128xf32, #tpu.memory_space<hbm>>
        tpu.wait_indirect_dma semaphore(%arg18 : memref<!tpu.dma_semaphore, #tpu.memory_space<semaphore_mem>>) src(%dma_wait3A_417 : memref<10240x128xf32, #tpu.memory_space<hbm>>) dst(%dma_wait3A_411 : memref<48x128xf32, #tpu.memory_space<vmem>>)
        %dma_start3A_418 = arith.constant 0 : i32
        %dma_start3A_419 = arith.constant 5 : i32
        %dma_start3A_420 = arith.constant 1 : i32
        %dma_start3A_421 = arith.constant 0 : i32
        %dma_start3A_422 = arith.constant 0 : i32
        %dma_start3A_423 = tpu.memref_slice %arg6[%dma_start3A_418, %dma_start3A_421, %dma_start3A_422] : memref<5x48x128xf32, #tpu.memory_space<vmem>> -> memref<1x48x128xf32, #tpu.memory_space<vmem>>
        %dma_start3A_424 = tpu.memref_squeeze %dma_start3A_423 : memref<1x48x128xf32, #tpu.memory_space<vmem>> -> memref<48x128xf32, #tpu.memory_space<vmem>>
        %dma_start3A_425 = arith.constant 0 : i32
        %dma_start3A_426 = tpu.memref_slice %arg5[%dma_start3A_419, %dma_start3A_420, %dma_start3A_425] : memref<10x2x48xi32, #tpu.memory_space<vmem>> -> memref<1x1x48xi32, #tpu.memory_space<vmem>>
        %dma_start3A_427 = tpu.memref_squeeze %dma_start3A_426 : memref<1x1x48xi32, #tpu.memory_space<vmem>> -> memref<48xi32, #tpu.memory_space<vmem>>
        %dma_start3A_428 = arith.constant 0 : i32
        %dma_start3A_429 = arith.constant 0 : i32
        %dma_start3A_430 = tpu.memref_slice %arg7[%dma_start3A_428, %dma_start3A_429] : memref<10240x128xf32, #tpu.memory_space<vmem_shared>> -> memref<10240x128xf32, #tpu.memory_space<vmem_shared>>
        tpu.enqueue_indirect_dma source(%dma_start3A_424 : memref<48x128xf32, #tpu.memory_space<vmem>>) target(%dma_start3A_430 : memref<10240x128xf32, #tpu.memory_space<vmem_shared>>) offsets(%dma_start3A_427 : memref<48xi32, #tpu.memory_space<vmem>>) semaphore(%arg23 : memref<!tpu.dma_semaphore, #tpu.memory_space<semaphore_mem>>) {add = true}
      } else {
      }
      %mul3A_273 = arith.constant 10 : i32
      %mul3A_274 = arith.muli %mul3A_273, %scan3A_80 : i32
      %add3A_275 = arith.constant 6 : i32
      %add3A_276 = arith.addi %mul3A_274, %add3A_275 : i32
      %ge3A_277 = arith.constant 4 : i32
      %ge3A_278 = arith.cmpi sge, %add3A_276, %ge3A_277 : i32
      %sub3A_279 = arith.constant 4 : i32
      %sub3A_280 = arith.subi %add3A_276, %sub3A_279 : i32
      %lt3A_281 = arith.constant 209 : i32
      %lt3A_282 = arith.cmpi slt, %sub3A_280, %lt3A_281 : i32
      %and3A_283 = arith.andi %ge3A_278, %lt3A_282 : i1
      %convert_element_type3A_284 = arith.extui %and3A_283 : i1 to i32
      %cond3A_285 = arith.constant 0 : i32
      %cond3A_286 = arith.cmpi ne, %convert_element_type3A_284, %cond3A_285 : i32
      scf.if %cond3A_286 {
        %dma_wait3A_405 = arith.constant 2 : i32
        %dma_wait3A_406 = arith.constant 2 : i32
        %dma_wait3A_407 = arith.constant 1 : i32
        %dma_wait3A_408 = arith.constant 0 : i32
        %dma_wait3A_409 = arith.constant 0 : i32
        %dma_wait3A_410 = tpu.memref_slice %arg6[%dma_wait3A_405, %dma_wait3A_408, %dma_wait3A_409] : memref<5x48x128xf32, #tpu.memory_space<vmem>> -> memref<1x48x128xf32, #tpu.memory_space<vmem>>
        %dma_wait3A_411 = tpu.memref_squeeze %dma_wait3A_410 : memref<1x48x128xf32, #tpu.memory_space<vmem>> -> memref<48x128xf32, #tpu.memory_space<vmem>>
        %dma_wait3A_412 = arith.constant 0 : i32
        %dma_wait3A_413 = tpu.memref_slice %arg5[%dma_wait3A_406, %dma_wait3A_407, %dma_wait3A_412] : memref<10x2x48xi32, #tpu.memory_space<vmem>> -> memref<1x1x48xi32, #tpu.memory_space<vmem>>
        %dma_wait3A_414 = tpu.memref_squeeze %dma_wait3A_413 : memref<1x1x48xi32, #tpu.memory_space<vmem>> -> memref<48xi32, #tpu.memory_space<vmem>>
        %dma_wait3A_415 = arith.constant 0 : i32
        %dma_wait3A_416 = arith.constant 0 : i32
        %dma_wait3A_417 = tpu.memref_slice %arg7[%dma_wait3A_415, %dma_wait3A_416] : memref<10240x128xf32, #tpu.memory_space<vmem_shared>> -> memref<10240x128xf32, #tpu.memory_space<vmem_shared>>
        tpu.wait_indirect_dma semaphore(%arg25 : memref<!tpu.dma_semaphore, #tpu.memory_space<semaphore_mem>>) src(%dma_wait3A_411 : memref<48x128xf32, #tpu.memory_space<vmem>>) dst(%dma_wait3A_417 : memref<10240x128xf32, #tpu.memory_space<vmem_shared>>)
      } else {
      }
      %add3A_287 = arith.constant 2 : i32
      %add3A_288 = arith.addi %add3A_276, %add3A_287 : i32
      %lt3A_289 = arith.constant 209 : i32
      %lt3A_290 = arith.cmpi slt, %add3A_288, %lt3A_289 : i32
      %convert_element_type3A_291 = arith.extui %lt3A_290 : i1 to i32
      %cond3A_292 = arith.constant 0 : i32
      %cond3A_293 = arith.cmpi ne, %convert_element_type3A_291, %cond3A_292 : i32
      scf.if %cond3A_293 {
        %add3A_405 = arith.constant 2 : i32
        %add3A_406 = arith.addi %add3A_276, %add3A_405 : i32
        %dma_start3A_407 = arith.constant 8 : i32
        %dma_start3A_408 = arith.constant 0 : i32
        %dma_start3A_409 = arith.constant 0 : i32
        %dma_start3A_410 = tpu.memref_slice %arg5[%dma_start3A_407, %dma_start3A_408, %dma_start3A_409] : memref<10x2x48xi32, #tpu.memory_space<vmem>> -> memref<1x2x48xi32, #tpu.memory_space<vmem>>
        %dma_start3A_411 = tpu.memref_squeeze %dma_start3A_410 : memref<1x2x48xi32, #tpu.memory_space<vmem>> -> memref<2x48xi32, #tpu.memory_space<vmem>>
        %dma_start3A_412 = arith.constant 0 : i32
        %dma_start3A_413 = arith.constant 0 : i32
        %dma_start3A_414 = tpu.memref_slice %arg3[%add3A, %add3A_406, %dma_start3A_412, %dma_start3A_413] : memref<32x209x2x48xi32, #tpu.memory_space<hbm>> -> memref<1x1x2x48xi32, #tpu.memory_space<hbm>>
        %dma_start3A_415 = tpu.memref_squeeze %dma_start3A_414 : memref<1x1x2x48xi32, #tpu.memory_space<hbm>> -> memref<2x48xi32, #tpu.memory_space<hbm>>
        %dma_start3A_416 = arith.constant 0 : i32
        %dma_start3A_417 = arith.constant 0 : i32
        %dma_start3A_418 = tpu.memref_slice %arg5[%dma_start3A_407, %dma_start3A_416, %dma_start3A_417] : memref<10x2x48xi32, #tpu.memory_space<vmem>> -> memref<1x2x48xi32, #tpu.memory_space<vmem>>
        %dma_start3A_419 = tpu.memref_squeeze %dma_start3A_418 : memref<1x2x48xi32, #tpu.memory_space<vmem>> -> memref<2x48xi32, #tpu.memory_space<vmem>>
        %dma_start3A_420 = arith.constant 0 : i32
        %dma_start3A_421 = arith.constant 0 : i32
        %dma_start3A_422 = tpu.memref_slice %arg3[%add3A, %add3A_406, %dma_start3A_420, %dma_start3A_421] : memref<32x209x2x48xi32, #tpu.memory_space<hbm>> -> memref<1x1x2x48xi32, #tpu.memory_space<hbm>>
        %dma_start3A_423 = tpu.memref_squeeze %dma_start3A_422 : memref<1x1x2x48xi32, #tpu.memory_space<hbm>> -> memref<2x48xi32, #tpu.memory_space<hbm>>
        tpu.enqueue_dma source(%dma_start3A_423 : memref<2x48xi32, #tpu.memory_space<hbm>>) target(%dma_start3A_419 : memref<2x48xi32, #tpu.memory_space<vmem>>) target_semaphore(%arg16 : memref<!tpu.dma_semaphore, #tpu.memory_space<semaphore_mem>>)
      } else {
      }
      %add3A_294 = arith.constant 1 : i32
      %add3A_295 = arith.addi %add3A_276, %add3A_294 : i32
      %lt3A_296 = arith.constant 209 : i32
      %lt3A_297 = arith.cmpi slt, %add3A_295, %lt3A_296 : i32
      %convert_element_type3A_298 = arith.extui %lt3A_297 : i1 to i32
      %cond3A_299 = arith.constant 0 : i32
      %cond3A_300 = arith.cmpi ne, %convert_element_type3A_298, %cond3A_299 : i32
      scf.if %cond3A_300 {
        %add3A_405 = arith.constant 1 : i32
        %add3A_406 = arith.addi %add3A_276, %add3A_405 : i32
        %dma_wait3A_407 = arith.constant 7 : i32
        %dma_wait3A_408 = arith.constant 0 : i32
        %dma_wait3A_409 = arith.constant 0 : i32
        %dma_wait3A_410 = tpu.memref_slice %arg5[%dma_wait3A_407, %dma_wait3A_408, %dma_wait3A_409] : memref<10x2x48xi32, #tpu.memory_space<vmem>> -> memref<1x2x48xi32, #tpu.memory_space<vmem>>
        %dma_wait3A_411 = tpu.memref_squeeze %dma_wait3A_410 : memref<1x2x48xi32, #tpu.memory_space<vmem>> -> memref<2x48xi32, #tpu.memory_space<vmem>>
        %dma_wait3A_412 = arith.constant 0 : i32
        %dma_wait3A_413 = arith.constant 0 : i32
        %dma_wait3A_414 = tpu.memref_slice %arg3[%add3A, %add3A_406, %dma_wait3A_412, %dma_wait3A_413] : memref<32x209x2x48xi32, #tpu.memory_space<hbm>> -> memref<1x1x2x48xi32, #tpu.memory_space<hbm>>
        %dma_wait3A_415 = tpu.memref_squeeze %dma_wait3A_414 : memref<1x1x2x48xi32, #tpu.memory_space<hbm>> -> memref<2x48xi32, #tpu.memory_space<hbm>>
        %dma_wait3A_416 = arith.constant 0 : i32
        %dma_wait3A_417 = arith.constant 0 : i32
        %dma_wait3A_418 = tpu.memref_slice %arg5[%dma_wait3A_407, %dma_wait3A_416, %dma_wait3A_417] : memref<10x2x48xi32, #tpu.memory_space<vmem>> -> memref<1x2x48xi32, #tpu.memory_space<vmem>>
        %dma_wait3A_419 = tpu.memref_squeeze %dma_wait3A_418 : memref<1x2x48xi32, #tpu.memory_space<vmem>> -> memref<2x48xi32, #tpu.memory_space<vmem>>
        %dma_wait3A_420 = arith.constant 0 : i32
        %dma_wait3A_421 = arith.constant 0 : i32
        %dma_wait3A_422 = tpu.memref_slice %arg3[%add3A, %add3A_406, %dma_wait3A_420, %dma_wait3A_421] : memref<32x209x2x48xi32, #tpu.memory_space<hbm>> -> memref<1x1x2x48xi32, #tpu.memory_space<hbm>>
        %dma_wait3A_423 = tpu.memref_squeeze %dma_wait3A_422 : memref<1x1x2x48xi32, #tpu.memory_space<hbm>> -> memref<2x48xi32, #tpu.memory_space<hbm>>
        tpu.wait_dma2 semaphore(%arg15 : memref<!tpu.dma_semaphore, #tpu.memory_space<semaphore_mem>>) src(%dma_wait3A_423 : memref<2x48xi32, #tpu.memory_space<hbm>>) dst(%dma_wait3A_419 : memref<2x48xi32, #tpu.memory_space<vmem>>)
        %dma_start3A_424 = arith.constant 7 : i32
        %dma_start3A_425 = arith.constant 0 : i32
        %dma_start3A_426 = arith.constant 2 : i32
        %dma_start3A_427 = arith.constant 0 : i32
        %dma_start3A_428 = arith.constant 0 : i32
        %dma_start3A_429 = tpu.memref_slice %arg6[%dma_start3A_426, %dma_start3A_427, %dma_start3A_428] : memref<5x48x128xf32, #tpu.memory_space<vmem>> -> memref<1x48x128xf32, #tpu.memory_space<vmem>>
        %dma_start3A_430 = tpu.memref_squeeze %dma_start3A_429 : memref<1x48x128xf32, #tpu.memory_space<vmem>> -> memref<48x128xf32, #tpu.memory_space<vmem>>
        %dma_start3A_431 = arith.constant 0 : i32
        %dma_start3A_432 = tpu.memref_slice %arg5[%dma_start3A_424, %dma_start3A_425, %dma_start3A_431] : memref<10x2x48xi32, #tpu.memory_space<vmem>> -> memref<1x1x48xi32, #tpu.memory_space<vmem>>
        %dma_start3A_433 = tpu.memref_squeeze %dma_start3A_432 : memref<1x1x48xi32, #tpu.memory_space<vmem>> -> memref<48xi32, #tpu.memory_space<vmem>>
        %dma_start3A_434 = arith.constant 0 : i32
        %dma_start3A_435 = arith.constant 0 : i32
        %dma_start3A_436 = tpu.memref_slice %arg2[%dma_start3A_434, %dma_start3A_435] : memref<10240x128xf32, #tpu.memory_space<hbm>> -> memref<10240x128xf32, #tpu.memory_space<hbm>>
        tpu.enqueue_indirect_dma source(%dma_start3A_436 : memref<10240x128xf32, #tpu.memory_space<hbm>>) target(%dma_start3A_430 : memref<48x128xf32, #tpu.memory_space<vmem>>) offsets(%dma_start3A_433 : memref<48xi32, #tpu.memory_space<vmem>>) semaphore(%arg20 : memref<!tpu.dma_semaphore, #tpu.memory_space<semaphore_mem>>)
      } else {
      }
      %lt3A_301 = arith.constant 209 : i32
      %lt3A_302 = arith.cmpi slt, %add3A_276, %lt3A_301 : i32
      %convert_element_type3A_303 = arith.extui %lt3A_302 : i1 to i32
      %cond3A_304 = arith.constant 0 : i32
      %cond3A_305 = arith.cmpi ne, %convert_element_type3A_303, %cond3A_304 : i32
      scf.if %cond3A_305 {
        %dma_wait3A_405 = arith.constant 6 : i32
        %dma_wait3A_406 = arith.constant 0 : i32
        %dma_wait3A_407 = arith.constant 1 : i32
        %dma_wait3A_408 = arith.constant 0 : i32
        %dma_wait3A_409 = arith.constant 0 : i32
        %dma_wait3A_410 = tpu.memref_slice %arg6[%dma_wait3A_407, %dma_wait3A_408, %dma_wait3A_409] : memref<5x48x128xf32, #tpu.memory_space<vmem>> -> memref<1x48x128xf32, #tpu.memory_space<vmem>>
        %dma_wait3A_411 = tpu.memref_squeeze %dma_wait3A_410 : memref<1x48x128xf32, #tpu.memory_space<vmem>> -> memref<48x128xf32, #tpu.memory_space<vmem>>
        %dma_wait3A_412 = arith.constant 0 : i32
        %dma_wait3A_413 = tpu.memref_slice %arg5[%dma_wait3A_405, %dma_wait3A_406, %dma_wait3A_412] : memref<10x2x48xi32, #tpu.memory_space<vmem>> -> memref<1x1x48xi32, #tpu.memory_space<vmem>>
        %dma_wait3A_414 = tpu.memref_squeeze %dma_wait3A_413 : memref<1x1x48xi32, #tpu.memory_space<vmem>> -> memref<48xi32, #tpu.memory_space<vmem>>
        %dma_wait3A_415 = arith.constant 0 : i32
        %dma_wait3A_416 = arith.constant 0 : i32
        %dma_wait3A_417 = tpu.memref_slice %arg2[%dma_wait3A_415, %dma_wait3A_416] : memref<10240x128xf32, #tpu.memory_space<hbm>> -> memref<10240x128xf32, #tpu.memory_space<hbm>>
        tpu.wait_indirect_dma semaphore(%arg19 : memref<!tpu.dma_semaphore, #tpu.memory_space<semaphore_mem>>) src(%dma_wait3A_417 : memref<10240x128xf32, #tpu.memory_space<hbm>>) dst(%dma_wait3A_411 : memref<48x128xf32, #tpu.memory_space<vmem>>)
        %dma_start3A_418 = arith.constant 1 : i32
        %dma_start3A_419 = arith.constant 6 : i32
        %dma_start3A_420 = arith.constant 1 : i32
        %dma_start3A_421 = arith.constant 0 : i32
        %dma_start3A_422 = arith.constant 0 : i32
        %dma_start3A_423 = tpu.memref_slice %arg6[%dma_start3A_418, %dma_start3A_421, %dma_start3A_422] : memref<5x48x128xf32, #tpu.memory_space<vmem>> -> memref<1x48x128xf32, #tpu.memory_space<vmem>>
        %dma_start3A_424 = tpu.memref_squeeze %dma_start3A_423 : memref<1x48x128xf32, #tpu.memory_space<vmem>> -> memref<48x128xf32, #tpu.memory_space<vmem>>
        %dma_start3A_425 = arith.constant 0 : i32
        %dma_start3A_426 = tpu.memref_slice %arg5[%dma_start3A_419, %dma_start3A_420, %dma_start3A_425] : memref<10x2x48xi32, #tpu.memory_space<vmem>> -> memref<1x1x48xi32, #tpu.memory_space<vmem>>
        %dma_start3A_427 = tpu.memref_squeeze %dma_start3A_426 : memref<1x1x48xi32, #tpu.memory_space<vmem>> -> memref<48xi32, #tpu.memory_space<vmem>>
        %dma_start3A_428 = arith.constant 0 : i32
        %dma_start3A_429 = arith.constant 0 : i32
        %dma_start3A_430 = tpu.memref_slice %arg7[%dma_start3A_428, %dma_start3A_429] : memref<10240x128xf32, #tpu.memory_space<vmem_shared>> -> memref<10240x128xf32, #tpu.memory_space<vmem_shared>>
        tpu.enqueue_indirect_dma source(%dma_start3A_424 : memref<48x128xf32, #tpu.memory_space<vmem>>) target(%dma_start3A_430 : memref<10240x128xf32, #tpu.memory_space<vmem_shared>>) offsets(%dma_start3A_427 : memref<48xi32, #tpu.memory_space<vmem>>) semaphore(%arg24 : memref<!tpu.dma_semaphore, #tpu.memory_space<semaphore_mem>>) {add = true}
      } else {
      }
      %mul3A_306 = arith.constant 10 : i32
      %mul3A_307 = arith.muli %mul3A_306, %scan3A_80 : i32
      %add3A_308 = arith.constant 7 : i32
      %add3A_309 = arith.addi %mul3A_307, %add3A_308 : i32
      %ge3A_310 = arith.constant 4 : i32
      %ge3A_311 = arith.cmpi sge, %add3A_309, %ge3A_310 : i32
      %sub3A_312 = arith.constant 4 : i32
      %sub3A_313 = arith.subi %add3A_309, %sub3A_312 : i32
      %lt3A_314 = arith.constant 209 : i32
      %lt3A_315 = arith.cmpi slt, %sub3A_313, %lt3A_314 : i32
      %and3A_316 = arith.andi %ge3A_311, %lt3A_315 : i1
      %convert_element_type3A_317 = arith.extui %and3A_316 : i1 to i32
      %cond3A_318 = arith.constant 0 : i32
      %cond3A_319 = arith.cmpi ne, %convert_element_type3A_317, %cond3A_318 : i32
      scf.if %cond3A_319 {
        %dma_wait3A_405 = arith.constant 3 : i32
        %dma_wait3A_406 = arith.constant 3 : i32
        %dma_wait3A_407 = arith.constant 1 : i32
        %dma_wait3A_408 = arith.constant 0 : i32
        %dma_wait3A_409 = arith.constant 0 : i32
        %dma_wait3A_410 = tpu.memref_slice %arg6[%dma_wait3A_405, %dma_wait3A_408, %dma_wait3A_409] : memref<5x48x128xf32, #tpu.memory_space<vmem>> -> memref<1x48x128xf32, #tpu.memory_space<vmem>>
        %dma_wait3A_411 = tpu.memref_squeeze %dma_wait3A_410 : memref<1x48x128xf32, #tpu.memory_space<vmem>> -> memref<48x128xf32, #tpu.memory_space<vmem>>
        %dma_wait3A_412 = arith.constant 0 : i32
        %dma_wait3A_413 = tpu.memref_slice %arg5[%dma_wait3A_406, %dma_wait3A_407, %dma_wait3A_412] : memref<10x2x48xi32, #tpu.memory_space<vmem>> -> memref<1x1x48xi32, #tpu.memory_space<vmem>>
        %dma_wait3A_414 = tpu.memref_squeeze %dma_wait3A_413 : memref<1x1x48xi32, #tpu.memory_space<vmem>> -> memref<48xi32, #tpu.memory_space<vmem>>
        %dma_wait3A_415 = arith.constant 0 : i32
        %dma_wait3A_416 = arith.constant 0 : i32
        %dma_wait3A_417 = tpu.memref_slice %arg7[%dma_wait3A_415, %dma_wait3A_416] : memref<10240x128xf32, #tpu.memory_space<vmem_shared>> -> memref<10240x128xf32, #tpu.memory_space<vmem_shared>>
        tpu.wait_indirect_dma semaphore(%arg26 : memref<!tpu.dma_semaphore, #tpu.memory_space<semaphore_mem>>) src(%dma_wait3A_411 : memref<48x128xf32, #tpu.memory_space<vmem>>) dst(%dma_wait3A_417 : memref<10240x128xf32, #tpu.memory_space<vmem_shared>>)
      } else {
      }
      %add3A_320 = arith.constant 2 : i32
      %add3A_321 = arith.addi %add3A_309, %add3A_320 : i32
      %lt3A_322 = arith.constant 209 : i32
      %lt3A_323 = arith.cmpi slt, %add3A_321, %lt3A_322 : i32
      %convert_element_type3A_324 = arith.extui %lt3A_323 : i1 to i32
      %cond3A_325 = arith.constant 0 : i32
      %cond3A_326 = arith.cmpi ne, %convert_element_type3A_324, %cond3A_325 : i32
      scf.if %cond3A_326 {
        %add3A_405 = arith.constant 2 : i32
        %add3A_406 = arith.addi %add3A_309, %add3A_405 : i32
        %dma_start3A_407 = arith.constant 9 : i32
        %dma_start3A_408 = arith.constant 0 : i32
        %dma_start3A_409 = arith.constant 0 : i32
        %dma_start3A_410 = tpu.memref_slice %arg5[%dma_start3A_407, %dma_start3A_408, %dma_start3A_409] : memref<10x2x48xi32, #tpu.memory_space<vmem>> -> memref<1x2x48xi32, #tpu.memory_space<vmem>>
        %dma_start3A_411 = tpu.memref_squeeze %dma_start3A_410 : memref<1x2x48xi32, #tpu.memory_space<vmem>> -> memref<2x48xi32, #tpu.memory_space<vmem>>
        %dma_start3A_412 = arith.constant 0 : i32
        %dma_start3A_413 = arith.constant 0 : i32
        %dma_start3A_414 = tpu.memref_slice %arg3[%add3A, %add3A_406, %dma_start3A_412, %dma_start3A_413] : memref<32x209x2x48xi32, #tpu.memory_space<hbm>> -> memref<1x1x2x48xi32, #tpu.memory_space<hbm>>
        %dma_start3A_415 = tpu.memref_squeeze %dma_start3A_414 : memref<1x1x2x48xi32, #tpu.memory_space<hbm>> -> memref<2x48xi32, #tpu.memory_space<hbm>>
        %dma_start3A_416 = arith.constant 0 : i32
        %dma_start3A_417 = arith.constant 0 : i32
        %dma_start3A_418 = tpu.memref_slice %arg5[%dma_start3A_407, %dma_start3A_416, %dma_start3A_417] : memref<10x2x48xi32, #tpu.memory_space<vmem>> -> memref<1x2x48xi32, #tpu.memory_space<vmem>>
        %dma_start3A_419 = tpu.memref_squeeze %dma_start3A_418 : memref<1x2x48xi32, #tpu.memory_space<vmem>> -> memref<2x48xi32, #tpu.memory_space<vmem>>
        %dma_start3A_420 = arith.constant 0 : i32
        %dma_start3A_421 = arith.constant 0 : i32
        %dma_start3A_422 = tpu.memref_slice %arg3[%add3A, %add3A_406, %dma_start3A_420, %dma_start3A_421] : memref<32x209x2x48xi32, #tpu.memory_space<hbm>> -> memref<1x1x2x48xi32, #tpu.memory_space<hbm>>
        %dma_start3A_423 = tpu.memref_squeeze %dma_start3A_422 : memref<1x1x2x48xi32, #tpu.memory_space<hbm>> -> memref<2x48xi32, #tpu.memory_space<hbm>>
        tpu.enqueue_dma source(%dma_start3A_423 : memref<2x48xi32, #tpu.memory_space<hbm>>) target(%dma_start3A_419 : memref<2x48xi32, #tpu.memory_space<vmem>>) target_semaphore(%arg17 : memref<!tpu.dma_semaphore, #tpu.memory_space<semaphore_mem>>)
      } else {
      }
      %add3A_327 = arith.constant 1 : i32
      %add3A_328 = arith.addi %add3A_309, %add3A_327 : i32
      %lt3A_329 = arith.constant 209 : i32
      %lt3A_330 = arith.cmpi slt, %add3A_328, %lt3A_329 : i32
      %convert_element_type3A_331 = arith.extui %lt3A_330 : i1 to i32
      %cond3A_332 = arith.constant 0 : i32
      %cond3A_333 = arith.cmpi ne, %convert_element_type3A_331, %cond3A_332 : i32
      scf.if %cond3A_333 {
        %add3A_405 = arith.constant 1 : i32
        %add3A_406 = arith.addi %add3A_309, %add3A_405 : i32
        %dma_wait3A_407 = arith.constant 8 : i32
        %dma_wait3A_408 = arith.constant 0 : i32
        %dma_wait3A_409 = arith.constant 0 : i32
        %dma_wait3A_410 = tpu.memref_slice %arg5[%dma_wait3A_407, %dma_wait3A_408, %dma_wait3A_409] : memref<10x2x48xi32, #tpu.memory_space<vmem>> -> memref<1x2x48xi32, #tpu.memory_space<vmem>>
        %dma_wait3A_411 = tpu.memref_squeeze %dma_wait3A_410 : memref<1x2x48xi32, #tpu.memory_space<vmem>> -> memref<2x48xi32, #tpu.memory_space<vmem>>
        %dma_wait3A_412 = arith.constant 0 : i32
        %dma_wait3A_413 = arith.constant 0 : i32
        %dma_wait3A_414 = tpu.memref_slice %arg3[%add3A, %add3A_406, %dma_wait3A_412, %dma_wait3A_413] : memref<32x209x2x48xi32, #tpu.memory_space<hbm>> -> memref<1x1x2x48xi32, #tpu.memory_space<hbm>>
        %dma_wait3A_415 = tpu.memref_squeeze %dma_wait3A_414 : memref<1x1x2x48xi32, #tpu.memory_space<hbm>> -> memref<2x48xi32, #tpu.memory_space<hbm>>
        %dma_wait3A_416 = arith.constant 0 : i32
        %dma_wait3A_417 = arith.constant 0 : i32
        %dma_wait3A_418 = tpu.memref_slice %arg5[%dma_wait3A_407, %dma_wait3A_416, %dma_wait3A_417] : memref<10x2x48xi32, #tpu.memory_space<vmem>> -> memref<1x2x48xi32, #tpu.memory_space<vmem>>
        %dma_wait3A_419 = tpu.memref_squeeze %dma_wait3A_418 : memref<1x2x48xi32, #tpu.memory_space<vmem>> -> memref<2x48xi32, #tpu.memory_space<vmem>>
        %dma_wait3A_420 = arith.constant 0 : i32
        %dma_wait3A_421 = arith.constant 0 : i32
        %dma_wait3A_422 = tpu.memref_slice %arg3[%add3A, %add3A_406, %dma_wait3A_420, %dma_wait3A_421] : memref<32x209x2x48xi32, #tpu.memory_space<hbm>> -> memref<1x1x2x48xi32, #tpu.memory_space<hbm>>
        %dma_wait3A_423 = tpu.memref_squeeze %dma_wait3A_422 : memref<1x1x2x48xi32, #tpu.memory_space<hbm>> -> memref<2x48xi32, #tpu.memory_space<hbm>>
        tpu.wait_dma2 semaphore(%arg16 : memref<!tpu.dma_semaphore, #tpu.memory_space<semaphore_mem>>) src(%dma_wait3A_423 : memref<2x48xi32, #tpu.memory_space<hbm>>) dst(%dma_wait3A_419 : memref<2x48xi32, #tpu.memory_space<vmem>>)
        %dma_start3A_424 = arith.constant 8 : i32
        %dma_start3A_425 = arith.constant 0 : i32
        %dma_start3A_426 = arith.constant 3 : i32
        %dma_start3A_427 = arith.constant 0 : i32
        %dma_start3A_428 = arith.constant 0 : i32
        %dma_start3A_429 = tpu.memref_slice %arg6[%dma_start3A_426, %dma_start3A_427, %dma_start3A_428] : memref<5x48x128xf32, #tpu.memory_space<vmem>> -> memref<1x48x128xf32, #tpu.memory_space<vmem>>
        %dma_start3A_430 = tpu.memref_squeeze %dma_start3A_429 : memref<1x48x128xf32, #tpu.memory_space<vmem>> -> memref<48x128xf32, #tpu.memory_space<vmem>>
        %dma_start3A_431 = arith.constant 0 : i32
        %dma_start3A_432 = tpu.memref_slice %arg5[%dma_start3A_424, %dma_start3A_425, %dma_start3A_431] : memref<10x2x48xi32, #tpu.memory_space<vmem>> -> memref<1x1x48xi32, #tpu.memory_space<vmem>>
        %dma_start3A_433 = tpu.memref_squeeze %dma_start3A_432 : memref<1x1x48xi32, #tpu.memory_space<vmem>> -> memref<48xi32, #tpu.memory_space<vmem>>
        %dma_start3A_434 = arith.constant 0 : i32
        %dma_start3A_435 = arith.constant 0 : i32
        %dma_start3A_436 = tpu.memref_slice %arg2[%dma_start3A_434, %dma_start3A_435] : memref<10240x128xf32, #tpu.memory_space<hbm>> -> memref<10240x128xf32, #tpu.memory_space<hbm>>
        tpu.enqueue_indirect_dma source(%dma_start3A_436 : memref<10240x128xf32, #tpu.memory_space<hbm>>) target(%dma_start3A_430 : memref<48x128xf32, #tpu.memory_space<vmem>>) offsets(%dma_start3A_433 : memref<48xi32, #tpu.memory_space<vmem>>) semaphore(%arg21 : memref<!tpu.dma_semaphore, #tpu.memory_space<semaphore_mem>>)
      } else {
      }
      %lt3A_334 = arith.constant 209 : i32
      %lt3A_335 = arith.cmpi slt, %add3A_309, %lt3A_334 : i32
      %convert_element_type3A_336 = arith.extui %lt3A_335 : i1 to i32
      %cond3A_337 = arith.constant 0 : i32
      %cond3A_338 = arith.cmpi ne, %convert_element_type3A_336, %cond3A_337 : i32
      scf.if %cond3A_338 {
        %dma_wait3A_405 = arith.constant 7 : i32
        %dma_wait3A_406 = arith.constant 0 : i32
        %dma_wait3A_407 = arith.constant 2 : i32
        %dma_wait3A_408 = arith.constant 0 : i32
        %dma_wait3A_409 = arith.constant 0 : i32
        %dma_wait3A_410 = tpu.memref_slice %arg6[%dma_wait3A_407, %dma_wait3A_408, %dma_wait3A_409] : memref<5x48x128xf32, #tpu.memory_space<vmem>> -> memref<1x48x128xf32, #tpu.memory_space<vmem>>
        %dma_wait3A_411 = tpu.memref_squeeze %dma_wait3A_410 : memref<1x48x128xf32, #tpu.memory_space<vmem>> -> memref<48x128xf32, #tpu.memory_space<vmem>>
        %dma_wait3A_412 = arith.constant 0 : i32
        %dma_wait3A_413 = tpu.memref_slice %arg5[%dma_wait3A_405, %dma_wait3A_406, %dma_wait3A_412] : memref<10x2x48xi32, #tpu.memory_space<vmem>> -> memref<1x1x48xi32, #tpu.memory_space<vmem>>
        %dma_wait3A_414 = tpu.memref_squeeze %dma_wait3A_413 : memref<1x1x48xi32, #tpu.memory_space<vmem>> -> memref<48xi32, #tpu.memory_space<vmem>>
        %dma_wait3A_415 = arith.constant 0 : i32
        %dma_wait3A_416 = arith.constant 0 : i32
        %dma_wait3A_417 = tpu.memref_slice %arg2[%dma_wait3A_415, %dma_wait3A_416] : memref<10240x128xf32, #tpu.memory_space<hbm>> -> memref<10240x128xf32, #tpu.memory_space<hbm>>
        tpu.wait_indirect_dma semaphore(%arg20 : memref<!tpu.dma_semaphore, #tpu.memory_space<semaphore_mem>>) src(%dma_wait3A_417 : memref<10240x128xf32, #tpu.memory_space<hbm>>) dst(%dma_wait3A_411 : memref<48x128xf32, #tpu.memory_space<vmem>>)
        %dma_start3A_418 = arith.constant 2 : i32
        %dma_start3A_419 = arith.constant 7 : i32
        %dma_start3A_420 = arith.constant 1 : i32
        %dma_start3A_421 = arith.constant 0 : i32
        %dma_start3A_422 = arith.constant 0 : i32
        %dma_start3A_423 = tpu.memref_slice %arg6[%dma_start3A_418, %dma_start3A_421, %dma_start3A_422] : memref<5x48x128xf32, #tpu.memory_space<vmem>> -> memref<1x48x128xf32, #tpu.memory_space<vmem>>
        %dma_start3A_424 = tpu.memref_squeeze %dma_start3A_423 : memref<1x48x128xf32, #tpu.memory_space<vmem>> -> memref<48x128xf32, #tpu.memory_space<vmem>>
        %dma_start3A_425 = arith.constant 0 : i32
        %dma_start3A_426 = tpu.memref_slice %arg5[%dma_start3A_419, %dma_start3A_420, %dma_start3A_425] : memref<10x2x48xi32, #tpu.memory_space<vmem>> -> memref<1x1x48xi32, #tpu.memory_space<vmem>>
        %dma_start3A_427 = tpu.memref_squeeze %dma_start3A_426 : memref<1x1x48xi32, #tpu.memory_space<vmem>> -> memref<48xi32, #tpu.memory_space<vmem>>
        %dma_start3A_428 = arith.constant 0 : i32
        %dma_start3A_429 = arith.constant 0 : i32
        %dma_start3A_430 = tpu.memref_slice %arg7[%dma_start3A_428, %dma_start3A_429] : memref<10240x128xf32, #tpu.memory_space<vmem_shared>> -> memref<10240x128xf32, #tpu.memory_space<vmem_shared>>
        tpu.enqueue_indirect_dma source(%dma_start3A_424 : memref<48x128xf32, #tpu.memory_space<vmem>>) target(%dma_start3A_430 : memref<10240x128xf32, #tpu.memory_space<vmem_shared>>) offsets(%dma_start3A_427 : memref<48xi32, #tpu.memory_space<vmem>>) semaphore(%arg25 : memref<!tpu.dma_semaphore, #tpu.memory_space<semaphore_mem>>) {add = true}
      } else {
      }
      %mul3A_339 = arith.constant 10 : i32
      %mul3A_340 = arith.muli %mul3A_339, %scan3A_80 : i32
      %add3A_341 = arith.constant 8 : i32
      %add3A_342 = arith.addi %mul3A_340, %add3A_341 : i32
      %ge3A_343 = arith.constant 4 : i32
      %ge3A_344 = arith.cmpi sge, %add3A_342, %ge3A_343 : i32
      %sub3A_345 = arith.constant 4 : i32
      %sub3A_346 = arith.subi %add3A_342, %sub3A_345 : i32
      %lt3A_347 = arith.constant 209 : i32
      %lt3A_348 = arith.cmpi slt, %sub3A_346, %lt3A_347 : i32
      %and3A_349 = arith.andi %ge3A_344, %lt3A_348 : i1
      %convert_element_type3A_350 = arith.extui %and3A_349 : i1 to i32
      %cond3A_351 = arith.constant 0 : i32
      %cond3A_352 = arith.cmpi ne, %convert_element_type3A_350, %cond3A_351 : i32
      scf.if %cond3A_352 {
        %dma_wait3A_405 = arith.constant 4 : i32
        %dma_wait3A_406 = arith.constant 4 : i32
        %dma_wait3A_407 = arith.constant 1 : i32
        %dma_wait3A_408 = arith.constant 0 : i32
        %dma_wait3A_409 = arith.constant 0 : i32
        %dma_wait3A_410 = tpu.memref_slice %arg6[%dma_wait3A_405, %dma_wait3A_408, %dma_wait3A_409] : memref<5x48x128xf32, #tpu.memory_space<vmem>> -> memref<1x48x128xf32, #tpu.memory_space<vmem>>
        %dma_wait3A_411 = tpu.memref_squeeze %dma_wait3A_410 : memref<1x48x128xf32, #tpu.memory_space<vmem>> -> memref<48x128xf32, #tpu.memory_space<vmem>>
        %dma_wait3A_412 = arith.constant 0 : i32
        %dma_wait3A_413 = tpu.memref_slice %arg5[%dma_wait3A_406, %dma_wait3A_407, %dma_wait3A_412] : memref<10x2x48xi32, #tpu.memory_space<vmem>> -> memref<1x1x48xi32, #tpu.memory_space<vmem>>
        %dma_wait3A_414 = tpu.memref_squeeze %dma_wait3A_413 : memref<1x1x48xi32, #tpu.memory_space<vmem>> -> memref<48xi32, #tpu.memory_space<vmem>>
        %dma_wait3A_415 = arith.constant 0 : i32
        %dma_wait3A_416 = arith.constant 0 : i32
        %dma_wait3A_417 = tpu.memref_slice %arg7[%dma_wait3A_415, %dma_wait3A_416] : memref<10240x128xf32, #tpu.memory_space<vmem_shared>> -> memref<10240x128xf32, #tpu.memory_space<vmem_shared>>
        tpu.wait_indirect_dma semaphore(%arg27 : memref<!tpu.dma_semaphore, #tpu.memory_space<semaphore_mem>>) src(%dma_wait3A_411 : memref<48x128xf32, #tpu.memory_space<vmem>>) dst(%dma_wait3A_417 : memref<10240x128xf32, #tpu.memory_space<vmem_shared>>)
      } else {
      }
      %add3A_353 = arith.constant 2 : i32
      %add3A_354 = arith.addi %add3A_342, %add3A_353 : i32
      %lt3A_355 = arith.constant 209 : i32
      %lt3A_356 = arith.cmpi slt, %add3A_354, %lt3A_355 : i32
      %convert_element_type3A_357 = arith.extui %lt3A_356 : i1 to i32
      %cond3A_358 = arith.constant 0 : i32
      %cond3A_359 = arith.cmpi ne, %convert_element_type3A_357, %cond3A_358 : i32
      scf.if %cond3A_359 {
        %add3A_405 = arith.constant 2 : i32
        %add3A_406 = arith.addi %add3A_342, %add3A_405 : i32
        %dma_start3A_407 = arith.constant 0 : i32
        %dma_start3A_408 = arith.constant 0 : i32
        %dma_start3A_409 = arith.constant 0 : i32
        %dma_start3A_410 = tpu.memref_slice %arg5[%dma_start3A_407, %dma_start3A_408, %dma_start3A_409] : memref<10x2x48xi32, #tpu.memory_space<vmem>> -> memref<1x2x48xi32, #tpu.memory_space<vmem>>
        %dma_start3A_411 = tpu.memref_squeeze %dma_start3A_410 : memref<1x2x48xi32, #tpu.memory_space<vmem>> -> memref<2x48xi32, #tpu.memory_space<vmem>>
        %dma_start3A_412 = arith.constant 0 : i32
        %dma_start3A_413 = arith.constant 0 : i32
        %dma_start3A_414 = tpu.memref_slice %arg3[%add3A, %add3A_406, %dma_start3A_412, %dma_start3A_413] : memref<32x209x2x48xi32, #tpu.memory_space<hbm>> -> memref<1x1x2x48xi32, #tpu.memory_space<hbm>>
        %dma_start3A_415 = tpu.memref_squeeze %dma_start3A_414 : memref<1x1x2x48xi32, #tpu.memory_space<hbm>> -> memref<2x48xi32, #tpu.memory_space<hbm>>
        %dma_start3A_416 = arith.constant 0 : i32
        %dma_start3A_417 = arith.constant 0 : i32
        %dma_start3A_418 = tpu.memref_slice %arg5[%dma_start3A_407, %dma_start3A_416, %dma_start3A_417] : memref<10x2x48xi32, #tpu.memory_space<vmem>> -> memref<1x2x48xi32, #tpu.memory_space<vmem>>
        %dma_start3A_419 = tpu.memref_squeeze %dma_start3A_418 : memref<1x2x48xi32, #tpu.memory_space<vmem>> -> memref<2x48xi32, #tpu.memory_space<vmem>>
        %dma_start3A_420 = arith.constant 0 : i32
        %dma_start3A_421 = arith.constant 0 : i32
        %dma_start3A_422 = tpu.memref_slice %arg3[%add3A, %add3A_406, %dma_start3A_420, %dma_start3A_421] : memref<32x209x2x48xi32, #tpu.memory_space<hbm>> -> memref<1x1x2x48xi32, #tpu.memory_space<hbm>>
        %dma_start3A_423 = tpu.memref_squeeze %dma_start3A_422 : memref<1x1x2x48xi32, #tpu.memory_space<hbm>> -> memref<2x48xi32, #tpu.memory_space<hbm>>
        tpu.enqueue_dma source(%dma_start3A_423 : memref<2x48xi32, #tpu.memory_space<hbm>>) target(%dma_start3A_419 : memref<2x48xi32, #tpu.memory_space<vmem>>) target_semaphore(%arg8 : memref<!tpu.dma_semaphore, #tpu.memory_space<semaphore_mem>>)
      } else {
      }
      %add3A_360 = arith.constant 1 : i32
      %add3A_361 = arith.addi %add3A_342, %add3A_360 : i32
      %lt3A_362 = arith.constant 209 : i32
      %lt3A_363 = arith.cmpi slt, %add3A_361, %lt3A_362 : i32
      %convert_element_type3A_364 = arith.extui %lt3A_363 : i1 to i32
      %cond3A_365 = arith.constant 0 : i32
      %cond3A_366 = arith.cmpi ne, %convert_element_type3A_364, %cond3A_365 : i32
      scf.if %cond3A_366 {
        %add3A_405 = arith.constant 1 : i32
        %add3A_406 = arith.addi %add3A_342, %add3A_405 : i32
        %dma_wait3A_407 = arith.constant 9 : i32
        %dma_wait3A_408 = arith.constant 0 : i32
        %dma_wait3A_409 = arith.constant 0 : i32
        %dma_wait3A_410 = tpu.memref_slice %arg5[%dma_wait3A_407, %dma_wait3A_408, %dma_wait3A_409] : memref<10x2x48xi32, #tpu.memory_space<vmem>> -> memref<1x2x48xi32, #tpu.memory_space<vmem>>
        %dma_wait3A_411 = tpu.memref_squeeze %dma_wait3A_410 : memref<1x2x48xi32, #tpu.memory_space<vmem>> -> memref<2x48xi32, #tpu.memory_space<vmem>>
        %dma_wait3A_412 = arith.constant 0 : i32
        %dma_wait3A_413 = arith.constant 0 : i32
        %dma_wait3A_414 = tpu.memref_slice %arg3[%add3A, %add3A_406, %dma_wait3A_412, %dma_wait3A_413] : memref<32x209x2x48xi32, #tpu.memory_space<hbm>> -> memref<1x1x2x48xi32, #tpu.memory_space<hbm>>
        %dma_wait3A_415 = tpu.memref_squeeze %dma_wait3A_414 : memref<1x1x2x48xi32, #tpu.memory_space<hbm>> -> memref<2x48xi32, #tpu.memory_space<hbm>>
        %dma_wait3A_416 = arith.constant 0 : i32
        %dma_wait3A_417 = arith.constant 0 : i32
        %dma_wait3A_418 = tpu.memref_slice %arg5[%dma_wait3A_407, %dma_wait3A_416, %dma_wait3A_417] : memref<10x2x48xi32, #tpu.memory_space<vmem>> -> memref<1x2x48xi32, #tpu.memory_space<vmem>>
        %dma_wait3A_419 = tpu.memref_squeeze %dma_wait3A_418 : memref<1x2x48xi32, #tpu.memory_space<vmem>> -> memref<2x48xi32, #tpu.memory_space<vmem>>
        %dma_wait3A_420 = arith.constant 0 : i32
        %dma_wait3A_421 = arith.constant 0 : i32
        %dma_wait3A_422 = tpu.memref_slice %arg3[%add3A, %add3A_406, %dma_wait3A_420, %dma_wait3A_421] : memref<32x209x2x48xi32, #tpu.memory_space<hbm>> -> memref<1x1x2x48xi32, #tpu.memory_space<hbm>>
        %dma_wait3A_423 = tpu.memref_squeeze %dma_wait3A_422 : memref<1x1x2x48xi32, #tpu.memory_space<hbm>> -> memref<2x48xi32, #tpu.memory_space<hbm>>
        tpu.wait_dma2 semaphore(%arg17 : memref<!tpu.dma_semaphore, #tpu.memory_space<semaphore_mem>>) src(%dma_wait3A_423 : memref<2x48xi32, #tpu.memory_space<hbm>>) dst(%dma_wait3A_419 : memref<2x48xi32, #tpu.memory_space<vmem>>)
        %dma_start3A_424 = arith.constant 9 : i32
        %dma_start3A_425 = arith.constant 0 : i32
        %dma_start3A_426 = arith.constant 4 : i32
        %dma_start3A_427 = arith.constant 0 : i32
        %dma_start3A_428 = arith.constant 0 : i32
        %dma_start3A_429 = tpu.memref_slice %arg6[%dma_start3A_426, %dma_start3A_427, %dma_start3A_428] : memref<5x48x128xf32, #tpu.memory_space<vmem>> -> memref<1x48x128xf32, #tpu.memory_space<vmem>>
        %dma_start3A_430 = tpu.memref_squeeze %dma_start3A_429 : memref<1x48x128xf32, #tpu.memory_space<vmem>> -> memref<48x128xf32, #tpu.memory_space<vmem>>
        %dma_start3A_431 = arith.constant 0 : i32
        %dma_start3A_432 = tpu.memref_slice %arg5[%dma_start3A_424, %dma_start3A_425, %dma_start3A_431] : memref<10x2x48xi32, #tpu.memory_space<vmem>> -> memref<1x1x48xi32, #tpu.memory_space<vmem>>
        %dma_start3A_433 = tpu.memref_squeeze %dma_start3A_432 : memref<1x1x48xi32, #tpu.memory_space<vmem>> -> memref<48xi32, #tpu.memory_space<vmem>>
        %dma_start3A_434 = arith.constant 0 : i32
        %dma_start3A_435 = arith.constant 0 : i32
        %dma_start3A_436 = tpu.memref_slice %arg2[%dma_start3A_434, %dma_start3A_435] : memref<10240x128xf32, #tpu.memory_space<hbm>> -> memref<10240x128xf32, #tpu.memory_space<hbm>>
        tpu.enqueue_indirect_dma source(%dma_start3A_436 : memref<10240x128xf32, #tpu.memory_space<hbm>>) target(%dma_start3A_430 : memref<48x128xf32, #tpu.memory_space<vmem>>) offsets(%dma_start3A_433 : memref<48xi32, #tpu.memory_space<vmem>>) semaphore(%arg22 : memref<!tpu.dma_semaphore, #tpu.memory_space<semaphore_mem>>)
      } else {
      }
      %lt3A_367 = arith.constant 209 : i32
      %lt3A_368 = arith.cmpi slt, %add3A_342, %lt3A_367 : i32
      %convert_element_type3A_369 = arith.extui %lt3A_368 : i1 to i32
      %cond3A_370 = arith.constant 0 : i32
      %cond3A_371 = arith.cmpi ne, %convert_element_type3A_369, %cond3A_370 : i32
      scf.if %cond3A_371 {
        %dma_wait3A_405 = arith.constant 8 : i32
        %dma_wait3A_406 = arith.constant 0 : i32
        %dma_wait3A_407 = arith.constant 3 : i32
        %dma_wait3A_408 = arith.constant 0 : i32
        %dma_wait3A_409 = arith.constant 0 : i32
        %dma_wait3A_410 = tpu.memref_slice %arg6[%dma_wait3A_407, %dma_wait3A_408, %dma_wait3A_409] : memref<5x48x128xf32, #tpu.memory_space<vmem>> -> memref<1x48x128xf32, #tpu.memory_space<vmem>>
        %dma_wait3A_411 = tpu.memref_squeeze %dma_wait3A_410 : memref<1x48x128xf32, #tpu.memory_space<vmem>> -> memref<48x128xf32, #tpu.memory_space<vmem>>
        %dma_wait3A_412 = arith.constant 0 : i32
        %dma_wait3A_413 = tpu.memref_slice %arg5[%dma_wait3A_405, %dma_wait3A_406, %dma_wait3A_412] : memref<10x2x48xi32, #tpu.memory_space<vmem>> -> memref<1x1x48xi32, #tpu.memory_space<vmem>>
        %dma_wait3A_414 = tpu.memref_squeeze %dma_wait3A_413 : memref<1x1x48xi32, #tpu.memory_space<vmem>> -> memref<48xi32, #tpu.memory_space<vmem>>
        %dma_wait3A_415 = arith.constant 0 : i32
        %dma_wait3A_416 = arith.constant 0 : i32
        %dma_wait3A_417 = tpu.memref_slice %arg2[%dma_wait3A_415, %dma_wait3A_416] : memref<10240x128xf32, #tpu.memory_space<hbm>> -> memref<10240x128xf32, #tpu.memory_space<hbm>>
        tpu.wait_indirect_dma semaphore(%arg21 : memref<!tpu.dma_semaphore, #tpu.memory_space<semaphore_mem>>) src(%dma_wait3A_417 : memref<10240x128xf32, #tpu.memory_space<hbm>>) dst(%dma_wait3A_411 : memref<48x128xf32, #tpu.memory_space<vmem>>)
        %dma_start3A_418 = arith.constant 3 : i32
        %dma_start3A_419 = arith.constant 8 : i32
        %dma_start3A_420 = arith.constant 1 : i32
        %dma_start3A_421 = arith.constant 0 : i32
        %dma_start3A_422 = arith.constant 0 : i32
        %dma_start3A_423 = tpu.memref_slice %arg6[%dma_start3A_418, %dma_start3A_421, %dma_start3A_422] : memref<5x48x128xf32, #tpu.memory_space<vmem>> -> memref<1x48x128xf32, #tpu.memory_space<vmem>>
        %dma_start3A_424 = tpu.memref_squeeze %dma_start3A_423 : memref<1x48x128xf32, #tpu.memory_space<vmem>> -> memref<48x128xf32, #tpu.memory_space<vmem>>
        %dma_start3A_425 = arith.constant 0 : i32
        %dma_start3A_426 = tpu.memref_slice %arg5[%dma_start3A_419, %dma_start3A_420, %dma_start3A_425] : memref<10x2x48xi32, #tpu.memory_space<vmem>> -> memref<1x1x48xi32, #tpu.memory_space<vmem>>
        %dma_start3A_427 = tpu.memref_squeeze %dma_start3A_426 : memref<1x1x48xi32, #tpu.memory_space<vmem>> -> memref<48xi32, #tpu.memory_space<vmem>>
        %dma_start3A_428 = arith.constant 0 : i32
        %dma_start3A_429 = arith.constant 0 : i32
        %dma_start3A_430 = tpu.memref_slice %arg7[%dma_start3A_428, %dma_start3A_429] : memref<10240x128xf32, #tpu.memory_space<vmem_shared>> -> memref<10240x128xf32, #tpu.memory_space<vmem_shared>>
        tpu.enqueue_indirect_dma source(%dma_start3A_424 : memref<48x128xf32, #tpu.memory_space<vmem>>) target(%dma_start3A_430 : memref<10240x128xf32, #tpu.memory_space<vmem_shared>>) offsets(%dma_start3A_427 : memref<48xi32, #tpu.memory_space<vmem>>) semaphore(%arg26 : memref<!tpu.dma_semaphore, #tpu.memory_space<semaphore_mem>>) {add = true}
      } else {
      }
      %mul3A_372 = arith.constant 10 : i32
      %mul3A_373 = arith.muli %mul3A_372, %scan3A_80 : i32
      %add3A_374 = arith.constant 9 : i32
      %add3A_375 = arith.addi %mul3A_373, %add3A_374 : i32
      %ge3A_376 = arith.constant 4 : i32
      %ge3A_377 = arith.cmpi sge, %add3A_375, %ge3A_376 : i32
      %sub3A_378 = arith.constant 4 : i32
      %sub3A_379 = arith.subi %add3A_375, %sub3A_378 : i32
      %lt3A_380 = arith.constant 209 : i32
      %lt3A_381 = arith.cmpi slt, %sub3A_379, %lt3A_380 : i32
      %and3A_382 = arith.andi %ge3A_377, %lt3A_381 : i1
      %convert_element_type3A_383 = arith.extui %and3A_382 : i1 to i32
      %cond3A_384 = arith.constant 0 : i32
      %cond3A_385 = arith.cmpi ne, %convert_element_type3A_383, %cond3A_384 : i32
      scf.if %cond3A_385 {
        %dma_wait3A_405 = arith.constant 0 : i32
        %dma_wait3A_406 = arith.constant 5 : i32
        %dma_wait3A_407 = arith.constant 1 : i32
        %dma_wait3A_408 = arith.constant 0 : i32
        %dma_wait3A_409 = arith.constant 0 : i32
        %dma_wait3A_410 = tpu.memref_slice %arg6[%dma_wait3A_405, %dma_wait3A_408, %dma_wait3A_409] : memref<5x48x128xf32, #tpu.memory_space<vmem>> -> memref<1x48x128xf32, #tpu.memory_space<vmem>>
        %dma_wait3A_411 = tpu.memref_squeeze %dma_wait3A_410 : memref<1x48x128xf32, #tpu.memory_space<vmem>> -> memref<48x128xf32, #tpu.memory_space<vmem>>
        %dma_wait3A_412 = arith.constant 0 : i32
        %dma_wait3A_413 = tpu.memref_slice %arg5[%dma_wait3A_406, %dma_wait3A_407, %dma_wait3A_412] : memref<10x2x48xi32, #tpu.memory_space<vmem>> -> memref<1x1x48xi32, #tpu.memory_space<vmem>>
        %dma_wait3A_414 = tpu.memref_squeeze %dma_wait3A_413 : memref<1x1x48xi32, #tpu.memory_space<vmem>> -> memref<48xi32, #tpu.memory_space<vmem>>
        %dma_wait3A_415 = arith.constant 0 : i32
        %dma_wait3A_416 = arith.constant 0 : i32
        %dma_wait3A_417 = tpu.memref_slice %arg7[%dma_wait3A_415, %dma_wait3A_416] : memref<10240x128xf32, #tpu.memory_space<vmem_shared>> -> memref<10240x128xf32, #tpu.memory_space<vmem_shared>>
        tpu.wait_indirect_dma semaphore(%arg23 : memref<!tpu.dma_semaphore, #tpu.memory_space<semaphore_mem>>) src(%dma_wait3A_411 : memref<48x128xf32, #tpu.memory_space<vmem>>) dst(%dma_wait3A_417 : memref<10240x128xf32, #tpu.memory_space<vmem_shared>>)
      } else {
      }
      %add3A_386 = arith.constant 2 : i32
      %add3A_387 = arith.addi %add3A_375, %add3A_386 : i32
      %lt3A_388 = arith.constant 209 : i32
      %lt3A_389 = arith.cmpi slt, %add3A_387, %lt3A_388 : i32
      %convert_element_type3A_390 = arith.extui %lt3A_389 : i1 to i32
      %cond3A_391 = arith.constant 0 : i32
      %cond3A_392 = arith.cmpi ne, %convert_element_type3A_390, %cond3A_391 : i32
      scf.if %cond3A_392 {
        %add3A_405 = arith.constant 2 : i32
        %add3A_406 = arith.addi %add3A_375, %add3A_405 : i32
        %dma_start3A_407 = arith.constant 1 : i32
        %dma_start3A_408 = arith.constant 0 : i32
        %dma_start3A_409 = arith.constant 0 : i32
        %dma_start3A_410 = tpu.memref_slice %arg5[%dma_start3A_407, %dma_start3A_408, %dma_start3A_409] : memref<10x2x48xi32, #tpu.memory_space<vmem>> -> memref<1x2x48xi32, #tpu.memory_space<vmem>>
        %dma_start3A_411 = tpu.memref_squeeze %dma_start3A_410 : memref<1x2x48xi32, #tpu.memory_space<vmem>> -> memref<2x48xi32, #tpu.memory_space<vmem>>
        %dma_start3A_412 = arith.constant 0 : i32
        %dma_start3A_413 = arith.constant 0 : i32
        %dma_start3A_414 = tpu.memref_slice %arg3[%add3A, %add3A_406, %dma_start3A_412, %dma_start3A_413] : memref<32x209x2x48xi32, #tpu.memory_space<hbm>> -> memref<1x1x2x48xi32, #tpu.memory_space<hbm>>
        %dma_start3A_415 = tpu.memref_squeeze %dma_start3A_414 : memref<1x1x2x48xi32, #tpu.memory_space<hbm>> -> memref<2x48xi32, #tpu.memory_space<hbm>>
        %dma_start3A_416 = arith.constant 0 : i32
        %dma_start3A_417 = arith.constant 0 : i32
        %dma_start3A_418 = tpu.memref_slice %arg5[%dma_start3A_407, %dma_start3A_416, %dma_start3A_417] : memref<10x2x48xi32, #tpu.memory_space<vmem>> -> memref<1x2x48xi32, #tpu.memory_space<vmem>>
        %dma_start3A_419 = tpu.memref_squeeze %dma_start3A_418 : memref<1x2x48xi32, #tpu.memory_space<vmem>> -> memref<2x48xi32, #tpu.memory_space<vmem>>
        %dma_start3A_420 = arith.constant 0 : i32
        %dma_start3A_421 = arith.constant 0 : i32
        %dma_start3A_422 = tpu.memref_slice %arg3[%add3A, %add3A_406, %dma_start3A_420, %dma_start3A_421] : memref<32x209x2x48xi32, #tpu.memory_space<hbm>> -> memref<1x1x2x48xi32, #tpu.memory_space<hbm>>
        %dma_start3A_423 = tpu.memref_squeeze %dma_start3A_422 : memref<1x1x2x48xi32, #tpu.memory_space<hbm>> -> memref<2x48xi32, #tpu.memory_space<hbm>>
        tpu.enqueue_dma source(%dma_start3A_423 : memref<2x48xi32, #tpu.memory_space<hbm>>) target(%dma_start3A_419 : memref<2x48xi32, #tpu.memory_space<vmem>>) target_semaphore(%arg9 : memref<!tpu.dma_semaphore, #tpu.memory_space<semaphore_mem>>)
      } else {
      }
      %add3A_393 = arith.constant 1 : i32
      %add3A_394 = arith.addi %add3A_375, %add3A_393 : i32
      %lt3A_395 = arith.constant 209 : i32
      %lt3A_396 = arith.cmpi slt, %add3A_394, %lt3A_395 : i32
      %convert_element_type3A_397 = arith.extui %lt3A_396 : i1 to i32
      %cond3A_398 = arith.constant 0 : i32
      %cond3A_399 = arith.cmpi ne, %convert_element_type3A_397, %cond3A_398 : i32
      scf.if %cond3A_399 {
        %add3A_405 = arith.constant 1 : i32
        %add3A_406 = arith.addi %add3A_375, %add3A_405 : i32
        %dma_wait3A_407 = arith.constant 0 : i32
        %dma_wait3A_408 = arith.constant 0 : i32
        %dma_wait3A_409 = arith.constant 0 : i32
        %dma_wait3A_410 = tpu.memref_slice %arg5[%dma_wait3A_407, %dma_wait3A_408, %dma_wait3A_409] : memref<10x2x48xi32, #tpu.memory_space<vmem>> -> memref<1x2x48xi32, #tpu.memory_space<vmem>>
        %dma_wait3A_411 = tpu.memref_squeeze %dma_wait3A_410 : memref<1x2x48xi32, #tpu.memory_space<vmem>> -> memref<2x48xi32, #tpu.memory_space<vmem>>
        %dma_wait3A_412 = arith.constant 0 : i32
        %dma_wait3A_413 = arith.constant 0 : i32
        %dma_wait3A_414 = tpu.memref_slice %arg3[%add3A, %add3A_406, %dma_wait3A_412, %dma_wait3A_413] : memref<32x209x2x48xi32, #tpu.memory_space<hbm>> -> memref<1x1x2x48xi32, #tpu.memory_space<hbm>>
        %dma_wait3A_415 = tpu.memref_squeeze %dma_wait3A_414 : memref<1x1x2x48xi32, #tpu.memory_space<hbm>> -> memref<2x48xi32, #tpu.memory_space<hbm>>
        %dma_wait3A_416 = arith.constant 0 : i32
        %dma_wait3A_417 = arith.constant 0 : i32
        %dma_wait3A_418 = tpu.memref_slice %arg5[%dma_wait3A_407, %dma_wait3A_416, %dma_wait3A_417] : memref<10x2x48xi32, #tpu.memory_space<vmem>> -> memref<1x2x48xi32, #tpu.memory_space<vmem>>
        %dma_wait3A_419 = tpu.memref_squeeze %dma_wait3A_418 : memref<1x2x48xi32, #tpu.memory_space<vmem>> -> memref<2x48xi32, #tpu.memory_space<vmem>>
        %dma_wait3A_420 = arith.constant 0 : i32
        %dma_wait3A_421 = arith.constant 0 : i32
        %dma_wait3A_422 = tpu.memref_slice %arg3[%add3A, %add3A_406, %dma_wait3A_420, %dma_wait3A_421] : memref<32x209x2x48xi32, #tpu.memory_space<hbm>> -> memref<1x1x2x48xi32, #tpu.memory_space<hbm>>
        %dma_wait3A_423 = tpu.memref_squeeze %dma_wait3A_422 : memref<1x1x2x48xi32, #tpu.memory_space<hbm>> -> memref<2x48xi32, #tpu.memory_space<hbm>>
        tpu.wait_dma2 semaphore(%arg8 : memref<!tpu.dma_semaphore, #tpu.memory_space<semaphore_mem>>) src(%dma_wait3A_423 : memref<2x48xi32, #tpu.memory_space<hbm>>) dst(%dma_wait3A_419 : memref<2x48xi32, #tpu.memory_space<vmem>>)
        %dma_start3A_424 = arith.constant 0 : i32
        %dma_start3A_425 = arith.constant 0 : i32
        %dma_start3A_426 = arith.constant 0 : i32
        %dma_start3A_427 = arith.constant 0 : i32
        %dma_start3A_428 = arith.constant 0 : i32
        %dma_start3A_429 = tpu.memref_slice %arg6[%dma_start3A_426, %dma_start3A_427, %dma_start3A_428] : memref<5x48x128xf32, #tpu.memory_space<vmem>> -> memref<1x48x128xf32, #tpu.memory_space<vmem>>
        %dma_start3A_430 = tpu.memref_squeeze %dma_start3A_429 : memref<1x48x128xf32, #tpu.memory_space<vmem>> -> memref<48x128xf32, #tpu.memory_space<vmem>>
        %dma_start3A_431 = arith.constant 0 : i32
        %dma_start3A_432 = tpu.memref_slice %arg5[%dma_start3A_424, %dma_start3A_425, %dma_start3A_431] : memref<10x2x48xi32, #tpu.memory_space<vmem>> -> memref<1x1x48xi32, #tpu.memory_space<vmem>>
        %dma_start3A_433 = tpu.memref_squeeze %dma_start3A_432 : memref<1x1x48xi32, #tpu.memory_space<vmem>> -> memref<48xi32, #tpu.memory_space<vmem>>
        %dma_start3A_434 = arith.constant 0 : i32
        %dma_start3A_435 = arith.constant 0 : i32
        %dma_start3A_436 = tpu.memref_slice %arg2[%dma_start3A_434, %dma_start3A_435] : memref<10240x128xf32, #tpu.memory_space<hbm>> -> memref<10240x128xf32, #tpu.memory_space<hbm>>
        tpu.enqueue_indirect_dma source(%dma_start3A_436 : memref<10240x128xf32, #tpu.memory_space<hbm>>) target(%dma_start3A_430 : memref<48x128xf32, #tpu.memory_space<vmem>>) offsets(%dma_start3A_433 : memref<48xi32, #tpu.memory_space<vmem>>) semaphore(%arg18 : memref<!tpu.dma_semaphore, #tpu.memory_space<semaphore_mem>>)
      } else {
      }
      %lt3A_400 = arith.constant 209 : i32
      %lt3A_401 = arith.cmpi slt, %add3A_375, %lt3A_400 : i32
      %convert_element_type3A_402 = arith.extui %lt3A_401 : i1 to i32
      %cond3A_403 = arith.constant 0 : i32
      %cond3A_404 = arith.cmpi ne, %convert_element_type3A_402, %cond3A_403 : i32
      scf.if %cond3A_404 {
        %dma_wait3A_405 = arith.constant 9 : i32
        %dma_wait3A_406 = arith.constant 0 : i32
        %dma_wait3A_407 = arith.constant 4 : i32
        %dma_wait3A_408 = arith.constant 0 : i32
        %dma_wait3A_409 = arith.constant 0 : i32
        %dma_wait3A_410 = tpu.memref_slice %arg6[%dma_wait3A_407, %dma_wait3A_408, %dma_wait3A_409] : memref<5x48x128xf32, #tpu.memory_space<vmem>> -> memref<1x48x128xf32, #tpu.memory_space<vmem>>
        %dma_wait3A_411 = tpu.memref_squeeze %dma_wait3A_410 : memref<1x48x128xf32, #tpu.memory_space<vmem>> -> memref<48x128xf32, #tpu.memory_space<vmem>>
        %dma_wait3A_412 = arith.constant 0 : i32
        %dma_wait3A_413 = tpu.memref_slice %arg5[%dma_wait3A_405, %dma_wait3A_406, %dma_wait3A_412] : memref<10x2x48xi32, #tpu.memory_space<vmem>> -> memref<1x1x48xi32, #tpu.memory_space<vmem>>
        %dma_wait3A_414 = tpu.memref_squeeze %dma_wait3A_413 : memref<1x1x48xi32, #tpu.memory_space<vmem>> -> memref<48xi32, #tpu.memory_space<vmem>>
        %dma_wait3A_415 = arith.constant 0 : i32
        %dma_wait3A_416 = arith.constant 0 : i32
        %dma_wait3A_417 = tpu.memref_slice %arg2[%dma_wait3A_415, %dma_wait3A_416] : memref<10240x128xf32, #tpu.memory_space<hbm>> -> memref<10240x128xf32, #tpu.memory_space<hbm>>
        tpu.wait_indirect_dma semaphore(%arg22 : memref<!tpu.dma_semaphore, #tpu.memory_space<semaphore_mem>>) src(%dma_wait3A_417 : memref<10240x128xf32, #tpu.memory_space<hbm>>) dst(%dma_wait3A_411 : memref<48x128xf32, #tpu.memory_space<vmem>>)
        %dma_start3A_418 = arith.constant 4 : i32
        %dma_start3A_419 = arith.constant 9 : i32
        %dma_start3A_420 = arith.constant 1 : i32
        %dma_start3A_421 = arith.constant 0 : i32
        %dma_start3A_422 = arith.constant 0 : i32
        %dma_start3A_423 = tpu.memref_slice %arg6[%dma_start3A_418, %dma_start3A_421, %dma_start3A_422] : memref<5x48x128xf32, #tpu.memory_space<vmem>> -> memref<1x48x128xf32, #tpu.memory_space<vmem>>
        %dma_start3A_424 = tpu.memref_squeeze %dma_start3A_423 : memref<1x48x128xf32, #tpu.memory_space<vmem>> -> memref<48x128xf32, #tpu.memory_space<vmem>>
        %dma_start3A_425 = arith.constant 0 : i32
        %dma_start3A_426 = tpu.memref_slice %arg5[%dma_start3A_419, %dma_start3A_420, %dma_start3A_425] : memref<10x2x48xi32, #tpu.memory_space<vmem>> -> memref<1x1x48xi32, #tpu.memory_space<vmem>>
        %dma_start3A_427 = tpu.memref_squeeze %dma_start3A_426 : memref<1x1x48xi32, #tpu.memory_space<vmem>> -> memref<48xi32, #tpu.memory_space<vmem>>
        %dma_start3A_428 = arith.constant 0 : i32
        %dma_start3A_429 = arith.constant 0 : i32
        %dma_start3A_430 = tpu.memref_slice %arg7[%dma_start3A_428, %dma_start3A_429] : memref<10240x128xf32, #tpu.memory_space<vmem_shared>> -> memref<10240x128xf32, #tpu.memory_space<vmem_shared>>
        tpu.enqueue_indirect_dma source(%dma_start3A_424 : memref<48x128xf32, #tpu.memory_space<vmem>>) target(%dma_start3A_430 : memref<10240x128xf32, #tpu.memory_space<vmem_shared>>) offsets(%dma_start3A_427 : memref<48xi32, #tpu.memory_space<vmem>>) semaphore(%arg27 : memref<!tpu.dma_semaphore, #tpu.memory_space<semaphore_mem>>) {add = true}
      } else {
      }
    }
    %scan3A_74 = arith.constant 22 : i32
    %barrier3A_75 = arith.constant 0 : index
    tpu.barrier barrier_id(%barrier3A_75)
    %mul3A_76 = arith.constant 640 : i32
    %mul3A_77 = arith.muli %arg1, %mul3A_76 : i32
    %mul3A_78 = arith.constant 640 : i32
    %mul3A_79 = arith.muli %arg1, %mul3A_78 : i32
    "tpu.region"() ({
      %run_scoped3A = tpu.sem_alloc : memref<!tpu.dma_semaphore, #tpu.memory_space<semaphore_mem>>
      %dma_start3A_80 = arith.constant 0 : i32
      %dma_start3A_81 = tpu.memref_slice %arg4[%arg0, %mul3A_79, %dma_start3A_80] : memref<2x10240x128xf32, #tpu.memory_space<hbm>> -> memref<1x640x128xf32, #tpu.memory_space<hbm>>
      %dma_start3A_82 = tpu.memref_squeeze %dma_start3A_81 : memref<1x640x128xf32, #tpu.memory_space<hbm>> -> memref<640x128xf32, #tpu.memory_space<hbm>>
      %dma_start3A_83 = arith.constant 0 : i32
      %dma_start3A_84 = tpu.memref_slice %arg7[%mul3A_77, %dma_start3A_83] : memref<10240x128xf32, #tpu.memory_space<vmem_shared>> -> memref<640x128xf32, #tpu.memory_space<vmem_shared>>
      tpu.enqueue_dma source(%dma_start3A_84 : memref<640x128xf32, #tpu.memory_space<vmem_shared>>) target(%dma_start3A_82 : memref<640x128xf32, #tpu.memory_space<hbm>>) target_semaphore(%run_scoped3A : memref<!tpu.dma_semaphore, #tpu.memory_space<semaphore_mem>>)
      %dma_wait3A_85 = arith.constant 0 : i32
      %dma_wait3A_86 = tpu.memref_slice %arg4[%arg0, %mul3A_79, %dma_wait3A_85] : memref<2x10240x128xf32, #tpu.memory_space<hbm>> -> memref<1x640x128xf32, #tpu.memory_space<hbm>>
      %dma_wait3A_87 = tpu.memref_squeeze %dma_wait3A_86 : memref<1x640x128xf32, #tpu.memory_space<hbm>> -> memref<640x128xf32, #tpu.memory_space<hbm>>
      %dma_wait3A_88 = arith.constant 0 : i32
      %dma_wait3A_89 = tpu.memref_slice %arg7[%mul3A_77, %dma_wait3A_88] : memref<10240x128xf32, #tpu.memory_space<vmem_shared>> -> memref<640x128xf32, #tpu.memory_space<vmem_shared>>
      tpu.wait_dma2 semaphore(%run_scoped3A : memref<!tpu.dma_semaphore, #tpu.memory_space<semaphore_mem>>) src(%dma_wait3A_89 : memref<640x128xf32, #tpu.memory_space<vmem_shared>>) dst(%dma_wait3A_87 : memref<640x128xf32, #tpu.memory_space<hbm>>)
      tpu.yield
    }) : () -> ()
    return
  }
}

#map = affine_map<(d0, d1) -> (0, 0)>
#map1 = affine_map<(d0, d1) -> (0, 0, 0, 0)>
#map2 = affine_map<(d0, d1) -> (0, 0, 0)>
module attributes {stable_mosaic.version = 14 : i64} {
  func.func @_agg_body(%arg0: i32, %arg1: i32, %arg2: memref<10240x128xf32, #tpu.memory_space<hbm>>, %arg3: memref<32x209x2x48xi32, #tpu.memory_space<hbm>>, %arg4: memref<2x10240x128xf32, #tpu.memory_space<hbm>>, %arg5: memref<10x2x48xi32, #tpu.memory_space<vmem>>, %arg6: memref<5x48x128xf32, #tpu.memory_space<vmem>>, %arg7: memref<10240x128xf32, #tpu.memory_space<vmem_shared>>, %arg8: memref<!tpu.dma_semaphore, #tpu.memory_space<semaphore_mem>>, %arg9: memref<!tpu.dma_semaphore, #tpu.memory_space<semaphore_mem>>, %arg10: memref<!tpu.dma_semaphore, #tpu.memory_space<semaphore_mem>>, %arg11: memref<!tpu.dma_semaphore, #tpu.memory_space<semaphore_mem>>, %arg12: memref<!tpu.dma_semaphore, #tpu.memory_space<semaphore_mem>>, %arg13: memref<!tpu.dma_semaphore, #tpu.memory_space<semaphore_mem>>, %arg14: memref<!tpu.dma_semaphore, #tpu.memory_space<semaphore_mem>>, %arg15: memref<!tpu.dma_semaphore, #tpu.memory_space<semaphore_mem>>, %arg16: memref<!tpu.dma_semaphore, #tpu.memory_space<semaphore_mem>>, %arg17: memref<!tpu.dma_semaphore, #tpu.memory_space<semaphore_mem>>, %arg18: memref<!tpu.dma_semaphore, #tpu.memory_space<semaphore_mem>>, %arg19: memref<!tpu.dma_semaphore, #tpu.memory_space<semaphore_mem>>, %arg20: memref<!tpu.dma_semaphore, #tpu.memory_space<semaphore_mem>>, %arg21: memref<!tpu.dma_semaphore, #tpu.memory_space<semaphore_mem>>, %arg22: memref<!tpu.dma_semaphore, #tpu.memory_space<semaphore_mem>>, %arg23: memref<!tpu.dma_semaphore, #tpu.memory_space<semaphore_mem>>, %arg24: memref<!tpu.dma_semaphore, #tpu.memory_space<semaphore_mem>>, %arg25: memref<!tpu.dma_semaphore, #tpu.memory_space<semaphore_mem>>, %arg26: memref<!tpu.dma_semaphore, #tpu.memory_space<semaphore_mem>>, %arg27: memref<!tpu.dma_semaphore, #tpu.memory_space<semaphore_mem>>) attributes {dimension_semantics = [#tpu.dimension_semantics<core_parallel>, #tpu.dimension_semantics<subcore_parallel>], iteration_bounds = array<i64: 2, 16>, scalar_prefetch = 0 : i64, scratch_operands = 23 : i64, tpu.core_type = #tpu.core_type<sc_vector_subcore>, window_params = [{transform_indices = #map}, {transform_indices = #map1}, {transform_indices = #map2}]} {
    %mul3A = arith.constant 2 : i32
    %mul3A_0 = arith.muli %arg1, %mul3A : i32
    %add3A = arith.addi %mul3A_0, %arg0 : i32
    %mul3A_1 = arith.constant 640 : i32
    %mul3A_2 = arith.muli %arg1, %mul3A_1 : i32
    %mul3A_3 = arith.constant 640 : i32
    %mul3A_4 = arith.muli %arg1, %mul3A_3 : i32
    "tpu.region"() ({
      %run_scoped3A = tpu.sem_alloc : memref<!tpu.dma_semaphore, #tpu.memory_space<semaphore_mem>>
      %dma_start3A_80 = arith.constant 0 : i32
      %dma_start3A_81 = tpu.memref_slice %arg7[%mul3A_4, %dma_start3A_80] : memref<10240x128xf32, #tpu.memory_space<vmem_shared>> -> memref<640x128xf32, #tpu.memory_space<vmem_shared>>
      %dma_start3A_82 = arith.constant 0 : i32
      %dma_start3A_83 = tpu.memref_slice %arg2[%mul3A_2, %dma_start3A_82] : memref<10240x128xf32, #tpu.memory_space<hbm>> -> memref<640x128xf32, #tpu.memory_space<hbm>>
      tpu.enqueue_dma source(%dma_start3A_83 : memref<640x128xf32, #tpu.memory_space<hbm>>) target(%dma_start3A_81 : memref<640x128xf32, #tpu.memory_space<vmem_shared>>) target_semaphore(%run_scoped3A : memref<!tpu.dma_semaphore, #tpu.memory_space<semaphore_mem>>)
      %dma_wait3A_84 = arith.constant 0 : i32
      %dma_wait3A_85 = tpu.memref_slice %arg7[%mul3A_4, %dma_wait3A_84] : memref<10240x128xf32, #tpu.memory_space<vmem_shared>> -> memref<640x128xf32, #tpu.memory_space<vmem_shared>>
      %dma_wait3A_86 = arith.constant 0 : i32
      %dma_wait3A_87 = tpu.memref_slice %arg2[%mul3A_2, %dma_wait3A_86] : memref<10240x128xf32, #tpu.memory_space<hbm>> -> memref<640x128xf32, #tpu.memory_space<hbm>>
      tpu.wait_dma2 semaphore(%run_scoped3A : memref<!tpu.dma_semaphore, #tpu.memory_space<semaphore_mem>>) src(%dma_wait3A_87 : memref<640x128xf32, #tpu.memory_space<hbm>>) dst(%dma_wait3A_85 : memref<640x128xf32, #tpu.memory_space<vmem_shared>>)
      tpu.yield
    }) : () -> ()
    %barrier3A = arith.constant 0 : index
    tpu.barrier barrier_id(%barrier3A)
    %dma_start3A = arith.constant 0 : i32
    %dma_start3A_5 = arith.constant 0 : i32
    %dma_start3A_6 = arith.constant 0 : i32
    %dma_start3A_7 = arith.constant 0 : i32
    %dma_start3A_8 = tpu.memref_slice %arg5[%dma_start3A_5, %dma_start3A_6, %dma_start3A_7] : memref<10x2x48xi32, #tpu.memory_space<vmem>> -> memref<1x2x48xi32, #tpu.memory_space<vmem>>
    %dma_start3A_9 = tpu.memref_squeeze %dma_start3A_8 : memref<1x2x48xi32, #tpu.memory_space<vmem>> -> memref<2x48xi32, #tpu.memory_space<vmem>>
    %dma_start3A_10 = arith.constant 0 : i32
    %dma_start3A_11 = arith.constant 0 : i32
    %dma_start3A_12 = tpu.memref_slice %arg3[%add3A, %dma_start3A, %dma_start3A_10, %dma_start3A_11] : memref<32x209x2x48xi32, #tpu.memory_space<hbm>> -> memref<1x1x2x48xi32, #tpu.memory_space<hbm>>
    %dma_start3A_13 = tpu.memref_squeeze %dma_start3A_12 : memref<1x1x2x48xi32, #tpu.memory_space<hbm>> -> memref<2x48xi32, #tpu.memory_space<hbm>>
    %dma_start3A_14 = arith.constant 0 : i32
    %dma_start3A_15 = arith.constant 0 : i32
    %dma_start3A_16 = tpu.memref_slice %arg5[%dma_start3A_5, %dma_start3A_14, %dma_start3A_15] : memref<10x2x48xi32, #tpu.memory_space<vmem>> -> memref<1x2x48xi32, #tpu.memory_space<vmem>>
    %dma_start3A_17 = tpu.memref_squeeze %dma_start3A_16 : memref<1x2x48xi32, #tpu.memory_space<vmem>> -> memref<2x48xi32, #tpu.memory_space<vmem>>
    %dma_start3A_18 = arith.constant 0 : i32
    %dma_start3A_19 = arith.constant 0 : i32
    %dma_start3A_20 = tpu.memref_slice %arg3[%add3A, %dma_start3A, %dma_start3A_18, %dma_start3A_19] : memref<32x209x2x48xi32, #tpu.memory_space<hbm>> -> memref<1x1x2x48xi32, #tpu.memory_space<hbm>>
    %dma_start3A_21 = tpu.memref_squeeze %dma_start3A_20 : memref<1x1x2x48xi32, #tpu.memory_space<hbm>> -> memref<2x48xi32, #tpu.memory_space<hbm>>
    tpu.enqueue_dma source(%dma_start3A_21 : memref<2x48xi32, #tpu.memory_space<hbm>>) target(%dma_start3A_17 : memref<2x48xi32, #tpu.memory_space<vmem>>) target_semaphore(%arg8 : memref<!tpu.dma_semaphore, #tpu.memory_space<semaphore_mem>>)
    %dma_start3A_22 = arith.constant 1 : i32
    %dma_start3A_23 = arith.constant 1 : i32
    %dma_start3A_24 = arith.constant 0 : i32
    %dma_start3A_25 = arith.constant 0 : i32
    %dma_start3A_26 = tpu.memref_slice %arg5[%dma_start3A_23, %dma_start3A_24, %dma_start3A_25] : memref<10x2x48xi32, #tpu.memory_space<vmem>> -> memref<1x2x48xi32, #tpu.memory_space<vmem>>
    %dma_start3A_27 = tpu.memref_squeeze %dma_start3A_26 : memref<1x2x48xi32, #tpu.memory_space<vmem>> -> memref<2x48xi32, #tpu.memory_space<vmem>>
    %dma_start3A_28 = arith.constant 0 : i32
    %dma_start3A_29 = arith.constant 0 : i32
    %dma_start3A_30 = tpu.memref_slice %arg3[%add3A, %dma_start3A_22, %dma_start3A_28, %dma_start3A_29] : memref<32x209x2x48xi32, #tpu.memory_space<hbm>> -> memref<1x1x2x48xi32, #tpu.memory_space<hbm>>
    %dma_start3A_31 = tpu.memref_squeeze %dma_start3A_30 : memref<1x1x2x48xi32, #tpu.memory_space<hbm>> -> memref<2x48xi32, #tpu.memory_space<hbm>>
    %dma_start3A_32 = arith.constant 0 : i32
    %dma_start3A_33 = arith.constant 0 : i32
    %dma_start3A_34 = tpu.memref_slice %arg5[%dma_start3A_23, %dma_start3A_32, %dma_start3A_33] : memref<10x2x48xi32, #tpu.memory_space<vmem>> -> memref<1x2x48xi32, #tpu.memory_space<vmem>>
    %dma_start3A_35 = tpu.memref_squeeze %dma_start3A_34 : memref<1x2x48xi32, #tpu.memory_space<vmem>> -> memref<2x48xi32, #tpu.memory_space<vmem>>
    %dma_start3A_36 = arith.constant 0 : i32
    %dma_start3A_37 = arith.constant 0 : i32
    %dma_start3A_38 = tpu.memref_slice %arg3[%add3A, %dma_start3A_22, %dma_start3A_36, %dma_start3A_37] : memref<32x209x2x48xi32, #tpu.memory_space<hbm>> -> memref<1x1x2x48xi32, #tpu.memory_space<hbm>>
    %dma_start3A_39 = tpu.memref_squeeze %dma_start3A_38 : memref<1x1x2x48xi32, #tpu.memory_space<hbm>> -> memref<2x48xi32, #tpu.memory_space<hbm>>
    tpu.enqueue_dma source(%dma_start3A_39 : memref<2x48xi32, #tpu.memory_space<hbm>>) target(%dma_start3A_35 : memref<2x48xi32, #tpu.memory_space<vmem>>) target_semaphore(%arg9 : memref<!tpu.dma_semaphore, #tpu.memory_space<semaphore_mem>>)
    %dma_wait3A = arith.constant 0 : i32
    %dma_wait3A_40 = arith.constant 0 : i32
    %dma_wait3A_41 = arith.constant 0 : i32
    %dma_wait3A_42 = arith.constant 0 : i32
    %dma_wait3A_43 = tpu.memref_slice %arg5[%dma_wait3A_40, %dma_wait3A_41, %dma_wait3A_42] : memref<10x2x48xi32, #tpu.memory_space<vmem>> -> memref<1x2x48xi32, #tpu.memory_space<vmem>>
    %dma_wait3A_44 = tpu.memref_squeeze %dma_wait3A_43 : memref<1x2x48xi32, #tpu.memory_space<vmem>> -> memref<2x48xi32, #tpu.memory_space<vmem>>
    %dma_wait3A_45 = arith.constant 0 : i32
    %dma_wait3A_46 = arith.constant 0 : i32
    %dma_wait3A_47 = tpu.memref_slice %arg3[%add3A, %dma_wait3A, %dma_wait3A_45, %dma_wait3A_46] : memref<32x209x2x48xi32, #tpu.memory_space<hbm>> -> memref<1x1x2x48xi32, #tpu.memory_space<hbm>>
    %dma_wait3A_48 = tpu.memref_squeeze %dma_wait3A_47 : memref<1x1x2x48xi32, #tpu.memory_space<hbm>> -> memref<2x48xi32, #tpu.memory_space<hbm>>
    %dma_wait3A_49 = arith.constant 0 : i32
    %dma_wait3A_50 = arith.constant 0 : i32
    %dma_wait3A_51 = tpu.memref_slice %arg5[%dma_wait3A_40, %dma_wait3A_49, %dma_wait3A_50] : memref<10x2x48xi32, #tpu.memory_space<vmem>> -> memref<1x2x48xi32, #tpu.memory_space<vmem>>
    %dma_wait3A_52 = tpu.memref_squeeze %dma_wait3A_51 : memref<1x2x48xi32, #tpu.memory_space<vmem>> -> memref<2x48xi32, #tpu.memory_space<vmem>>
    %dma_wait3A_53 = arith.constant 0 : i32
    %dma_wait3A_54 = arith.constant 0 : i32
    %dma_wait3A_55 = tpu.memref_slice %arg3[%add3A, %dma_wait3A, %dma_wait3A_53, %dma_wait3A_54] : memref<32x209x2x48xi32, #tpu.memory_space<hbm>> -> memref<1x1x2x48xi32, #tpu.memory_space<hbm>>
    %dma_wait3A_56 = tpu.memref_squeeze %dma_wait3A_55 : memref<1x1x2x48xi32, #tpu.memory_space<hbm>> -> memref<2x48xi32, #tpu.memory_space<hbm>>
    tpu.wait_dma2 semaphore(%arg8 : memref<!tpu.dma_semaphore, #tpu.memory_space<semaphore_mem>>) src(%dma_wait3A_56 : memref<2x48xi32, #tpu.memory_space<hbm>>) dst(%dma_wait3A_52 : memref<2x48xi32, #tpu.memory_space<vmem>>)
    %dma_start3A_57 = arith.constant 0 : i32
    %dma_start3A_58 = arith.constant 0 : i32
    %dma_start3A_59 = arith.constant 0 : i32
    %dma_start3A_60 = arith.constant 0 : i32
    %dma_start3A_61 = arith.constant 0 : i32
    %dma_start3A_62 = tpu.memref_slice %arg6[%dma_start3A_59, %dma_start3A_60, %dma_start3A_61] : memref<5x48x128xf32, #tpu.memory_space<vmem>> -> memref<1x48x128xf32, #tpu.memory_space<vmem>>
    %dma_start3A_63 = tpu.memref_squeeze %dma_start3A_62 : memref<1x48x128xf32, #tpu.memory_space<vmem>> -> memref<48x128xf32, #tpu.memory_space<vmem>>
    %dma_start3A_64 = arith.constant 0 : i32
    %dma_start3A_65 = tpu.memref_slice %arg5[%dma_start3A_57, %dma_start3A_58, %dma_start3A_64] : memref<10x2x48xi32, #tpu.memory_space<vmem>> -> memref<1x1x48xi32, #tpu.memory_space<vmem>>
    %dma_start3A_66 = tpu.memref_squeeze %dma_start3A_65 : memref<1x1x48xi32, #tpu.memory_space<vmem>> -> memref<48xi32, #tpu.memory_space<vmem>>
    %dma_start3A_67 = arith.constant 0 : i32
    %dma_start3A_68 = arith.constant 0 : i32
    %dma_start3A_69 = tpu.memref_slice %arg2[%dma_start3A_67, %dma_start3A_68] : memref<10240x128xf32, #tpu.memory_space<hbm>> -> memref<10240x128xf32, #tpu.memory_space<hbm>>
    tpu.enqueue_indirect_dma source(%dma_start3A_69 : memref<10240x128xf32, #tpu.memory_space<hbm>>) target(%dma_start3A_63 : memref<48x128xf32, #tpu.memory_space<vmem>>) offsets(%dma_start3A_66 : memref<48xi32, #tpu.memory_space<vmem>>) semaphore(%arg18 : memref<!tpu.dma_semaphore, #tpu.memory_space<semaphore_mem>>)
    %scan3A = arith.constant 0 : i32
    %scan3A_70 = arith.constant 0 : i32
    %scan3A_71 = arith.constant 22 : i32
    %scan3A_72 = arith.addi %scan3A_70, %scan3A_71 : i32
    %scan3A_73 = arith.constant 1 : i32
    scf.for %scan3A_80 = %scan3A_70 to %scan3A_72 step %scan3A_73  : i32 {
      %mul3A_81 = arith.constant 10 : i32
      %mul3A_82 = arith.muli %mul3A_81, %scan3A_80 : i32
      %add3A_83 = arith.constant 0 : i32
      %add3A_84 = arith.addi %mul3A_82, %add3A_83 : i32
      %ge3A = arith.constant 4 : i32
      %ge3A_85 = arith.cmpi sge, %add3A_84, %ge3A : i32
      %sub3A = arith.constant 4 : i32
      %sub3A_86 = arith.subi %add3A_84, %sub3A : i32
      %lt3A = arith.constant 209 : i32
      %lt3A_87 = arith.cmpi slt, %sub3A_86, %lt3A : i32
      %and3A = arith.andi %ge3A_85, %lt3A_87 : i1
      %convert_element_type3A = arith.extui %and3A : i1 to i32
      %cond3A = arith.constant 0 : i32
      %cond3A_88 = arith.cmpi ne, %convert_element_type3A, %cond3A : i32
      scf.if %cond3A_88 {
        %dma_wait3A_405 = arith.constant 1 : i32
        %dma_wait3A_406 = arith.constant 6 : i32
        %dma_wait3A_407 = arith.constant 1 : i32
        %dma_wait3A_408 = arith.constant 0 : i32
        %dma_wait3A_409 = arith.constant 0 : i32
        %dma_wait3A_410 = tpu.memref_slice %arg6[%dma_wait3A_405, %dma_wait3A_408, %dma_wait3A_409] : memref<5x48x128xf32, #tpu.memory_space<vmem>> -> memref<1x48x128xf32, #tpu.memory_space<vmem>>
        %dma_wait3A_411 = tpu.memref_squeeze %dma_wait3A_410 : memref<1x48x128xf32, #tpu.memory_space<vmem>> -> memref<48x128xf32, #tpu.memory_space<vmem>>
        %dma_wait3A_412 = arith.constant 0 : i32
        %dma_wait3A_413 = tpu.memref_slice %arg5[%dma_wait3A_406, %dma_wait3A_407, %dma_wait3A_412] : memref<10x2x48xi32, #tpu.memory_space<vmem>> -> memref<1x1x48xi32, #tpu.memory_space<vmem>>
        %dma_wait3A_414 = tpu.memref_squeeze %dma_wait3A_413 : memref<1x1x48xi32, #tpu.memory_space<vmem>> -> memref<48xi32, #tpu.memory_space<vmem>>
        %dma_wait3A_415 = arith.constant 0 : i32
        %dma_wait3A_416 = arith.constant 0 : i32
        %dma_wait3A_417 = tpu.memref_slice %arg7[%dma_wait3A_415, %dma_wait3A_416] : memref<10240x128xf32, #tpu.memory_space<vmem_shared>> -> memref<10240x128xf32, #tpu.memory_space<vmem_shared>>
        tpu.wait_indirect_dma semaphore(%arg24 : memref<!tpu.dma_semaphore, #tpu.memory_space<semaphore_mem>>) src(%dma_wait3A_411 : memref<48x128xf32, #tpu.memory_space<vmem>>) dst(%dma_wait3A_417 : memref<10240x128xf32, #tpu.memory_space<vmem_shared>>)
      } else {
      }
      %add3A_89 = arith.constant 2 : i32
      %add3A_90 = arith.addi %add3A_84, %add3A_89 : i32
      %lt3A_91 = arith.constant 209 : i32
      %lt3A_92 = arith.cmpi slt, %add3A_90, %lt3A_91 : i32
      %convert_element_type3A_93 = arith.extui %lt3A_92 : i1 to i32
      %cond3A_94 = arith.constant 0 : i32
      %cond3A_95 = arith.cmpi ne, %convert_element_type3A_93, %cond3A_94 : i32
      scf.if %cond3A_95 {
        %add3A_405 = arith.constant 2 : i32
        %add3A_406 = arith.addi %add3A_84, %add3A_405 : i32
        %dma_start3A_407 = arith.constant 2 : i32
        %dma_start3A_408 = arith.constant 0 : i32
        %dma_start3A_409 = arith.constant 0 : i32
        %dma_start3A_410 = tpu.memref_slice %arg5[%dma_start3A_407, %dma_start3A_408, %dma_start3A_409] : memref<10x2x48xi32, #tpu.memory_space<vmem>> -> memref<1x2x48xi32, #tpu.memory_space<vmem>>
        %dma_start3A_411 = tpu.memref_squeeze %dma_start3A_410 : memref<1x2x48xi32, #tpu.memory_space<vmem>> -> memref<2x48xi32, #tpu.memory_space<vmem>>
        %dma_start3A_412 = arith.constant 0 : i32
        %dma_start3A_413 = arith.constant 0 : i32
        %dma_start3A_414 = tpu.memref_slice %arg3[%add3A, %add3A_406, %dma_start3A_412, %dma_start3A_413] : memref<32x209x2x48xi32, #tpu.memory_space<hbm>> -> memref<1x1x2x48xi32, #tpu.memory_space<hbm>>
        %dma_start3A_415 = tpu.memref_squeeze %dma_start3A_414 : memref<1x1x2x48xi32, #tpu.memory_space<hbm>> -> memref<2x48xi32, #tpu.memory_space<hbm>>
        %dma_start3A_416 = arith.constant 0 : i32
        %dma_start3A_417 = arith.constant 0 : i32
        %dma_start3A_418 = tpu.memref_slice %arg5[%dma_start3A_407, %dma_start3A_416, %dma_start3A_417] : memref<10x2x48xi32, #tpu.memory_space<vmem>> -> memref<1x2x48xi32, #tpu.memory_space<vmem>>
        %dma_start3A_419 = tpu.memref_squeeze %dma_start3A_418 : memref<1x2x48xi32, #tpu.memory_space<vmem>> -> memref<2x48xi32, #tpu.memory_space<vmem>>
        %dma_start3A_420 = arith.constant 0 : i32
        %dma_start3A_421 = arith.constant 0 : i32
        %dma_start3A_422 = tpu.memref_slice %arg3[%add3A, %add3A_406, %dma_start3A_420, %dma_start3A_421] : memref<32x209x2x48xi32, #tpu.memory_space<hbm>> -> memref<1x1x2x48xi32, #tpu.memory_space<hbm>>
        %dma_start3A_423 = tpu.memref_squeeze %dma_start3A_422 : memref<1x1x2x48xi32, #tpu.memory_space<hbm>> -> memref<2x48xi32, #tpu.memory_space<hbm>>
        tpu.enqueue_dma source(%dma_start3A_423 : memref<2x48xi32, #tpu.memory_space<hbm>>) target(%dma_start3A_419 : memref<2x48xi32, #tpu.memory_space<vmem>>) target_semaphore(%arg10 : memref<!tpu.dma_semaphore, #tpu.memory_space<semaphore_mem>>)
      } else {
      }
      %add3A_96 = arith.constant 1 : i32
      %add3A_97 = arith.addi %add3A_84, %add3A_96 : i32
      %lt3A_98 = arith.constant 209 : i32
      %lt3A_99 = arith.cmpi slt, %add3A_97, %lt3A_98 : i32
      %convert_element_type3A_100 = arith.extui %lt3A_99 : i1 to i32
      %cond3A_101 = arith.constant 0 : i32
      %cond3A_102 = arith.cmpi ne, %convert_element_type3A_100, %cond3A_101 : i32
      scf.if %cond3A_102 {
        %add3A_405 = arith.constant 1 : i32
        %add3A_406 = arith.addi %add3A_84, %add3A_405 : i32
        %dma_wait3A_407 = arith.constant 1 : i32
        %dma_wait3A_408 = arith.constant 0 : i32
        %dma_wait3A_409 = arith.constant 0 : i32
        %dma_wait3A_410 = tpu.memref_slice %arg5[%dma_wait3A_407, %dma_wait3A_408, %dma_wait3A_409] : memref<10x2x48xi32, #tpu.memory_space<vmem>> -> memref<1x2x48xi32, #tpu.memory_space<vmem>>
        %dma_wait3A_411 = tpu.memref_squeeze %dma_wait3A_410 : memref<1x2x48xi32, #tpu.memory_space<vmem>> -> memref<2x48xi32, #tpu.memory_space<vmem>>
        %dma_wait3A_412 = arith.constant 0 : i32
        %dma_wait3A_413 = arith.constant 0 : i32
        %dma_wait3A_414 = tpu.memref_slice %arg3[%add3A, %add3A_406, %dma_wait3A_412, %dma_wait3A_413] : memref<32x209x2x48xi32, #tpu.memory_space<hbm>> -> memref<1x1x2x48xi32, #tpu.memory_space<hbm>>
        %dma_wait3A_415 = tpu.memref_squeeze %dma_wait3A_414 : memref<1x1x2x48xi32, #tpu.memory_space<hbm>> -> memref<2x48xi32, #tpu.memory_space<hbm>>
        %dma_wait3A_416 = arith.constant 0 : i32
        %dma_wait3A_417 = arith.constant 0 : i32
        %dma_wait3A_418 = tpu.memref_slice %arg5[%dma_wait3A_407, %dma_wait3A_416, %dma_wait3A_417] : memref<10x2x48xi32, #tpu.memory_space<vmem>> -> memref<1x2x48xi32, #tpu.memory_space<vmem>>
        %dma_wait3A_419 = tpu.memref_squeeze %dma_wait3A_418 : memref<1x2x48xi32, #tpu.memory_space<vmem>> -> memref<2x48xi32, #tpu.memory_space<vmem>>
        %dma_wait3A_420 = arith.constant 0 : i32
        %dma_wait3A_421 = arith.constant 0 : i32
        %dma_wait3A_422 = tpu.memref_slice %arg3[%add3A, %add3A_406, %dma_wait3A_420, %dma_wait3A_421] : memref<32x209x2x48xi32, #tpu.memory_space<hbm>> -> memref<1x1x2x48xi32, #tpu.memory_space<hbm>>
        %dma_wait3A_423 = tpu.memref_squeeze %dma_wait3A_422 : memref<1x1x2x48xi32, #tpu.memory_space<hbm>> -> memref<2x48xi32, #tpu.memory_space<hbm>>
        tpu.wait_dma2 semaphore(%arg9 : memref<!tpu.dma_semaphore, #tpu.memory_space<semaphore_mem>>) src(%dma_wait3A_423 : memref<2x48xi32, #tpu.memory_space<hbm>>) dst(%dma_wait3A_419 : memref<2x48xi32, #tpu.memory_space<vmem>>)
        %dma_start3A_424 = arith.constant 1 : i32
        %dma_start3A_425 = arith.constant 0 : i32
        %dma_start3A_426 = arith.constant 1 : i32
        %dma_start3A_427 = arith.constant 0 : i32
        %dma_start3A_428 = arith.constant 0 : i32
        %dma_start3A_429 = tpu.memref_slice %arg6[%dma_start3A_426, %dma_start3A_427, %dma_start3A_428] : memref<5x48x128xf32, #tpu.memory_space<vmem>> -> memref<1x48x128xf32, #tpu.memory_space<vmem>>
        %dma_start3A_430 = tpu.memref_squeeze %dma_start3A_429 : memref<1x48x128xf32, #tpu.memory_space<vmem>> -> memref<48x128xf32, #tpu.memory_space<vmem>>
        %dma_start3A_431 = arith.constant 0 : i32
        %dma_start3A_432 = tpu.memref_slice %arg5[%dma_start3A_424, %dma_start3A_425, %dma_start3A_431] : memref<10x2x48xi32, #tpu.memory_space<vmem>> -> memref<1x1x48xi32, #tpu.memory_space<vmem>>
        %dma_start3A_433 = tpu.memref_squeeze %dma_start3A_432 : memref<1x1x48xi32, #tpu.memory_space<vmem>> -> memref<48xi32, #tpu.memory_space<vmem>>
        %dma_start3A_434 = arith.constant 0 : i32
        %dma_start3A_435 = arith.constant 0 : i32
        %dma_start3A_436 = tpu.memref_slice %arg2[%dma_start3A_434, %dma_start3A_435] : memref<10240x128xf32, #tpu.memory_space<hbm>> -> memref<10240x128xf32, #tpu.memory_space<hbm>>
        tpu.enqueue_indirect_dma source(%dma_start3A_436 : memref<10240x128xf32, #tpu.memory_space<hbm>>) target(%dma_start3A_430 : memref<48x128xf32, #tpu.memory_space<vmem>>) offsets(%dma_start3A_433 : memref<48xi32, #tpu.memory_space<vmem>>) semaphore(%arg19 : memref<!tpu.dma_semaphore, #tpu.memory_space<semaphore_mem>>)
      } else {
      }
      %lt3A_103 = arith.constant 209 : i32
      %lt3A_104 = arith.cmpi slt, %add3A_84, %lt3A_103 : i32
      %convert_element_type3A_105 = arith.extui %lt3A_104 : i1 to i32
      %cond3A_106 = arith.constant 0 : i32
      %cond3A_107 = arith.cmpi ne, %convert_element_type3A_105, %cond3A_106 : i32
      scf.if %cond3A_107 {
        %dma_wait3A_405 = arith.constant 0 : i32
        %dma_wait3A_406 = arith.constant 0 : i32
        %dma_wait3A_407 = arith.constant 0 : i32
        %dma_wait3A_408 = arith.constant 0 : i32
        %dma_wait3A_409 = arith.constant 0 : i32
        %dma_wait3A_410 = tpu.memref_slice %arg6[%dma_wait3A_407, %dma_wait3A_408, %dma_wait3A_409] : memref<5x48x128xf32, #tpu.memory_space<vmem>> -> memref<1x48x128xf32, #tpu.memory_space<vmem>>
        %dma_wait3A_411 = tpu.memref_squeeze %dma_wait3A_410 : memref<1x48x128xf32, #tpu.memory_space<vmem>> -> memref<48x128xf32, #tpu.memory_space<vmem>>
        %dma_wait3A_412 = arith.constant 0 : i32
        %dma_wait3A_413 = tpu.memref_slice %arg5[%dma_wait3A_405, %dma_wait3A_406, %dma_wait3A_412] : memref<10x2x48xi32, #tpu.memory_space<vmem>> -> memref<1x1x48xi32, #tpu.memory_space<vmem>>
        %dma_wait3A_414 = tpu.memref_squeeze %dma_wait3A_413 : memref<1x1x48xi32, #tpu.memory_space<vmem>> -> memref<48xi32, #tpu.memory_space<vmem>>
        %dma_wait3A_415 = arith.constant 0 : i32
        %dma_wait3A_416 = arith.constant 0 : i32
        %dma_wait3A_417 = tpu.memref_slice %arg2[%dma_wait3A_415, %dma_wait3A_416] : memref<10240x128xf32, #tpu.memory_space<hbm>> -> memref<10240x128xf32, #tpu.memory_space<hbm>>
        tpu.wait_indirect_dma semaphore(%arg18 : memref<!tpu.dma_semaphore, #tpu.memory_space<semaphore_mem>>) src(%dma_wait3A_417 : memref<10240x128xf32, #tpu.memory_space<hbm>>) dst(%dma_wait3A_411 : memref<48x128xf32, #tpu.memory_space<vmem>>)
        %dma_start3A_418 = arith.constant 0 : i32
        %dma_start3A_419 = arith.constant 0 : i32
        %dma_start3A_420 = arith.constant 1 : i32
        %dma_start3A_421 = arith.constant 0 : i32
        %dma_start3A_422 = arith.constant 0 : i32
        %dma_start3A_423 = tpu.memref_slice %arg6[%dma_start3A_418, %dma_start3A_421, %dma_start3A_422] : memref<5x48x128xf32, #tpu.memory_space<vmem>> -> memref<1x48x128xf32, #tpu.memory_space<vmem>>
        %dma_start3A_424 = tpu.memref_squeeze %dma_start3A_423 : memref<1x48x128xf32, #tpu.memory_space<vmem>> -> memref<48x128xf32, #tpu.memory_space<vmem>>
        %dma_start3A_425 = arith.constant 0 : i32
        %dma_start3A_426 = tpu.memref_slice %arg5[%dma_start3A_419, %dma_start3A_420, %dma_start3A_425] : memref<10x2x48xi32, #tpu.memory_space<vmem>> -> memref<1x1x48xi32, #tpu.memory_space<vmem>>
        %dma_start3A_427 = tpu.memref_squeeze %dma_start3A_426 : memref<1x1x48xi32, #tpu.memory_space<vmem>> -> memref<48xi32, #tpu.memory_space<vmem>>
        %dma_start3A_428 = arith.constant 0 : i32
        %dma_start3A_429 = arith.constant 0 : i32
        %dma_start3A_430 = tpu.memref_slice %arg7[%dma_start3A_428, %dma_start3A_429] : memref<10240x128xf32, #tpu.memory_space<vmem_shared>> -> memref<10240x128xf32, #tpu.memory_space<vmem_shared>>
        tpu.enqueue_indirect_dma source(%dma_start3A_424 : memref<48x128xf32, #tpu.memory_space<vmem>>) target(%dma_start3A_430 : memref<10240x128xf32, #tpu.memory_space<vmem_shared>>) offsets(%dma_start3A_427 : memref<48xi32, #tpu.memory_space<vmem>>) semaphore(%arg23 : memref<!tpu.dma_semaphore, #tpu.memory_space<semaphore_mem>>) {add = true}
      } else {
      }
      %mul3A_108 = arith.constant 10 : i32
      %mul3A_109 = arith.muli %mul3A_108, %scan3A_80 : i32
      %add3A_110 = arith.constant 1 : i32
      %add3A_111 = arith.addi %mul3A_109, %add3A_110 : i32
      %ge3A_112 = arith.constant 4 : i32
      %ge3A_113 = arith.cmpi sge, %add3A_111, %ge3A_112 : i32
      %sub3A_114 = arith.constant 4 : i32
      %sub3A_115 = arith.subi %add3A_111, %sub3A_114 : i32
      %lt3A_116 = arith.constant 209 : i32
      %lt3A_117 = arith.cmpi slt, %sub3A_115, %lt3A_116 : i32
      %and3A_118 = arith.andi %ge3A_113, %lt3A_117 : i1
      %convert_element_type3A_119 = arith.extui %and3A_118 : i1 to i32
      %cond3A_120 = arith.constant 0 : i32
      %cond3A_121 = arith.cmpi ne, %convert_element_type3A_119, %cond3A_120 : i32
      scf.if %cond3A_121 {
        %dma_wait3A_405 = arith.constant 2 : i32
        %dma_wait3A_406 = arith.constant 7 : i32
        %dma_wait3A_407 = arith.constant 1 : i32
        %dma_wait3A_408 = arith.constant 0 : i32
        %dma_wait3A_409 = arith.constant 0 : i32
        %dma_wait3A_410 = tpu.memref_slice %arg6[%dma_wait3A_405, %dma_wait3A_408, %dma_wait3A_409] : memref<5x48x128xf32, #tpu.memory_space<vmem>> -> memref<1x48x128xf32, #tpu.memory_space<vmem>>
        %dma_wait3A_411 = tpu.memref_squeeze %dma_wait3A_410 : memref<1x48x128xf32, #tpu.memory_space<vmem>> -> memref<48x128xf32, #tpu.memory_space<vmem>>
        %dma_wait3A_412 = arith.constant 0 : i32
        %dma_wait3A_413 = tpu.memref_slice %arg5[%dma_wait3A_406, %dma_wait3A_407, %dma_wait3A_412] : memref<10x2x48xi32, #tpu.memory_space<vmem>> -> memref<1x1x48xi32, #tpu.memory_space<vmem>>
        %dma_wait3A_414 = tpu.memref_squeeze %dma_wait3A_413 : memref<1x1x48xi32, #tpu.memory_space<vmem>> -> memref<48xi32, #tpu.memory_space<vmem>>
        %dma_wait3A_415 = arith.constant 0 : i32
        %dma_wait3A_416 = arith.constant 0 : i32
        %dma_wait3A_417 = tpu.memref_slice %arg7[%dma_wait3A_415, %dma_wait3A_416] : memref<10240x128xf32, #tpu.memory_space<vmem_shared>> -> memref<10240x128xf32, #tpu.memory_space<vmem_shared>>
        tpu.wait_indirect_dma semaphore(%arg25 : memref<!tpu.dma_semaphore, #tpu.memory_space<semaphore_mem>>) src(%dma_wait3A_411 : memref<48x128xf32, #tpu.memory_space<vmem>>) dst(%dma_wait3A_417 : memref<10240x128xf32, #tpu.memory_space<vmem_shared>>)
      } else {
      }
      %add3A_122 = arith.constant 2 : i32
      %add3A_123 = arith.addi %add3A_111, %add3A_122 : i32
      %lt3A_124 = arith.constant 209 : i32
      %lt3A_125 = arith.cmpi slt, %add3A_123, %lt3A_124 : i32
      %convert_element_type3A_126 = arith.extui %lt3A_125 : i1 to i32
      %cond3A_127 = arith.constant 0 : i32
      %cond3A_128 = arith.cmpi ne, %convert_element_type3A_126, %cond3A_127 : i32
      scf.if %cond3A_128 {
        %add3A_405 = arith.constant 2 : i32
        %add3A_406 = arith.addi %add3A_111, %add3A_405 : i32
        %dma_start3A_407 = arith.constant 3 : i32
        %dma_start3A_408 = arith.constant 0 : i32
        %dma_start3A_409 = arith.constant 0 : i32
        %dma_start3A_410 = tpu.memref_slice %arg5[%dma_start3A_407, %dma_start3A_408, %dma_start3A_409] : memref<10x2x48xi32, #tpu.memory_space<vmem>> -> memref<1x2x48xi32, #tpu.memory_space<vmem>>
        %dma_start3A_411 = tpu.memref_squeeze %dma_start3A_410 : memref<1x2x48xi32, #tpu.memory_space<vmem>> -> memref<2x48xi32, #tpu.memory_space<vmem>>
        %dma_start3A_412 = arith.constant 0 : i32
        %dma_start3A_413 = arith.constant 0 : i32
        %dma_start3A_414 = tpu.memref_slice %arg3[%add3A, %add3A_406, %dma_start3A_412, %dma_start3A_413] : memref<32x209x2x48xi32, #tpu.memory_space<hbm>> -> memref<1x1x2x48xi32, #tpu.memory_space<hbm>>
        %dma_start3A_415 = tpu.memref_squeeze %dma_start3A_414 : memref<1x1x2x48xi32, #tpu.memory_space<hbm>> -> memref<2x48xi32, #tpu.memory_space<hbm>>
        %dma_start3A_416 = arith.constant 0 : i32
        %dma_start3A_417 = arith.constant 0 : i32
        %dma_start3A_418 = tpu.memref_slice %arg5[%dma_start3A_407, %dma_start3A_416, %dma_start3A_417] : memref<10x2x48xi32, #tpu.memory_space<vmem>> -> memref<1x2x48xi32, #tpu.memory_space<vmem>>
        %dma_start3A_419 = tpu.memref_squeeze %dma_start3A_418 : memref<1x2x48xi32, #tpu.memory_space<vmem>> -> memref<2x48xi32, #tpu.memory_space<vmem>>
        %dma_start3A_420 = arith.constant 0 : i32
        %dma_start3A_421 = arith.constant 0 : i32
        %dma_start3A_422 = tpu.memref_slice %arg3[%add3A, %add3A_406, %dma_start3A_420, %dma_start3A_421] : memref<32x209x2x48xi32, #tpu.memory_space<hbm>> -> memref<1x1x2x48xi32, #tpu.memory_space<hbm>>
        %dma_start3A_423 = tpu.memref_squeeze %dma_start3A_422 : memref<1x1x2x48xi32, #tpu.memory_space<hbm>> -> memref<2x48xi32, #tpu.memory_space<hbm>>
        tpu.enqueue_dma source(%dma_start3A_423 : memref<2x48xi32, #tpu.memory_space<hbm>>) target(%dma_start3A_419 : memref<2x48xi32, #tpu.memory_space<vmem>>) target_semaphore(%arg11 : memref<!tpu.dma_semaphore, #tpu.memory_space<semaphore_mem>>)
      } else {
      }
      %add3A_129 = arith.constant 1 : i32
      %add3A_130 = arith.addi %add3A_111, %add3A_129 : i32
      %lt3A_131 = arith.constant 209 : i32
      %lt3A_132 = arith.cmpi slt, %add3A_130, %lt3A_131 : i32
      %convert_element_type3A_133 = arith.extui %lt3A_132 : i1 to i32
      %cond3A_134 = arith.constant 0 : i32
      %cond3A_135 = arith.cmpi ne, %convert_element_type3A_133, %cond3A_134 : i32
      scf.if %cond3A_135 {
        %add3A_405 = arith.constant 1 : i32
        %add3A_406 = arith.addi %add3A_111, %add3A_405 : i32
        %dma_wait3A_407 = arith.constant 2 : i32
        %dma_wait3A_408 = arith.constant 0 : i32
        %dma_wait3A_409 = arith.constant 0 : i32
        %dma_wait3A_410 = tpu.memref_slice %arg5[%dma_wait3A_407, %dma_wait3A_408, %dma_wait3A_409] : memref<10x2x48xi32, #tpu.memory_space<vmem>> -> memref<1x2x48xi32, #tpu.memory_space<vmem>>
        %dma_wait3A_411 = tpu.memref_squeeze %dma_wait3A_410 : memref<1x2x48xi32, #tpu.memory_space<vmem>> -> memref<2x48xi32, #tpu.memory_space<vmem>>
        %dma_wait3A_412 = arith.constant 0 : i32
        %dma_wait3A_413 = arith.constant 0 : i32
        %dma_wait3A_414 = tpu.memref_slice %arg3[%add3A, %add3A_406, %dma_wait3A_412, %dma_wait3A_413] : memref<32x209x2x48xi32, #tpu.memory_space<hbm>> -> memref<1x1x2x48xi32, #tpu.memory_space<hbm>>
        %dma_wait3A_415 = tpu.memref_squeeze %dma_wait3A_414 : memref<1x1x2x48xi32, #tpu.memory_space<hbm>> -> memref<2x48xi32, #tpu.memory_space<hbm>>
        %dma_wait3A_416 = arith.constant 0 : i32
        %dma_wait3A_417 = arith.constant 0 : i32
        %dma_wait3A_418 = tpu.memref_slice %arg5[%dma_wait3A_407, %dma_wait3A_416, %dma_wait3A_417] : memref<10x2x48xi32, #tpu.memory_space<vmem>> -> memref<1x2x48xi32, #tpu.memory_space<vmem>>
        %dma_wait3A_419 = tpu.memref_squeeze %dma_wait3A_418 : memref<1x2x48xi32, #tpu.memory_space<vmem>> -> memref<2x48xi32, #tpu.memory_space<vmem>>
        %dma_wait3A_420 = arith.constant 0 : i32
        %dma_wait3A_421 = arith.constant 0 : i32
        %dma_wait3A_422 = tpu.memref_slice %arg3[%add3A, %add3A_406, %dma_wait3A_420, %dma_wait3A_421] : memref<32x209x2x48xi32, #tpu.memory_space<hbm>> -> memref<1x1x2x48xi32, #tpu.memory_space<hbm>>
        %dma_wait3A_423 = tpu.memref_squeeze %dma_wait3A_422 : memref<1x1x2x48xi32, #tpu.memory_space<hbm>> -> memref<2x48xi32, #tpu.memory_space<hbm>>
        tpu.wait_dma2 semaphore(%arg10 : memref<!tpu.dma_semaphore, #tpu.memory_space<semaphore_mem>>) src(%dma_wait3A_423 : memref<2x48xi32, #tpu.memory_space<hbm>>) dst(%dma_wait3A_419 : memref<2x48xi32, #tpu.memory_space<vmem>>)
        %dma_start3A_424 = arith.constant 2 : i32
        %dma_start3A_425 = arith.constant 0 : i32
        %dma_start3A_426 = arith.constant 2 : i32
        %dma_start3A_427 = arith.constant 0 : i32
        %dma_start3A_428 = arith.constant 0 : i32
        %dma_start3A_429 = tpu.memref_slice %arg6[%dma_start3A_426, %dma_start3A_427, %dma_start3A_428] : memref<5x48x128xf32, #tpu.memory_space<vmem>> -> memref<1x48x128xf32, #tpu.memory_space<vmem>>
        %dma_start3A_430 = tpu.memref_squeeze %dma_start3A_429 : memref<1x48x128xf32, #tpu.memory_space<vmem>> -> memref<48x128xf32, #tpu.memory_space<vmem>>
        %dma_start3A_431 = arith.constant 0 : i32
        %dma_start3A_432 = tpu.memref_slice %arg5[%dma_start3A_424, %dma_start3A_425, %dma_start3A_431] : memref<10x2x48xi32, #tpu.memory_space<vmem>> -> memref<1x1x48xi32, #tpu.memory_space<vmem>>
        %dma_start3A_433 = tpu.memref_squeeze %dma_start3A_432 : memref<1x1x48xi32, #tpu.memory_space<vmem>> -> memref<48xi32, #tpu.memory_space<vmem>>
        %dma_start3A_434 = arith.constant 0 : i32
        %dma_start3A_435 = arith.constant 0 : i32
        %dma_start3A_436 = tpu.memref_slice %arg2[%dma_start3A_434, %dma_start3A_435] : memref<10240x128xf32, #tpu.memory_space<hbm>> -> memref<10240x128xf32, #tpu.memory_space<hbm>>
        tpu.enqueue_indirect_dma source(%dma_start3A_436 : memref<10240x128xf32, #tpu.memory_space<hbm>>) target(%dma_start3A_430 : memref<48x128xf32, #tpu.memory_space<vmem>>) offsets(%dma_start3A_433 : memref<48xi32, #tpu.memory_space<vmem>>) semaphore(%arg20 : memref<!tpu.dma_semaphore, #tpu.memory_space<semaphore_mem>>)
      } else {
      }
      %lt3A_136 = arith.constant 209 : i32
      %lt3A_137 = arith.cmpi slt, %add3A_111, %lt3A_136 : i32
      %convert_element_type3A_138 = arith.extui %lt3A_137 : i1 to i32
      %cond3A_139 = arith.constant 0 : i32
      %cond3A_140 = arith.cmpi ne, %convert_element_type3A_138, %cond3A_139 : i32
      scf.if %cond3A_140 {
        %dma_wait3A_405 = arith.constant 1 : i32
        %dma_wait3A_406 = arith.constant 0 : i32
        %dma_wait3A_407 = arith.constant 1 : i32
        %dma_wait3A_408 = arith.constant 0 : i32
        %dma_wait3A_409 = arith.constant 0 : i32
        %dma_wait3A_410 = tpu.memref_slice %arg6[%dma_wait3A_407, %dma_wait3A_408, %dma_wait3A_409] : memref<5x48x128xf32, #tpu.memory_space<vmem>> -> memref<1x48x128xf32, #tpu.memory_space<vmem>>
        %dma_wait3A_411 = tpu.memref_squeeze %dma_wait3A_410 : memref<1x48x128xf32, #tpu.memory_space<vmem>> -> memref<48x128xf32, #tpu.memory_space<vmem>>
        %dma_wait3A_412 = arith.constant 0 : i32
        %dma_wait3A_413 = tpu.memref_slice %arg5[%dma_wait3A_405, %dma_wait3A_406, %dma_wait3A_412] : memref<10x2x48xi32, #tpu.memory_space<vmem>> -> memref<1x1x48xi32, #tpu.memory_space<vmem>>
        %dma_wait3A_414 = tpu.memref_squeeze %dma_wait3A_413 : memref<1x1x48xi32, #tpu.memory_space<vmem>> -> memref<48xi32, #tpu.memory_space<vmem>>
        %dma_wait3A_415 = arith.constant 0 : i32
        %dma_wait3A_416 = arith.constant 0 : i32
        %dma_wait3A_417 = tpu.memref_slice %arg2[%dma_wait3A_415, %dma_wait3A_416] : memref<10240x128xf32, #tpu.memory_space<hbm>> -> memref<10240x128xf32, #tpu.memory_space<hbm>>
        tpu.wait_indirect_dma semaphore(%arg19 : memref<!tpu.dma_semaphore, #tpu.memory_space<semaphore_mem>>) src(%dma_wait3A_417 : memref<10240x128xf32, #tpu.memory_space<hbm>>) dst(%dma_wait3A_411 : memref<48x128xf32, #tpu.memory_space<vmem>>)
        %dma_start3A_418 = arith.constant 1 : i32
        %dma_start3A_419 = arith.constant 1 : i32
        %dma_start3A_420 = arith.constant 1 : i32
        %dma_start3A_421 = arith.constant 0 : i32
        %dma_start3A_422 = arith.constant 0 : i32
        %dma_start3A_423 = tpu.memref_slice %arg6[%dma_start3A_418, %dma_start3A_421, %dma_start3A_422] : memref<5x48x128xf32, #tpu.memory_space<vmem>> -> memref<1x48x128xf32, #tpu.memory_space<vmem>>
        %dma_start3A_424 = tpu.memref_squeeze %dma_start3A_423 : memref<1x48x128xf32, #tpu.memory_space<vmem>> -> memref<48x128xf32, #tpu.memory_space<vmem>>
        %dma_start3A_425 = arith.constant 0 : i32
        %dma_start3A_426 = tpu.memref_slice %arg5[%dma_start3A_419, %dma_start3A_420, %dma_start3A_425] : memref<10x2x48xi32, #tpu.memory_space<vmem>> -> memref<1x1x48xi32, #tpu.memory_space<vmem>>
        %dma_start3A_427 = tpu.memref_squeeze %dma_start3A_426 : memref<1x1x48xi32, #tpu.memory_space<vmem>> -> memref<48xi32, #tpu.memory_space<vmem>>
        %dma_start3A_428 = arith.constant 0 : i32
        %dma_start3A_429 = arith.constant 0 : i32
        %dma_start3A_430 = tpu.memref_slice %arg7[%dma_start3A_428, %dma_start3A_429] : memref<10240x128xf32, #tpu.memory_space<vmem_shared>> -> memref<10240x128xf32, #tpu.memory_space<vmem_shared>>
        tpu.enqueue_indirect_dma source(%dma_start3A_424 : memref<48x128xf32, #tpu.memory_space<vmem>>) target(%dma_start3A_430 : memref<10240x128xf32, #tpu.memory_space<vmem_shared>>) offsets(%dma_start3A_427 : memref<48xi32, #tpu.memory_space<vmem>>) semaphore(%arg24 : memref<!tpu.dma_semaphore, #tpu.memory_space<semaphore_mem>>) {add = true}
      } else {
      }
      %mul3A_141 = arith.constant 10 : i32
      %mul3A_142 = arith.muli %mul3A_141, %scan3A_80 : i32
      %add3A_143 = arith.constant 2 : i32
      %add3A_144 = arith.addi %mul3A_142, %add3A_143 : i32
      %ge3A_145 = arith.constant 4 : i32
      %ge3A_146 = arith.cmpi sge, %add3A_144, %ge3A_145 : i32
      %sub3A_147 = arith.constant 4 : i32
      %sub3A_148 = arith.subi %add3A_144, %sub3A_147 : i32
      %lt3A_149 = arith.constant 209 : i32
      %lt3A_150 = arith.cmpi slt, %sub3A_148, %lt3A_149 : i32
      %and3A_151 = arith.andi %ge3A_146, %lt3A_150 : i1
      %convert_element_type3A_152 = arith.extui %and3A_151 : i1 to i32
      %cond3A_153 = arith.constant 0 : i32
      %cond3A_154 = arith.cmpi ne, %convert_element_type3A_152, %cond3A_153 : i32
      scf.if %cond3A_154 {
        %dma_wait3A_405 = arith.constant 3 : i32
        %dma_wait3A_406 = arith.constant 8 : i32
        %dma_wait3A_407 = arith.constant 1 : i32
        %dma_wait3A_408 = arith.constant 0 : i32
        %dma_wait3A_409 = arith.constant 0 : i32
        %dma_wait3A_410 = tpu.memref_slice %arg6[%dma_wait3A_405, %dma_wait3A_408, %dma_wait3A_409] : memref<5x48x128xf32, #tpu.memory_space<vmem>> -> memref<1x48x128xf32, #tpu.memory_space<vmem>>
        %dma_wait3A_411 = tpu.memref_squeeze %dma_wait3A_410 : memref<1x48x128xf32, #tpu.memory_space<vmem>> -> memref<48x128xf32, #tpu.memory_space<vmem>>
        %dma_wait3A_412 = arith.constant 0 : i32
        %dma_wait3A_413 = tpu.memref_slice %arg5[%dma_wait3A_406, %dma_wait3A_407, %dma_wait3A_412] : memref<10x2x48xi32, #tpu.memory_space<vmem>> -> memref<1x1x48xi32, #tpu.memory_space<vmem>>
        %dma_wait3A_414 = tpu.memref_squeeze %dma_wait3A_413 : memref<1x1x48xi32, #tpu.memory_space<vmem>> -> memref<48xi32, #tpu.memory_space<vmem>>
        %dma_wait3A_415 = arith.constant 0 : i32
        %dma_wait3A_416 = arith.constant 0 : i32
        %dma_wait3A_417 = tpu.memref_slice %arg7[%dma_wait3A_415, %dma_wait3A_416] : memref<10240x128xf32, #tpu.memory_space<vmem_shared>> -> memref<10240x128xf32, #tpu.memory_space<vmem_shared>>
        tpu.wait_indirect_dma semaphore(%arg26 : memref<!tpu.dma_semaphore, #tpu.memory_space<semaphore_mem>>) src(%dma_wait3A_411 : memref<48x128xf32, #tpu.memory_space<vmem>>) dst(%dma_wait3A_417 : memref<10240x128xf32, #tpu.memory_space<vmem_shared>>)
      } else {
      }
      %add3A_155 = arith.constant 2 : i32
      %add3A_156 = arith.addi %add3A_144, %add3A_155 : i32
      %lt3A_157 = arith.constant 209 : i32
      %lt3A_158 = arith.cmpi slt, %add3A_156, %lt3A_157 : i32
      %convert_element_type3A_159 = arith.extui %lt3A_158 : i1 to i32
      %cond3A_160 = arith.constant 0 : i32
      %cond3A_161 = arith.cmpi ne, %convert_element_type3A_159, %cond3A_160 : i32
      scf.if %cond3A_161 {
        %add3A_405 = arith.constant 2 : i32
        %add3A_406 = arith.addi %add3A_144, %add3A_405 : i32
        %dma_start3A_407 = arith.constant 4 : i32
        %dma_start3A_408 = arith.constant 0 : i32
        %dma_start3A_409 = arith.constant 0 : i32
        %dma_start3A_410 = tpu.memref_slice %arg5[%dma_start3A_407, %dma_start3A_408, %dma_start3A_409] : memref<10x2x48xi32, #tpu.memory_space<vmem>> -> memref<1x2x48xi32, #tpu.memory_space<vmem>>
        %dma_start3A_411 = tpu.memref_squeeze %dma_start3A_410 : memref<1x2x48xi32, #tpu.memory_space<vmem>> -> memref<2x48xi32, #tpu.memory_space<vmem>>
        %dma_start3A_412 = arith.constant 0 : i32
        %dma_start3A_413 = arith.constant 0 : i32
        %dma_start3A_414 = tpu.memref_slice %arg3[%add3A, %add3A_406, %dma_start3A_412, %dma_start3A_413] : memref<32x209x2x48xi32, #tpu.memory_space<hbm>> -> memref<1x1x2x48xi32, #tpu.memory_space<hbm>>
        %dma_start3A_415 = tpu.memref_squeeze %dma_start3A_414 : memref<1x1x2x48xi32, #tpu.memory_space<hbm>> -> memref<2x48xi32, #tpu.memory_space<hbm>>
        %dma_start3A_416 = arith.constant 0 : i32
        %dma_start3A_417 = arith.constant 0 : i32
        %dma_start3A_418 = tpu.memref_slice %arg5[%dma_start3A_407, %dma_start3A_416, %dma_start3A_417] : memref<10x2x48xi32, #tpu.memory_space<vmem>> -> memref<1x2x48xi32, #tpu.memory_space<vmem>>
        %dma_start3A_419 = tpu.memref_squeeze %dma_start3A_418 : memref<1x2x48xi32, #tpu.memory_space<vmem>> -> memref<2x48xi32, #tpu.memory_space<vmem>>
        %dma_start3A_420 = arith.constant 0 : i32
        %dma_start3A_421 = arith.constant 0 : i32
        %dma_start3A_422 = tpu.memref_slice %arg3[%add3A, %add3A_406, %dma_start3A_420, %dma_start3A_421] : memref<32x209x2x48xi32, #tpu.memory_space<hbm>> -> memref<1x1x2x48xi32, #tpu.memory_space<hbm>>
        %dma_start3A_423 = tpu.memref_squeeze %dma_start3A_422 : memref<1x1x2x48xi32, #tpu.memory_space<hbm>> -> memref<2x48xi32, #tpu.memory_space<hbm>>
        tpu.enqueue_dma source(%dma_start3A_423 : memref<2x48xi32, #tpu.memory_space<hbm>>) target(%dma_start3A_419 : memref<2x48xi32, #tpu.memory_space<vmem>>) target_semaphore(%arg12 : memref<!tpu.dma_semaphore, #tpu.memory_space<semaphore_mem>>)
      } else {
      }
      %add3A_162 = arith.constant 1 : i32
      %add3A_163 = arith.addi %add3A_144, %add3A_162 : i32
      %lt3A_164 = arith.constant 209 : i32
      %lt3A_165 = arith.cmpi slt, %add3A_163, %lt3A_164 : i32
      %convert_element_type3A_166 = arith.extui %lt3A_165 : i1 to i32
      %cond3A_167 = arith.constant 0 : i32
      %cond3A_168 = arith.cmpi ne, %convert_element_type3A_166, %cond3A_167 : i32
      scf.if %cond3A_168 {
        %add3A_405 = arith.constant 1 : i32
        %add3A_406 = arith.addi %add3A_144, %add3A_405 : i32
        %dma_wait3A_407 = arith.constant 3 : i32
        %dma_wait3A_408 = arith.constant 0 : i32
        %dma_wait3A_409 = arith.constant 0 : i32
        %dma_wait3A_410 = tpu.memref_slice %arg5[%dma_wait3A_407, %dma_wait3A_408, %dma_wait3A_409] : memref<10x2x48xi32, #tpu.memory_space<vmem>> -> memref<1x2x48xi32, #tpu.memory_space<vmem>>
        %dma_wait3A_411 = tpu.memref_squeeze %dma_wait3A_410 : memref<1x2x48xi32, #tpu.memory_space<vmem>> -> memref<2x48xi32, #tpu.memory_space<vmem>>
        %dma_wait3A_412 = arith.constant 0 : i32
        %dma_wait3A_413 = arith.constant 0 : i32
        %dma_wait3A_414 = tpu.memref_slice %arg3[%add3A, %add3A_406, %dma_wait3A_412, %dma_wait3A_413] : memref<32x209x2x48xi32, #tpu.memory_space<hbm>> -> memref<1x1x2x48xi32, #tpu.memory_space<hbm>>
        %dma_wait3A_415 = tpu.memref_squeeze %dma_wait3A_414 : memref<1x1x2x48xi32, #tpu.memory_space<hbm>> -> memref<2x48xi32, #tpu.memory_space<hbm>>
        %dma_wait3A_416 = arith.constant 0 : i32
        %dma_wait3A_417 = arith.constant 0 : i32
        %dma_wait3A_418 = tpu.memref_slice %arg5[%dma_wait3A_407, %dma_wait3A_416, %dma_wait3A_417] : memref<10x2x48xi32, #tpu.memory_space<vmem>> -> memref<1x2x48xi32, #tpu.memory_space<vmem>>
        %dma_wait3A_419 = tpu.memref_squeeze %dma_wait3A_418 : memref<1x2x48xi32, #tpu.memory_space<vmem>> -> memref<2x48xi32, #tpu.memory_space<vmem>>
        %dma_wait3A_420 = arith.constant 0 : i32
        %dma_wait3A_421 = arith.constant 0 : i32
        %dma_wait3A_422 = tpu.memref_slice %arg3[%add3A, %add3A_406, %dma_wait3A_420, %dma_wait3A_421] : memref<32x209x2x48xi32, #tpu.memory_space<hbm>> -> memref<1x1x2x48xi32, #tpu.memory_space<hbm>>
        %dma_wait3A_423 = tpu.memref_squeeze %dma_wait3A_422 : memref<1x1x2x48xi32, #tpu.memory_space<hbm>> -> memref<2x48xi32, #tpu.memory_space<hbm>>
        tpu.wait_dma2 semaphore(%arg11 : memref<!tpu.dma_semaphore, #tpu.memory_space<semaphore_mem>>) src(%dma_wait3A_423 : memref<2x48xi32, #tpu.memory_space<hbm>>) dst(%dma_wait3A_419 : memref<2x48xi32, #tpu.memory_space<vmem>>)
        %dma_start3A_424 = arith.constant 3 : i32
        %dma_start3A_425 = arith.constant 0 : i32
        %dma_start3A_426 = arith.constant 3 : i32
        %dma_start3A_427 = arith.constant 0 : i32
        %dma_start3A_428 = arith.constant 0 : i32
        %dma_start3A_429 = tpu.memref_slice %arg6[%dma_start3A_426, %dma_start3A_427, %dma_start3A_428] : memref<5x48x128xf32, #tpu.memory_space<vmem>> -> memref<1x48x128xf32, #tpu.memory_space<vmem>>
        %dma_start3A_430 = tpu.memref_squeeze %dma_start3A_429 : memref<1x48x128xf32, #tpu.memory_space<vmem>> -> memref<48x128xf32, #tpu.memory_space<vmem>>
        %dma_start3A_431 = arith.constant 0 : i32
        %dma_start3A_432 = tpu.memref_slice %arg5[%dma_start3A_424, %dma_start3A_425, %dma_start3A_431] : memref<10x2x48xi32, #tpu.memory_space<vmem>> -> memref<1x1x48xi32, #tpu.memory_space<vmem>>
        %dma_start3A_433 = tpu.memref_squeeze %dma_start3A_432 : memref<1x1x48xi32, #tpu.memory_space<vmem>> -> memref<48xi32, #tpu.memory_space<vmem>>
        %dma_start3A_434 = arith.constant 0 : i32
        %dma_start3A_435 = arith.constant 0 : i32
        %dma_start3A_436 = tpu.memref_slice %arg2[%dma_start3A_434, %dma_start3A_435] : memref<10240x128xf32, #tpu.memory_space<hbm>> -> memref<10240x128xf32, #tpu.memory_space<hbm>>
        tpu.enqueue_indirect_dma source(%dma_start3A_436 : memref<10240x128xf32, #tpu.memory_space<hbm>>) target(%dma_start3A_430 : memref<48x128xf32, #tpu.memory_space<vmem>>) offsets(%dma_start3A_433 : memref<48xi32, #tpu.memory_space<vmem>>) semaphore(%arg21 : memref<!tpu.dma_semaphore, #tpu.memory_space<semaphore_mem>>)
      } else {
      }
      %lt3A_169 = arith.constant 209 : i32
      %lt3A_170 = arith.cmpi slt, %add3A_144, %lt3A_169 : i32
      %convert_element_type3A_171 = arith.extui %lt3A_170 : i1 to i32
      %cond3A_172 = arith.constant 0 : i32
      %cond3A_173 = arith.cmpi ne, %convert_element_type3A_171, %cond3A_172 : i32
      scf.if %cond3A_173 {
        %dma_wait3A_405 = arith.constant 2 : i32
        %dma_wait3A_406 = arith.constant 0 : i32
        %dma_wait3A_407 = arith.constant 2 : i32
        %dma_wait3A_408 = arith.constant 0 : i32
        %dma_wait3A_409 = arith.constant 0 : i32
        %dma_wait3A_410 = tpu.memref_slice %arg6[%dma_wait3A_407, %dma_wait3A_408, %dma_wait3A_409] : memref<5x48x128xf32, #tpu.memory_space<vmem>> -> memref<1x48x128xf32, #tpu.memory_space<vmem>>
        %dma_wait3A_411 = tpu.memref_squeeze %dma_wait3A_410 : memref<1x48x128xf32, #tpu.memory_space<vmem>> -> memref<48x128xf32, #tpu.memory_space<vmem>>
        %dma_wait3A_412 = arith.constant 0 : i32
        %dma_wait3A_413 = tpu.memref_slice %arg5[%dma_wait3A_405, %dma_wait3A_406, %dma_wait3A_412] : memref<10x2x48xi32, #tpu.memory_space<vmem>> -> memref<1x1x48xi32, #tpu.memory_space<vmem>>
        %dma_wait3A_414 = tpu.memref_squeeze %dma_wait3A_413 : memref<1x1x48xi32, #tpu.memory_space<vmem>> -> memref<48xi32, #tpu.memory_space<vmem>>
        %dma_wait3A_415 = arith.constant 0 : i32
        %dma_wait3A_416 = arith.constant 0 : i32
        %dma_wait3A_417 = tpu.memref_slice %arg2[%dma_wait3A_415, %dma_wait3A_416] : memref<10240x128xf32, #tpu.memory_space<hbm>> -> memref<10240x128xf32, #tpu.memory_space<hbm>>
        tpu.wait_indirect_dma semaphore(%arg20 : memref<!tpu.dma_semaphore, #tpu.memory_space<semaphore_mem>>) src(%dma_wait3A_417 : memref<10240x128xf32, #tpu.memory_space<hbm>>) dst(%dma_wait3A_411 : memref<48x128xf32, #tpu.memory_space<vmem>>)
        %dma_start3A_418 = arith.constant 2 : i32
        %dma_start3A_419 = arith.constant 2 : i32
        %dma_start3A_420 = arith.constant 1 : i32
        %dma_start3A_421 = arith.constant 0 : i32
        %dma_start3A_422 = arith.constant 0 : i32
        %dma_start3A_423 = tpu.memref_slice %arg6[%dma_start3A_418, %dma_start3A_421, %dma_start3A_422] : memref<5x48x128xf32, #tpu.memory_space<vmem>> -> memref<1x48x128xf32, #tpu.memory_space<vmem>>
        %dma_start3A_424 = tpu.memref_squeeze %dma_start3A_423 : memref<1x48x128xf32, #tpu.memory_space<vmem>> -> memref<48x128xf32, #tpu.memory_space<vmem>>
        %dma_start3A_425 = arith.constant 0 : i32
        %dma_start3A_426 = tpu.memref_slice %arg5[%dma_start3A_419, %dma_start3A_420, %dma_start3A_425] : memref<10x2x48xi32, #tpu.memory_space<vmem>> -> memref<1x1x48xi32, #tpu.memory_space<vmem>>
        %dma_start3A_427 = tpu.memref_squeeze %dma_start3A_426 : memref<1x1x48xi32, #tpu.memory_space<vmem>> -> memref<48xi32, #tpu.memory_space<vmem>>
        %dma_start3A_428 = arith.constant 0 : i32
        %dma_start3A_429 = arith.constant 0 : i32
        %dma_start3A_430 = tpu.memref_slice %arg7[%dma_start3A_428, %dma_start3A_429] : memref<10240x128xf32, #tpu.memory_space<vmem_shared>> -> memref<10240x128xf32, #tpu.memory_space<vmem_shared>>
        tpu.enqueue_indirect_dma source(%dma_start3A_424 : memref<48x128xf32, #tpu.memory_space<vmem>>) target(%dma_start3A_430 : memref<10240x128xf32, #tpu.memory_space<vmem_shared>>) offsets(%dma_start3A_427 : memref<48xi32, #tpu.memory_space<vmem>>) semaphore(%arg25 : memref<!tpu.dma_semaphore, #tpu.memory_space<semaphore_mem>>) {add = true}
      } else {
      }
      %mul3A_174 = arith.constant 10 : i32
      %mul3A_175 = arith.muli %mul3A_174, %scan3A_80 : i32
      %add3A_176 = arith.constant 3 : i32
      %add3A_177 = arith.addi %mul3A_175, %add3A_176 : i32
      %ge3A_178 = arith.constant 4 : i32
      %ge3A_179 = arith.cmpi sge, %add3A_177, %ge3A_178 : i32
      %sub3A_180 = arith.constant 4 : i32
      %sub3A_181 = arith.subi %add3A_177, %sub3A_180 : i32
      %lt3A_182 = arith.constant 209 : i32
      %lt3A_183 = arith.cmpi slt, %sub3A_181, %lt3A_182 : i32
      %and3A_184 = arith.andi %ge3A_179, %lt3A_183 : i1
      %convert_element_type3A_185 = arith.extui %and3A_184 : i1 to i32
      %cond3A_186 = arith.constant 0 : i32
      %cond3A_187 = arith.cmpi ne, %convert_element_type3A_185, %cond3A_186 : i32
      scf.if %cond3A_187 {
        %dma_wait3A_405 = arith.constant 4 : i32
        %dma_wait3A_406 = arith.constant 9 : i32
        %dma_wait3A_407 = arith.constant 1 : i32
        %dma_wait3A_408 = arith.constant 0 : i32
        %dma_wait3A_409 = arith.constant 0 : i32
        %dma_wait3A_410 = tpu.memref_slice %arg6[%dma_wait3A_405, %dma_wait3A_408, %dma_wait3A_409] : memref<5x48x128xf32, #tpu.memory_space<vmem>> -> memref<1x48x128xf32, #tpu.memory_space<vmem>>
        %dma_wait3A_411 = tpu.memref_squeeze %dma_wait3A_410 : memref<1x48x128xf32, #tpu.memory_space<vmem>> -> memref<48x128xf32, #tpu.memory_space<vmem>>
        %dma_wait3A_412 = arith.constant 0 : i32
        %dma_wait3A_413 = tpu.memref_slice %arg5[%dma_wait3A_406, %dma_wait3A_407, %dma_wait3A_412] : memref<10x2x48xi32, #tpu.memory_space<vmem>> -> memref<1x1x48xi32, #tpu.memory_space<vmem>>
        %dma_wait3A_414 = tpu.memref_squeeze %dma_wait3A_413 : memref<1x1x48xi32, #tpu.memory_space<vmem>> -> memref<48xi32, #tpu.memory_space<vmem>>
        %dma_wait3A_415 = arith.constant 0 : i32
        %dma_wait3A_416 = arith.constant 0 : i32
        %dma_wait3A_417 = tpu.memref_slice %arg7[%dma_wait3A_415, %dma_wait3A_416] : memref<10240x128xf32, #tpu.memory_space<vmem_shared>> -> memref<10240x128xf32, #tpu.memory_space<vmem_shared>>
        tpu.wait_indirect_dma semaphore(%arg27 : memref<!tpu.dma_semaphore, #tpu.memory_space<semaphore_mem>>) src(%dma_wait3A_411 : memref<48x128xf32, #tpu.memory_space<vmem>>) dst(%dma_wait3A_417 : memref<10240x128xf32, #tpu.memory_space<vmem_shared>>)
      } else {
      }
      %add3A_188 = arith.constant 2 : i32
      %add3A_189 = arith.addi %add3A_177, %add3A_188 : i32
      %lt3A_190 = arith.constant 209 : i32
      %lt3A_191 = arith.cmpi slt, %add3A_189, %lt3A_190 : i32
      %convert_element_type3A_192 = arith.extui %lt3A_191 : i1 to i32
      %cond3A_193 = arith.constant 0 : i32
      %cond3A_194 = arith.cmpi ne, %convert_element_type3A_192, %cond3A_193 : i32
      scf.if %cond3A_194 {
        %add3A_405 = arith.constant 2 : i32
        %add3A_406 = arith.addi %add3A_177, %add3A_405 : i32
        %dma_start3A_407 = arith.constant 5 : i32
        %dma_start3A_408 = arith.constant 0 : i32
        %dma_start3A_409 = arith.constant 0 : i32
        %dma_start3A_410 = tpu.memref_slice %arg5[%dma_start3A_407, %dma_start3A_408, %dma_start3A_409] : memref<10x2x48xi32, #tpu.memory_space<vmem>> -> memref<1x2x48xi32, #tpu.memory_space<vmem>>
        %dma_start3A_411 = tpu.memref_squeeze %dma_start3A_410 : memref<1x2x48xi32, #tpu.memory_space<vmem>> -> memref<2x48xi32, #tpu.memory_space<vmem>>
        %dma_start3A_412 = arith.constant 0 : i32
        %dma_start3A_413 = arith.constant 0 : i32
        %dma_start3A_414 = tpu.memref_slice %arg3[%add3A, %add3A_406, %dma_start3A_412, %dma_start3A_413] : memref<32x209x2x48xi32, #tpu.memory_space<hbm>> -> memref<1x1x2x48xi32, #tpu.memory_space<hbm>>
        %dma_start3A_415 = tpu.memref_squeeze %dma_start3A_414 : memref<1x1x2x48xi32, #tpu.memory_space<hbm>> -> memref<2x48xi32, #tpu.memory_space<hbm>>
        %dma_start3A_416 = arith.constant 0 : i32
        %dma_start3A_417 = arith.constant 0 : i32
        %dma_start3A_418 = tpu.memref_slice %arg5[%dma_start3A_407, %dma_start3A_416, %dma_start3A_417] : memref<10x2x48xi32, #tpu.memory_space<vmem>> -> memref<1x2x48xi32, #tpu.memory_space<vmem>>
        %dma_start3A_419 = tpu.memref_squeeze %dma_start3A_418 : memref<1x2x48xi32, #tpu.memory_space<vmem>> -> memref<2x48xi32, #tpu.memory_space<vmem>>
        %dma_start3A_420 = arith.constant 0 : i32
        %dma_start3A_421 = arith.constant 0 : i32
        %dma_start3A_422 = tpu.memref_slice %arg3[%add3A, %add3A_406, %dma_start3A_420, %dma_start3A_421] : memref<32x209x2x48xi32, #tpu.memory_space<hbm>> -> memref<1x1x2x48xi32, #tpu.memory_space<hbm>>
        %dma_start3A_423 = tpu.memref_squeeze %dma_start3A_422 : memref<1x1x2x48xi32, #tpu.memory_space<hbm>> -> memref<2x48xi32, #tpu.memory_space<hbm>>
        tpu.enqueue_dma source(%dma_start3A_423 : memref<2x48xi32, #tpu.memory_space<hbm>>) target(%dma_start3A_419 : memref<2x48xi32, #tpu.memory_space<vmem>>) target_semaphore(%arg13 : memref<!tpu.dma_semaphore, #tpu.memory_space<semaphore_mem>>)
      } else {
      }
      %add3A_195 = arith.constant 1 : i32
      %add3A_196 = arith.addi %add3A_177, %add3A_195 : i32
      %lt3A_197 = arith.constant 209 : i32
      %lt3A_198 = arith.cmpi slt, %add3A_196, %lt3A_197 : i32
      %convert_element_type3A_199 = arith.extui %lt3A_198 : i1 to i32
      %cond3A_200 = arith.constant 0 : i32
      %cond3A_201 = arith.cmpi ne, %convert_element_type3A_199, %cond3A_200 : i32
      scf.if %cond3A_201 {
        %add3A_405 = arith.constant 1 : i32
        %add3A_406 = arith.addi %add3A_177, %add3A_405 : i32
        %dma_wait3A_407 = arith.constant 4 : i32
        %dma_wait3A_408 = arith.constant 0 : i32
        %dma_wait3A_409 = arith.constant 0 : i32
        %dma_wait3A_410 = tpu.memref_slice %arg5[%dma_wait3A_407, %dma_wait3A_408, %dma_wait3A_409] : memref<10x2x48xi32, #tpu.memory_space<vmem>> -> memref<1x2x48xi32, #tpu.memory_space<vmem>>
        %dma_wait3A_411 = tpu.memref_squeeze %dma_wait3A_410 : memref<1x2x48xi32, #tpu.memory_space<vmem>> -> memref<2x48xi32, #tpu.memory_space<vmem>>
        %dma_wait3A_412 = arith.constant 0 : i32
        %dma_wait3A_413 = arith.constant 0 : i32
        %dma_wait3A_414 = tpu.memref_slice %arg3[%add3A, %add3A_406, %dma_wait3A_412, %dma_wait3A_413] : memref<32x209x2x48xi32, #tpu.memory_space<hbm>> -> memref<1x1x2x48xi32, #tpu.memory_space<hbm>>
        %dma_wait3A_415 = tpu.memref_squeeze %dma_wait3A_414 : memref<1x1x2x48xi32, #tpu.memory_space<hbm>> -> memref<2x48xi32, #tpu.memory_space<hbm>>
        %dma_wait3A_416 = arith.constant 0 : i32
        %dma_wait3A_417 = arith.constant 0 : i32
        %dma_wait3A_418 = tpu.memref_slice %arg5[%dma_wait3A_407, %dma_wait3A_416, %dma_wait3A_417] : memref<10x2x48xi32, #tpu.memory_space<vmem>> -> memref<1x2x48xi32, #tpu.memory_space<vmem>>
        %dma_wait3A_419 = tpu.memref_squeeze %dma_wait3A_418 : memref<1x2x48xi32, #tpu.memory_space<vmem>> -> memref<2x48xi32, #tpu.memory_space<vmem>>
        %dma_wait3A_420 = arith.constant 0 : i32
        %dma_wait3A_421 = arith.constant 0 : i32
        %dma_wait3A_422 = tpu.memref_slice %arg3[%add3A, %add3A_406, %dma_wait3A_420, %dma_wait3A_421] : memref<32x209x2x48xi32, #tpu.memory_space<hbm>> -> memref<1x1x2x48xi32, #tpu.memory_space<hbm>>
        %dma_wait3A_423 = tpu.memref_squeeze %dma_wait3A_422 : memref<1x1x2x48xi32, #tpu.memory_space<hbm>> -> memref<2x48xi32, #tpu.memory_space<hbm>>
        tpu.wait_dma2 semaphore(%arg12 : memref<!tpu.dma_semaphore, #tpu.memory_space<semaphore_mem>>) src(%dma_wait3A_423 : memref<2x48xi32, #tpu.memory_space<hbm>>) dst(%dma_wait3A_419 : memref<2x48xi32, #tpu.memory_space<vmem>>)
        %dma_start3A_424 = arith.constant 4 : i32
        %dma_start3A_425 = arith.constant 0 : i32
        %dma_start3A_426 = arith.constant 4 : i32
        %dma_start3A_427 = arith.constant 0 : i32
        %dma_start3A_428 = arith.constant 0 : i32
        %dma_start3A_429 = tpu.memref_slice %arg6[%dma_start3A_426, %dma_start3A_427, %dma_start3A_428] : memref<5x48x128xf32, #tpu.memory_space<vmem>> -> memref<1x48x128xf32, #tpu.memory_space<vmem>>
        %dma_start3A_430 = tpu.memref_squeeze %dma_start3A_429 : memref<1x48x128xf32, #tpu.memory_space<vmem>> -> memref<48x128xf32, #tpu.memory_space<vmem>>
        %dma_start3A_431 = arith.constant 0 : i32
        %dma_start3A_432 = tpu.memref_slice %arg5[%dma_start3A_424, %dma_start3A_425, %dma_start3A_431] : memref<10x2x48xi32, #tpu.memory_space<vmem>> -> memref<1x1x48xi32, #tpu.memory_space<vmem>>
        %dma_start3A_433 = tpu.memref_squeeze %dma_start3A_432 : memref<1x1x48xi32, #tpu.memory_space<vmem>> -> memref<48xi32, #tpu.memory_space<vmem>>
        %dma_start3A_434 = arith.constant 0 : i32
        %dma_start3A_435 = arith.constant 0 : i32
        %dma_start3A_436 = tpu.memref_slice %arg2[%dma_start3A_434, %dma_start3A_435] : memref<10240x128xf32, #tpu.memory_space<hbm>> -> memref<10240x128xf32, #tpu.memory_space<hbm>>
        tpu.enqueue_indirect_dma source(%dma_start3A_436 : memref<10240x128xf32, #tpu.memory_space<hbm>>) target(%dma_start3A_430 : memref<48x128xf32, #tpu.memory_space<vmem>>) offsets(%dma_start3A_433 : memref<48xi32, #tpu.memory_space<vmem>>) semaphore(%arg22 : memref<!tpu.dma_semaphore, #tpu.memory_space<semaphore_mem>>)
      } else {
      }
      %lt3A_202 = arith.constant 209 : i32
      %lt3A_203 = arith.cmpi slt, %add3A_177, %lt3A_202 : i32
      %convert_element_type3A_204 = arith.extui %lt3A_203 : i1 to i32
      %cond3A_205 = arith.constant 0 : i32
      %cond3A_206 = arith.cmpi ne, %convert_element_type3A_204, %cond3A_205 : i32
      scf.if %cond3A_206 {
        %dma_wait3A_405 = arith.constant 3 : i32
        %dma_wait3A_406 = arith.constant 0 : i32
        %dma_wait3A_407 = arith.constant 3 : i32
        %dma_wait3A_408 = arith.constant 0 : i32
        %dma_wait3A_409 = arith.constant 0 : i32
        %dma_wait3A_410 = tpu.memref_slice %arg6[%dma_wait3A_407, %dma_wait3A_408, %dma_wait3A_409] : memref<5x48x128xf32, #tpu.memory_space<vmem>> -> memref<1x48x128xf32, #tpu.memory_space<vmem>>
        %dma_wait3A_411 = tpu.memref_squeeze %dma_wait3A_410 : memref<1x48x128xf32, #tpu.memory_space<vmem>> -> memref<48x128xf32, #tpu.memory_space<vmem>>
        %dma_wait3A_412 = arith.constant 0 : i32
        %dma_wait3A_413 = tpu.memref_slice %arg5[%dma_wait3A_405, %dma_wait3A_406, %dma_wait3A_412] : memref<10x2x48xi32, #tpu.memory_space<vmem>> -> memref<1x1x48xi32, #tpu.memory_space<vmem>>
        %dma_wait3A_414 = tpu.memref_squeeze %dma_wait3A_413 : memref<1x1x48xi32, #tpu.memory_space<vmem>> -> memref<48xi32, #tpu.memory_space<vmem>>
        %dma_wait3A_415 = arith.constant 0 : i32
        %dma_wait3A_416 = arith.constant 0 : i32
        %dma_wait3A_417 = tpu.memref_slice %arg2[%dma_wait3A_415, %dma_wait3A_416] : memref<10240x128xf32, #tpu.memory_space<hbm>> -> memref<10240x128xf32, #tpu.memory_space<hbm>>
        tpu.wait_indirect_dma semaphore(%arg21 : memref<!tpu.dma_semaphore, #tpu.memory_space<semaphore_mem>>) src(%dma_wait3A_417 : memref<10240x128xf32, #tpu.memory_space<hbm>>) dst(%dma_wait3A_411 : memref<48x128xf32, #tpu.memory_space<vmem>>)
        %dma_start3A_418 = arith.constant 3 : i32
        %dma_start3A_419 = arith.constant 3 : i32
        %dma_start3A_420 = arith.constant 1 : i32
        %dma_start3A_421 = arith.constant 0 : i32
        %dma_start3A_422 = arith.constant 0 : i32
        %dma_start3A_423 = tpu.memref_slice %arg6[%dma_start3A_418, %dma_start3A_421, %dma_start3A_422] : memref<5x48x128xf32, #tpu.memory_space<vmem>> -> memref<1x48x128xf32, #tpu.memory_space<vmem>>
        %dma_start3A_424 = tpu.memref_squeeze %dma_start3A_423 : memref<1x48x128xf32, #tpu.memory_space<vmem>> -> memref<48x128xf32, #tpu.memory_space<vmem>>
        %dma_start3A_425 = arith.constant 0 : i32
        %dma_start3A_426 = tpu.memref_slice %arg5[%dma_start3A_419, %dma_start3A_420, %dma_start3A_425] : memref<10x2x48xi32, #tpu.memory_space<vmem>> -> memref<1x1x48xi32, #tpu.memory_space<vmem>>
        %dma_start3A_427 = tpu.memref_squeeze %dma_start3A_426 : memref<1x1x48xi32, #tpu.memory_space<vmem>> -> memref<48xi32, #tpu.memory_space<vmem>>
        %dma_start3A_428 = arith.constant 0 : i32
        %dma_start3A_429 = arith.constant 0 : i32
        %dma_start3A_430 = tpu.memref_slice %arg7[%dma_start3A_428, %dma_start3A_429] : memref<10240x128xf32, #tpu.memory_space<vmem_shared>> -> memref<10240x128xf32, #tpu.memory_space<vmem_shared>>
        tpu.enqueue_indirect_dma source(%dma_start3A_424 : memref<48x128xf32, #tpu.memory_space<vmem>>) target(%dma_start3A_430 : memref<10240x128xf32, #tpu.memory_space<vmem_shared>>) offsets(%dma_start3A_427 : memref<48xi32, #tpu.memory_space<vmem>>) semaphore(%arg26 : memref<!tpu.dma_semaphore, #tpu.memory_space<semaphore_mem>>) {add = true}
      } else {
      }
      %mul3A_207 = arith.constant 10 : i32
      %mul3A_208 = arith.muli %mul3A_207, %scan3A_80 : i32
      %add3A_209 = arith.constant 4 : i32
      %add3A_210 = arith.addi %mul3A_208, %add3A_209 : i32
      %ge3A_211 = arith.constant 4 : i32
      %ge3A_212 = arith.cmpi sge, %add3A_210, %ge3A_211 : i32
      %sub3A_213 = arith.constant 4 : i32
      %sub3A_214 = arith.subi %add3A_210, %sub3A_213 : i32
      %lt3A_215 = arith.constant 209 : i32
      %lt3A_216 = arith.cmpi slt, %sub3A_214, %lt3A_215 : i32
      %and3A_217 = arith.andi %ge3A_212, %lt3A_216 : i1
      %convert_element_type3A_218 = arith.extui %and3A_217 : i1 to i32
      %cond3A_219 = arith.constant 0 : i32
      %cond3A_220 = arith.cmpi ne, %convert_element_type3A_218, %cond3A_219 : i32
      scf.if %cond3A_220 {
        %dma_wait3A_405 = arith.constant 0 : i32
        %dma_wait3A_406 = arith.constant 0 : i32
        %dma_wait3A_407 = arith.constant 1 : i32
        %dma_wait3A_408 = arith.constant 0 : i32
        %dma_wait3A_409 = arith.constant 0 : i32
        %dma_wait3A_410 = tpu.memref_slice %arg6[%dma_wait3A_405, %dma_wait3A_408, %dma_wait3A_409] : memref<5x48x128xf32, #tpu.memory_space<vmem>> -> memref<1x48x128xf32, #tpu.memory_space<vmem>>
        %dma_wait3A_411 = tpu.memref_squeeze %dma_wait3A_410 : memref<1x48x128xf32, #tpu.memory_space<vmem>> -> memref<48x128xf32, #tpu.memory_space<vmem>>
        %dma_wait3A_412 = arith.constant 0 : i32
        %dma_wait3A_413 = tpu.memref_slice %arg5[%dma_wait3A_406, %dma_wait3A_407, %dma_wait3A_412] : memref<10x2x48xi32, #tpu.memory_space<vmem>> -> memref<1x1x48xi32, #tpu.memory_space<vmem>>
        %dma_wait3A_414 = tpu.memref_squeeze %dma_wait3A_413 : memref<1x1x48xi32, #tpu.memory_space<vmem>> -> memref<48xi32, #tpu.memory_space<vmem>>
        %dma_wait3A_415 = arith.constant 0 : i32
        %dma_wait3A_416 = arith.constant 0 : i32
        %dma_wait3A_417 = tpu.memref_slice %arg7[%dma_wait3A_415, %dma_wait3A_416] : memref<10240x128xf32, #tpu.memory_space<vmem_shared>> -> memref<10240x128xf32, #tpu.memory_space<vmem_shared>>
        tpu.wait_indirect_dma semaphore(%arg23 : memref<!tpu.dma_semaphore, #tpu.memory_space<semaphore_mem>>) src(%dma_wait3A_411 : memref<48x128xf32, #tpu.memory_space<vmem>>) dst(%dma_wait3A_417 : memref<10240x128xf32, #tpu.memory_space<vmem_shared>>)
      } else {
      }
      %add3A_221 = arith.constant 2 : i32
      %add3A_222 = arith.addi %add3A_210, %add3A_221 : i32
      %lt3A_223 = arith.constant 209 : i32
      %lt3A_224 = arith.cmpi slt, %add3A_222, %lt3A_223 : i32
      %convert_element_type3A_225 = arith.extui %lt3A_224 : i1 to i32
      %cond3A_226 = arith.constant 0 : i32
      %cond3A_227 = arith.cmpi ne, %convert_element_type3A_225, %cond3A_226 : i32
      scf.if %cond3A_227 {
        %add3A_405 = arith.constant 2 : i32
        %add3A_406 = arith.addi %add3A_210, %add3A_405 : i32
        %dma_start3A_407 = arith.constant 6 : i32
        %dma_start3A_408 = arith.constant 0 : i32
        %dma_start3A_409 = arith.constant 0 : i32
        %dma_start3A_410 = tpu.memref_slice %arg5[%dma_start3A_407, %dma_start3A_408, %dma_start3A_409] : memref<10x2x48xi32, #tpu.memory_space<vmem>> -> memref<1x2x48xi32, #tpu.memory_space<vmem>>
        %dma_start3A_411 = tpu.memref_squeeze %dma_start3A_410 : memref<1x2x48xi32, #tpu.memory_space<vmem>> -> memref<2x48xi32, #tpu.memory_space<vmem>>
        %dma_start3A_412 = arith.constant 0 : i32
        %dma_start3A_413 = arith.constant 0 : i32
        %dma_start3A_414 = tpu.memref_slice %arg3[%add3A, %add3A_406, %dma_start3A_412, %dma_start3A_413] : memref<32x209x2x48xi32, #tpu.memory_space<hbm>> -> memref<1x1x2x48xi32, #tpu.memory_space<hbm>>
        %dma_start3A_415 = tpu.memref_squeeze %dma_start3A_414 : memref<1x1x2x48xi32, #tpu.memory_space<hbm>> -> memref<2x48xi32, #tpu.memory_space<hbm>>
        %dma_start3A_416 = arith.constant 0 : i32
        %dma_start3A_417 = arith.constant 0 : i32
        %dma_start3A_418 = tpu.memref_slice %arg5[%dma_start3A_407, %dma_start3A_416, %dma_start3A_417] : memref<10x2x48xi32, #tpu.memory_space<vmem>> -> memref<1x2x48xi32, #tpu.memory_space<vmem>>
        %dma_start3A_419 = tpu.memref_squeeze %dma_start3A_418 : memref<1x2x48xi32, #tpu.memory_space<vmem>> -> memref<2x48xi32, #tpu.memory_space<vmem>>
        %dma_start3A_420 = arith.constant 0 : i32
        %dma_start3A_421 = arith.constant 0 : i32
        %dma_start3A_422 = tpu.memref_slice %arg3[%add3A, %add3A_406, %dma_start3A_420, %dma_start3A_421] : memref<32x209x2x48xi32, #tpu.memory_space<hbm>> -> memref<1x1x2x48xi32, #tpu.memory_space<hbm>>
        %dma_start3A_423 = tpu.memref_squeeze %dma_start3A_422 : memref<1x1x2x48xi32, #tpu.memory_space<hbm>> -> memref<2x48xi32, #tpu.memory_space<hbm>>
        tpu.enqueue_dma source(%dma_start3A_423 : memref<2x48xi32, #tpu.memory_space<hbm>>) target(%dma_start3A_419 : memref<2x48xi32, #tpu.memory_space<vmem>>) target_semaphore(%arg14 : memref<!tpu.dma_semaphore, #tpu.memory_space<semaphore_mem>>)
      } else {
      }
      %add3A_228 = arith.constant 1 : i32
      %add3A_229 = arith.addi %add3A_210, %add3A_228 : i32
      %lt3A_230 = arith.constant 209 : i32
      %lt3A_231 = arith.cmpi slt, %add3A_229, %lt3A_230 : i32
      %convert_element_type3A_232 = arith.extui %lt3A_231 : i1 to i32
      %cond3A_233 = arith.constant 0 : i32
      %cond3A_234 = arith.cmpi ne, %convert_element_type3A_232, %cond3A_233 : i32
      scf.if %cond3A_234 {
        %add3A_405 = arith.constant 1 : i32
        %add3A_406 = arith.addi %add3A_210, %add3A_405 : i32
        %dma_wait3A_407 = arith.constant 5 : i32
        %dma_wait3A_408 = arith.constant 0 : i32
        %dma_wait3A_409 = arith.constant 0 : i32
        %dma_wait3A_410 = tpu.memref_slice %arg5[%dma_wait3A_407, %dma_wait3A_408, %dma_wait3A_409] : memref<10x2x48xi32, #tpu.memory_space<vmem>> -> memref<1x2x48xi32, #tpu.memory_space<vmem>>
        %dma_wait3A_411 = tpu.memref_squeeze %dma_wait3A_410 : memref<1x2x48xi32, #tpu.memory_space<vmem>> -> memref<2x48xi32, #tpu.memory_space<vmem>>
        %dma_wait3A_412 = arith.constant 0 : i32
        %dma_wait3A_413 = arith.constant 0 : i32
        %dma_wait3A_414 = tpu.memref_slice %arg3[%add3A, %add3A_406, %dma_wait3A_412, %dma_wait3A_413] : memref<32x209x2x48xi32, #tpu.memory_space<hbm>> -> memref<1x1x2x48xi32, #tpu.memory_space<hbm>>
        %dma_wait3A_415 = tpu.memref_squeeze %dma_wait3A_414 : memref<1x1x2x48xi32, #tpu.memory_space<hbm>> -> memref<2x48xi32, #tpu.memory_space<hbm>>
        %dma_wait3A_416 = arith.constant 0 : i32
        %dma_wait3A_417 = arith.constant 0 : i32
        %dma_wait3A_418 = tpu.memref_slice %arg5[%dma_wait3A_407, %dma_wait3A_416, %dma_wait3A_417] : memref<10x2x48xi32, #tpu.memory_space<vmem>> -> memref<1x2x48xi32, #tpu.memory_space<vmem>>
        %dma_wait3A_419 = tpu.memref_squeeze %dma_wait3A_418 : memref<1x2x48xi32, #tpu.memory_space<vmem>> -> memref<2x48xi32, #tpu.memory_space<vmem>>
        %dma_wait3A_420 = arith.constant 0 : i32
        %dma_wait3A_421 = arith.constant 0 : i32
        %dma_wait3A_422 = tpu.memref_slice %arg3[%add3A, %add3A_406, %dma_wait3A_420, %dma_wait3A_421] : memref<32x209x2x48xi32, #tpu.memory_space<hbm>> -> memref<1x1x2x48xi32, #tpu.memory_space<hbm>>
        %dma_wait3A_423 = tpu.memref_squeeze %dma_wait3A_422 : memref<1x1x2x48xi32, #tpu.memory_space<hbm>> -> memref<2x48xi32, #tpu.memory_space<hbm>>
        tpu.wait_dma2 semaphore(%arg13 : memref<!tpu.dma_semaphore, #tpu.memory_space<semaphore_mem>>) src(%dma_wait3A_423 : memref<2x48xi32, #tpu.memory_space<hbm>>) dst(%dma_wait3A_419 : memref<2x48xi32, #tpu.memory_space<vmem>>)
        %dma_start3A_424 = arith.constant 5 : i32
        %dma_start3A_425 = arith.constant 0 : i32
        %dma_start3A_426 = arith.constant 0 : i32
        %dma_start3A_427 = arith.constant 0 : i32
        %dma_start3A_428 = arith.constant 0 : i32
        %dma_start3A_429 = tpu.memref_slice %arg6[%dma_start3A_426, %dma_start3A_427, %dma_start3A_428] : memref<5x48x128xf32, #tpu.memory_space<vmem>> -> memref<1x48x128xf32, #tpu.memory_space<vmem>>
        %dma_start3A_430 = tpu.memref_squeeze %dma_start3A_429 : memref<1x48x128xf32, #tpu.memory_space<vmem>> -> memref<48x128xf32, #tpu.memory_space<vmem>>
        %dma_start3A_431 = arith.constant 0 : i32
        %dma_start3A_432 = tpu.memref_slice %arg5[%dma_start3A_424, %dma_start3A_425, %dma_start3A_431] : memref<10x2x48xi32, #tpu.memory_space<vmem>> -> memref<1x1x48xi32, #tpu.memory_space<vmem>>
        %dma_start3A_433 = tpu.memref_squeeze %dma_start3A_432 : memref<1x1x48xi32, #tpu.memory_space<vmem>> -> memref<48xi32, #tpu.memory_space<vmem>>
        %dma_start3A_434 = arith.constant 0 : i32
        %dma_start3A_435 = arith.constant 0 : i32
        %dma_start3A_436 = tpu.memref_slice %arg2[%dma_start3A_434, %dma_start3A_435] : memref<10240x128xf32, #tpu.memory_space<hbm>> -> memref<10240x128xf32, #tpu.memory_space<hbm>>
        tpu.enqueue_indirect_dma source(%dma_start3A_436 : memref<10240x128xf32, #tpu.memory_space<hbm>>) target(%dma_start3A_430 : memref<48x128xf32, #tpu.memory_space<vmem>>) offsets(%dma_start3A_433 : memref<48xi32, #tpu.memory_space<vmem>>) semaphore(%arg18 : memref<!tpu.dma_semaphore, #tpu.memory_space<semaphore_mem>>)
      } else {
      }
      %lt3A_235 = arith.constant 209 : i32
      %lt3A_236 = arith.cmpi slt, %add3A_210, %lt3A_235 : i32
      %convert_element_type3A_237 = arith.extui %lt3A_236 : i1 to i32
      %cond3A_238 = arith.constant 0 : i32
      %cond3A_239 = arith.cmpi ne, %convert_element_type3A_237, %cond3A_238 : i32
      scf.if %cond3A_239 {
        %dma_wait3A_405 = arith.constant 4 : i32
        %dma_wait3A_406 = arith.constant 0 : i32
        %dma_wait3A_407 = arith.constant 4 : i32
        %dma_wait3A_408 = arith.constant 0 : i32
        %dma_wait3A_409 = arith.constant 0 : i32
        %dma_wait3A_410 = tpu.memref_slice %arg6[%dma_wait3A_407, %dma_wait3A_408, %dma_wait3A_409] : memref<5x48x128xf32, #tpu.memory_space<vmem>> -> memref<1x48x128xf32, #tpu.memory_space<vmem>>
        %dma_wait3A_411 = tpu.memref_squeeze %dma_wait3A_410 : memref<1x48x128xf32, #tpu.memory_space<vmem>> -> memref<48x128xf32, #tpu.memory_space<vmem>>
        %dma_wait3A_412 = arith.constant 0 : i32
        %dma_wait3A_413 = tpu.memref_slice %arg5[%dma_wait3A_405, %dma_wait3A_406, %dma_wait3A_412] : memref<10x2x48xi32, #tpu.memory_space<vmem>> -> memref<1x1x48xi32, #tpu.memory_space<vmem>>
        %dma_wait3A_414 = tpu.memref_squeeze %dma_wait3A_413 : memref<1x1x48xi32, #tpu.memory_space<vmem>> -> memref<48xi32, #tpu.memory_space<vmem>>
        %dma_wait3A_415 = arith.constant 0 : i32
        %dma_wait3A_416 = arith.constant 0 : i32
        %dma_wait3A_417 = tpu.memref_slice %arg2[%dma_wait3A_415, %dma_wait3A_416] : memref<10240x128xf32, #tpu.memory_space<hbm>> -> memref<10240x128xf32, #tpu.memory_space<hbm>>
        tpu.wait_indirect_dma semaphore(%arg22 : memref<!tpu.dma_semaphore, #tpu.memory_space<semaphore_mem>>) src(%dma_wait3A_417 : memref<10240x128xf32, #tpu.memory_space<hbm>>) dst(%dma_wait3A_411 : memref<48x128xf32, #tpu.memory_space<vmem>>)
        %dma_start3A_418 = arith.constant 4 : i32
        %dma_start3A_419 = arith.constant 4 : i32
        %dma_start3A_420 = arith.constant 1 : i32
        %dma_start3A_421 = arith.constant 0 : i32
        %dma_start3A_422 = arith.constant 0 : i32
        %dma_start3A_423 = tpu.memref_slice %arg6[%dma_start3A_418, %dma_start3A_421, %dma_start3A_422] : memref<5x48x128xf32, #tpu.memory_space<vmem>> -> memref<1x48x128xf32, #tpu.memory_space<vmem>>
        %dma_start3A_424 = tpu.memref_squeeze %dma_start3A_423 : memref<1x48x128xf32, #tpu.memory_space<vmem>> -> memref<48x128xf32, #tpu.memory_space<vmem>>
        %dma_start3A_425 = arith.constant 0 : i32
        %dma_start3A_426 = tpu.memref_slice %arg5[%dma_start3A_419, %dma_start3A_420, %dma_start3A_425] : memref<10x2x48xi32, #tpu.memory_space<vmem>> -> memref<1x1x48xi32, #tpu.memory_space<vmem>>
        %dma_start3A_427 = tpu.memref_squeeze %dma_start3A_426 : memref<1x1x48xi32, #tpu.memory_space<vmem>> -> memref<48xi32, #tpu.memory_space<vmem>>
        %dma_start3A_428 = arith.constant 0 : i32
        %dma_start3A_429 = arith.constant 0 : i32
        %dma_start3A_430 = tpu.memref_slice %arg7[%dma_start3A_428, %dma_start3A_429] : memref<10240x128xf32, #tpu.memory_space<vmem_shared>> -> memref<10240x128xf32, #tpu.memory_space<vmem_shared>>
        tpu.enqueue_indirect_dma source(%dma_start3A_424 : memref<48x128xf32, #tpu.memory_space<vmem>>) target(%dma_start3A_430 : memref<10240x128xf32, #tpu.memory_space<vmem_shared>>) offsets(%dma_start3A_427 : memref<48xi32, #tpu.memory_space<vmem>>) semaphore(%arg27 : memref<!tpu.dma_semaphore, #tpu.memory_space<semaphore_mem>>) {add = true}
      } else {
      }
      %mul3A_240 = arith.constant 10 : i32
      %mul3A_241 = arith.muli %mul3A_240, %scan3A_80 : i32
      %add3A_242 = arith.constant 5 : i32
      %add3A_243 = arith.addi %mul3A_241, %add3A_242 : i32
      %ge3A_244 = arith.constant 4 : i32
      %ge3A_245 = arith.cmpi sge, %add3A_243, %ge3A_244 : i32
      %sub3A_246 = arith.constant 4 : i32
      %sub3A_247 = arith.subi %add3A_243, %sub3A_246 : i32
      %lt3A_248 = arith.constant 209 : i32
      %lt3A_249 = arith.cmpi slt, %sub3A_247, %lt3A_248 : i32
      %and3A_250 = arith.andi %ge3A_245, %lt3A_249 : i1
      %convert_element_type3A_251 = arith.extui %and3A_250 : i1 to i32
      %cond3A_252 = arith.constant 0 : i32
      %cond3A_253 = arith.cmpi ne, %convert_element_type3A_251, %cond3A_252 : i32
      scf.if %cond3A_253 {
        %dma_wait3A_405 = arith.constant 1 : i32
        %dma_wait3A_406 = arith.constant 1 : i32
        %dma_wait3A_407 = arith.constant 1 : i32
        %dma_wait3A_408 = arith.constant 0 : i32
        %dma_wait3A_409 = arith.constant 0 : i32
        %dma_wait3A_410 = tpu.memref_slice %arg6[%dma_wait3A_405, %dma_wait3A_408, %dma_wait3A_409] : memref<5x48x128xf32, #tpu.memory_space<vmem>> -> memref<1x48x128xf32, #tpu.memory_space<vmem>>
        %dma_wait3A_411 = tpu.memref_squeeze %dma_wait3A_410 : memref<1x48x128xf32, #tpu.memory_space<vmem>> -> memref<48x128xf32, #tpu.memory_space<vmem>>
        %dma_wait3A_412 = arith.constant 0 : i32
        %dma_wait3A_413 = tpu.memref_slice %arg5[%dma_wait3A_406, %dma_wait3A_407, %dma_wait3A_412] : memref<10x2x48xi32, #tpu.memory_space<vmem>> -> memref<1x1x48xi32, #tpu.memory_space<vmem>>
        %dma_wait3A_414 = tpu.memref_squeeze %dma_wait3A_413 : memref<1x1x48xi32, #tpu.memory_space<vmem>> -> memref<48xi32, #tpu.memory_space<vmem>>
        %dma_wait3A_415 = arith.constant 0 : i32
        %dma_wait3A_416 = arith.constant 0 : i32
        %dma_wait3A_417 = tpu.memref_slice %arg7[%dma_wait3A_415, %dma_wait3A_416] : memref<10240x128xf32, #tpu.memory_space<vmem_shared>> -> memref<10240x128xf32, #tpu.memory_space<vmem_shared>>
        tpu.wait_indirect_dma semaphore(%arg24 : memref<!tpu.dma_semaphore, #tpu.memory_space<semaphore_mem>>) src(%dma_wait3A_411 : memref<48x128xf32, #tpu.memory_space<vmem>>) dst(%dma_wait3A_417 : memref<10240x128xf32, #tpu.memory_space<vmem_shared>>)
      } else {
      }
      %add3A_254 = arith.constant 2 : i32
      %add3A_255 = arith.addi %add3A_243, %add3A_254 : i32
      %lt3A_256 = arith.constant 209 : i32
      %lt3A_257 = arith.cmpi slt, %add3A_255, %lt3A_256 : i32
      %convert_element_type3A_258 = arith.extui %lt3A_257 : i1 to i32
      %cond3A_259 = arith.constant 0 : i32
      %cond3A_260 = arith.cmpi ne, %convert_element_type3A_258, %cond3A_259 : i32
      scf.if %cond3A_260 {
        %add3A_405 = arith.constant 2 : i32
        %add3A_406 = arith.addi %add3A_243, %add3A_405 : i32
        %dma_start3A_407 = arith.constant 7 : i32
        %dma_start3A_408 = arith.constant 0 : i32
        %dma_start3A_409 = arith.constant 0 : i32
        %dma_start3A_410 = tpu.memref_slice %arg5[%dma_start3A_407, %dma_start3A_408, %dma_start3A_409] : memref<10x2x48xi32, #tpu.memory_space<vmem>> -> memref<1x2x48xi32, #tpu.memory_space<vmem>>
        %dma_start3A_411 = tpu.memref_squeeze %dma_start3A_410 : memref<1x2x48xi32, #tpu.memory_space<vmem>> -> memref<2x48xi32, #tpu.memory_space<vmem>>
        %dma_start3A_412 = arith.constant 0 : i32
        %dma_start3A_413 = arith.constant 0 : i32
        %dma_start3A_414 = tpu.memref_slice %arg3[%add3A, %add3A_406, %dma_start3A_412, %dma_start3A_413] : memref<32x209x2x48xi32, #tpu.memory_space<hbm>> -> memref<1x1x2x48xi32, #tpu.memory_space<hbm>>
        %dma_start3A_415 = tpu.memref_squeeze %dma_start3A_414 : memref<1x1x2x48xi32, #tpu.memory_space<hbm>> -> memref<2x48xi32, #tpu.memory_space<hbm>>
        %dma_start3A_416 = arith.constant 0 : i32
        %dma_start3A_417 = arith.constant 0 : i32
        %dma_start3A_418 = tpu.memref_slice %arg5[%dma_start3A_407, %dma_start3A_416, %dma_start3A_417] : memref<10x2x48xi32, #tpu.memory_space<vmem>> -> memref<1x2x48xi32, #tpu.memory_space<vmem>>
        %dma_start3A_419 = tpu.memref_squeeze %dma_start3A_418 : memref<1x2x48xi32, #tpu.memory_space<vmem>> -> memref<2x48xi32, #tpu.memory_space<vmem>>
        %dma_start3A_420 = arith.constant 0 : i32
        %dma_start3A_421 = arith.constant 0 : i32
        %dma_start3A_422 = tpu.memref_slice %arg3[%add3A, %add3A_406, %dma_start3A_420, %dma_start3A_421] : memref<32x209x2x48xi32, #tpu.memory_space<hbm>> -> memref<1x1x2x48xi32, #tpu.memory_space<hbm>>
        %dma_start3A_423 = tpu.memref_squeeze %dma_start3A_422 : memref<1x1x2x48xi32, #tpu.memory_space<hbm>> -> memref<2x48xi32, #tpu.memory_space<hbm>>
        tpu.enqueue_dma source(%dma_start3A_423 : memref<2x48xi32, #tpu.memory_space<hbm>>) target(%dma_start3A_419 : memref<2x48xi32, #tpu.memory_space<vmem>>) target_semaphore(%arg15 : memref<!tpu.dma_semaphore, #tpu.memory_space<semaphore_mem>>)
      } else {
      }
      %add3A_261 = arith.constant 1 : i32
      %add3A_262 = arith.addi %add3A_243, %add3A_261 : i32
      %lt3A_263 = arith.constant 209 : i32
      %lt3A_264 = arith.cmpi slt, %add3A_262, %lt3A_263 : i32
      %convert_element_type3A_265 = arith.extui %lt3A_264 : i1 to i32
      %cond3A_266 = arith.constant 0 : i32
      %cond3A_267 = arith.cmpi ne, %convert_element_type3A_265, %cond3A_266 : i32
      scf.if %cond3A_267 {
        %add3A_405 = arith.constant 1 : i32
        %add3A_406 = arith.addi %add3A_243, %add3A_405 : i32
        %dma_wait3A_407 = arith.constant 6 : i32
        %dma_wait3A_408 = arith.constant 0 : i32
        %dma_wait3A_409 = arith.constant 0 : i32
        %dma_wait3A_410 = tpu.memref_slice %arg5[%dma_wait3A_407, %dma_wait3A_408, %dma_wait3A_409] : memref<10x2x48xi32, #tpu.memory_space<vmem>> -> memref<1x2x48xi32, #tpu.memory_space<vmem>>
        %dma_wait3A_411 = tpu.memref_squeeze %dma_wait3A_410 : memref<1x2x48xi32, #tpu.memory_space<vmem>> -> memref<2x48xi32, #tpu.memory_space<vmem>>
        %dma_wait3A_412 = arith.constant 0 : i32
        %dma_wait3A_413 = arith.constant 0 : i32
        %dma_wait3A_414 = tpu.memref_slice %arg3[%add3A, %add3A_406, %dma_wait3A_412, %dma_wait3A_413] : memref<32x209x2x48xi32, #tpu.memory_space<hbm>> -> memref<1x1x2x48xi32, #tpu.memory_space<hbm>>
        %dma_wait3A_415 = tpu.memref_squeeze %dma_wait3A_414 : memref<1x1x2x48xi32, #tpu.memory_space<hbm>> -> memref<2x48xi32, #tpu.memory_space<hbm>>
        %dma_wait3A_416 = arith.constant 0 : i32
        %dma_wait3A_417 = arith.constant 0 : i32
        %dma_wait3A_418 = tpu.memref_slice %arg5[%dma_wait3A_407, %dma_wait3A_416, %dma_wait3A_417] : memref<10x2x48xi32, #tpu.memory_space<vmem>> -> memref<1x2x48xi32, #tpu.memory_space<vmem>>
        %dma_wait3A_419 = tpu.memref_squeeze %dma_wait3A_418 : memref<1x2x48xi32, #tpu.memory_space<vmem>> -> memref<2x48xi32, #tpu.memory_space<vmem>>
        %dma_wait3A_420 = arith.constant 0 : i32
        %dma_wait3A_421 = arith.constant 0 : i32
        %dma_wait3A_422 = tpu.memref_slice %arg3[%add3A, %add3A_406, %dma_wait3A_420, %dma_wait3A_421] : memref<32x209x2x48xi32, #tpu.memory_space<hbm>> -> memref<1x1x2x48xi32, #tpu.memory_space<hbm>>
        %dma_wait3A_423 = tpu.memref_squeeze %dma_wait3A_422 : memref<1x1x2x48xi32, #tpu.memory_space<hbm>> -> memref<2x48xi32, #tpu.memory_space<hbm>>
        tpu.wait_dma2 semaphore(%arg14 : memref<!tpu.dma_semaphore, #tpu.memory_space<semaphore_mem>>) src(%dma_wait3A_423 : memref<2x48xi32, #tpu.memory_space<hbm>>) dst(%dma_wait3A_419 : memref<2x48xi32, #tpu.memory_space<vmem>>)
        %dma_start3A_424 = arith.constant 6 : i32
        %dma_start3A_425 = arith.constant 0 : i32
        %dma_start3A_426 = arith.constant 1 : i32
        %dma_start3A_427 = arith.constant 0 : i32
        %dma_start3A_428 = arith.constant 0 : i32
        %dma_start3A_429 = tpu.memref_slice %arg6[%dma_start3A_426, %dma_start3A_427, %dma_start3A_428] : memref<5x48x128xf32, #tpu.memory_space<vmem>> -> memref<1x48x128xf32, #tpu.memory_space<vmem>>
        %dma_start3A_430 = tpu.memref_squeeze %dma_start3A_429 : memref<1x48x128xf32, #tpu.memory_space<vmem>> -> memref<48x128xf32, #tpu.memory_space<vmem>>
        %dma_start3A_431 = arith.constant 0 : i32
        %dma_start3A_432 = tpu.memref_slice %arg5[%dma_start3A_424, %dma_start3A_425, %dma_start3A_431] : memref<10x2x48xi32, #tpu.memory_space<vmem>> -> memref<1x1x48xi32, #tpu.memory_space<vmem>>
        %dma_start3A_433 = tpu.memref_squeeze %dma_start3A_432 : memref<1x1x48xi32, #tpu.memory_space<vmem>> -> memref<48xi32, #tpu.memory_space<vmem>>
        %dma_start3A_434 = arith.constant 0 : i32
        %dma_start3A_435 = arith.constant 0 : i32
        %dma_start3A_436 = tpu.memref_slice %arg2[%dma_start3A_434, %dma_start3A_435] : memref<10240x128xf32, #tpu.memory_space<hbm>> -> memref<10240x128xf32, #tpu.memory_space<hbm>>
        tpu.enqueue_indirect_dma source(%dma_start3A_436 : memref<10240x128xf32, #tpu.memory_space<hbm>>) target(%dma_start3A_430 : memref<48x128xf32, #tpu.memory_space<vmem>>) offsets(%dma_start3A_433 : memref<48xi32, #tpu.memory_space<vmem>>) semaphore(%arg19 : memref<!tpu.dma_semaphore, #tpu.memory_space<semaphore_mem>>)
      } else {
      }
      %lt3A_268 = arith.constant 209 : i32
      %lt3A_269 = arith.cmpi slt, %add3A_243, %lt3A_268 : i32
      %convert_element_type3A_270 = arith.extui %lt3A_269 : i1 to i32
      %cond3A_271 = arith.constant 0 : i32
      %cond3A_272 = arith.cmpi ne, %convert_element_type3A_270, %cond3A_271 : i32
      scf.if %cond3A_272 {
        %dma_wait3A_405 = arith.constant 5 : i32
        %dma_wait3A_406 = arith.constant 0 : i32
        %dma_wait3A_407 = arith.constant 0 : i32
        %dma_wait3A_408 = arith.constant 0 : i32
        %dma_wait3A_409 = arith.constant 0 : i32
        %dma_wait3A_410 = tpu.memref_slice %arg6[%dma_wait3A_407, %dma_wait3A_408, %dma_wait3A_409] : memref<5x48x128xf32, #tpu.memory_space<vmem>> -> memref<1x48x128xf32, #tpu.memory_space<vmem>>
        %dma_wait3A_411 = tpu.memref_squeeze %dma_wait3A_410 : memref<1x48x128xf32, #tpu.memory_space<vmem>> -> memref<48x128xf32, #tpu.memory_space<vmem>>
        %dma_wait3A_412 = arith.constant 0 : i32
        %dma_wait3A_413 = tpu.memref_slice %arg5[%dma_wait3A_405, %dma_wait3A_406, %dma_wait3A_412] : memref<10x2x48xi32, #tpu.memory_space<vmem>> -> memref<1x1x48xi32, #tpu.memory_space<vmem>>
        %dma_wait3A_414 = tpu.memref_squeeze %dma_wait3A_413 : memref<1x1x48xi32, #tpu.memory_space<vmem>> -> memref<48xi32, #tpu.memory_space<vmem>>
        %dma_wait3A_415 = arith.constant 0 : i32
        %dma_wait3A_416 = arith.constant 0 : i32
        %dma_wait3A_417 = tpu.memref_slice %arg2[%dma_wait3A_415, %dma_wait3A_416] : memref<10240x128xf32, #tpu.memory_space<hbm>> -> memref<10240x128xf32, #tpu.memory_space<hbm>>
        tpu.wait_indirect_dma semaphore(%arg18 : memref<!tpu.dma_semaphore, #tpu.memory_space<semaphore_mem>>) src(%dma_wait3A_417 : memref<10240x128xf32, #tpu.memory_space<hbm>>) dst(%dma_wait3A_411 : memref<48x128xf32, #tpu.memory_space<vmem>>)
        %dma_start3A_418 = arith.constant 0 : i32
        %dma_start3A_419 = arith.constant 5 : i32
        %dma_start3A_420 = arith.constant 1 : i32
        %dma_start3A_421 = arith.constant 0 : i32
        %dma_start3A_422 = arith.constant 0 : i32
        %dma_start3A_423 = tpu.memref_slice %arg6[%dma_start3A_418, %dma_start3A_421, %dma_start3A_422] : memref<5x48x128xf32, #tpu.memory_space<vmem>> -> memref<1x48x128xf32, #tpu.memory_space<vmem>>
        %dma_start3A_424 = tpu.memref_squeeze %dma_start3A_423 : memref<1x48x128xf32, #tpu.memory_space<vmem>> -> memref<48x128xf32, #tpu.memory_space<vmem>>
        %dma_start3A_425 = arith.constant 0 : i32
        %dma_start3A_426 = tpu.memref_slice %arg5[%dma_start3A_419, %dma_start3A_420, %dma_start3A_425] : memref<10x2x48xi32, #tpu.memory_space<vmem>> -> memref<1x1x48xi32, #tpu.memory_space<vmem>>
        %dma_start3A_427 = tpu.memref_squeeze %dma_start3A_426 : memref<1x1x48xi32, #tpu.memory_space<vmem>> -> memref<48xi32, #tpu.memory_space<vmem>>
        %dma_start3A_428 = arith.constant 0 : i32
        %dma_start3A_429 = arith.constant 0 : i32
        %dma_start3A_430 = tpu.memref_slice %arg7[%dma_start3A_428, %dma_start3A_429] : memref<10240x128xf32, #tpu.memory_space<vmem_shared>> -> memref<10240x128xf32, #tpu.memory_space<vmem_shared>>
        tpu.enqueue_indirect_dma source(%dma_start3A_424 : memref<48x128xf32, #tpu.memory_space<vmem>>) target(%dma_start3A_430 : memref<10240x128xf32, #tpu.memory_space<vmem_shared>>) offsets(%dma_start3A_427 : memref<48xi32, #tpu.memory_space<vmem>>) semaphore(%arg23 : memref<!tpu.dma_semaphore, #tpu.memory_space<semaphore_mem>>) {add = true}
      } else {
      }
      %mul3A_273 = arith.constant 10 : i32
      %mul3A_274 = arith.muli %mul3A_273, %scan3A_80 : i32
      %add3A_275 = arith.constant 6 : i32
      %add3A_276 = arith.addi %mul3A_274, %add3A_275 : i32
      %ge3A_277 = arith.constant 4 : i32
      %ge3A_278 = arith.cmpi sge, %add3A_276, %ge3A_277 : i32
      %sub3A_279 = arith.constant 4 : i32
      %sub3A_280 = arith.subi %add3A_276, %sub3A_279 : i32
      %lt3A_281 = arith.constant 209 : i32
      %lt3A_282 = arith.cmpi slt, %sub3A_280, %lt3A_281 : i32
      %and3A_283 = arith.andi %ge3A_278, %lt3A_282 : i1
      %convert_element_type3A_284 = arith.extui %and3A_283 : i1 to i32
      %cond3A_285 = arith.constant 0 : i32
      %cond3A_286 = arith.cmpi ne, %convert_element_type3A_284, %cond3A_285 : i32
      scf.if %cond3A_286 {
        %dma_wait3A_405 = arith.constant 2 : i32
        %dma_wait3A_406 = arith.constant 2 : i32
        %dma_wait3A_407 = arith.constant 1 : i32
        %dma_wait3A_408 = arith.constant 0 : i32
        %dma_wait3A_409 = arith.constant 0 : i32
        %dma_wait3A_410 = tpu.memref_slice %arg6[%dma_wait3A_405, %dma_wait3A_408, %dma_wait3A_409] : memref<5x48x128xf32, #tpu.memory_space<vmem>> -> memref<1x48x128xf32, #tpu.memory_space<vmem>>
        %dma_wait3A_411 = tpu.memref_squeeze %dma_wait3A_410 : memref<1x48x128xf32, #tpu.memory_space<vmem>> -> memref<48x128xf32, #tpu.memory_space<vmem>>
        %dma_wait3A_412 = arith.constant 0 : i32
        %dma_wait3A_413 = tpu.memref_slice %arg5[%dma_wait3A_406, %dma_wait3A_407, %dma_wait3A_412] : memref<10x2x48xi32, #tpu.memory_space<vmem>> -> memref<1x1x48xi32, #tpu.memory_space<vmem>>
        %dma_wait3A_414 = tpu.memref_squeeze %dma_wait3A_413 : memref<1x1x48xi32, #tpu.memory_space<vmem>> -> memref<48xi32, #tpu.memory_space<vmem>>
        %dma_wait3A_415 = arith.constant 0 : i32
        %dma_wait3A_416 = arith.constant 0 : i32
        %dma_wait3A_417 = tpu.memref_slice %arg7[%dma_wait3A_415, %dma_wait3A_416] : memref<10240x128xf32, #tpu.memory_space<vmem_shared>> -> memref<10240x128xf32, #tpu.memory_space<vmem_shared>>
        tpu.wait_indirect_dma semaphore(%arg25 : memref<!tpu.dma_semaphore, #tpu.memory_space<semaphore_mem>>) src(%dma_wait3A_411 : memref<48x128xf32, #tpu.memory_space<vmem>>) dst(%dma_wait3A_417 : memref<10240x128xf32, #tpu.memory_space<vmem_shared>>)
      } else {
      }
      %add3A_287 = arith.constant 2 : i32
      %add3A_288 = arith.addi %add3A_276, %add3A_287 : i32
      %lt3A_289 = arith.constant 209 : i32
      %lt3A_290 = arith.cmpi slt, %add3A_288, %lt3A_289 : i32
      %convert_element_type3A_291 = arith.extui %lt3A_290 : i1 to i32
      %cond3A_292 = arith.constant 0 : i32
      %cond3A_293 = arith.cmpi ne, %convert_element_type3A_291, %cond3A_292 : i32
      scf.if %cond3A_293 {
        %add3A_405 = arith.constant 2 : i32
        %add3A_406 = arith.addi %add3A_276, %add3A_405 : i32
        %dma_start3A_407 = arith.constant 8 : i32
        %dma_start3A_408 = arith.constant 0 : i32
        %dma_start3A_409 = arith.constant 0 : i32
        %dma_start3A_410 = tpu.memref_slice %arg5[%dma_start3A_407, %dma_start3A_408, %dma_start3A_409] : memref<10x2x48xi32, #tpu.memory_space<vmem>> -> memref<1x2x48xi32, #tpu.memory_space<vmem>>
        %dma_start3A_411 = tpu.memref_squeeze %dma_start3A_410 : memref<1x2x48xi32, #tpu.memory_space<vmem>> -> memref<2x48xi32, #tpu.memory_space<vmem>>
        %dma_start3A_412 = arith.constant 0 : i32
        %dma_start3A_413 = arith.constant 0 : i32
        %dma_start3A_414 = tpu.memref_slice %arg3[%add3A, %add3A_406, %dma_start3A_412, %dma_start3A_413] : memref<32x209x2x48xi32, #tpu.memory_space<hbm>> -> memref<1x1x2x48xi32, #tpu.memory_space<hbm>>
        %dma_start3A_415 = tpu.memref_squeeze %dma_start3A_414 : memref<1x1x2x48xi32, #tpu.memory_space<hbm>> -> memref<2x48xi32, #tpu.memory_space<hbm>>
        %dma_start3A_416 = arith.constant 0 : i32
        %dma_start3A_417 = arith.constant 0 : i32
        %dma_start3A_418 = tpu.memref_slice %arg5[%dma_start3A_407, %dma_start3A_416, %dma_start3A_417] : memref<10x2x48xi32, #tpu.memory_space<vmem>> -> memref<1x2x48xi32, #tpu.memory_space<vmem>>
        %dma_start3A_419 = tpu.memref_squeeze %dma_start3A_418 : memref<1x2x48xi32, #tpu.memory_space<vmem>> -> memref<2x48xi32, #tpu.memory_space<vmem>>
        %dma_start3A_420 = arith.constant 0 : i32
        %dma_start3A_421 = arith.constant 0 : i32
        %dma_start3A_422 = tpu.memref_slice %arg3[%add3A, %add3A_406, %dma_start3A_420, %dma_start3A_421] : memref<32x209x2x48xi32, #tpu.memory_space<hbm>> -> memref<1x1x2x48xi32, #tpu.memory_space<hbm>>
        %dma_start3A_423 = tpu.memref_squeeze %dma_start3A_422 : memref<1x1x2x48xi32, #tpu.memory_space<hbm>> -> memref<2x48xi32, #tpu.memory_space<hbm>>
        tpu.enqueue_dma source(%dma_start3A_423 : memref<2x48xi32, #tpu.memory_space<hbm>>) target(%dma_start3A_419 : memref<2x48xi32, #tpu.memory_space<vmem>>) target_semaphore(%arg16 : memref<!tpu.dma_semaphore, #tpu.memory_space<semaphore_mem>>)
      } else {
      }
      %add3A_294 = arith.constant 1 : i32
      %add3A_295 = arith.addi %add3A_276, %add3A_294 : i32
      %lt3A_296 = arith.constant 209 : i32
      %lt3A_297 = arith.cmpi slt, %add3A_295, %lt3A_296 : i32
      %convert_element_type3A_298 = arith.extui %lt3A_297 : i1 to i32
      %cond3A_299 = arith.constant 0 : i32
      %cond3A_300 = arith.cmpi ne, %convert_element_type3A_298, %cond3A_299 : i32
      scf.if %cond3A_300 {
        %add3A_405 = arith.constant 1 : i32
        %add3A_406 = arith.addi %add3A_276, %add3A_405 : i32
        %dma_wait3A_407 = arith.constant 7 : i32
        %dma_wait3A_408 = arith.constant 0 : i32
        %dma_wait3A_409 = arith.constant 0 : i32
        %dma_wait3A_410 = tpu.memref_slice %arg5[%dma_wait3A_407, %dma_wait3A_408, %dma_wait3A_409] : memref<10x2x48xi32, #tpu.memory_space<vmem>> -> memref<1x2x48xi32, #tpu.memory_space<vmem>>
        %dma_wait3A_411 = tpu.memref_squeeze %dma_wait3A_410 : memref<1x2x48xi32, #tpu.memory_space<vmem>> -> memref<2x48xi32, #tpu.memory_space<vmem>>
        %dma_wait3A_412 = arith.constant 0 : i32
        %dma_wait3A_413 = arith.constant 0 : i32
        %dma_wait3A_414 = tpu.memref_slice %arg3[%add3A, %add3A_406, %dma_wait3A_412, %dma_wait3A_413] : memref<32x209x2x48xi32, #tpu.memory_space<hbm>> -> memref<1x1x2x48xi32, #tpu.memory_space<hbm>>
        %dma_wait3A_415 = tpu.memref_squeeze %dma_wait3A_414 : memref<1x1x2x48xi32, #tpu.memory_space<hbm>> -> memref<2x48xi32, #tpu.memory_space<hbm>>
        %dma_wait3A_416 = arith.constant 0 : i32
        %dma_wait3A_417 = arith.constant 0 : i32
        %dma_wait3A_418 = tpu.memref_slice %arg5[%dma_wait3A_407, %dma_wait3A_416, %dma_wait3A_417] : memref<10x2x48xi32, #tpu.memory_space<vmem>> -> memref<1x2x48xi32, #tpu.memory_space<vmem>>
        %dma_wait3A_419 = tpu.memref_squeeze %dma_wait3A_418 : memref<1x2x48xi32, #tpu.memory_space<vmem>> -> memref<2x48xi32, #tpu.memory_space<vmem>>
        %dma_wait3A_420 = arith.constant 0 : i32
        %dma_wait3A_421 = arith.constant 0 : i32
        %dma_wait3A_422 = tpu.memref_slice %arg3[%add3A, %add3A_406, %dma_wait3A_420, %dma_wait3A_421] : memref<32x209x2x48xi32, #tpu.memory_space<hbm>> -> memref<1x1x2x48xi32, #tpu.memory_space<hbm>>
        %dma_wait3A_423 = tpu.memref_squeeze %dma_wait3A_422 : memref<1x1x2x48xi32, #tpu.memory_space<hbm>> -> memref<2x48xi32, #tpu.memory_space<hbm>>
        tpu.wait_dma2 semaphore(%arg15 : memref<!tpu.dma_semaphore, #tpu.memory_space<semaphore_mem>>) src(%dma_wait3A_423 : memref<2x48xi32, #tpu.memory_space<hbm>>) dst(%dma_wait3A_419 : memref<2x48xi32, #tpu.memory_space<vmem>>)
        %dma_start3A_424 = arith.constant 7 : i32
        %dma_start3A_425 = arith.constant 0 : i32
        %dma_start3A_426 = arith.constant 2 : i32
        %dma_start3A_427 = arith.constant 0 : i32
        %dma_start3A_428 = arith.constant 0 : i32
        %dma_start3A_429 = tpu.memref_slice %arg6[%dma_start3A_426, %dma_start3A_427, %dma_start3A_428] : memref<5x48x128xf32, #tpu.memory_space<vmem>> -> memref<1x48x128xf32, #tpu.memory_space<vmem>>
        %dma_start3A_430 = tpu.memref_squeeze %dma_start3A_429 : memref<1x48x128xf32, #tpu.memory_space<vmem>> -> memref<48x128xf32, #tpu.memory_space<vmem>>
        %dma_start3A_431 = arith.constant 0 : i32
        %dma_start3A_432 = tpu.memref_slice %arg5[%dma_start3A_424, %dma_start3A_425, %dma_start3A_431] : memref<10x2x48xi32, #tpu.memory_space<vmem>> -> memref<1x1x48xi32, #tpu.memory_space<vmem>>
        %dma_start3A_433 = tpu.memref_squeeze %dma_start3A_432 : memref<1x1x48xi32, #tpu.memory_space<vmem>> -> memref<48xi32, #tpu.memory_space<vmem>>
        %dma_start3A_434 = arith.constant 0 : i32
        %dma_start3A_435 = arith.constant 0 : i32
        %dma_start3A_436 = tpu.memref_slice %arg2[%dma_start3A_434, %dma_start3A_435] : memref<10240x128xf32, #tpu.memory_space<hbm>> -> memref<10240x128xf32, #tpu.memory_space<hbm>>
        tpu.enqueue_indirect_dma source(%dma_start3A_436 : memref<10240x128xf32, #tpu.memory_space<hbm>>) target(%dma_start3A_430 : memref<48x128xf32, #tpu.memory_space<vmem>>) offsets(%dma_start3A_433 : memref<48xi32, #tpu.memory_space<vmem>>) semaphore(%arg20 : memref<!tpu.dma_semaphore, #tpu.memory_space<semaphore_mem>>)
      } else {
      }
      %lt3A_301 = arith.constant 209 : i32
      %lt3A_302 = arith.cmpi slt, %add3A_276, %lt3A_301 : i32
      %convert_element_type3A_303 = arith.extui %lt3A_302 : i1 to i32
      %cond3A_304 = arith.constant 0 : i32
      %cond3A_305 = arith.cmpi ne, %convert_element_type3A_303, %cond3A_304 : i32
      scf.if %cond3A_305 {
        %dma_wait3A_405 = arith.constant 6 : i32
        %dma_wait3A_406 = arith.constant 0 : i32
        %dma_wait3A_407 = arith.constant 1 : i32
        %dma_wait3A_408 = arith.constant 0 : i32
        %dma_wait3A_409 = arith.constant 0 : i32
        %dma_wait3A_410 = tpu.memref_slice %arg6[%dma_wait3A_407, %dma_wait3A_408, %dma_wait3A_409] : memref<5x48x128xf32, #tpu.memory_space<vmem>> -> memref<1x48x128xf32, #tpu.memory_space<vmem>>
        %dma_wait3A_411 = tpu.memref_squeeze %dma_wait3A_410 : memref<1x48x128xf32, #tpu.memory_space<vmem>> -> memref<48x128xf32, #tpu.memory_space<vmem>>
        %dma_wait3A_412 = arith.constant 0 : i32
        %dma_wait3A_413 = tpu.memref_slice %arg5[%dma_wait3A_405, %dma_wait3A_406, %dma_wait3A_412] : memref<10x2x48xi32, #tpu.memory_space<vmem>> -> memref<1x1x48xi32, #tpu.memory_space<vmem>>
        %dma_wait3A_414 = tpu.memref_squeeze %dma_wait3A_413 : memref<1x1x48xi32, #tpu.memory_space<vmem>> -> memref<48xi32, #tpu.memory_space<vmem>>
        %dma_wait3A_415 = arith.constant 0 : i32
        %dma_wait3A_416 = arith.constant 0 : i32
        %dma_wait3A_417 = tpu.memref_slice %arg2[%dma_wait3A_415, %dma_wait3A_416] : memref<10240x128xf32, #tpu.memory_space<hbm>> -> memref<10240x128xf32, #tpu.memory_space<hbm>>
        tpu.wait_indirect_dma semaphore(%arg19 : memref<!tpu.dma_semaphore, #tpu.memory_space<semaphore_mem>>) src(%dma_wait3A_417 : memref<10240x128xf32, #tpu.memory_space<hbm>>) dst(%dma_wait3A_411 : memref<48x128xf32, #tpu.memory_space<vmem>>)
        %dma_start3A_418 = arith.constant 1 : i32
        %dma_start3A_419 = arith.constant 6 : i32
        %dma_start3A_420 = arith.constant 1 : i32
        %dma_start3A_421 = arith.constant 0 : i32
        %dma_start3A_422 = arith.constant 0 : i32
        %dma_start3A_423 = tpu.memref_slice %arg6[%dma_start3A_418, %dma_start3A_421, %dma_start3A_422] : memref<5x48x128xf32, #tpu.memory_space<vmem>> -> memref<1x48x128xf32, #tpu.memory_space<vmem>>
        %dma_start3A_424 = tpu.memref_squeeze %dma_start3A_423 : memref<1x48x128xf32, #tpu.memory_space<vmem>> -> memref<48x128xf32, #tpu.memory_space<vmem>>
        %dma_start3A_425 = arith.constant 0 : i32
        %dma_start3A_426 = tpu.memref_slice %arg5[%dma_start3A_419, %dma_start3A_420, %dma_start3A_425] : memref<10x2x48xi32, #tpu.memory_space<vmem>> -> memref<1x1x48xi32, #tpu.memory_space<vmem>>
        %dma_start3A_427 = tpu.memref_squeeze %dma_start3A_426 : memref<1x1x48xi32, #tpu.memory_space<vmem>> -> memref<48xi32, #tpu.memory_space<vmem>>
        %dma_start3A_428 = arith.constant 0 : i32
        %dma_start3A_429 = arith.constant 0 : i32
        %dma_start3A_430 = tpu.memref_slice %arg7[%dma_start3A_428, %dma_start3A_429] : memref<10240x128xf32, #tpu.memory_space<vmem_shared>> -> memref<10240x128xf32, #tpu.memory_space<vmem_shared>>
        tpu.enqueue_indirect_dma source(%dma_start3A_424 : memref<48x128xf32, #tpu.memory_space<vmem>>) target(%dma_start3A_430 : memref<10240x128xf32, #tpu.memory_space<vmem_shared>>) offsets(%dma_start3A_427 : memref<48xi32, #tpu.memory_space<vmem>>) semaphore(%arg24 : memref<!tpu.dma_semaphore, #tpu.memory_space<semaphore_mem>>) {add = true}
      } else {
      }
      %mul3A_306 = arith.constant 10 : i32
      %mul3A_307 = arith.muli %mul3A_306, %scan3A_80 : i32
      %add3A_308 = arith.constant 7 : i32
      %add3A_309 = arith.addi %mul3A_307, %add3A_308 : i32
      %ge3A_310 = arith.constant 4 : i32
      %ge3A_311 = arith.cmpi sge, %add3A_309, %ge3A_310 : i32
      %sub3A_312 = arith.constant 4 : i32
      %sub3A_313 = arith.subi %add3A_309, %sub3A_312 : i32
      %lt3A_314 = arith.constant 209 : i32
      %lt3A_315 = arith.cmpi slt, %sub3A_313, %lt3A_314 : i32
      %and3A_316 = arith.andi %ge3A_311, %lt3A_315 : i1
      %convert_element_type3A_317 = arith.extui %and3A_316 : i1 to i32
      %cond3A_318 = arith.constant 0 : i32
      %cond3A_319 = arith.cmpi ne, %convert_element_type3A_317, %cond3A_318 : i32
      scf.if %cond3A_319 {
        %dma_wait3A_405 = arith.constant 3 : i32
        %dma_wait3A_406 = arith.constant 3 : i32
        %dma_wait3A_407 = arith.constant 1 : i32
        %dma_wait3A_408 = arith.constant 0 : i32
        %dma_wait3A_409 = arith.constant 0 : i32
        %dma_wait3A_410 = tpu.memref_slice %arg6[%dma_wait3A_405, %dma_wait3A_408, %dma_wait3A_409] : memref<5x48x128xf32, #tpu.memory_space<vmem>> -> memref<1x48x128xf32, #tpu.memory_space<vmem>>
        %dma_wait3A_411 = tpu.memref_squeeze %dma_wait3A_410 : memref<1x48x128xf32, #tpu.memory_space<vmem>> -> memref<48x128xf32, #tpu.memory_space<vmem>>
        %dma_wait3A_412 = arith.constant 0 : i32
        %dma_wait3A_413 = tpu.memref_slice %arg5[%dma_wait3A_406, %dma_wait3A_407, %dma_wait3A_412] : memref<10x2x48xi32, #tpu.memory_space<vmem>> -> memref<1x1x48xi32, #tpu.memory_space<vmem>>
        %dma_wait3A_414 = tpu.memref_squeeze %dma_wait3A_413 : memref<1x1x48xi32, #tpu.memory_space<vmem>> -> memref<48xi32, #tpu.memory_space<vmem>>
        %dma_wait3A_415 = arith.constant 0 : i32
        %dma_wait3A_416 = arith.constant 0 : i32
        %dma_wait3A_417 = tpu.memref_slice %arg7[%dma_wait3A_415, %dma_wait3A_416] : memref<10240x128xf32, #tpu.memory_space<vmem_shared>> -> memref<10240x128xf32, #tpu.memory_space<vmem_shared>>
        tpu.wait_indirect_dma semaphore(%arg26 : memref<!tpu.dma_semaphore, #tpu.memory_space<semaphore_mem>>) src(%dma_wait3A_411 : memref<48x128xf32, #tpu.memory_space<vmem>>) dst(%dma_wait3A_417 : memref<10240x128xf32, #tpu.memory_space<vmem_shared>>)
      } else {
      }
      %add3A_320 = arith.constant 2 : i32
      %add3A_321 = arith.addi %add3A_309, %add3A_320 : i32
      %lt3A_322 = arith.constant 209 : i32
      %lt3A_323 = arith.cmpi slt, %add3A_321, %lt3A_322 : i32
      %convert_element_type3A_324 = arith.extui %lt3A_323 : i1 to i32
      %cond3A_325 = arith.constant 0 : i32
      %cond3A_326 = arith.cmpi ne, %convert_element_type3A_324, %cond3A_325 : i32
      scf.if %cond3A_326 {
        %add3A_405 = arith.constant 2 : i32
        %add3A_406 = arith.addi %add3A_309, %add3A_405 : i32
        %dma_start3A_407 = arith.constant 9 : i32
        %dma_start3A_408 = arith.constant 0 : i32
        %dma_start3A_409 = arith.constant 0 : i32
        %dma_start3A_410 = tpu.memref_slice %arg5[%dma_start3A_407, %dma_start3A_408, %dma_start3A_409] : memref<10x2x48xi32, #tpu.memory_space<vmem>> -> memref<1x2x48xi32, #tpu.memory_space<vmem>>
        %dma_start3A_411 = tpu.memref_squeeze %dma_start3A_410 : memref<1x2x48xi32, #tpu.memory_space<vmem>> -> memref<2x48xi32, #tpu.memory_space<vmem>>
        %dma_start3A_412 = arith.constant 0 : i32
        %dma_start3A_413 = arith.constant 0 : i32
        %dma_start3A_414 = tpu.memref_slice %arg3[%add3A, %add3A_406, %dma_start3A_412, %dma_start3A_413] : memref<32x209x2x48xi32, #tpu.memory_space<hbm>> -> memref<1x1x2x48xi32, #tpu.memory_space<hbm>>
        %dma_start3A_415 = tpu.memref_squeeze %dma_start3A_414 : memref<1x1x2x48xi32, #tpu.memory_space<hbm>> -> memref<2x48xi32, #tpu.memory_space<hbm>>
        %dma_start3A_416 = arith.constant 0 : i32
        %dma_start3A_417 = arith.constant 0 : i32
        %dma_start3A_418 = tpu.memref_slice %arg5[%dma_start3A_407, %dma_start3A_416, %dma_start3A_417] : memref<10x2x48xi32, #tpu.memory_space<vmem>> -> memref<1x2x48xi32, #tpu.memory_space<vmem>>
        %dma_start3A_419 = tpu.memref_squeeze %dma_start3A_418 : memref<1x2x48xi32, #tpu.memory_space<vmem>> -> memref<2x48xi32, #tpu.memory_space<vmem>>
        %dma_start3A_420 = arith.constant 0 : i32
        %dma_start3A_421 = arith.constant 0 : i32
        %dma_start3A_422 = tpu.memref_slice %arg3[%add3A, %add3A_406, %dma_start3A_420, %dma_start3A_421] : memref<32x209x2x48xi32, #tpu.memory_space<hbm>> -> memref<1x1x2x48xi32, #tpu.memory_space<hbm>>
        %dma_start3A_423 = tpu.memref_squeeze %dma_start3A_422 : memref<1x1x2x48xi32, #tpu.memory_space<hbm>> -> memref<2x48xi32, #tpu.memory_space<hbm>>
        tpu.enqueue_dma source(%dma_start3A_423 : memref<2x48xi32, #tpu.memory_space<hbm>>) target(%dma_start3A_419 : memref<2x48xi32, #tpu.memory_space<vmem>>) target_semaphore(%arg17 : memref<!tpu.dma_semaphore, #tpu.memory_space<semaphore_mem>>)
      } else {
      }
      %add3A_327 = arith.constant 1 : i32
      %add3A_328 = arith.addi %add3A_309, %add3A_327 : i32
      %lt3A_329 = arith.constant 209 : i32
      %lt3A_330 = arith.cmpi slt, %add3A_328, %lt3A_329 : i32
      %convert_element_type3A_331 = arith.extui %lt3A_330 : i1 to i32
      %cond3A_332 = arith.constant 0 : i32
      %cond3A_333 = arith.cmpi ne, %convert_element_type3A_331, %cond3A_332 : i32
      scf.if %cond3A_333 {
        %add3A_405 = arith.constant 1 : i32
        %add3A_406 = arith.addi %add3A_309, %add3A_405 : i32
        %dma_wait3A_407 = arith.constant 8 : i32
        %dma_wait3A_408 = arith.constant 0 : i32
        %dma_wait3A_409 = arith.constant 0 : i32
        %dma_wait3A_410 = tpu.memref_slice %arg5[%dma_wait3A_407, %dma_wait3A_408, %dma_wait3A_409] : memref<10x2x48xi32, #tpu.memory_space<vmem>> -> memref<1x2x48xi32, #tpu.memory_space<vmem>>
        %dma_wait3A_411 = tpu.memref_squeeze %dma_wait3A_410 : memref<1x2x48xi32, #tpu.memory_space<vmem>> -> memref<2x48xi32, #tpu.memory_space<vmem>>
        %dma_wait3A_412 = arith.constant 0 : i32
        %dma_wait3A_413 = arith.constant 0 : i32
        %dma_wait3A_414 = tpu.memref_slice %arg3[%add3A, %add3A_406, %dma_wait3A_412, %dma_wait3A_413] : memref<32x209x2x48xi32, #tpu.memory_space<hbm>> -> memref<1x1x2x48xi32, #tpu.memory_space<hbm>>
        %dma_wait3A_415 = tpu.memref_squeeze %dma_wait3A_414 : memref<1x1x2x48xi32, #tpu.memory_space<hbm>> -> memref<2x48xi32, #tpu.memory_space<hbm>>
        %dma_wait3A_416 = arith.constant 0 : i32
        %dma_wait3A_417 = arith.constant 0 : i32
        %dma_wait3A_418 = tpu.memref_slice %arg5[%dma_wait3A_407, %dma_wait3A_416, %dma_wait3A_417] : memref<10x2x48xi32, #tpu.memory_space<vmem>> -> memref<1x2x48xi32, #tpu.memory_space<vmem>>
        %dma_wait3A_419 = tpu.memref_squeeze %dma_wait3A_418 : memref<1x2x48xi32, #tpu.memory_space<vmem>> -> memref<2x48xi32, #tpu.memory_space<vmem>>
        %dma_wait3A_420 = arith.constant 0 : i32
        %dma_wait3A_421 = arith.constant 0 : i32
        %dma_wait3A_422 = tpu.memref_slice %arg3[%add3A, %add3A_406, %dma_wait3A_420, %dma_wait3A_421] : memref<32x209x2x48xi32, #tpu.memory_space<hbm>> -> memref<1x1x2x48xi32, #tpu.memory_space<hbm>>
        %dma_wait3A_423 = tpu.memref_squeeze %dma_wait3A_422 : memref<1x1x2x48xi32, #tpu.memory_space<hbm>> -> memref<2x48xi32, #tpu.memory_space<hbm>>
        tpu.wait_dma2 semaphore(%arg16 : memref<!tpu.dma_semaphore, #tpu.memory_space<semaphore_mem>>) src(%dma_wait3A_423 : memref<2x48xi32, #tpu.memory_space<hbm>>) dst(%dma_wait3A_419 : memref<2x48xi32, #tpu.memory_space<vmem>>)
        %dma_start3A_424 = arith.constant 8 : i32
        %dma_start3A_425 = arith.constant 0 : i32
        %dma_start3A_426 = arith.constant 3 : i32
        %dma_start3A_427 = arith.constant 0 : i32
        %dma_start3A_428 = arith.constant 0 : i32
        %dma_start3A_429 = tpu.memref_slice %arg6[%dma_start3A_426, %dma_start3A_427, %dma_start3A_428] : memref<5x48x128xf32, #tpu.memory_space<vmem>> -> memref<1x48x128xf32, #tpu.memory_space<vmem>>
        %dma_start3A_430 = tpu.memref_squeeze %dma_start3A_429 : memref<1x48x128xf32, #tpu.memory_space<vmem>> -> memref<48x128xf32, #tpu.memory_space<vmem>>
        %dma_start3A_431 = arith.constant 0 : i32
        %dma_start3A_432 = tpu.memref_slice %arg5[%dma_start3A_424, %dma_start3A_425, %dma_start3A_431] : memref<10x2x48xi32, #tpu.memory_space<vmem>> -> memref<1x1x48xi32, #tpu.memory_space<vmem>>
        %dma_start3A_433 = tpu.memref_squeeze %dma_start3A_432 : memref<1x1x48xi32, #tpu.memory_space<vmem>> -> memref<48xi32, #tpu.memory_space<vmem>>
        %dma_start3A_434 = arith.constant 0 : i32
        %dma_start3A_435 = arith.constant 0 : i32
        %dma_start3A_436 = tpu.memref_slice %arg2[%dma_start3A_434, %dma_start3A_435] : memref<10240x128xf32, #tpu.memory_space<hbm>> -> memref<10240x128xf32, #tpu.memory_space<hbm>>
        tpu.enqueue_indirect_dma source(%dma_start3A_436 : memref<10240x128xf32, #tpu.memory_space<hbm>>) target(%dma_start3A_430 : memref<48x128xf32, #tpu.memory_space<vmem>>) offsets(%dma_start3A_433 : memref<48xi32, #tpu.memory_space<vmem>>) semaphore(%arg21 : memref<!tpu.dma_semaphore, #tpu.memory_space<semaphore_mem>>)
      } else {
      }
      %lt3A_334 = arith.constant 209 : i32
      %lt3A_335 = arith.cmpi slt, %add3A_309, %lt3A_334 : i32
      %convert_element_type3A_336 = arith.extui %lt3A_335 : i1 to i32
      %cond3A_337 = arith.constant 0 : i32
      %cond3A_338 = arith.cmpi ne, %convert_element_type3A_336, %cond3A_337 : i32
      scf.if %cond3A_338 {
        %dma_wait3A_405 = arith.constant 7 : i32
        %dma_wait3A_406 = arith.constant 0 : i32
        %dma_wait3A_407 = arith.constant 2 : i32
        %dma_wait3A_408 = arith.constant 0 : i32
        %dma_wait3A_409 = arith.constant 0 : i32
        %dma_wait3A_410 = tpu.memref_slice %arg6[%dma_wait3A_407, %dma_wait3A_408, %dma_wait3A_409] : memref<5x48x128xf32, #tpu.memory_space<vmem>> -> memref<1x48x128xf32, #tpu.memory_space<vmem>>
        %dma_wait3A_411 = tpu.memref_squeeze %dma_wait3A_410 : memref<1x48x128xf32, #tpu.memory_space<vmem>> -> memref<48x128xf32, #tpu.memory_space<vmem>>
        %dma_wait3A_412 = arith.constant 0 : i32
        %dma_wait3A_413 = tpu.memref_slice %arg5[%dma_wait3A_405, %dma_wait3A_406, %dma_wait3A_412] : memref<10x2x48xi32, #tpu.memory_space<vmem>> -> memref<1x1x48xi32, #tpu.memory_space<vmem>>
        %dma_wait3A_414 = tpu.memref_squeeze %dma_wait3A_413 : memref<1x1x48xi32, #tpu.memory_space<vmem>> -> memref<48xi32, #tpu.memory_space<vmem>>
        %dma_wait3A_415 = arith.constant 0 : i32
        %dma_wait3A_416 = arith.constant 0 : i32
        %dma_wait3A_417 = tpu.memref_slice %arg2[%dma_wait3A_415, %dma_wait3A_416] : memref<10240x128xf32, #tpu.memory_space<hbm>> -> memref<10240x128xf32, #tpu.memory_space<hbm>>
        tpu.wait_indirect_dma semaphore(%arg20 : memref<!tpu.dma_semaphore, #tpu.memory_space<semaphore_mem>>) src(%dma_wait3A_417 : memref<10240x128xf32, #tpu.memory_space<hbm>>) dst(%dma_wait3A_411 : memref<48x128xf32, #tpu.memory_space<vmem>>)
        %dma_start3A_418 = arith.constant 2 : i32
        %dma_start3A_419 = arith.constant 7 : i32
        %dma_start3A_420 = arith.constant 1 : i32
        %dma_start3A_421 = arith.constant 0 : i32
        %dma_start3A_422 = arith.constant 0 : i32
        %dma_start3A_423 = tpu.memref_slice %arg6[%dma_start3A_418, %dma_start3A_421, %dma_start3A_422] : memref<5x48x128xf32, #tpu.memory_space<vmem>> -> memref<1x48x128xf32, #tpu.memory_space<vmem>>
        %dma_start3A_424 = tpu.memref_squeeze %dma_start3A_423 : memref<1x48x128xf32, #tpu.memory_space<vmem>> -> memref<48x128xf32, #tpu.memory_space<vmem>>
        %dma_start3A_425 = arith.constant 0 : i32
        %dma_start3A_426 = tpu.memref_slice %arg5[%dma_start3A_419, %dma_start3A_420, %dma_start3A_425] : memref<10x2x48xi32, #tpu.memory_space<vmem>> -> memref<1x1x48xi32, #tpu.memory_space<vmem>>
        %dma_start3A_427 = tpu.memref_squeeze %dma_start3A_426 : memref<1x1x48xi32, #tpu.memory_space<vmem>> -> memref<48xi32, #tpu.memory_space<vmem>>
        %dma_start3A_428 = arith.constant 0 : i32
        %dma_start3A_429 = arith.constant 0 : i32
        %dma_start3A_430 = tpu.memref_slice %arg7[%dma_start3A_428, %dma_start3A_429] : memref<10240x128xf32, #tpu.memory_space<vmem_shared>> -> memref<10240x128xf32, #tpu.memory_space<vmem_shared>>
        tpu.enqueue_indirect_dma source(%dma_start3A_424 : memref<48x128xf32, #tpu.memory_space<vmem>>) target(%dma_start3A_430 : memref<10240x128xf32, #tpu.memory_space<vmem_shared>>) offsets(%dma_start3A_427 : memref<48xi32, #tpu.memory_space<vmem>>) semaphore(%arg25 : memref<!tpu.dma_semaphore, #tpu.memory_space<semaphore_mem>>) {add = true}
      } else {
      }
      %mul3A_339 = arith.constant 10 : i32
      %mul3A_340 = arith.muli %mul3A_339, %scan3A_80 : i32
      %add3A_341 = arith.constant 8 : i32
      %add3A_342 = arith.addi %mul3A_340, %add3A_341 : i32
      %ge3A_343 = arith.constant 4 : i32
      %ge3A_344 = arith.cmpi sge, %add3A_342, %ge3A_343 : i32
      %sub3A_345 = arith.constant 4 : i32
      %sub3A_346 = arith.subi %add3A_342, %sub3A_345 : i32
      %lt3A_347 = arith.constant 209 : i32
      %lt3A_348 = arith.cmpi slt, %sub3A_346, %lt3A_347 : i32
      %and3A_349 = arith.andi %ge3A_344, %lt3A_348 : i1
      %convert_element_type3A_350 = arith.extui %and3A_349 : i1 to i32
      %cond3A_351 = arith.constant 0 : i32
      %cond3A_352 = arith.cmpi ne, %convert_element_type3A_350, %cond3A_351 : i32
      scf.if %cond3A_352 {
        %dma_wait3A_405 = arith.constant 4 : i32
        %dma_wait3A_406 = arith.constant 4 : i32
        %dma_wait3A_407 = arith.constant 1 : i32
        %dma_wait3A_408 = arith.constant 0 : i32
        %dma_wait3A_409 = arith.constant 0 : i32
        %dma_wait3A_410 = tpu.memref_slice %arg6[%dma_wait3A_405, %dma_wait3A_408, %dma_wait3A_409] : memref<5x48x128xf32, #tpu.memory_space<vmem>> -> memref<1x48x128xf32, #tpu.memory_space<vmem>>
        %dma_wait3A_411 = tpu.memref_squeeze %dma_wait3A_410 : memref<1x48x128xf32, #tpu.memory_space<vmem>> -> memref<48x128xf32, #tpu.memory_space<vmem>>
        %dma_wait3A_412 = arith.constant 0 : i32
        %dma_wait3A_413 = tpu.memref_slice %arg5[%dma_wait3A_406, %dma_wait3A_407, %dma_wait3A_412] : memref<10x2x48xi32, #tpu.memory_space<vmem>> -> memref<1x1x48xi32, #tpu.memory_space<vmem>>
        %dma_wait3A_414 = tpu.memref_squeeze %dma_wait3A_413 : memref<1x1x48xi32, #tpu.memory_space<vmem>> -> memref<48xi32, #tpu.memory_space<vmem>>
        %dma_wait3A_415 = arith.constant 0 : i32
        %dma_wait3A_416 = arith.constant 0 : i32
        %dma_wait3A_417 = tpu.memref_slice %arg7[%dma_wait3A_415, %dma_wait3A_416] : memref<10240x128xf32, #tpu.memory_space<vmem_shared>> -> memref<10240x128xf32, #tpu.memory_space<vmem_shared>>
        tpu.wait_indirect_dma semaphore(%arg27 : memref<!tpu.dma_semaphore, #tpu.memory_space<semaphore_mem>>) src(%dma_wait3A_411 : memref<48x128xf32, #tpu.memory_space<vmem>>) dst(%dma_wait3A_417 : memref<10240x128xf32, #tpu.memory_space<vmem_shared>>)
      } else {
      }
      %add3A_353 = arith.constant 2 : i32
      %add3A_354 = arith.addi %add3A_342, %add3A_353 : i32
      %lt3A_355 = arith.constant 209 : i32
      %lt3A_356 = arith.cmpi slt, %add3A_354, %lt3A_355 : i32
      %convert_element_type3A_357 = arith.extui %lt3A_356 : i1 to i32
      %cond3A_358 = arith.constant 0 : i32
      %cond3A_359 = arith.cmpi ne, %convert_element_type3A_357, %cond3A_358 : i32
      scf.if %cond3A_359 {
        %add3A_405 = arith.constant 2 : i32
        %add3A_406 = arith.addi %add3A_342, %add3A_405 : i32
        %dma_start3A_407 = arith.constant 0 : i32
        %dma_start3A_408 = arith.constant 0 : i32
        %dma_start3A_409 = arith.constant 0 : i32
        %dma_start3A_410 = tpu.memref_slice %arg5[%dma_start3A_407, %dma_start3A_408, %dma_start3A_409] : memref<10x2x48xi32, #tpu.memory_space<vmem>> -> memref<1x2x48xi32, #tpu.memory_space<vmem>>
        %dma_start3A_411 = tpu.memref_squeeze %dma_start3A_410 : memref<1x2x48xi32, #tpu.memory_space<vmem>> -> memref<2x48xi32, #tpu.memory_space<vmem>>
        %dma_start3A_412 = arith.constant 0 : i32
        %dma_start3A_413 = arith.constant 0 : i32
        %dma_start3A_414 = tpu.memref_slice %arg3[%add3A, %add3A_406, %dma_start3A_412, %dma_start3A_413] : memref<32x209x2x48xi32, #tpu.memory_space<hbm>> -> memref<1x1x2x48xi32, #tpu.memory_space<hbm>>
        %dma_start3A_415 = tpu.memref_squeeze %dma_start3A_414 : memref<1x1x2x48xi32, #tpu.memory_space<hbm>> -> memref<2x48xi32, #tpu.memory_space<hbm>>
        %dma_start3A_416 = arith.constant 0 : i32
        %dma_start3A_417 = arith.constant 0 : i32
        %dma_start3A_418 = tpu.memref_slice %arg5[%dma_start3A_407, %dma_start3A_416, %dma_start3A_417] : memref<10x2x48xi32, #tpu.memory_space<vmem>> -> memref<1x2x48xi32, #tpu.memory_space<vmem>>
        %dma_start3A_419 = tpu.memref_squeeze %dma_start3A_418 : memref<1x2x48xi32, #tpu.memory_space<vmem>> -> memref<2x48xi32, #tpu.memory_space<vmem>>
        %dma_start3A_420 = arith.constant 0 : i32
        %dma_start3A_421 = arith.constant 0 : i32
        %dma_start3A_422 = tpu.memref_slice %arg3[%add3A, %add3A_406, %dma_start3A_420, %dma_start3A_421] : memref<32x209x2x48xi32, #tpu.memory_space<hbm>> -> memref<1x1x2x48xi32, #tpu.memory_space<hbm>>
        %dma_start3A_423 = tpu.memref_squeeze %dma_start3A_422 : memref<1x1x2x48xi32, #tpu.memory_space<hbm>> -> memref<2x48xi32, #tpu.memory_space<hbm>>
        tpu.enqueue_dma source(%dma_start3A_423 : memref<2x48xi32, #tpu.memory_space<hbm>>) target(%dma_start3A_419 : memref<2x48xi32, #tpu.memory_space<vmem>>) target_semaphore(%arg8 : memref<!tpu.dma_semaphore, #tpu.memory_space<semaphore_mem>>)
      } else {
      }
      %add3A_360 = arith.constant 1 : i32
      %add3A_361 = arith.addi %add3A_342, %add3A_360 : i32
      %lt3A_362 = arith.constant 209 : i32
      %lt3A_363 = arith.cmpi slt, %add3A_361, %lt3A_362 : i32
      %convert_element_type3A_364 = arith.extui %lt3A_363 : i1 to i32
      %cond3A_365 = arith.constant 0 : i32
      %cond3A_366 = arith.cmpi ne, %convert_element_type3A_364, %cond3A_365 : i32
      scf.if %cond3A_366 {
        %add3A_405 = arith.constant 1 : i32
        %add3A_406 = arith.addi %add3A_342, %add3A_405 : i32
        %dma_wait3A_407 = arith.constant 9 : i32
        %dma_wait3A_408 = arith.constant 0 : i32
        %dma_wait3A_409 = arith.constant 0 : i32
        %dma_wait3A_410 = tpu.memref_slice %arg5[%dma_wait3A_407, %dma_wait3A_408, %dma_wait3A_409] : memref<10x2x48xi32, #tpu.memory_space<vmem>> -> memref<1x2x48xi32, #tpu.memory_space<vmem>>
        %dma_wait3A_411 = tpu.memref_squeeze %dma_wait3A_410 : memref<1x2x48xi32, #tpu.memory_space<vmem>> -> memref<2x48xi32, #tpu.memory_space<vmem>>
        %dma_wait3A_412 = arith.constant 0 : i32
        %dma_wait3A_413 = arith.constant 0 : i32
        %dma_wait3A_414 = tpu.memref_slice %arg3[%add3A, %add3A_406, %dma_wait3A_412, %dma_wait3A_413] : memref<32x209x2x48xi32, #tpu.memory_space<hbm>> -> memref<1x1x2x48xi32, #tpu.memory_space<hbm>>
        %dma_wait3A_415 = tpu.memref_squeeze %dma_wait3A_414 : memref<1x1x2x48xi32, #tpu.memory_space<hbm>> -> memref<2x48xi32, #tpu.memory_space<hbm>>
        %dma_wait3A_416 = arith.constant 0 : i32
        %dma_wait3A_417 = arith.constant 0 : i32
        %dma_wait3A_418 = tpu.memref_slice %arg5[%dma_wait3A_407, %dma_wait3A_416, %dma_wait3A_417] : memref<10x2x48xi32, #tpu.memory_space<vmem>> -> memref<1x2x48xi32, #tpu.memory_space<vmem>>
        %dma_wait3A_419 = tpu.memref_squeeze %dma_wait3A_418 : memref<1x2x48xi32, #tpu.memory_space<vmem>> -> memref<2x48xi32, #tpu.memory_space<vmem>>
        %dma_wait3A_420 = arith.constant 0 : i32
        %dma_wait3A_421 = arith.constant 0 : i32
        %dma_wait3A_422 = tpu.memref_slice %arg3[%add3A, %add3A_406, %dma_wait3A_420, %dma_wait3A_421] : memref<32x209x2x48xi32, #tpu.memory_space<hbm>> -> memref<1x1x2x48xi32, #tpu.memory_space<hbm>>
        %dma_wait3A_423 = tpu.memref_squeeze %dma_wait3A_422 : memref<1x1x2x48xi32, #tpu.memory_space<hbm>> -> memref<2x48xi32, #tpu.memory_space<hbm>>
        tpu.wait_dma2 semaphore(%arg17 : memref<!tpu.dma_semaphore, #tpu.memory_space<semaphore_mem>>) src(%dma_wait3A_423 : memref<2x48xi32, #tpu.memory_space<hbm>>) dst(%dma_wait3A_419 : memref<2x48xi32, #tpu.memory_space<vmem>>)
        %dma_start3A_424 = arith.constant 9 : i32
        %dma_start3A_425 = arith.constant 0 : i32
        %dma_start3A_426 = arith.constant 4 : i32
        %dma_start3A_427 = arith.constant 0 : i32
        %dma_start3A_428 = arith.constant 0 : i32
        %dma_start3A_429 = tpu.memref_slice %arg6[%dma_start3A_426, %dma_start3A_427, %dma_start3A_428] : memref<5x48x128xf32, #tpu.memory_space<vmem>> -> memref<1x48x128xf32, #tpu.memory_space<vmem>>
        %dma_start3A_430 = tpu.memref_squeeze %dma_start3A_429 : memref<1x48x128xf32, #tpu.memory_space<vmem>> -> memref<48x128xf32, #tpu.memory_space<vmem>>
        %dma_start3A_431 = arith.constant 0 : i32
        %dma_start3A_432 = tpu.memref_slice %arg5[%dma_start3A_424, %dma_start3A_425, %dma_start3A_431] : memref<10x2x48xi32, #tpu.memory_space<vmem>> -> memref<1x1x48xi32, #tpu.memory_space<vmem>>
        %dma_start3A_433 = tpu.memref_squeeze %dma_start3A_432 : memref<1x1x48xi32, #tpu.memory_space<vmem>> -> memref<48xi32, #tpu.memory_space<vmem>>
        %dma_start3A_434 = arith.constant 0 : i32
        %dma_start3A_435 = arith.constant 0 : i32
        %dma_start3A_436 = tpu.memref_slice %arg2[%dma_start3A_434, %dma_start3A_435] : memref<10240x128xf32, #tpu.memory_space<hbm>> -> memref<10240x128xf32, #tpu.memory_space<hbm>>
        tpu.enqueue_indirect_dma source(%dma_start3A_436 : memref<10240x128xf32, #tpu.memory_space<hbm>>) target(%dma_start3A_430 : memref<48x128xf32, #tpu.memory_space<vmem>>) offsets(%dma_start3A_433 : memref<48xi32, #tpu.memory_space<vmem>>) semaphore(%arg22 : memref<!tpu.dma_semaphore, #tpu.memory_space<semaphore_mem>>)
      } else {
      }
      %lt3A_367 = arith.constant 209 : i32
      %lt3A_368 = arith.cmpi slt, %add3A_342, %lt3A_367 : i32
      %convert_element_type3A_369 = arith.extui %lt3A_368 : i1 to i32
      %cond3A_370 = arith.constant 0 : i32
      %cond3A_371 = arith.cmpi ne, %convert_element_type3A_369, %cond3A_370 : i32
      scf.if %cond3A_371 {
        %dma_wait3A_405 = arith.constant 8 : i32
        %dma_wait3A_406 = arith.constant 0 : i32
        %dma_wait3A_407 = arith.constant 3 : i32
        %dma_wait3A_408 = arith.constant 0 : i32
        %dma_wait3A_409 = arith.constant 0 : i32
        %dma_wait3A_410 = tpu.memref_slice %arg6[%dma_wait3A_407, %dma_wait3A_408, %dma_wait3A_409] : memref<5x48x128xf32, #tpu.memory_space<vmem>> -> memref<1x48x128xf32, #tpu.memory_space<vmem>>
        %dma_wait3A_411 = tpu.memref_squeeze %dma_wait3A_410 : memref<1x48x128xf32, #tpu.memory_space<vmem>> -> memref<48x128xf32, #tpu.memory_space<vmem>>
        %dma_wait3A_412 = arith.constant 0 : i32
        %dma_wait3A_413 = tpu.memref_slice %arg5[%dma_wait3A_405, %dma_wait3A_406, %dma_wait3A_412] : memref<10x2x48xi32, #tpu.memory_space<vmem>> -> memref<1x1x48xi32, #tpu.memory_space<vmem>>
        %dma_wait3A_414 = tpu.memref_squeeze %dma_wait3A_413 : memref<1x1x48xi32, #tpu.memory_space<vmem>> -> memref<48xi32, #tpu.memory_space<vmem>>
        %dma_wait3A_415 = arith.constant 0 : i32
        %dma_wait3A_416 = arith.constant 0 : i32
        %dma_wait3A_417 = tpu.memref_slice %arg2[%dma_wait3A_415, %dma_wait3A_416] : memref<10240x128xf32, #tpu.memory_space<hbm>> -> memref<10240x128xf32, #tpu.memory_space<hbm>>
        tpu.wait_indirect_dma semaphore(%arg21 : memref<!tpu.dma_semaphore, #tpu.memory_space<semaphore_mem>>) src(%dma_wait3A_417 : memref<10240x128xf32, #tpu.memory_space<hbm>>) dst(%dma_wait3A_411 : memref<48x128xf32, #tpu.memory_space<vmem>>)
        %dma_start3A_418 = arith.constant 3 : i32
        %dma_start3A_419 = arith.constant 8 : i32
        %dma_start3A_420 = arith.constant 1 : i32
        %dma_start3A_421 = arith.constant 0 : i32
        %dma_start3A_422 = arith.constant 0 : i32
        %dma_start3A_423 = tpu.memref_slice %arg6[%dma_start3A_418, %dma_start3A_421, %dma_start3A_422] : memref<5x48x128xf32, #tpu.memory_space<vmem>> -> memref<1x48x128xf32, #tpu.memory_space<vmem>>
        %dma_start3A_424 = tpu.memref_squeeze %dma_start3A_423 : memref<1x48x128xf32, #tpu.memory_space<vmem>> -> memref<48x128xf32, #tpu.memory_space<vmem>>
        %dma_start3A_425 = arith.constant 0 : i32
        %dma_start3A_426 = tpu.memref_slice %arg5[%dma_start3A_419, %dma_start3A_420, %dma_start3A_425] : memref<10x2x48xi32, #tpu.memory_space<vmem>> -> memref<1x1x48xi32, #tpu.memory_space<vmem>>
        %dma_start3A_427 = tpu.memref_squeeze %dma_start3A_426 : memref<1x1x48xi32, #tpu.memory_space<vmem>> -> memref<48xi32, #tpu.memory_space<vmem>>
        %dma_start3A_428 = arith.constant 0 : i32
        %dma_start3A_429 = arith.constant 0 : i32
        %dma_start3A_430 = tpu.memref_slice %arg7[%dma_start3A_428, %dma_start3A_429] : memref<10240x128xf32, #tpu.memory_space<vmem_shared>> -> memref<10240x128xf32, #tpu.memory_space<vmem_shared>>
        tpu.enqueue_indirect_dma source(%dma_start3A_424 : memref<48x128xf32, #tpu.memory_space<vmem>>) target(%dma_start3A_430 : memref<10240x128xf32, #tpu.memory_space<vmem_shared>>) offsets(%dma_start3A_427 : memref<48xi32, #tpu.memory_space<vmem>>) semaphore(%arg26 : memref<!tpu.dma_semaphore, #tpu.memory_space<semaphore_mem>>) {add = true}
      } else {
      }
      %mul3A_372 = arith.constant 10 : i32
      %mul3A_373 = arith.muli %mul3A_372, %scan3A_80 : i32
      %add3A_374 = arith.constant 9 : i32
      %add3A_375 = arith.addi %mul3A_373, %add3A_374 : i32
      %ge3A_376 = arith.constant 4 : i32
      %ge3A_377 = arith.cmpi sge, %add3A_375, %ge3A_376 : i32
      %sub3A_378 = arith.constant 4 : i32
      %sub3A_379 = arith.subi %add3A_375, %sub3A_378 : i32
      %lt3A_380 = arith.constant 209 : i32
      %lt3A_381 = arith.cmpi slt, %sub3A_379, %lt3A_380 : i32
      %and3A_382 = arith.andi %ge3A_377, %lt3A_381 : i1
      %convert_element_type3A_383 = arith.extui %and3A_382 : i1 to i32
      %cond3A_384 = arith.constant 0 : i32
      %cond3A_385 = arith.cmpi ne, %convert_element_type3A_383, %cond3A_384 : i32
      scf.if %cond3A_385 {
        %dma_wait3A_405 = arith.constant 0 : i32
        %dma_wait3A_406 = arith.constant 5 : i32
        %dma_wait3A_407 = arith.constant 1 : i32
        %dma_wait3A_408 = arith.constant 0 : i32
        %dma_wait3A_409 = arith.constant 0 : i32
        %dma_wait3A_410 = tpu.memref_slice %arg6[%dma_wait3A_405, %dma_wait3A_408, %dma_wait3A_409] : memref<5x48x128xf32, #tpu.memory_space<vmem>> -> memref<1x48x128xf32, #tpu.memory_space<vmem>>
        %dma_wait3A_411 = tpu.memref_squeeze %dma_wait3A_410 : memref<1x48x128xf32, #tpu.memory_space<vmem>> -> memref<48x128xf32, #tpu.memory_space<vmem>>
        %dma_wait3A_412 = arith.constant 0 : i32
        %dma_wait3A_413 = tpu.memref_slice %arg5[%dma_wait3A_406, %dma_wait3A_407, %dma_wait3A_412] : memref<10x2x48xi32, #tpu.memory_space<vmem>> -> memref<1x1x48xi32, #tpu.memory_space<vmem>>
        %dma_wait3A_414 = tpu.memref_squeeze %dma_wait3A_413 : memref<1x1x48xi32, #tpu.memory_space<vmem>> -> memref<48xi32, #tpu.memory_space<vmem>>
        %dma_wait3A_415 = arith.constant 0 : i32
        %dma_wait3A_416 = arith.constant 0 : i32
        %dma_wait3A_417 = tpu.memref_slice %arg7[%dma_wait3A_415, %dma_wait3A_416] : memref<10240x128xf32, #tpu.memory_space<vmem_shared>> -> memref<10240x128xf32, #tpu.memory_space<vmem_shared>>
        tpu.wait_indirect_dma semaphore(%arg23 : memref<!tpu.dma_semaphore, #tpu.memory_space<semaphore_mem>>) src(%dma_wait3A_411 : memref<48x128xf32, #tpu.memory_space<vmem>>) dst(%dma_wait3A_417 : memref<10240x128xf32, #tpu.memory_space<vmem_shared>>)
      } else {
      }
      %add3A_386 = arith.constant 2 : i32
      %add3A_387 = arith.addi %add3A_375, %add3A_386 : i32
      %lt3A_388 = arith.constant 209 : i32
      %lt3A_389 = arith.cmpi slt, %add3A_387, %lt3A_388 : i32
      %convert_element_type3A_390 = arith.extui %lt3A_389 : i1 to i32
      %cond3A_391 = arith.constant 0 : i32
      %cond3A_392 = arith.cmpi ne, %convert_element_type3A_390, %cond3A_391 : i32
      scf.if %cond3A_392 {
        %add3A_405 = arith.constant 2 : i32
        %add3A_406 = arith.addi %add3A_375, %add3A_405 : i32
        %dma_start3A_407 = arith.constant 1 : i32
        %dma_start3A_408 = arith.constant 0 : i32
        %dma_start3A_409 = arith.constant 0 : i32
        %dma_start3A_410 = tpu.memref_slice %arg5[%dma_start3A_407, %dma_start3A_408, %dma_start3A_409] : memref<10x2x48xi32, #tpu.memory_space<vmem>> -> memref<1x2x48xi32, #tpu.memory_space<vmem>>
        %dma_start3A_411 = tpu.memref_squeeze %dma_start3A_410 : memref<1x2x48xi32, #tpu.memory_space<vmem>> -> memref<2x48xi32, #tpu.memory_space<vmem>>
        %dma_start3A_412 = arith.constant 0 : i32
        %dma_start3A_413 = arith.constant 0 : i32
        %dma_start3A_414 = tpu.memref_slice %arg3[%add3A, %add3A_406, %dma_start3A_412, %dma_start3A_413] : memref<32x209x2x48xi32, #tpu.memory_space<hbm>> -> memref<1x1x2x48xi32, #tpu.memory_space<hbm>>
        %dma_start3A_415 = tpu.memref_squeeze %dma_start3A_414 : memref<1x1x2x48xi32, #tpu.memory_space<hbm>> -> memref<2x48xi32, #tpu.memory_space<hbm>>
        %dma_start3A_416 = arith.constant 0 : i32
        %dma_start3A_417 = arith.constant 0 : i32
        %dma_start3A_418 = tpu.memref_slice %arg5[%dma_start3A_407, %dma_start3A_416, %dma_start3A_417] : memref<10x2x48xi32, #tpu.memory_space<vmem>> -> memref<1x2x48xi32, #tpu.memory_space<vmem>>
        %dma_start3A_419 = tpu.memref_squeeze %dma_start3A_418 : memref<1x2x48xi32, #tpu.memory_space<vmem>> -> memref<2x48xi32, #tpu.memory_space<vmem>>
        %dma_start3A_420 = arith.constant 0 : i32
        %dma_start3A_421 = arith.constant 0 : i32
        %dma_start3A_422 = tpu.memref_slice %arg3[%add3A, %add3A_406, %dma_start3A_420, %dma_start3A_421] : memref<32x209x2x48xi32, #tpu.memory_space<hbm>> -> memref<1x1x2x48xi32, #tpu.memory_space<hbm>>
        %dma_start3A_423 = tpu.memref_squeeze %dma_start3A_422 : memref<1x1x2x48xi32, #tpu.memory_space<hbm>> -> memref<2x48xi32, #tpu.memory_space<hbm>>
        tpu.enqueue_dma source(%dma_start3A_423 : memref<2x48xi32, #tpu.memory_space<hbm>>) target(%dma_start3A_419 : memref<2x48xi32, #tpu.memory_space<vmem>>) target_semaphore(%arg9 : memref<!tpu.dma_semaphore, #tpu.memory_space<semaphore_mem>>)
      } else {
      }
      %add3A_393 = arith.constant 1 : i32
      %add3A_394 = arith.addi %add3A_375, %add3A_393 : i32
      %lt3A_395 = arith.constant 209 : i32
      %lt3A_396 = arith.cmpi slt, %add3A_394, %lt3A_395 : i32
      %convert_element_type3A_397 = arith.extui %lt3A_396 : i1 to i32
      %cond3A_398 = arith.constant 0 : i32
      %cond3A_399 = arith.cmpi ne, %convert_element_type3A_397, %cond3A_398 : i32
      scf.if %cond3A_399 {
        %add3A_405 = arith.constant 1 : i32
        %add3A_406 = arith.addi %add3A_375, %add3A_405 : i32
        %dma_wait3A_407 = arith.constant 0 : i32
        %dma_wait3A_408 = arith.constant 0 : i32
        %dma_wait3A_409 = arith.constant 0 : i32
        %dma_wait3A_410 = tpu.memref_slice %arg5[%dma_wait3A_407, %dma_wait3A_408, %dma_wait3A_409] : memref<10x2x48xi32, #tpu.memory_space<vmem>> -> memref<1x2x48xi32, #tpu.memory_space<vmem>>
        %dma_wait3A_411 = tpu.memref_squeeze %dma_wait3A_410 : memref<1x2x48xi32, #tpu.memory_space<vmem>> -> memref<2x48xi32, #tpu.memory_space<vmem>>
        %dma_wait3A_412 = arith.constant 0 : i32
        %dma_wait3A_413 = arith.constant 0 : i32
        %dma_wait3A_414 = tpu.memref_slice %arg3[%add3A, %add3A_406, %dma_wait3A_412, %dma_wait3A_413] : memref<32x209x2x48xi32, #tpu.memory_space<hbm>> -> memref<1x1x2x48xi32, #tpu.memory_space<hbm>>
        %dma_wait3A_415 = tpu.memref_squeeze %dma_wait3A_414 : memref<1x1x2x48xi32, #tpu.memory_space<hbm>> -> memref<2x48xi32, #tpu.memory_space<hbm>>
        %dma_wait3A_416 = arith.constant 0 : i32
        %dma_wait3A_417 = arith.constant 0 : i32
        %dma_wait3A_418 = tpu.memref_slice %arg5[%dma_wait3A_407, %dma_wait3A_416, %dma_wait3A_417] : memref<10x2x48xi32, #tpu.memory_space<vmem>> -> memref<1x2x48xi32, #tpu.memory_space<vmem>>
        %dma_wait3A_419 = tpu.memref_squeeze %dma_wait3A_418 : memref<1x2x48xi32, #tpu.memory_space<vmem>> -> memref<2x48xi32, #tpu.memory_space<vmem>>
        %dma_wait3A_420 = arith.constant 0 : i32
        %dma_wait3A_421 = arith.constant 0 : i32
        %dma_wait3A_422 = tpu.memref_slice %arg3[%add3A, %add3A_406, %dma_wait3A_420, %dma_wait3A_421] : memref<32x209x2x48xi32, #tpu.memory_space<hbm>> -> memref<1x1x2x48xi32, #tpu.memory_space<hbm>>
        %dma_wait3A_423 = tpu.memref_squeeze %dma_wait3A_422 : memref<1x1x2x48xi32, #tpu.memory_space<hbm>> -> memref<2x48xi32, #tpu.memory_space<hbm>>
        tpu.wait_dma2 semaphore(%arg8 : memref<!tpu.dma_semaphore, #tpu.memory_space<semaphore_mem>>) src(%dma_wait3A_423 : memref<2x48xi32, #tpu.memory_space<hbm>>) dst(%dma_wait3A_419 : memref<2x48xi32, #tpu.memory_space<vmem>>)
        %dma_start3A_424 = arith.constant 0 : i32
        %dma_start3A_425 = arith.constant 0 : i32
        %dma_start3A_426 = arith.constant 0 : i32
        %dma_start3A_427 = arith.constant 0 : i32
        %dma_start3A_428 = arith.constant 0 : i32
        %dma_start3A_429 = tpu.memref_slice %arg6[%dma_start3A_426, %dma_start3A_427, %dma_start3A_428] : memref<5x48x128xf32, #tpu.memory_space<vmem>> -> memref<1x48x128xf32, #tpu.memory_space<vmem>>
        %dma_start3A_430 = tpu.memref_squeeze %dma_start3A_429 : memref<1x48x128xf32, #tpu.memory_space<vmem>> -> memref<48x128xf32, #tpu.memory_space<vmem>>
        %dma_start3A_431 = arith.constant 0 : i32
        %dma_start3A_432 = tpu.memref_slice %arg5[%dma_start3A_424, %dma_start3A_425, %dma_start3A_431] : memref<10x2x48xi32, #tpu.memory_space<vmem>> -> memref<1x1x48xi32, #tpu.memory_space<vmem>>
        %dma_start3A_433 = tpu.memref_squeeze %dma_start3A_432 : memref<1x1x48xi32, #tpu.memory_space<vmem>> -> memref<48xi32, #tpu.memory_space<vmem>>
        %dma_start3A_434 = arith.constant 0 : i32
        %dma_start3A_435 = arith.constant 0 : i32
        %dma_start3A_436 = tpu.memref_slice %arg2[%dma_start3A_434, %dma_start3A_435] : memref<10240x128xf32, #tpu.memory_space<hbm>> -> memref<10240x128xf32, #tpu.memory_space<hbm>>
        tpu.enqueue_indirect_dma source(%dma_start3A_436 : memref<10240x128xf32, #tpu.memory_space<hbm>>) target(%dma_start3A_430 : memref<48x128xf32, #tpu.memory_space<vmem>>) offsets(%dma_start3A_433 : memref<48xi32, #tpu.memory_space<vmem>>) semaphore(%arg18 : memref<!tpu.dma_semaphore, #tpu.memory_space<semaphore_mem>>)
      } else {
      }
      %lt3A_400 = arith.constant 209 : i32
      %lt3A_401 = arith.cmpi slt, %add3A_375, %lt3A_400 : i32
      %convert_element_type3A_402 = arith.extui %lt3A_401 : i1 to i32
      %cond3A_403 = arith.constant 0 : i32
      %cond3A_404 = arith.cmpi ne, %convert_element_type3A_402, %cond3A_403 : i32
      scf.if %cond3A_404 {
        %dma_wait3A_405 = arith.constant 9 : i32
        %dma_wait3A_406 = arith.constant 0 : i32
        %dma_wait3A_407 = arith.constant 4 : i32
        %dma_wait3A_408 = arith.constant 0 : i32
        %dma_wait3A_409 = arith.constant 0 : i32
        %dma_wait3A_410 = tpu.memref_slice %arg6[%dma_wait3A_407, %dma_wait3A_408, %dma_wait3A_409] : memref<5x48x128xf32, #tpu.memory_space<vmem>> -> memref<1x48x128xf32, #tpu.memory_space<vmem>>
        %dma_wait3A_411 = tpu.memref_squeeze %dma_wait3A_410 : memref<1x48x128xf32, #tpu.memory_space<vmem>> -> memref<48x128xf32, #tpu.memory_space<vmem>>
        %dma_wait3A_412 = arith.constant 0 : i32
        %dma_wait3A_413 = tpu.memref_slice %arg5[%dma_wait3A_405, %dma_wait3A_406, %dma_wait3A_412] : memref<10x2x48xi32, #tpu.memory_space<vmem>> -> memref<1x1x48xi32, #tpu.memory_space<vmem>>
        %dma_wait3A_414 = tpu.memref_squeeze %dma_wait3A_413 : memref<1x1x48xi32, #tpu.memory_space<vmem>> -> memref<48xi32, #tpu.memory_space<vmem>>
        %dma_wait3A_415 = arith.constant 0 : i32
        %dma_wait3A_416 = arith.constant 0 : i32
        %dma_wait3A_417 = tpu.memref_slice %arg2[%dma_wait3A_415, %dma_wait3A_416] : memref<10240x128xf32, #tpu.memory_space<hbm>> -> memref<10240x128xf32, #tpu.memory_space<hbm>>
        tpu.wait_indirect_dma semaphore(%arg22 : memref<!tpu.dma_semaphore, #tpu.memory_space<semaphore_mem>>) src(%dma_wait3A_417 : memref<10240x128xf32, #tpu.memory_space<hbm>>) dst(%dma_wait3A_411 : memref<48x128xf32, #tpu.memory_space<vmem>>)
        %dma_start3A_418 = arith.constant 4 : i32
        %dma_start3A_419 = arith.constant 9 : i32
        %dma_start3A_420 = arith.constant 1 : i32
        %dma_start3A_421 = arith.constant 0 : i32
        %dma_start3A_422 = arith.constant 0 : i32
        %dma_start3A_423 = tpu.memref_slice %arg6[%dma_start3A_418, %dma_start3A_421, %dma_start3A_422] : memref<5x48x128xf32, #tpu.memory_space<vmem>> -> memref<1x48x128xf32, #tpu.memory_space<vmem>>
        %dma_start3A_424 = tpu.memref_squeeze %dma_start3A_423 : memref<1x48x128xf32, #tpu.memory_space<vmem>> -> memref<48x128xf32, #tpu.memory_space<vmem>>
        %dma_start3A_425 = arith.constant 0 : i32
        %dma_start3A_426 = tpu.memref_slice %arg5[%dma_start3A_419, %dma_start3A_420, %dma_start3A_425] : memref<10x2x48xi32, #tpu.memory_space<vmem>> -> memref<1x1x48xi32, #tpu.memory_space<vmem>>
        %dma_start3A_427 = tpu.memref_squeeze %dma_start3A_426 : memref<1x1x48xi32, #tpu.memory_space<vmem>> -> memref<48xi32, #tpu.memory_space<vmem>>
        %dma_start3A_428 = arith.constant 0 : i32
        %dma_start3A_429 = arith.constant 0 : i32
        %dma_start3A_430 = tpu.memref_slice %arg7[%dma_start3A_428, %dma_start3A_429] : memref<10240x128xf32, #tpu.memory_space<vmem_shared>> -> memref<10240x128xf32, #tpu.memory_space<vmem_shared>>
        tpu.enqueue_indirect_dma source(%dma_start3A_424 : memref<48x128xf32, #tpu.memory_space<vmem>>) target(%dma_start3A_430 : memref<10240x128xf32, #tpu.memory_space<vmem_shared>>) offsets(%dma_start3A_427 : memref<48xi32, #tpu.memory_space<vmem>>) semaphore(%arg27 : memref<!tpu.dma_semaphore, #tpu.memory_space<semaphore_mem>>) {add = true}
      } else {
      }
    }
    %scan3A_74 = arith.constant 22 : i32
    %barrier3A_75 = arith.constant 0 : index
    tpu.barrier barrier_id(%barrier3A_75)
    %mul3A_76 = arith.constant 640 : i32
    %mul3A_77 = arith.muli %arg1, %mul3A_76 : i32
    %mul3A_78 = arith.constant 640 : i32
    %mul3A_79 = arith.muli %arg1, %mul3A_78 : i32
    "tpu.region"() ({
      %run_scoped3A = tpu.sem_alloc : memref<!tpu.dma_semaphore, #tpu.memory_space<semaphore_mem>>
      %dma_start3A_80 = arith.constant 0 : i32
      %dma_start3A_81 = tpu.memref_slice %arg4[%arg0, %mul3A_79, %dma_start3A_80] : memref<2x10240x128xf32, #tpu.memory_space<hbm>> -> memref<1x640x128xf32, #tpu.memory_space<hbm>>
      %dma_start3A_82 = tpu.memref_squeeze %dma_start3A_81 : memref<1x640x128xf32, #tpu.memory_space<hbm>> -> memref<640x128xf32, #tpu.memory_space<hbm>>
      %dma_start3A_83 = arith.constant 0 : i32
      %dma_start3A_84 = tpu.memref_slice %arg7[%mul3A_77, %dma_start3A_83] : memref<10240x128xf32, #tpu.memory_space<vmem_shared>> -> memref<640x128xf32, #tpu.memory_space<vmem_shared>>
      tpu.enqueue_dma source(%dma_start3A_84 : memref<640x128xf32, #tpu.memory_space<vmem_shared>>) target(%dma_start3A_82 : memref<640x128xf32, #tpu.memory_space<hbm>>) target_semaphore(%run_scoped3A : memref<!tpu.dma_semaphore, #tpu.memory_space<semaphore_mem>>)
      %dma_wait3A_85 = arith.constant 0 : i32
      %dma_wait3A_86 = tpu.memref_slice %arg4[%arg0, %mul3A_79, %dma_wait3A_85] : memref<2x10240x128xf32, #tpu.memory_space<hbm>> -> memref<1x640x128xf32, #tpu.memory_space<hbm>>
      %dma_wait3A_87 = tpu.memref_squeeze %dma_wait3A_86 : memref<1x640x128xf32, #tpu.memory_space<hbm>> -> memref<640x128xf32, #tpu.memory_space<hbm>>
      %dma_wait3A_88 = arith.constant 0 : i32
      %dma_wait3A_89 = tpu.memref_slice %arg7[%mul3A_77, %dma_wait3A_88] : memref<10240x128xf32, #tpu.memory_space<vmem_shared>> -> memref<640x128xf32, #tpu.memory_space<vmem_shared>>
      tpu.wait_dma2 semaphore(%run_scoped3A : memref<!tpu.dma_semaphore, #tpu.memory_space<semaphore_mem>>) src(%dma_wait3A_89 : memref<640x128xf32, #tpu.memory_space<vmem_shared>>) dst(%dma_wait3A_87 : memref<640x128xf32, #tpu.memory_space<hbm>>)
      tpu.yield
    }) : () -> ()
    return
  }
}

module attributes {stable_mosaic.version = 14 : i64} {
  func.func @_pre_body(%arg0: i32, %arg1: memref<2048x128xf32, #tpu.memory_space<vmem>>, %arg2: memref<128x128xf32, #tpu.memory_space<vmem>>, %arg3: memref<1x128xf32, #tpu.memory_space<vmem>>, %arg4: memref<2x2048x16xf32, #tpu.memory_space<vmem>>, %arg5: memref<2048x128xf32, #tpu.memory_space<vmem>>, %arg6: memref<2048x16xf32, #tpu.memory_space<vmem>>) attributes {dimension_semantics = [#tpu.dimension_semantics<arbitrary>], iteration_bounds = array<i64: 5>, scalar_prefetch = 0 : i64, scratch_operands = 0 : i64, tpu.core_type = #tpu.core_type<tc>, window_params = [{transform_indices = @transform_0, window_bounds = array<i64: 2048, 128>}, {pipeline_mode = #tpu.pipeline_mode<synchronous>, transform_indices = @transform_1, window_bounds = array<i64: 128, 128>}, {pipeline_mode = #tpu.pipeline_mode<synchronous>, transform_indices = @transform_2, window_bounds = array<i64: 1, 128>}, {transform_indices = @transform_3, window_bounds = array<i64: 2, 2048, 16>}, {transform_indices = @transform_4, window_bounds = array<i64: 2048, 128>}, {transform_indices = @transform_5, window_bounds = array<i64: 2048, 16>}]} {
    %get3A = arith.constant 0 : index
    %get3A_0 = arith.constant 0 : index
    %get3A_1 = arith.constant 0 : index
    %get3A_2 = vector.load %arg4[%get3A, %get3A_0, %get3A_1] : memref<2x2048x16xf32, #tpu.memory_space<vmem>>, vector<1x2048x16xf32>
    %get3A_3 = vector.shape_cast %get3A_2 : vector<1x2048x16xf32> to vector<2048x16xf32>
    %get3A_4 = arith.constant 1 : index
    %get3A_5 = arith.constant 0 : index
    %get3A_6 = arith.constant 0 : index
    %get3A_7 = vector.load %arg4[%get3A_4, %get3A_5, %get3A_6] : memref<2x2048x16xf32, #tpu.memory_space<vmem>>, vector<1x2048x16xf32>
    %get3A_8 = vector.shape_cast %get3A_7 : vector<1x2048x16xf32> to vector<2048x16xf32>
    %add3A = arith.addf %get3A_3, %get3A_8 : vector<2048x16xf32>
    %sub3A = arith.constant 1.000000e+00 : f32
    %sub3A_9 = vector.broadcast %sub3A : f32 to vector<2048x16xf32>
    %sub3A_10 = arith.subf %add3A, %sub3A_9 : vector<2048x16xf32>
    %mul3A = arith.constant 2048 : i32
    %mul3A_11 = arith.muli %arg0, %mul3A : i32
    %iota3A = tpu.iota {dimensions = array<i32: 0>} : vector<2048x16xi32>
    %add3A_12 = vector.broadcast %mul3A_11 : i32 to vector<2048x16xi32>
    %add3A_13 = arith.addi %add3A_12, %iota3A : vector<2048x16xi32>
    %lt3A = arith.constant 10000 : i32
    %lt3A_14 = vector.broadcast %lt3A : i32 to vector<2048x16xi32>
    %lt3A_15 = arith.cmpi slt, %add3A_13, %lt3A_14 : vector<2048x16xi32>
    %rsqrt3A = math.rsqrt %sub3A_10 : vector<2048x16xf32>
    %jit3A = arith.constant 0.000000e+00 : f32
    %broadcast_in_dim3A = vector.broadcast %jit3A : f32 to vector<2048x16xf32>
    %select_n3A = arith.select %lt3A_15, %rsqrt3A, %broadcast_in_dim3A : vector<2048x16xi1>, vector<2048x16xf32>
    %swap3A = arith.constant 0 : index
    %swap3A_16 = arith.constant 0 : index
    %swap3A_17 = vector.load %arg6[%swap3A, %swap3A_16] : memref<2048x16xf32, #tpu.memory_space<vmem>>, vector<2048x16xf32>
    tpu.vector_store %arg6[%swap3A, %swap3A_16], %select_n3A {strides = array<i32>} : memref<2048x16xf32, #tpu.memory_space<vmem>>, vector<2048x16xf32>,
    %get3A_18 = arith.constant 0 : index
    %get3A_19 = arith.constant 0 : index
    %get3A_20 = vector.load %arg1[%get3A_18, %get3A_19] : memref<2048x128xf32, #tpu.memory_space<vmem>>, vector<2048x128xf32>
    %get3A_21 = arith.constant 0 : index
    %get3A_22 = arith.constant 0 : index
    %get3A_23 = vector.load %arg2[%get3A_21, %get3A_22] : memref<128x128xf32, #tpu.memory_space<vmem>>, vector<128x128xf32>
    %dot_general3A = arith.constant dense<0.000000e+00> : vector<2048x128xf32>
    %dot_general3A_24 = tpu.matmul %get3A_20, %get3A_23, %dot_general3A {dimension_numbers = #tpu.dot_dimension_numbers<[1], [0], [0], [1], [0, 0, 1, 1], [], []>, transpose_lhs_hint = false} : vector<2048x128xf32>, vector<128x128xf32>, vector<2048x128xf32> -> vector<2048x128xf32>
    %get3A_25 = arith.constant 0 : index
    %get3A_26 = arith.constant 0 : index
    %get3A_27 = vector.load %arg3[%get3A_25, %get3A_26] : memref<1x128xf32, #tpu.memory_space<vmem>>, vector<1x128xf32>
    %add3A_28 = vector.broadcast %get3A_27 : vector<1x128xf32> to vector<2048x128xf32>
    %add3A_29 = arith.addf %dot_general3A_24, %add3A_28 : vector<2048x128xf32>
    %slice3A = vector.extract_strided_slice %select_n3A {offsets = [0, 0], sizes = [2048, 1], strides = [1, 1]} : vector<2048x16xf32> to vector<2048x1xf32>
    %mul3A_30 = vector.broadcast %slice3A : vector<2048x1xf32> to vector<2048x128xf32>
    %mul3A_31 = arith.mulf %add3A_29, %mul3A_30 : vector<2048x128xf32>
    %swap3A_32 = arith.constant 0 : index
    %swap3A_33 = arith.constant 0 : index
    %swap3A_34 = vector.load %arg5[%swap3A_32, %swap3A_33] : memref<2048x128xf32, #tpu.memory_space<vmem>>, vector<2048x128xf32>
    tpu.vector_store %arg5[%swap3A_32, %swap3A_33], %mul3A_31 {strides = array<i32>} : memref<2048x128xf32, #tpu.memory_space<vmem>>, vector<2048x128xf32>,
    return
  }
  func.func @transform_0(%arg0: i32) -> (i32, i32) {
    %c0_i32 = arith.constant 0 : i32
    %c0_i32_0 = arith.constant 0 : i32
    return %arg0, %c0_i32 : i32, i32
  }
  func.func @transform_1(%arg0: i32) -> (i32, i32) {
    %c0_i32 = arith.constant 0 : i32
    %c0_i32_0 = arith.constant 0 : i32
    %c0_i32_1 = arith.constant 0 : i32
    return %c0_i32, %c0_i32_0 : i32, i32
  }
  func.func @transform_2(%arg0: i32) -> (i32, i32) {
    %c0_i32 = arith.constant 0 : i32
    %c0_i32_0 = arith.constant 0 : i32
    %c0_i32_1 = arith.constant 0 : i32
    return %c0_i32, %c0_i32_0 : i32, i32
  }
  func.func @transform_3(%arg0: i32) -> (i32, i32, i32) {
    %c0_i32 = arith.constant 0 : i32
    %c0_i32_0 = arith.constant 0 : i32
    %c0_i32_1 = arith.constant 0 : i32
    return %c0_i32, %arg0, %c0_i32_0 : i32, i32, i32
  }
  func.func @transform_4(%arg0: i32) -> (i32, i32) {
    %c0_i32 = arith.constant 0 : i32
    %c0_i32_0 = arith.constant 0 : i32
    return %arg0, %c0_i32 : i32, i32
  }
  func.func @transform_5(%arg0: i32) -> (i32, i32) {
    %c0_i32 = arith.constant 0 : i32
    %c0_i32_0 = arith.constant 0 : i32
    return %arg0, %c0_i32 : i32, i32
  }
}

module attributes {stable_mosaic.version = 14 : i64} {
  func.func @_mid_body(%arg0: i32, %arg1: memref<2x2048x128xf32, #tpu.memory_space<vmem>>, %arg2: memref<2048x128xf32, #tpu.memory_space<vmem>>, %arg3: memref<2048x16xf32, #tpu.memory_space<vmem>>, %arg4: memref<128x128xf32, #tpu.memory_space<vmem>>, %arg5: memref<1x128xf32, #tpu.memory_space<vmem>>, %arg6: memref<1x128xf32, #tpu.memory_space<vmem>>, %arg7: memref<1x128xf32, #tpu.memory_space<vmem>>, %arg8: memref<2048x128xf32, #tpu.memory_space<vmem>>, %arg9: memref<2048x128xf32, #tpu.memory_space<vmem>>) attributes {dimension_semantics = [#tpu.dimension_semantics<arbitrary>], iteration_bounds = array<i64: 5>, scalar_prefetch = 0 : i64, scratch_operands = 0 : i64, tpu.core_type = #tpu.core_type<tc>, window_params = [{transform_indices = @transform_0, window_bounds = array<i64: 2, 2048, 128>}, {transform_indices = @transform_1, window_bounds = array<i64: 2048, 128>}, {transform_indices = @transform_2, window_bounds = array<i64: 2048, 16>}, {pipeline_mode = #tpu.pipeline_mode<synchronous>, transform_indices = @transform_3, window_bounds = array<i64: 128, 128>}, {pipeline_mode = #tpu.pipeline_mode<synchronous>, transform_indices = @transform_4, window_bounds = array<i64: 1, 128>}, {pipeline_mode = #tpu.pipeline_mode<synchronous>, transform_indices = @transform_5, window_bounds = array<i64: 1, 128>}, {pipeline_mode = #tpu.pipeline_mode<synchronous>, transform_indices = @transform_6, window_bounds = array<i64: 1, 128>}, {transform_indices = @transform_7, window_bounds = array<i64: 2048, 128>}, {transform_indices = @transform_8, window_bounds = array<i64: 2048, 128>}]} {
    %get3A = arith.constant 0 : index
    %get3A_0 = arith.constant 0 : index
    %get3A_1 = vector.load %arg3[%get3A, %get3A_0] : memref<2048x16xf32, #tpu.memory_space<vmem>>, vector<2048x16xf32>
    %slice3A = vector.extract_strided_slice %get3A_1 {offsets = [0, 0], sizes = [2048, 1], strides = [1, 1]} : vector<2048x16xf32> to vector<2048x1xf32>
    %get3A_2 = arith.constant 0 : index
    %get3A_3 = arith.constant 0 : index
    %get3A_4 = arith.constant 0 : index
    %get3A_5 = vector.load %arg1[%get3A_2, %get3A_3, %get3A_4] : memref<2x2048x128xf32, #tpu.memory_space<vmem>>, vector<1x2048x128xf32>
    %get3A_6 = vector.shape_cast %get3A_5 : vector<1x2048x128xf32> to vector<2048x128xf32>
    %get3A_7 = arith.constant 1 : index
    %get3A_8 = arith.constant 0 : index
    %get3A_9 = arith.constant 0 : index
    %get3A_10 = vector.load %arg1[%get3A_7, %get3A_8, %get3A_9] : memref<2x2048x128xf32, #tpu.memory_space<vmem>>, vector<1x2048x128xf32>
    %get3A_11 = vector.shape_cast %get3A_10 : vector<1x2048x128xf32> to vector<2048x128xf32>
    %add3A = arith.addf %get3A_6, %get3A_11 : vector<2048x128xf32>
    %get3A_12 = arith.constant 0 : index
    %get3A_13 = arith.constant 0 : index
    %get3A_14 = vector.load %arg2[%get3A_12, %get3A_13] : memref<2048x128xf32, #tpu.memory_space<vmem>>, vector<2048x128xf32>
    %sub3A = arith.subf %add3A, %get3A_14 : vector<2048x128xf32>
    %mul3A = vector.broadcast %slice3A : vector<2048x1xf32> to vector<2048x128xf32>
    %mul3A_15 = arith.mulf %sub3A, %mul3A : vector<2048x128xf32>
    %get3A_16 = arith.constant 0 : index
    %get3A_17 = arith.constant 0 : index
    %get3A_18 = vector.load %arg4[%get3A_16, %get3A_17] : memref<128x128xf32, #tpu.memory_space<vmem>>, vector<128x128xf32>
    %dot_general3A = arith.constant dense<0.000000e+00> : vector<2048x128xf32>
    %dot_general3A_19 = tpu.matmul %mul3A_15, %get3A_18, %dot_general3A {dimension_numbers = #tpu.dot_dimension_numbers<[1], [0], [0], [1], [0, 0, 1, 1], [], []>, transpose_lhs_hint = false} : vector<2048x128xf32>, vector<128x128xf32>, vector<2048x128xf32> -> vector<2048x128xf32>
    %get3A_20 = arith.constant 0 : index
    %get3A_21 = arith.constant 0 : index
    %get3A_22 = vector.load %arg5[%get3A_20, %get3A_21] : memref<1x128xf32, #tpu.memory_space<vmem>>, vector<1x128xf32>
    %add3A_23 = vector.broadcast %get3A_22 : vector<1x128xf32> to vector<2048x128xf32>
    %add3A_24 = arith.addf %dot_general3A_19, %add3A_23 : vector<2048x128xf32>
    %reduce_sum3A = arith.constant dense<0.000000e+00> : vector<2048xf32>
    %reduce_sum3A_25 = vector.multi_reduction <add>, %add3A_24, %reduce_sum3A [1] : vector<2048x128xf32> to vector<2048xf32>
    %broadcast_in_dim3A = vector.shape_cast %reduce_sum3A_25 : vector<2048xf32> to vector<2048x1xf32>
    %div3A = arith.constant 1.280000e+02 : f32
    %div3A_26 = vector.broadcast %div3A : f32 to vector<2048x1xf32>
    %div3A_27 = arith.divf %broadcast_in_dim3A, %div3A_26 : vector<2048x1xf32>
    %sub3A_28 = vector.broadcast %div3A_27 : vector<2048x1xf32> to vector<2048x128xf32>
    %sub3A_29 = arith.subf %add3A_24, %sub3A_28 : vector<2048x128xf32>
    %mul3A_30 = arith.mulf %sub3A_29, %sub3A_29 : vector<2048x128xf32>
    %reduce_sum3A_31 = arith.constant dense<0.000000e+00> : vector<2048xf32>
    %reduce_sum3A_32 = vector.multi_reduction <add>, %mul3A_30, %reduce_sum3A_31 [1] : vector<2048x128xf32> to vector<2048xf32>
    %broadcast_in_dim3A_33 = vector.shape_cast %reduce_sum3A_32 : vector<2048xf32> to vector<2048x1xf32>
    %div3A_34 = arith.constant 1.280000e+02 : f32
    %div3A_35 = vector.broadcast %div3A_34 : f32 to vector<2048x1xf32>
    %div3A_36 = arith.divf %broadcast_in_dim3A_33, %div3A_35 : vector<2048x1xf32>
    %add3A_37 = arith.constant 9.99999974E-6 : f32
    %add3A_38 = vector.broadcast %add3A_37 : f32 to vector<2048x1xf32>
    %add3A_39 = arith.addf %div3A_36, %add3A_38 : vector<2048x1xf32>
    %rsqrt3A = math.rsqrt %add3A_39 : vector<2048x1xf32>
    %mul3A_40 = vector.broadcast %rsqrt3A : vector<2048x1xf32> to vector<2048x128xf32>
    %mul3A_41 = arith.mulf %sub3A_29, %mul3A_40 : vector<2048x128xf32>
    %get3A_42 = arith.constant 0 : index
    %get3A_43 = arith.constant 0 : index
    %get3A_44 = vector.load %arg6[%get3A_42, %get3A_43] : memref<1x128xf32, #tpu.memory_space<vmem>>, vector<1x128xf32>
    %mul3A_45 = vector.broadcast %get3A_44 : vector<1x128xf32> to vector<2048x128xf32>
    %mul3A_46 = arith.mulf %mul3A_41, %mul3A_45 : vector<2048x128xf32>
    %get3A_47 = arith.constant 0 : index
    %get3A_48 = arith.constant 0 : index
    %get3A_49 = vector.load %arg7[%get3A_47, %get3A_48] : memref<1x128xf32, #tpu.memory_space<vmem>>, vector<1x128xf32>
    %add3A_50 = vector.broadcast %get3A_49 : vector<1x128xf32> to vector<2048x128xf32>
    %add3A_51 = arith.addf %mul3A_46, %add3A_50 : vector<2048x128xf32>
    %max3A = arith.constant 0.000000e+00 : f32
    %max3A_52 = vector.broadcast %max3A : f32 to vector<2048x128xf32>
    %max3A_53 = arith.maximumf %add3A_51, %max3A_52 : vector<2048x128xf32>
    %swap3A = arith.constant 0 : index
    %swap3A_54 = arith.constant 0 : index
    %swap3A_55 = vector.load %arg8[%swap3A, %swap3A_54] : memref<2048x128xf32, #tpu.memory_space<vmem>>, vector<2048x128xf32>
    tpu.vector_store %arg8[%swap3A, %swap3A_54], %max3A_53 {strides = array<i32>} : memref<2048x128xf32, #tpu.memory_space<vmem>>, vector<2048x128xf32>,
    %mul3A_56 = vector.broadcast %slice3A : vector<2048x1xf32> to vector<2048x128xf32>
    %mul3A_57 = arith.mulf %max3A_53, %mul3A_56 : vector<2048x128xf32>
    %swap3A_58 = arith.constant 0 : index
    %swap3A_59 = arith.constant 0 : index
    %swap3A_60 = vector.load %arg9[%swap3A_58, %swap3A_59] : memref<2048x128xf32, #tpu.memory_space<vmem>>, vector<2048x128xf32>
    tpu.vector_store %arg9[%swap3A_58, %swap3A_59], %mul3A_57 {strides = array<i32>} : memref<2048x128xf32, #tpu.memory_space<vmem>>, vector<2048x128xf32>,
    return
  }
  func.func @transform_0(%arg0: i32) -> (i32, i32, i32) {
    %c0_i32 = arith.constant 0 : i32
    %c0_i32_0 = arith.constant 0 : i32
    %c0_i32_1 = arith.constant 0 : i32
    return %c0_i32, %arg0, %c0_i32_0 : i32, i32, i32
  }
  func.func @transform_1(%arg0: i32) -> (i32, i32) {
    %c0_i32 = arith.constant 0 : i32
    %c0_i32_0 = arith.constant 0 : i32
    return %arg0, %c0_i32 : i32, i32
  }
  func.func @transform_2(%arg0: i32) -> (i32, i32) {
    %c0_i32 = arith.constant 0 : i32
    %c0_i32_0 = arith.constant 0 : i32
    return %arg0, %c0_i32 : i32, i32
  }
  func.func @transform_3(%arg0: i32) -> (i32, i32) {
    %c0_i32 = arith.constant 0 : i32
    %c0_i32_0 = arith.constant 0 : i32
    %c0_i32_1 = arith.constant 0 : i32
    return %c0_i32, %c0_i32_0 : i32, i32
  }
  func.func @transform_4(%arg0: i32) -> (i32, i32) {
    %c0_i32 = arith.constant 0 : i32
    %c0_i32_0 = arith.constant 0 : i32
    %c0_i32_1 = arith.constant 0 : i32
    return %c0_i32, %c0_i32_0 : i32, i32
  }
  func.func @transform_5(%arg0: i32) -> (i32, i32) {
    %c0_i32 = arith.constant 0 : i32
    %c0_i32_0 = arith.constant 0 : i32
    %c0_i32_1 = arith.constant 0 : i32
    return %c0_i32, %c0_i32_0 : i32, i32
  }
  func.func @transform_6(%arg0: i32) -> (i32, i32) {
    %c0_i32 = arith.constant 0 : i32
    %c0_i32_0 = arith.constant 0 : i32
    %c0_i32_1 = arith.constant 0 : i32
    return %c0_i32, %c0_i32_0 : i32, i32
  }
  func.func @transform_7(%arg0: i32) -> (i32, i32) {
    %c0_i32 = arith.constant 0 : i32
    %c0_i32_0 = arith.constant 0 : i32
    return %arg0, %c0_i32 : i32, i32
  }
  func.func @transform_8(%arg0: i32) -> (i32, i32) {
    %c0_i32 = arith.constant 0 : i32
    %c0_i32_0 = arith.constant 0 : i32
    return %arg0, %c0_i32 : i32, i32
  }
}

module attributes {stable_mosaic.version = 14 : i64} {
  func.func @_post_body(%arg0: i32, %arg1: memref<2x2048x128xf32, #tpu.memory_space<vmem>>, %arg2: memref<2048x128xf32, #tpu.memory_space<vmem>>, %arg3: memref<2048x16xf32, #tpu.memory_space<vmem>>, %arg4: memref<128x128xf32, #tpu.memory_space<vmem>>, %arg5: memref<1x128xf32, #tpu.memory_space<vmem>>, %arg6: memref<1x128xf32, #tpu.memory_space<vmem>>, %arg7: memref<1x128xf32, #tpu.memory_space<vmem>>, %arg8: memref<2048x128xf32, #tpu.memory_space<vmem>>, %arg9: memref<2048x1xi32, #tpu.memory_space<vmem>>, %arg10: memref<128x10xf32, #tpu.memory_space<vmem>>, %arg11: memref<1x10xf32, #tpu.memory_space<vmem>>, %arg12: memref<128x10xf32, #tpu.memory_space<vmem>>, %arg13: memref<128x128xf32, #tpu.memory_space<vmem>>) attributes {dimension_semantics = [#tpu.dimension_semantics<arbitrary>], iteration_bounds = array<i64: 5>, scalar_prefetch = 0 : i64, scratch_operands = 1 : i64, tpu.core_type = #tpu.core_type<tc>, window_params = [{transform_indices = @transform_0, window_bounds = array<i64: 2, 2048, 128>}, {transform_indices = @transform_1, window_bounds = array<i64: 2048, 128>}, {transform_indices = @transform_2, window_bounds = array<i64: 2048, 16>}, {pipeline_mode = #tpu.pipeline_mode<synchronous>, transform_indices = @transform_3, window_bounds = array<i64: 128, 128>}, {pipeline_mode = #tpu.pipeline_mode<synchronous>, transform_indices = @transform_4, window_bounds = array<i64: 1, 128>}, {pipeline_mode = #tpu.pipeline_mode<synchronous>, transform_indices = @transform_5, window_bounds = array<i64: 1, 128>}, {pipeline_mode = #tpu.pipeline_mode<synchronous>, transform_indices = @transform_6, window_bounds = array<i64: 1, 128>}, {transform_indices = @transform_7, window_bounds = array<i64: 2048, 128>}, {transform_indices = @transform_8, window_bounds = array<i64: 2048, 1>}, {pipeline_mode = #tpu.pipeline_mode<synchronous>, transform_indices = @transform_9, window_bounds = array<i64: 128, 10>}, {pipeline_mode = #tpu.pipeline_mode<synchronous>, transform_indices = @transform_10, window_bounds = array<i64: 1, 10>}, {pipeline_mode = #tpu.pipeline_mode<synchronous>, transform_indices = @transform_11, window_bounds = array<i64: 128, 10>}]} {
    %get3A = arith.constant 0 : index
    %get3A_0 = arith.constant 0 : index
    %get3A_1 = vector.load %arg3[%get3A, %get3A_0] : memref<2048x16xf32, #tpu.memory_space<vmem>>, vector<2048x16xf32>
    %slice3A = vector.extract_strided_slice %get3A_1 {offsets = [0, 0], sizes = [2048, 1], strides = [1, 1]} : vector<2048x16xf32> to vector<2048x1xf32>
    %get3A_2 = arith.constant 0 : index
    %get3A_3 = arith.constant 0 : index
    %get3A_4 = arith.constant 0 : index
    %get3A_5 = vector.load %arg1[%get3A_2, %get3A_3, %get3A_4] : memref<2x2048x128xf32, #tpu.memory_space<vmem>>, vector<1x2048x128xf32>
    %get3A_6 = vector.shape_cast %get3A_5 : vector<1x2048x128xf32> to vector<2048x128xf32>
    %get3A_7 = arith.constant 1 : index
    %get3A_8 = arith.constant 0 : index
    %get3A_9 = arith.constant 0 : index
    %get3A_10 = vector.load %arg1[%get3A_7, %get3A_8, %get3A_9] : memref<2x2048x128xf32, #tpu.memory_space<vmem>>, vector<1x2048x128xf32>
    %get3A_11 = vector.shape_cast %get3A_10 : vector<1x2048x128xf32> to vector<2048x128xf32>
    %add3A = arith.addf %get3A_6, %get3A_11 : vector<2048x128xf32>
    %get3A_12 = arith.constant 0 : index
    %get3A_13 = arith.constant 0 : index
    %get3A_14 = vector.load %arg2[%get3A_12, %get3A_13] : memref<2048x128xf32, #tpu.memory_space<vmem>>, vector<2048x128xf32>
    %sub3A = arith.subf %add3A, %get3A_14 : vector<2048x128xf32>
    %mul3A = vector.broadcast %slice3A : vector<2048x1xf32> to vector<2048x128xf32>
    %mul3A_15 = arith.mulf %sub3A, %mul3A : vector<2048x128xf32>
    %get3A_16 = arith.constant 0 : index
    %get3A_17 = arith.constant 0 : index
    %get3A_18 = vector.load %arg4[%get3A_16, %get3A_17] : memref<128x128xf32, #tpu.memory_space<vmem>>, vector<128x128xf32>
    %dot_general3A = arith.constant dense<0.000000e+00> : vector<2048x128xf32>
    %dot_general3A_19 = tpu.matmul %mul3A_15, %get3A_18, %dot_general3A {dimension_numbers = #tpu.dot_dimension_numbers<[1], [0], [0], [1], [0, 0, 1, 1], [], []>, transpose_lhs_hint = false} : vector<2048x128xf32>, vector<128x128xf32>, vector<2048x128xf32> -> vector<2048x128xf32>
    %get3A_20 = arith.constant 0 : index
    %get3A_21 = arith.constant 0 : index
    %get3A_22 = vector.load %arg5[%get3A_20, %get3A_21] : memref<1x128xf32, #tpu.memory_space<vmem>>, vector<1x128xf32>
    %add3A_23 = vector.broadcast %get3A_22 : vector<1x128xf32> to vector<2048x128xf32>
    %add3A_24 = arith.addf %dot_general3A_19, %add3A_23 : vector<2048x128xf32>
    %reduce_sum3A = arith.constant dense<0.000000e+00> : vector<2048xf32>
    %reduce_sum3A_25 = vector.multi_reduction <add>, %add3A_24, %reduce_sum3A [1] : vector<2048x128xf32> to vector<2048xf32>
    %broadcast_in_dim3A = vector.shape_cast %reduce_sum3A_25 : vector<2048xf32> to vector<2048x1xf32>
    %div3A = arith.constant 1.280000e+02 : f32
    %div3A_26 = vector.broadcast %div3A : f32 to vector<2048x1xf32>
    %div3A_27 = arith.divf %broadcast_in_dim3A, %div3A_26 : vector<2048x1xf32>
    %sub3A_28 = vector.broadcast %div3A_27 : vector<2048x1xf32> to vector<2048x128xf32>
    %sub3A_29 = arith.subf %add3A_24, %sub3A_28 : vector<2048x128xf32>
    %mul3A_30 = arith.mulf %sub3A_29, %sub3A_29 : vector<2048x128xf32>
    %reduce_sum3A_31 = arith.constant dense<0.000000e+00> : vector<2048xf32>
    %reduce_sum3A_32 = vector.multi_reduction <add>, %mul3A_30, %reduce_sum3A_31 [1] : vector<2048x128xf32> to vector<2048xf32>
    %broadcast_in_dim3A_33 = vector.shape_cast %reduce_sum3A_32 : vector<2048xf32> to vector<2048x1xf32>
    %div3A_34 = arith.constant 1.280000e+02 : f32
    %div3A_35 = vector.broadcast %div3A_34 : f32 to vector<2048x1xf32>
    %div3A_36 = arith.divf %broadcast_in_dim3A_33, %div3A_35 : vector<2048x1xf32>
    %add3A_37 = arith.constant 9.99999974E-6 : f32
    %add3A_38 = vector.broadcast %add3A_37 : f32 to vector<2048x1xf32>
    %add3A_39 = arith.addf %div3A_36, %add3A_38 : vector<2048x1xf32>
    %rsqrt3A = math.rsqrt %add3A_39 : vector<2048x1xf32>
    %mul3A_40 = vector.broadcast %rsqrt3A : vector<2048x1xf32> to vector<2048x128xf32>
    %mul3A_41 = arith.mulf %sub3A_29, %mul3A_40 : vector<2048x128xf32>
    %get3A_42 = arith.constant 0 : index
    %get3A_43 = arith.constant 0 : index
    %get3A_44 = vector.load %arg6[%get3A_42, %get3A_43] : memref<1x128xf32, #tpu.memory_space<vmem>>, vector<1x128xf32>
    %mul3A_45 = vector.broadcast %get3A_44 : vector<1x128xf32> to vector<2048x128xf32>
    %mul3A_46 = arith.mulf %mul3A_41, %mul3A_45 : vector<2048x128xf32>
    %get3A_47 = arith.constant 0 : index
    %get3A_48 = arith.constant 0 : index
    %get3A_49 = vector.load %arg7[%get3A_47, %get3A_48] : memref<1x128xf32, #tpu.memory_space<vmem>>, vector<1x128xf32>
    %add3A_50 = vector.broadcast %get3A_49 : vector<1x128xf32> to vector<2048x128xf32>
    %add3A_51 = arith.addf %mul3A_46, %add3A_50 : vector<2048x128xf32>
    %max3A = arith.constant 0.000000e+00 : f32
    %max3A_52 = vector.broadcast %max3A : f32 to vector<2048x128xf32>
    %max3A_53 = arith.maximumf %add3A_51, %max3A_52 : vector<2048x128xf32>
    %get3A_54 = arith.constant 0 : index
    %get3A_55 = arith.constant 0 : index
    %get3A_56 = vector.load %arg8[%get3A_54, %get3A_55] : memref<2048x128xf32, #tpu.memory_space<vmem>>, vector<2048x128xf32>
    %add3A_57 = arith.addf %get3A_56, %max3A_53 : vector<2048x128xf32>
    %iota3A = tpu.iota {dimensions = array<i32: 1>} : vector<2048x128xi32>
    %get3A_58 = arith.constant 0 : index
    %get3A_59 = arith.constant 0 : index
    %get3A_60 = vector.load %arg9[%get3A_58, %get3A_59] : memref<2048x1xi32, #tpu.memory_space<vmem>>, vector<2048x1xi32>
    %eq3A = vector.broadcast %get3A_60 : vector<2048x1xi32> to vector<2048x128xi32>
    %eq3A_61 = arith.cmpi eq, %eq3A, %iota3A : vector<2048x128xi32>
    %jit3A = arith.constant 1.000000e+00 : f32
    %jit3A_62 = arith.constant 0.000000e+00 : f32
    %broadcast_in_dim3A_63 = vector.broadcast %jit3A : f32 to vector<2048x128xf32>
    %broadcast_in_dim3A_64 = vector.broadcast %jit3A_62 : f32 to vector<2048x128xf32>
    %select_n3A = arith.select %eq3A_61, %broadcast_in_dim3A_63, %broadcast_in_dim3A_64 : vector<2048x128xi1>, vector<2048x128xf32>
    %dot_general3A_65 = arith.constant dense<0.000000e+00> : vector<128x128xf32>
    %dot_general3A_66 = tpu.matmul %select_n3A, %add3A_57, %dot_general3A_65 {dimension_numbers = #tpu.dot_dimension_numbers<[0], [0], [1], [1], [0, 1, 1, 1], [], []>, transpose_lhs_hint = false} : vector<2048x128xf32>, vector<2048x128xf32>, vector<128x128xf32> -> vector<128x128xf32>
    %eq3A_67 = arith.constant 0 : i32
    %eq3A_68 = arith.cmpi eq, %arg0, %eq3A_67 : i32
    %convert_element_type3A = arith.extui %eq3A_68 : i1 to i32
    %cond3A = arith.constant 0 : i32
    %cond3A_69 = arith.cmpi ne, %convert_element_type3A, %cond3A : i32
    scf.if %cond3A_69 {
      %swap3A = arith.constant 0 : index
      %swap3A_79 = arith.constant 0 : index
      %swap3A_80 = vector.load %arg13[%swap3A, %swap3A_79] : memref<128x128xf32, #tpu.memory_space<vmem>>, vector<128x128xf32>
      tpu.vector_store %arg13[%swap3A, %swap3A_79], %dot_general3A_66 {strides = array<i32>} : memref<128x128xf32, #tpu.memory_space<vmem>>, vector<128x128xf32>,
    } else {
    }
    %gt3A = arith.constant 0 : i32
    %gt3A_70 = arith.cmpi sgt, %arg0, %gt3A : i32
    %convert_element_type3A_71 = arith.extui %gt3A_70 : i1 to i32
    %cond3A_72 = arith.constant 0 : i32
    %cond3A_73 = arith.cmpi ne, %convert_element_type3A_71, %cond3A_72 : i32
    scf.if %cond3A_73 {
      %get3A_79 = arith.constant 0 : index
      %get3A_80 = arith.constant 0 : index
      %get3A_81 = vector.load %arg13[%get3A_79, %get3A_80] : memref<128x128xf32, #tpu.memory_space<vmem>>, vector<128x128xf32>
      %add3A_82 = arith.addf %get3A_81, %dot_general3A_66 : vector<128x128xf32>
      %swap3A = arith.constant 0 : index
      %swap3A_83 = arith.constant 0 : index
      %swap3A_84 = vector.load %arg13[%swap3A, %swap3A_83] : memref<128x128xf32, #tpu.memory_space<vmem>>, vector<128x128xf32>
      tpu.vector_store %arg13[%swap3A, %swap3A_83], %add3A_82 {strides = array<i32>} : memref<128x128xf32, #tpu.memory_space<vmem>>, vector<128x128xf32>,
    } else {
    }
    %eq3A_74 = arith.constant 4 : i32
    %eq3A_75 = arith.cmpi eq, %arg0, %eq3A_74 : i32
    %convert_element_type3A_76 = arith.extui %eq3A_75 : i1 to i32
    %cond3A_77 = arith.constant 0 : i32
    %cond3A_78 = arith.cmpi ne, %convert_element_type3A_76, %cond3A_77 : i32
    scf.if %cond3A_78 {
      %get3A_79 = arith.constant 0 : index
      %get3A_80 = arith.constant 0 : index
      %get3A_81 = vector.load %arg13[%get3A_79, %get3A_80] : memref<128x128xf32, #tpu.memory_space<vmem>>, vector<128x128xf32>
      %get3A_82 = arith.constant 0 : index
      %get3A_83 = arith.constant 0 : index
      %get3A_84 = vector.load %arg10[%get3A_82, %get3A_83] : memref<128x10xf32, #tpu.memory_space<vmem>>, vector<128x10xf32>
      %dot_general3A_85 = arith.constant dense<0.000000e+00> : vector<128x10xf32>
      %dot_general3A_86 = tpu.matmul %get3A_81, %get3A_84, %dot_general3A_85 {dimension_numbers = #tpu.dot_dimension_numbers<[1], [0], [0], [1], [0, 0, 1, 1], [], []>, transpose_lhs_hint = false} : vector<128x128xf32>, vector<128x10xf32>, vector<128x10xf32> -> vector<128x10xf32>
      %get3A_87 = arith.constant 0 : index
      %get3A_88 = arith.constant 0 : index
      %get3A_89 = vector.load %arg11[%get3A_87, %get3A_88] : memref<1x10xf32, #tpu.memory_space<vmem>>, vector<1x10xf32>
      %add3A_90 = vector.broadcast %get3A_89 : vector<1x10xf32> to vector<128x10xf32>
      %add3A_91 = arith.addf %dot_general3A_86, %add3A_90 : vector<128x10xf32>
      %swap3A = arith.constant 0 : index
      %swap3A_92 = arith.constant 0 : index
      %swap3A_93 = vector.load %arg12[%swap3A, %swap3A_92] : memref<128x10xf32, #tpu.memory_space<vmem>>, vector<128x10xf32>
      tpu.vector_store %arg12[%swap3A, %swap3A_92], %add3A_91 {strides = array<i32>} : memref<128x10xf32, #tpu.memory_space<vmem>>, vector<128x10xf32>,
    } else {
    }
    return
  }
  func.func @transform_0(%arg0: i32) -> (i32, i32, i32) {
    %c0_i32 = arith.constant 0 : i32
    %c0_i32_0 = arith.constant 0 : i32
    %c0_i32_1 = arith.constant 0 : i32
    return %c0_i32, %arg0, %c0_i32_0 : i32, i32, i32
  }
  func.func @transform_1(%arg0: i32) -> (i32, i32) {
    %c0_i32 = arith.constant 0 : i32
    %c0_i32_0 = arith.constant 0 : i32
    return %arg0, %c0_i32 : i32, i32
  }
  func.func @transform_2(%arg0: i32) -> (i32, i32) {
    %c0_i32 = arith.constant 0 : i32
    %c0_i32_0 = arith.constant 0 : i32
    return %arg0, %c0_i32 : i32, i32
  }
  func.func @transform_3(%arg0: i32) -> (i32, i32) {
    %c0_i32 = arith.constant 0 : i32
    %c0_i32_0 = arith.constant 0 : i32
    %c0_i32_1 = arith.constant 0 : i32
    return %c0_i32, %c0_i32_0 : i32, i32
  }
  func.func @transform_4(%arg0: i32) -> (i32, i32) {
    %c0_i32 = arith.constant 0 : i32
    %c0_i32_0 = arith.constant 0 : i32
    %c0_i32_1 = arith.constant 0 : i32
    return %c0_i32, %c0_i32_0 : i32, i32
  }
  func.func @transform_5(%arg0: i32) -> (i32, i32) {
    %c0_i32 = arith.constant 0 : i32
    %c0_i32_0 = arith.constant 0 : i32
    %c0_i32_1 = arith.constant 0 : i32
    return %c0_i32, %c0_i32_0 : i32, i32
  }
  func.func @transform_6(%arg0: i32) -> (i32, i32) {
    %c0_i32 = arith.constant 0 : i32
    %c0_i32_0 = arith.constant 0 : i32
    %c0_i32_1 = arith.constant 0 : i32
    return %c0_i32, %c0_i32_0 : i32, i32
  }
  func.func @transform_7(%arg0: i32) -> (i32, i32) {
    %c0_i32 = arith.constant 0 : i32
    %c0_i32_0 = arith.constant 0 : i32
    return %arg0, %c0_i32 : i32, i32
  }
  func.func @transform_8(%arg0: i32) -> (i32, i32) {
    %c0_i32 = arith.constant 0 : i32
    %c0_i32_0 = arith.constant 0 : i32
    return %arg0, %c0_i32 : i32, i32
  }
  func.func @transform_9(%arg0: i32) -> (i32, i32) {
    %c0_i32 = arith.constant 0 : i32
    %c0_i32_0 = arith.constant 0 : i32
    %c0_i32_1 = arith.constant 0 : i32
    return %c0_i32, %c0_i32_0 : i32, i32
  }
  func.func @transform_10(%arg0: i32) -> (i32, i32) {
    %c0_i32 = arith.constant 0 : i32
    %c0_i32_0 = arith.constant 0 : i32
    %c0_i32_1 = arith.constant 0 : i32
    return %c0_i32, %c0_i32_0 : i32, i32
  }
  func.func @transform_11(%arg0: i32) -> (i32, i32) {
    %c0_i32 = arith.constant 0 : i32
    %c0_i32_0 = arith.constant 0 : i32
    %c0_i32_1 = arith.constant 0 : i32
    return %c0_i32, %c0_i32_0 : i32, i32
  }
}

</mosaic_0001>

<sc_bundles>
// kernel: kernel.11.cloned.1.call-start
scs
__scs_entry_jumppad:
0x0: {  	(pc) =	sbr.rel $0x88, $3  }
0x1: {  	(tag) =	ssettag $0x0;
	lr =	simm.s32 $0x1  }
0x2: {  	[smem:$0x3F92] =	sst lr;
	_ =	strace $0xD0000000  }
0x3: {  	_ = 	snop  }
0x4: {  	_ = 	snop  }
0x5: {  	_ = 	snop  }
0x6: {  	_ = 	snop  }
0x7: {  	_ = 	snop  }
__scs_overlays_trampoline_lowered:
0x8: {  	[smem:$0x3FA1] =	sst s0  }
0x9: {  	[smem:$0x3FA2] =	sst s1  }
0xa: {  	[smem:$0x3FA3] =	sst s2  }
0xb: {  	[smem:$0x3FA4] =	sst s3  }
0xc: {  	[smem:$0x3FA5] =	sst s4  }
0xd: {  	[smem:$0x3FA6] =	sst s5  }
0xe: {  	[smem:$0x3FA7] =	sst s6  }
0xf: {  	[smem:$0x3FA8] =	sst s7  }
0x10: {  	[smem:$0x3FA9] =	sst s8  }
0x11: {  	[smem:$0x3FAA] =	sst s9;
	s0 =	simm.s32 @!p0 $0x0  }
0x12: {  	s1 =	sld [smem:$0x3F90];
	s0 =	simm.s32 @p0 $0x1  }
0x13: {  	[smem:$0x3FAB] =	sst s0;
	s0 =	simm.s32 @!p1 $0x0  }
0x14: {  	s2 =	sld [smem:$0x3F8F];
	s0 =	simm.s32 @p1 $0x1  }
0x15: {  	[smem:$0x3FAC] =	sst s0;
	s0 =	simm.s32 @!p2 $0x0  }
0x16: {  	s3 =	sld [smem:$0x3FDB];
	s0 =	simm.s32 @p2 $0x1  }
0x17: {  	s4 =	simm.s32 $0x1BF5;
	[smem:$0x3FAE] =	sst s0  }
0x18: {  	s0 =	sld [smem:$0x3F91];
	_ =	swait.ge [sflag:s4], $0x0  }
0x19: {  	s7 =	sld [smem:$0x3F92]  }
0x1a: {  	s8 =	sadd.s32 $0xFFFFE003, lr  }
0x1b: {  	s9 =	sadd.s32 $0xFFFFFEF7, lr;
	s5 =	simm.s32 $0xFFFFFFFF;
	p2 =	slt.u32 s8, $0xFFFFF086  }
0x1c: {  	p1 =	slt.u32 s9, $0xF7A;
	s5 =	simm.s32 @!p2 $0x0  }
0x1d: {  	s5 =	simm.s32 @p1 $0x1;
	p0 =	seq.s32 s7, s2  }
0x1e: {  	s7 =	smul.u32 @!p0 $0xF7A, s2;
	p2 =	seq.s32 @!p0 s5, $0x0  }
0x1f: {  	s9 =	smul.u32 $0xF7A, s1;
	s8 =	simm.s32 @!p0 $0x1BF5;
	p2 =	por !p2, p0  }
0x20: {  	[sflag:s8] =	ssyncset.s32 @!p0 $0xFFFFF086;
	s6 =	sadd.s32 @!p0 s3, s7;
	s7 =	simm.s32 @!p0 $0x108  }
0x21: {  	s3 =	sadd.s32 s3, s9;
	s6 =	sadd.s32 @!p0 $0x88, s6;
	s7 =	simm.s32 @p2 $0x1082  }
0x22: {  	[simem:s7], [sflag:s8] =	dma.local @!p0 [hbm:s6], $0xF7A  }
0x23: {  	s9 =	sor.u32 $0xD0000000, s2;
	s6 =	simm.s32 $0x108;
	_ =	swait.ge @!p0 [sflag:s8], $0x0  }
0x24: {  	s3 =	sadd.s32 $0x88, s3;
	s6 =	simm.s32 @!p1 $0x1082;
	[sflag:s4] =	ssyncset.s32 $0xFFFFF086  }
0x25: {  	[simem:s6], [sflag:s4] =	dma.local [hbm:s3], $0xF7A  }
0x26: {  	[smem:$0x3F92] =	sst s1;
	(tag) =	ssettag s2;
	_ =	strace s9  }
0x27: {  	s1 =	sld [smem:$0x3FA2]  }
0x28: {  	s2 =	sld [smem:$0x3FA3]  }
0x29: {  	s4 =	sld [smem:$0x3FA5]  }
0x2a: {  	p0 =	seq.s32 s5, $0x0;
	s5 =	sld [smem:$0x3FA6]  }
0x2b: {  	s6 =	sld [smem:$0x3FA7]  }
0x2c: {  	s7 =	sld [smem:$0x3FA8]  }
0x2d: {  	s3 =	simm.s32 $0x108;
	s8 =	sld [smem:$0x3FA9]  }
0x2e: {  	s3 =	simm.s32 @!p0 $0x1082;
	s9 =	sld [smem:$0x3FAA]  }
0x2f: {  	lr =	sadd.s32 s0, s3;
	s0 =	sld [smem:$0x3FA1]  }
0x30: {  	s3 =	sld [smem:$0x3FA4]  }
0x31: {  	[smem:$0x3FAD] =	sst s10  }
0x32: {  	s10 =	sld [smem:$0x3FAB];
	_ =	sdelay $0x3  }
0x33: {  	p0 =	seq.s32 s10, $0x1;
	s10 =	sld [smem:$0x3FAD];
	_ =	sdelay $0x3  }
0x34: {  	[smem:$0x3FAD] =	sst s10  }
0x35: {  	s10 =	sld [smem:$0x3FAC];
	_ =	sdelay $0x3  }
0x36: {  	p1 =	seq.s32 s10, $0x1;
	s10 =	sld [smem:$0x3FAD];
	_ =	sdelay $0x3  }
0x37: {  	[smem:$0x3FAD] =	sst s10  }
0x38: {  	s10 =	sld [smem:$0x3FAE]  }
0x39: {  	_ = 	snop;
	(pc) =	sbr.ind lr, $3  }
0x3a: {  	_ = 	snop  }
0x3b: {  	_ = 	snop  }
0x3c: {  	p2 =	seq.s32 s10, $0x1;
	s10 =	sld [smem:$0x3FAD]  }
0x3d: {  	_ =	shalt  }
0x3e: {  	_ =	shalt  }
0x3f: {  	_ =	shalt  }
0x40: {  	_ =	shalt  }
0x41: {  	_ =	shalt  }
0x42: {  	_ =	shalt  }
0x43: {  	_ =	shalt  }
0x44: {  	_ =	shalt  }
0x45: {  	_ =	shalt  }
0x46: {  	_ =	shalt  }
0x47: {  	_ =	shalt  }
0x48: {  	_ =	shalt  }
0x49: {  	_ =	shalt  }
0x4a: {  	_ =	shalt  }
0x4b: {  	_ =	shalt  }
0x4c: {  	_ =	shalt  }
0x4d: {  	_ =	shalt  }
0x4e: {  	_ =	shalt  }
0x4f: {  	_ =	shalt  }
0x50: {  	_ =	shalt  }
0x51: {  	_ =	shalt  }
0x52: {  	_ =	shalt  }
0x53: {  	_ =	shalt  }
0x54: {  	_ =	shalt  }
0x55: {  	_ =	shalt  }
0x56: {  	_ =	shalt  }
0x57: {  	_ =	shalt  }
0x58: {  	_ =	shalt  }
0x59: {  	_ =	shalt  }
0x5a: {  	_ =	shalt  }
0x5b: {  	_ =	shalt  }
0x5c: {  	_ =	shalt  }
0x5d: {  	_ =	shalt  }
0x5e: {  	_ =	shalt  }
0x5f: {  	_ =	shalt  }
0x60: {  	_ =	shalt  }
0x61: {  	_ =	shalt  }
0x62: {  	_ =	shalt  }
0x63: {  	_ =	shalt  }
0x64: {  	_ =	shalt  }
0x65: {  	_ =	shalt  }
0x66: {  	_ =	shalt  }
0x67: {  	_ =	shalt  }
0x68: {  	_ =	shalt  }
0x69: {  	_ =	shalt  }
0x6a: {  	_ =	shalt  }
0x6b: {  	_ =	shalt  }
0x6c: {  	_ =	shalt  }
0x6d: {  	_ =	shalt  }
0x6e: {  	_ =	shalt  }
0x6f: {  	_ =	shalt  }
0x70: {  	_ =	shalt  }
0x71: {  	_ =	shalt  }
0x72: {  	_ =	shalt  }
0x73: {  	_ =	shalt  }
0x74: {  	_ =	shalt  }
0x75: {  	_ =	shalt  }
0x76: {  	_ =	shalt  }
0x77: {  	_ =	shalt  }
0x78: {  	_ =	shalt  }
0x79: {  	_ =	shalt  }
0x7a: {  	_ =	shalt  }
0x7b: {  	_ =	shalt  }
0x7c: {  	_ =	shalt  }
0x7d: {  	_ =	shalt  }
0x7e: {  	_ =	shalt  }
0x7f: {  	_ =	shalt  }
0x80: {  	_ =	shalt  }
0x81: {  	_ =	shalt  }
0x82: {  	_ =	shalt  }
0x83: {  	_ =	shalt  }
0x84: {  	_ =	shalt  }
0x85: {  	_ =	shalt  }
0x86: {  	_ =	shalt  }
0x87: {  	_ =	shalt  }
.Lfunc_end0:
.L_simem_size_0:
called_computation.1_lowered:
.L_overlay_start_0:
0x88: {  	s2 =	sld [smem:$0x3FD9]  }
0x89: {  	s3 =	sld [smem:$0x3FFE];
	_ =	sdelay $0x1  }
0x8a: {  	s1 =	srdreg.scid  }
0x8b: {  	s0 =	sand.u32 $0x1, s1  }
0x8c: {  	s16 =	sshll.u32 s0, $0xA;
	s2 =	sadd.s32 s3, s2  }
0x8d: {  	s2 =	sadd.s32 s2, s16  }
0x8e: {  	[smem:$0x3FB9] =	sst s2  }
0x8f: {  	_ = 	snop  }
0x90: {  	(tm) =	ssettm $0x1  }
0x91: {  	s17 =	sld [smem:$0x3FFB];
	_ =	sdelay $0x3  }
0x92: {  	_ =	strace s17  }
0x93: {  	s2 =	sld [smem:$0x3FFC];
	_ =	sdelay $0x3  }
0x94: {  	_ =	strace s2  }
0x95: {  	s2 =	sld [smem:$0x3FFD];
	_ =	sdelay $0x3  }
0x96: {  	_ =	strace s2  }
0x97: {  	_ =	strace $0x8FFFFFFF  }
0x98: {  	s18 =	sld [smem:$0x3FDB];
	_ =	sdelay $0x1  }
0x99: {  	s19 =	simm.s32 $_scs_section_size  }
0x9a: {  	s4 =	simm.s32 $_size__tile_overlayer_lowered;
	s5 =	simm.s32 $_tile_overlayer_lowered  }
0x9b: {  	s22 =	simm.s32 $0x1BFF;
	s21 =	sshll.u32 s5, $0x1;
	s2 =	sadd.s32 s19, s18  }
0x9c: {  	s6 =	simm.s32 $0x0;
	s20 =	sshll.u32 s4, $0x1;
	s4 =	sadd.s32 s21, s2  }
0x9d: {  	[timem:s6], [sflag:s22] =	dma.local [hbm:s4], s20  }
0x9e: {  	_ =	swait.ge [sflag:s22], s20  }
0x9f: {  	s3 =	ssub.s32 $0x0, s20;
	[sflag:s22] =	ssyncset.done $0x0  }
0xa0: {  	[sflag:s22] =	ssyncadd.s32 s3;
	_ =	sdelay $0x1  }
0xa1: {  	s23 =	simm.s32 $0x1B8B  }
0xa2: {  	_ =	swait.ge [sflag:s23], $0x1  }
0xa3: {  	[sflag:s23] =	ssyncset.done $0x0  }
0xa4: {  	s25 =	simm.s32 $0x1B8E;
	s24 =	sld [smem:$0x3FFE];
	[sflag:s23] =	ssyncadd.s32 $0xFFFFFFFF  }
0xa5: {  	s26 =	simm.s32 $execute0_lowered;
	[smem:$0x3FD2] =	sst s25  }
0xa6: {  	s4 =	sshll.u32 s26, $0x1;
	_ =	strace $0x80000049;
	[dreg:$0x1] =	wrdreg $0xFFFFFFFF  }
0xa7: {  	s28 =	simm.s32 $_size_execute0_lowered;
	s2 =	sadd.s32 s2, s4;
	[dreg:$0x0] =	wrdreg $0x0  }
0xa8: {  	s4 =	sshll.u32 s28, $0x1;
	[dreg:$0x2] =	wrdreg s2  }
0xa9: {  	[dreg:$0x3] =	wrdreg s4  }
0xaa: {  	[dreg:$0x4] =	wrdreg $0xC0  }
0xab: {  	_ =	task [dreg:s6], $0x5FFFF  }
0xac: {  	[dreg:$0x1] =	wrdreg $0xFFFFFFFF  }
0xad: {  	[dreg:$0x0] =	wrdreg $0x60  }
0xae: {  	[dreg:$0x2] =	wrdreg s24  }
0xaf: {  	[dreg:$0x3] =	wrdreg $0x82000  }
0xb0: {  	[dreg:$0x4] =	wrdreg $0x9  }
0xb1: {  	_ =	task.clear_ibuf [dreg:s6], $0x5FFFF;
	_ =	strace $0x90000049  }
0xb2: {  	s29 =	simm.s32 $0x9;
	_ =	strace $0x8000004B  }
0xb3: {  	_ =	swait.ge [sflag:s29], $0x1  }
0xb4: {  	[sflag:s29] =	ssyncadd.s32 $0xFFFFFFFF  }
0xb5: {  	_ =	strace $0x9000004B  }
0xb6: {  	_ =	sfence  }
0xb7: {  	s30 =	sld [smem:$0x0];
	_ =	sdelay $0x2  }
0xb8: {  	s31 =	sshll.u32 s1, $0xD;
	s1 =	sshrl.u32 s1, $0x2  }
0xb9: {  	s3 =	sand.u32 $0x4000, s31;
	s1 =	sadd.s32 s1, s30  }
0xba: {  	s0 =	sor.u32 s3, s0;
	s1 =	sshll.u32 s1, $0x11  }
0xbb: {  	s0 =	sor.u32 s1, s0  }
0xbc: {  	s0 =	sadd.s32 $0x8F2B, s0  }
0xbd: {  	[sflag:s0] =	ssyncadd.remote.s32 $0x1  }
0xbe: {  	_ =	sfence.sel $0xFFFF  }
0xbf: {  	[dreg:$0x0] =	wrdreg $0xFFFFFFFF;
	(pc) =	sbr.abs _section_cstart, $3  }
0xc0: {  	[dreg:$0x1] =	wrdreg $0xFFFFFFFF  }
0xc1: {  	_ =	task.clear_ibuf [dreg:s6], $0x2FFFF;
	_ =	strace $0x9FFFFFFF  }
0xc2: {  	(tm) =	ssettm $0x7FFFFFFF  }
0xc3: {  	_ =	shalt  }
tec
execute0_lowered:
.L_overlay_start_1:
0x0: {  	(tag) =	ssettag $0x1  }
0x1: {  	s0 =	rddreg [dreg:$0x0]  }
0x2: {  	s2 =	rddreg [dreg:$0x1]  }
0x3: {  	s1 =	srdreg.scid;
	s11 =	stileid.u32  }
0x4: {  	s3 =	simm.s32 $0x0;
	s31 =	simm.s32 $0x8;
	s30 =	simm.s32 $0x6A00  }
0x5: {  	s1 =	sand.u32 $0x1, s1;
	s5 =	smul.u32 $0x14000, s11;
	[smem:$0x7FF] =	sst s3  }
0x6: {  	s4 =	sadd.s32 $0x3E00, s0;
	s12 =	sadd.s32 $0x6EE00, s0;
	s7 =	smul.u32 $0x50000, s11  }
0x7: {  	s8 =	sshll.u32 s11, $0x1;
	s29 =	smul.u32 $0x1A200, s11;
	s11 =	sshll.u32 s11, $0x6  }
0x8: {  	s6 =	smul.u32 $0x140000, s1;
	_ =	strace $0x8000004A;
	s9 =	ssub.s32 $0x2, s1  }
0x9: {  	s8 =	sor.u32 s1, s8;
	s1 =	smul.u32 $0xD100, s1;
	s11 =	sor.u32 $0x1C15, s11  }
0xa: {  	[dreg:$0x3] =	wrdreg s12;
	s10 =	sshrl.u32 s9, $0x1;
	s7 =	sshrl.u32 s7, $0x2  }
0xb: {  	s8 =	smul.u32 $0xD100, s8;
	[dreg:$0x6] =	wrdreg s11;
	s6 =	sadd.s32 s5, s6  }
0xc: {  	s28 =	ssub.s32 s9, s10;
	s7 =	sadd.s32 s7, s2;
	s5 =	sshrl.u32 s5, $0x3  }
0xd: {  	s15 =	sadd.s32 s1, s29;
	s9 =	simm.s32 $0xD;
	s10 =	simm.s32 $0x9  }
0xe: {  	s6 =	sshrl.u32 s6, $0x3;
	s8 =	sshrl.u32 s8, $0x3;
	s5 =	sadd.s32 s4, s5  }
0xf: {  	s14 =	smax.u32 s28, $0x1;
	s1 =	sadd.s32 $0x700, s15;
	s16 =	sadd.s32 $0x800, s15  }
0x10: {  	s17 =	sadd.s32 $0x900, s15;
	s20 =	sadd.s32 $0xA00, s15;
	s21 =	sadd.s32 $0xB00, s15  }
0x11: {  	s22 =	sadd.s32 $0x400, s15;
	s23 =	sadd.s32 $0x500, s15;
	s26 =	sadd.s32 $0x600, s15  }
0x12: {  	s28 =	sadd.s32 $0x300, s15;
	s0 =	sadd.s32 s6, s0;
	[dreg:$0x5] =	wrdreg s5  }
0x13: {  	s8 =	sadd.s32 s12, s8;
	[dreg:$0x9] =	wrdreg s14;
	s1 =	sshrl.u32 s1, $0x3  }
0x14: {  	s5 =	sshrl.u32 s16, $0x3;
	s6 =	sshrl.u32 s17, $0x3;
	[dreg:$0xd] =	wrdreg s20  }
0x15: {  	s25 =	sshrl.u32 s23, $0x3;
	s14 =	simm.s32 $0x15;
	s23 =	simm.s32 $0x5200  }
0x16: {  	s16 =	simm.s32 $0x6;
	[dreg:$0x4] =	wrdreg s8;
	s13 =	sadd.s32 $0x20, s8  }
0x17: {  	s17 =	simm.s32 $0xF;
	s0 =	sadd.s32 $0xA3200, s0;
	[dreg:$0x7] =	wrdreg s13  }
0x18: {  	s20 =	simm.s32 $0x7;
	s1 =	sadd.s32 s1, s12;
	[dreg:$0x8] =	wrdreg s0  }
0x19: {  	s18 =	sadd.s32 s5, s12;
	s19 =	sadd.s32 s6, s12;
	[dreg:$0xa] =	wrdreg s1  }
0x1a: {  	s5 =	sshrl.u32 s22, $0x3;
	s6 =	simm.s32 $0x3A00;
	[dreg:$0xb] =	wrdreg s18  }
0x1b: {  	s22 =	simm.s32 $0x4;
	s8 =	simm.s32 $0x14;
	[dreg:$0xc] =	wrdreg s19  }
0x1c: {  	s1 =	sshrl.u32 s21, $0x3;
	s24 =	sadd.s32 s5, s12;
	s5 =	sshrl.u32 s28, $0x3  }
0x1d: {  	s0 =	sadd.s32 $0x200, s15;
	s19 =	simm.s32 $0xA00;
	s15 =	simm.s32 $0xC  }
0x1e: {  	s13 =	simm.s32 $0x10;
	s18 =	simm.s32 $0x11;
	s21 =	simm.s32 $0x0  }
0x1f: {  	s1 =	sadd.s32 s1, s12;
	[dreg:$0xf] =	wrdreg s24;
	s29 =	sadd.s32 s5, s12  }
0x20: {  	s0 =	sshrl.u32 s0, $0x3;
	s5 =	sshrl.u32 s7, $0x3;
	[dreg:$0xe] =	wrdreg s1  }
.Ltmp0:
0x21: {  	s7 =	simm.s32 $0xB;
	[dreg:$0x12] =	wrdreg s29;
	(pc) =	sbr.rel .LBB2_1-.Ltmp0, $4  }
0x22: {  	s1 =	sadd.s32 s25, s12;
	s0 =	sadd.s32 s0, s12;
	[dreg:$0x14] =	wrdreg s5  }
0x23: {  	s25 =	simm.s32 $0x5;
	[dreg:$0x10] =	wrdreg s1;
	s1 =	sshrl.u32 s26, $0x3  }
0x24: {  	[dreg:$0x13] =	wrdreg s0;
	s26 =	simm.s32 $0x30;
	s1 =	sadd.s32 s1, s12  }
0x25: {  	s12 =	simm.s32 $0xE;
	[dreg:$0x11] =	wrdreg s1;
	s1 =	simm.s32 $0x2200  }
.LBB2_6:
0x26: {  	s0 =	simm.s32 $0x12  }
0x27: {  	_ =	swait.ge [sflag:s0], $0x1800  }
0x28: {  	[sflag:s0] =	ssyncset.done $0x0  }
0x29: {  	s29 =	simm.s32 $0x13;
	[sflag:s0] =	ssyncadd.s32 $0xFFFFE800  }
0x2a: {  	_ =	swait.ge [sflag:s29], $0x1800  }
0x2b: {  	[sflag:s29] =	ssyncset.done $0x0  }
0x2c: {  	[sflag:s29] =	ssyncadd.s32 $0xFFFFE800  }
.LBB2_4:
0x2d: {  	[bflag:$0x0] =	sbarrier.arrive $0xFFFF  }
0x2e: {  	s11 =	rddreg [dreg:$0x6]  }
0x2f: {  	s0 =	rddreg [dreg:$0x8]  }
0x30: {  	s14 =	simm.s32 $0x15;
	s5 =	rddreg [dreg:$0x14]  }
0x31: {  	[hbm:s0], [sflag:s11] =	dma.local [spmem:s5], $0x2800  }
0x32: {  	_ =	swait.ge [sflag:s14], $0x2800  }
0x33: {  	s21 =	rddreg [dreg:$0x15]  }
0x34: {  	s29 =	rddreg [dreg:$0x9];
	s21 =	sadd.s32 $0x1, s21  }
0x35: {  	p0 =	sne.s32 s21, s29  }
.Ltmp1:
0x36: {  	_ = 	snop;
	(pc) =	sbr.rel @!p0 .LBB2_5-.Ltmp1, $3  }
0x37: {  	_ =	sdelay $0x1  }
0x38: {  	[sflag:s14] =	ssyncset.done $0x0  }
0x39: {  	s19 =	simm.s32 $0xA00;
	[sflag:s14] =	ssyncadd.s32 $0xFFFFD800  }
.LBB2_1:
0x3a: {  	[dreg:$0x15] =	wrdreg s21  }
0x3b: {  	s0 =	rddreg [dreg:$0x5]  }
0x3c: {  	[spmem:s5], [sflag:s11] =	dma.local [hbm:s0], $0x2800  }
0x3d: {  	_ =	swait.ge [sflag:s14], $0x2800  }
0x3e: {  	[sflag:s14] =	ssyncset.done $0x0  }
0x3f: {  	[sflag:s14] =	ssyncadd.s32 $0xFFFFD800  }
0x40: {  	[bflag:$0x0] =	sbarrier.arrive $0xFFFF  }
0x41: {  	s21 =	rddreg [dreg:$0x4]  }
0x42: {  	[tilespmem:s3], [sflag:$0x1] =	stream.linear.gather [hbm4b:s21+s3], $0x100, $0x38;
	[tilespmem:$0x1C200] =	vst v63  }
0x43: {  	s28 =	simm.s32 $0x100;
	s29 =	simm.s32 $0x1;
	s24 =	rddreg [dreg:$0x7]  }
0x44: {  	[tilespmem:s28], [sflag:$0x2] =	stream.linear.gather [hbm4b:s24+s3], $0x100, $0x38;
	[tilespmem:$0x1C200] =	vst v63  }
0x45: {  	_ =	swait.ge [sflag:s29], $0x100  }
0x46: {  	[sflag:s29] =	ssyncset.done $0x0  }
0x47: {  	s14 =	simm.s32 $0x0;
	[sflag:s29] =	ssyncadd.s32 $0xFFFFFF00  }
0x48: {  	[tilespmem:s19], [sflag:$0xB] =	stream.indirect.gather [hbm4b:s4+s26], $0x80, s3, s26, $0xb8;
	[tilespmem:$0x1C200] =	vst v63  }
0x49: {  	s24 =	simm.s32 $0xFFFFFFFC;
	s5 =	rddreg [dreg:$0xd];
	s19 =	simm.s32 $0x0  }
.LBB2_2:
0x4a: {  	p1 =	seq.s32 s14, $0x1A40  }
.Ltmp2:
0x4b: {  	p0 =	sgt.u32 s24, $0xD0;
	(pc) =	sbr.rel @p1 .LBB2_6-.Ltmp2, $4  }
0x4c: {  	s21 =	simm.s32 @!p0 $0x11  }
0x4d: {  	_ =	swait.ge @!p0 [sflag:s21], $0x1800  }
0x4e: {  	[sflag:s21] =	ssyncset.done @!p0 $0x0  }
0x4f: {  	[sflag:s21] =	ssyncadd.s32 @!p0 $0xFFFFE800  }
0x50: {  	s0 =	rddreg [dreg:$0x13]  }
0x51: {  	s28 =	simm.s32 $0x200;
	s11 =	simm.s32 $0x2;
	s21 =	sadd.s32 s14, s0  }
0x52: {  	[tilespmem:s28], [sflag:$0x3] =	stream.linear.gather [hbm4b:s21+s3], $0x100, $0x38;
	[tilespmem:$0x1C200] =	vst v63  }
0x53: {  	_ =	swait.ge [sflag:s11], $0x100  }
0x54: {  	[sflag:s11] =	ssyncset.done $0x0  }
0x55: {  	s21 =	simm.s32 $0x100;
	[sflag:s11] =	ssyncadd.s32 $0xFFFFFF00  }
0x56: {  	[tilespmem:s1], [sflag:$0xC] =	stream.indirect.gather [hbm4b:s4+s26], $0x80, s21, s26, $0xb8;
	[tilespmem:$0x1C200] =	vst v63  }
0x57: {  	s0 =	sadd.s32 $0x1, s24;
	_ =	swait.ge [sflag:s7], $0x1800  }
0x58: {  	s29 =	simm.s32 $0x80;
	p0 =	sgt.u32 s0, $0xD0;
	[sflag:s7] =	ssyncset.done $0x0  }
0x59: {  	s11 =	simm.s32 $0xA00;
	s21 =	simm.s32 @!p0 $0x12;
	[sflag:s7] =	ssyncadd.s32 $0xFFFFE800  }
0x5a: {  	[spmem:s2] =	stream.indirect.scatter.add.f32 [tilespmem:s11], [sflag:$0x10], $0x80, s29, s26, $0xb8;
	[tilespmem:$0x1C200] =	vst v63  }
0x5b: {  	_ =	swait.ge @!p0 [sflag:s21], $0x1800  }
0x5c: {  	[sflag:s21] =	ssyncset.done @!p0 $0x0  }
0x5d: {  	s29 =	rddreg [dreg:$0x12];
	[sflag:s21] =	ssyncadd.s32 @!p0 $0xFFFFE800  }
0x5e: {  	s0 =	sadd.s32 s14, s29;
	s29 =	simm.s32 $0x300;
	s21 =	simm.s32 $0x3  }
0x5f: {  	[tilespmem:s29], [sflag:$0x4] =	stream.linear.gather [hbm4b:s0+s3], $0x100, $0x38;
	[tilespmem:$0x1C200] =	vst v63  }
0x60: {  	_ =	swait.ge [sflag:s21], $0x100  }
0x61: {  	[sflag:s21] =	ssyncset.done $0x0  }
0x62: {  	[sflag:s21] =	ssyncadd.s32 $0xFFFFFF00  }
0x63: {  	[tilespmem:s6], [sflag:$0xD] =	stream.indirect.gather [hbm4b:s4+s26], $0x80, s28, s26, $0xb8;
	[tilespmem:$0x1C200] =	vst v63  }
0x64: {  	s0 =	sadd.s32 $0x2, s24;
	_ =	swait.ge [sflag:s15], $0x1800  }
0x65: {  	p0 =	sgt.u32 s0, $0xD0;
	[sflag:s15] =	ssyncset.done $0x0  }
0x66: {  	s21 =	simm.s32 @!p0 $0x13;
	s28 =	simm.s32 $0x180;
	[sflag:s15] =	ssyncadd.s32 $0xFFFFE800  }
0x67: {  	[spmem:s2] =	stream.indirect.scatter.add.f32 [tilespmem:s1], [sflag:$0x11], $0x80, s28, s26, $0xb8;
	[tilespmem:$0x1C200] =	vst v63  }
0x68: {  	_ =	swait.ge @!p0 [sflag:s21], $0x1800  }
0x69: {  	[sflag:s21] =	ssyncset.done @!p0 $0x0;
	s28 =	rddreg [dreg:$0xf]  }
0x6a: {  	[sflag:s21] =	ssyncadd.s32 @!p0 $0xFFFFE800;
	s0 =	sadd.s32 s14, s28;
	s28 =	simm.s32 $0x400  }
0x6b: {  	[tilespmem:s28], [sflag:$0x5] =	stream.linear.gather [hbm4b:s0+s3], $0x100, $0x38;
	[tilespmem:$0x1C200] =	vst v63  }
0x6c: {  	_ =	swait.ge [sflag:s22], $0x100  }
0x6d: {  	[sflag:s22] =	ssyncset.done $0x0  }
0x6e: {  	[sflag:s22] =	ssyncadd.s32 $0xFFFFFF00  }
0x6f: {  	[tilespmem:s23], [sflag:$0xE] =	stream.indirect.gather [hbm4b:s4+s26], $0x80, s29, s26, $0xb8;
	[tilespmem:$0x1C200] =	vst v63  }
0x70: {  	s0 =	sadd.s32 $0x3, s24;
	_ =	swait.ge [sflag:s9], $0x1800  }
0x71: {  	p0 =	sgt.u32 s0, $0xD0;
	[sflag:s9] =	ssyncset.done $0x0  }
0x72: {  	s21 =	simm.s32 @!p0 $0x14;
	s29 =	simm.s32 $0x280;
	[sflag:s9] =	ssyncadd.s32 $0xFFFFE800  }
0x73: {  	[spmem:s2] =	stream.indirect.scatter.add.f32 [tilespmem:s6], [sflag:$0x12], $0x80, s29, s26, $0xb8;
	[tilespmem:$0x1C200] =	vst v63  }
0x74: {  	_ =	swait.ge @!p0 [sflag:s21], $0x1800  }
0x75: {  	[sflag:s21] =	ssyncset.done @!p0 $0x0;
	s29 =	rddreg [dreg:$0x10]  }
0x76: {  	[sflag:s21] =	ssyncadd.s32 @!p0 $0xFFFFE800;
	s0 =	sadd.s32 s14, s29;
	s29 =	simm.s32 $0x500  }
0x77: {  	[tilespmem:s29], [sflag:$0x6] =	stream.linear.gather [hbm4b:s0+s3], $0x100, $0x38;
	[tilespmem:$0x1C200] =	vst v63  }
0x78: {  	_ =	swait.ge [sflag:s25], $0x100  }
0x79: {  	[sflag:s25] =	ssyncset.done $0x0  }
0x7a: {  	[sflag:s25] =	ssyncadd.s32 $0xFFFFFF00  }
0x7b: {  	[tilespmem:s30], [sflag:$0xF] =	stream.indirect.gather [hbm4b:s4+s26], $0x80, s28, s26, $0xb8;
	[tilespmem:$0x1C200] =	vst v63  }
0x7c: {  	_ =	swait.ge [sflag:s12], $0x1800  }
0x7d: {  	[sflag:s12] =	ssyncset.done $0x0  }
0x7e: {  	s21 =	simm.s32 $0x380;
	[sflag:s12] =	ssyncadd.s32 $0xFFFFE800  }
0x7f: {  	[spmem:s2] =	stream.indirect.scatter.add.f32 [tilespmem:s23], [sflag:$0x13], $0x80, s21, s26, $0xb8;
	[tilespmem:$0x1C200] =	vst v63  }
0x80: {  	_ =	swait.ge [sflag:s13], $0x1800  }
0x81: {  	[sflag:s13] =	ssyncset.done $0x0;
	s28 =	rddreg [dreg:$0x11]  }
0x82: {  	[sflag:s13] =	ssyncadd.s32 $0xFFFFE800;
	s0 =	sadd.s32 s14, s28;
	s28 =	simm.s32 $0x600  }
0x83: {  	[tilespmem:s28], [sflag:$0x7] =	stream.linear.gather [hbm4b:s0+s3], $0x100, $0x38;
	[tilespmem:$0x1C200] =	vst v63  }
0x84: {  	_ =	swait.ge [sflag:s16], $0x100  }
0x85: {  	[sflag:s16] =	ssyncset.done $0x0  }
0x86: {  	[sflag:s16] =	ssyncadd.s32 $0xFFFFFF00  }
0x87: {  	[tilespmem:s11], [sflag:$0xB] =	stream.indirect.gather [hbm4b:s4+s26], $0x80, s29, s26, $0xb8;
	[tilespmem:$0x1C200] =	vst v63  }
0x88: {  	_ =	swait.ge [sflag:s17], $0x1800  }
0x89: {  	[sflag:s17] =	ssyncset.done $0x0  }
0x8a: {  	s21 =	simm.s32 $0x480;
	[sflag:s17] =	ssyncadd.s32 $0xFFFFE800  }
0x8b: {  	[spmem:s2] =	stream.indirect.scatter.add.f32 [tilespmem:s30], [sflag:$0x14], $0x80, s21, s26, $0xb8;
	[tilespmem:$0x1C200] =	vst v63  }
0x8c: {  	_ =	swait.ge [sflag:s18], $0x1800  }
0x8d: {  	[sflag:s18] =	ssyncset.done $0x0;
	s29 =	rddreg [dreg:$0xa]  }
0x8e: {  	[sflag:s18] =	ssyncadd.s32 $0xFFFFE800;
	s0 =	sadd.s32 s14, s29;
	s29 =	simm.s32 $0x700  }
0x8f: {  	[tilespmem:s29], [sflag:$0x8] =	stream.linear.gather [hbm4b:s0+s3], $0x100, $0x38;
	[tilespmem:$0x1C200] =	vst v63  }
0x90: {  	_ =	swait.ge [sflag:s20], $0x100  }
0x91: {  	[sflag:s20] =	ssyncset.done $0x0  }
0x92: {  	[sflag:s20] =	ssyncadd.s32 $0xFFFFFF00  }
0x93: {  	[tilespmem:s1], [sflag:$0xC] =	stream.indirect.gather [hbm4b:s4+s26], $0x80, s28, s26, $0xb8;
	[tilespmem:$0x1C200] =	vst v63  }
0x94: {  	_ =	swait.ge [sflag:s7], $0x1800  }
0x95: {  	[sflag:s7] =	ssyncset.done $0x0  }
0x96: {  	s21 =	simm.s32 $0x12;
	s28 =	simm.s32 $0x580;
	[sflag:s7] =	ssyncadd.s32 $0xFFFFE800  }
0x97: {  	[spmem:s2] =	stream.indirect.scatter.add.f32 [tilespmem:s11], [sflag:$0x10], $0x80, s28, s26, $0xb8;
	[tilespmem:$0x1C200] =	vst v63  }
0x98: {  	_ =	swait.ge [sflag:s21], $0x1800  }
0x99: {  	[sflag:s21] =	ssyncset.done $0x0;
	s28 =	rddreg [dreg:$0xb]  }
0x9a: {  	s11 =	simm.s32 $0x800;
	[sflag:s21] =	ssyncadd.s32 $0xFFFFE800;
	s0 =	sadd.s32 s14, s28  }
0x9b: {  	[tilespmem:s11], [sflag:$0x9] =	stream.linear.gather [hbm4b:s0+s3], $0x100, $0x38;
	[tilespmem:$0x1C200] =	vst v63  }
0x9c: {  	_ =	swait.ge [sflag:s31], $0x100  }
0x9d: {  	[sflag:s31] =	ssyncset.done $0x0  }
0x9e: {  	[sflag:s31] =	ssyncadd.s32 $0xFFFFFF00  }
0x9f: {  	[tilespmem:s6], [sflag:$0xD] =	stream.indirect.gather [hbm4b:s4+s26], $0x80, s29, s26, $0xb8;
	[tilespmem:$0x1C200] =	vst v63  }
0xa0: {  	_ =	swait.ge [sflag:s15], $0x1800  }
0xa1: {  	[sflag:s15] =	ssyncset.done $0x0  }
0xa2: {  	s21 =	simm.s32 $0x680;
	s28 =	simm.s32 $0x13;
	[sflag:s15] =	ssyncadd.s32 $0xFFFFE800  }
0xa3: {  	[spmem:s2] =	stream.indirect.scatter.add.f32 [tilespmem:s1], [sflag:$0x11], $0x80, s21, s26, $0xb8;
	[tilespmem:$0x1C200] =	vst v63  }
0xa4: {  	_ =	swait.ge [sflag:s28], $0x1800  }
0xa5: {  	[sflag:s28] =	ssyncset.done $0x0  }
0xa6: {  	p0 =	sgt.u32 s19, $0x13;
	s0 =	rddreg [dreg:$0xc];
	[sflag:s28] =	ssyncadd.s32 $0xFFFFE800  }
0xa7: {  	s21 =	sadd.s32 @!p0 s14, s0;
	s0 =	simm.s32 @!p0 $0x0;
	s28 =	simm.s32 @!p0 $0x900  }
0xa8: {  	[tilespmem:s28], [sflag:$0xA] =	stream.linear.gather @!p0 [hbm4b:s21+s0], $0x100, $0x38;
	[tilespmem:$0x1C200] =	vst v63  }
0xa9: {  	_ =	swait.ge [sflag:s10], $0x100  }
0xaa: {  	[sflag:s10] =	ssyncset.done $0x0  }
0xab: {  	[sflag:s10] =	ssyncadd.s32 $0xFFFFFF00  }
0xac: {  	[tilespmem:s23], [sflag:$0xE] =	stream.indirect.gather [hbm4b:s4+s26], $0x80, s11, s26, $0xb8;
	[tilespmem:$0x1C200] =	vst v63  }
0xad: {  	_ =	swait.ge [sflag:s9], $0x1800  }
0xae: {  	[sflag:s9] =	ssyncset.done $0x0  }
0xaf: {  	s29 =	simm.s32 $0x780;
	[sflag:s9] =	ssyncadd.s32 $0xFFFFE800  }
0xb0: {  	[spmem:s2] =	stream.indirect.scatter.add.f32 [tilespmem:s6], [sflag:$0x12], $0x80, s29, s26, $0xb8;
	[tilespmem:$0x1C200] =	vst v63  }
0xb1: {  	_ =	swait.ge [sflag:s8], $0x1800  }
0xb2: {  	[sflag:s8] =	ssyncset.done $0x0  }
0xb3: {  	s21 =	simm.s32 @p0 $0xE;
	[sflag:s8] =	ssyncadd.s32 $0xFFFFE800  }
0xb4: {  	_ =	swait.ge @p0 [sflag:s21], $0x1800  }
0xb5: {  	s11 =	simm.s32 @p0 $0x880;
	[sflag:s21] =	ssyncset.done @p0 $0x0  }
0xb6: {  	s29 =	simm.s32 @p0 $0x5200;
	[sflag:s21] =	ssyncadd.s32 @p0 $0xFFFFE800;
	s21 =	simm.s32 @p0 $0x30  }
0xb7: {  	[spmem:s2] =	stream.indirect.scatter.add.f32 @p0 [tilespmem:s29], [sflag:$0x13], $0x80, s11, s21, $0xb8;
	[tilespmem:$0x1C200] =	vst v63  }
0xb8: {  	s11 =	simm.s32 @p0 $0x10  }
0xb9: {  	_ =	swait.ge @p0 [sflag:s11], $0x1800  }
0xba: {  	[sflag:s11] =	ssyncset.done @p0 $0x0  }
0xbb: {  	s21 =	sshrl.u32 @!p0 s5, $0x3;
	[sflag:s11] =	ssyncadd.s32 @p0 $0xFFFFE800;
	s11 =	rddreg [dreg:$0x3]  }
0xbc: {  	s11 =	sadd.s32 @!p0 s11, s21  }
0xbd: {  	[tilespmem:s0], [sflag:$0x1] =	stream.linear.gather @!p0 [hbm4b:s11+s0], $0x100, $0x38;
	[tilespmem:$0x1C200] =	vst v63  }
0xbe: {  	s11 =	simm.s32 @!p0 $0xA  }
0xbf: {  	_ =	swait.ge @!p0 [sflag:s11], $0x100  }
0xc0: {  	[sflag:s11] =	ssyncset.done @!p0 $0x0  }
0xc1: {  	s21 =	simm.s32 @!p0 $0x6A00;
	[sflag:s11] =	ssyncadd.s32 @!p0 $0xFFFFFF00;
	s11 =	simm.s32 @!p0 $0x30  }
0xc2: {  	[tilespmem:s21], [sflag:$0xF] =	stream.indirect.gather @!p0 [hbm4b:s4+s11], $0x80, s28, s11, $0xb8;
	[tilespmem:$0x1C200] =	vst v63  }
0xc3: {  	s28 =	simm.s32 @!p0 $0xE  }
0xc4: {  	_ =	swait.ge @!p0 [sflag:s28], $0x1800  }
0xc5: {  	[sflag:s28] =	ssyncset.done @!p0 $0x0  }
0xc6: {  	s29 =	simm.s32 @!p0 $0x5200;
	[sflag:s28] =	ssyncadd.s32 @!p0 $0xFFFFE800;
	s28 =	simm.s32 @!p0 $0x880  }
0xc7: {  	[spmem:s2] =	stream.indirect.scatter.add.f32 @!p0 [tilespmem:s29], [sflag:$0x13], $0x80, s28, s11, $0xb8;
	[tilespmem:$0x1C200] =	vst v63  }
0xc8: {  	s28 =	simm.s32 @!p0 $0x10  }
0xc9: {  	_ =	swait.ge @!p0 [sflag:s28], $0x1800  }
0xca: {  	[sflag:s28] =	ssyncset.done @!p0 $0x0  }
0xcb: {  	[sflag:s28] =	ssyncadd.s32 @!p0 $0xFFFFE800;
	s28 =	rddreg [dreg:$0xe]  }
0xcc: {  	s29 =	simm.s32 @!p0 $0x100;
	s28 =	sadd.s32 @!p0 s14, s28  }
0xcd: {  	[tilespmem:s29], [sflag:$0x2] =	stream.linear.gather @!p0 [hbm4b:s28+s0], $0x100, $0x38;
	[tilespmem:$0x1C200] =	vst v63  }
0xce: {  	s28 =	simm.s32 @!p0 $0x1  }
0xcf: {  	_ =	swait.ge @!p0 [sflag:s28], $0x100  }
0xd0: {  	[sflag:s28] =	ssyncset.done @!p0 $0x0  }
0xd1: {  	[sflag:s28] =	ssyncadd.s32 @!p0 $0xFFFFFF00;
	s28 =	simm.s32 @!p0 $0xA00  }
0xd2: {  	[tilespmem:s28], [sflag:$0xB] =	stream.indirect.gather @!p0 [hbm4b:s4+s11], $0x80, s0, s11, $0xb8;
	[tilespmem:$0x1C200] =	vst v63  }
0xd3: {  	s0 =	simm.s32 @!p0 $0xF  }
0xd4: {  	_ =	swait.ge @!p0 [sflag:s0], $0x1800  }
0xd5: {  	[sflag:s0] =	ssyncset.done @!p0 $0x0  }
0xd6: {  	s14 =	sadd.s32 $0x140, s14;
	[sflag:s0] =	ssyncadd.s32 @!p0 $0xFFFFE800;
	s0 =	simm.s32 @!p0 $0x980  }
0xd7: {  	[spmem:s2] =	stream.indirect.scatter.add.f32 @!p0 [tilespmem:s21], [sflag:$0x14], $0x80, s0, s11, $0xb8;
	[tilespmem:$0x1C200] =	vst v63  }
0xd8: {  	p0 =	sne.s32 s14, $0x1B80  }
.Ltmp3:
0xd9: {  	_ = 	snop;
	(pc) =	sbr.rel @p0 .LBB2_2-.Ltmp3, $4  }
.Ltmp4:
0xda: {  	_ = 	snop;
	(pc) =	sbr.rel @!p0 .LBB2_4-.Ltmp4, $4  }
0xdb: {  	_ = 	snop  }
0xdc: {  	_ = 	snop  }
0xdd: {  	s24 =	sadd.s32 $0xA, s24;
	s19 =	sadd.s32 $0x1, s19;
	s5 =	sadd.s32 $0xA00, s5  }
0xde: {  	_ = 	snop  }
.LBB2_5:
0xdf: {  	_ =	sfence.sel $0x180000  }
0xe0: {  	[bflag:$0x0] =	sbarrier.arrive $0xFFFF  }
0xe1: {  	_ =	strace $0x9000004A  }
0xe2: {  	s0 =	stileid.u32;
	[bflag:$0x2] =	sbarrier.arrive $0xFFFF  }
0xe3: {  	p0 =	sne.s32 s0, $0x0;
	s0 =	rddreg [dreg:$0x2]  }
0xe4: {  	s0 =	sadd.s32 @!p0 $0x100000, s0  }
0xe5: {  	[sflag:s0] =	ssyncadd.tile.s32 @!p0 $0x1;
	_ =	shalt  }
.Lfunc_end2:
_tile_overlayer_lowered:
.L_overlay_start_2:
0xe6: {  	(tag) =	ssettag $0x2  }
0xe7: {  	s0 =	rddreg [dreg:$0x0];
	s2 =	stileid.u32  }
0xe8: {  	s1 =	rddreg [dreg:$0x1];
	p0 =	sne.s32 s2, $0x0  }
0xe9: {  	s3 =	rddreg [dreg:$0x2];
	[bflag:$0x3] =	sbarrier.arrive $0xFFFF;
	s2 =	simm.s32 @!p0 $0x1C15  }
0xea: {  	[timem:s3], [sflag:s2] =	dma.local @!p0 [hbm:s0], s1  }
0xeb: {  	s0 =	simm.s32 @!p0 $0x15  }
0xec: {  	_ =	swait.ge @!p0 [sflag:s0], s1  }
0xed: {  	s1 =	ssub.s32 @!p0 $0x0, s1;
	[sflag:s0] =	ssyncset.done @!p0 $0x0  }
0xee: {  	[sflag:s0] =	ssyncadd.s32 @!p0 s1  }
0xef: {  	[bflag:$0x3] =	sbarrier.arrive $0xFFFF  }
0xf0: {  	_ =	shalt  }

// kernel: kernel.14.cloned.1.call-start
scs
__scs_entry_jumppad:
0x0: {  	(pc) =	sbr.rel $0x88, $3  }
0x1: {  	(tag) =	ssettag $0x0;
	lr =	simm.s32 $0x1  }
0x2: {  	[smem:$0x3F92] =	sst lr;
	_ =	strace $0xD0000000  }
0x3: {  	_ = 	snop  }
0x4: {  	_ = 	snop  }
0x5: {  	_ = 	snop  }
0x6: {  	_ = 	snop  }
0x7: {  	_ = 	snop  }
__scs_overlays_trampoline_lowered:
0x8: {  	[smem:$0x3FA1] =	sst s0  }
0x9: {  	[smem:$0x3FA2] =	sst s1  }
0xa: {  	[smem:$0x3FA3] =	sst s2  }
0xb: {  	[smem:$0x3FA4] =	sst s3  }
0xc: {  	[smem:$0x3FA5] =	sst s4  }
0xd: {  	[smem:$0x3FA6] =	sst s5  }
0xe: {  	[smem:$0x3FA7] =	sst s6  }
0xf: {  	[smem:$0x3FA8] =	sst s7  }
0x10: {  	[smem:$0x3FA9] =	sst s8  }
0x11: {  	[smem:$0x3FAA] =	sst s9;
	s0 =	simm.s32 @!p0 $0x0  }
0x12: {  	s1 =	sld [smem:$0x3F90];
	s0 =	simm.s32 @p0 $0x1  }
0x13: {  	[smem:$0x3FAB] =	sst s0;
	s0 =	simm.s32 @!p1 $0x0  }
0x14: {  	s2 =	sld [smem:$0x3F8F];
	s0 =	simm.s32 @p1 $0x1  }
0x15: {  	[smem:$0x3FAC] =	sst s0;
	s0 =	simm.s32 @!p2 $0x0  }
0x16: {  	s3 =	sld [smem:$0x3FDB];
	s0 =	simm.s32 @p2 $0x1  }
0x17: {  	s4 =	simm.s32 $0x1BF5;
	[smem:$0x3FAE] =	sst s0  }
0x18: {  	s0 =	sld [smem:$0x3F91];
	_ =	swait.ge [sflag:s4], $0x0  }
0x19: {  	s7 =	sld [smem:$0x3F92]  }
0x1a: {  	s8 =	sadd.s32 $0xFFFFE003, lr  }
0x1b: {  	s9 =	sadd.s32 $0xFFFFFEF7, lr;
	s5 =	simm.s32 $0xFFFFFFFF;
	p2 =	slt.u32 s8, $0xFFFFF086  }
0x1c: {  	p1 =	slt.u32 s9, $0xF7A;
	s5 =	simm.s32 @!p2 $0x0  }
0x1d: {  	s5 =	simm.s32 @p1 $0x1;
	p0 =	seq.s32 s7, s2  }
0x1e: {  	s7 =	smul.u32 @!p0 $0xF7A, s2;
	p2 =	seq.s32 @!p0 s5, $0x0  }
0x1f: {  	s9 =	smul.u32 $0xF7A, s1;
	s8 =	simm.s32 @!p0 $0x1BF5;
	p2 =	por !p2, p0  }
0x20: {  	[sflag:s8] =	ssyncset.s32 @!p0 $0xFFFFF086;
	s6 =	sadd.s32 @!p0 s3, s7;
	s7 =	simm.s32 @!p0 $0x108  }
0x21: {  	s3 =	sadd.s32 s3, s9;
	s6 =	sadd.s32 @!p0 $0x88, s6;
	s7 =	simm.s32 @p2 $0x1082  }
0x22: {  	[simem:s7], [sflag:s8] =	dma.local @!p0 [hbm:s6], $0xF7A  }
0x23: {  	s9 =	sor.u32 $0xD0000000, s2;
	s6 =	simm.s32 $0x108;
	_ =	swait.ge @!p0 [sflag:s8], $0x0  }
0x24: {  	s3 =	sadd.s32 $0x88, s3;
	s6 =	simm.s32 @!p1 $0x1082;
	[sflag:s4] =	ssyncset.s32 $0xFFFFF086  }
0x25: {  	[simem:s6], [sflag:s4] =	dma.local [hbm:s3], $0xF7A  }
0x26: {  	[smem:$0x3F92] =	sst s1;
	(tag) =	ssettag s2;
	_ =	strace s9  }
0x27: {  	s1 =	sld [smem:$0x3FA2]  }
0x28: {  	s2 =	sld [smem:$0x3FA3]  }
0x29: {  	s4 =	sld [smem:$0x3FA5]  }
0x2a: {  	p0 =	seq.s32 s5, $0x0;
	s5 =	sld [smem:$0x3FA6]  }
0x2b: {  	s6 =	sld [smem:$0x3FA7]  }
0x2c: {  	s7 =	sld [smem:$0x3FA8]  }
0x2d: {  	s3 =	simm.s32 $0x108;
	s8 =	sld [smem:$0x3FA9]  }
0x2e: {  	s3 =	simm.s32 @!p0 $0x1082;
	s9 =	sld [smem:$0x3FAA]  }
0x2f: {  	lr =	sadd.s32 s0, s3;
	s0 =	sld [smem:$0x3FA1]  }
0x30: {  	s3 =	sld [smem:$0x3FA4]  }
0x31: {  	[smem:$0x3FAD] =	sst s10  }
0x32: {  	s10 =	sld [smem:$0x3FAB];
	_ =	sdelay $0x3  }
0x33: {  	p0 =	seq.s32 s10, $0x1;
	s10 =	sld [smem:$0x3FAD];
	_ =	sdelay $0x3  }
0x34: {  	[smem:$0x3FAD] =	sst s10  }
0x35: {  	s10 =	sld [smem:$0x3FAC];
	_ =	sdelay $0x3  }
0x36: {  	p1 =	seq.s32 s10, $0x1;
	s10 =	sld [smem:$0x3FAD];
	_ =	sdelay $0x3  }
0x37: {  	[smem:$0x3FAD] =	sst s10  }
0x38: {  	s10 =	sld [smem:$0x3FAE]  }
0x39: {  	_ = 	snop;
	(pc) =	sbr.ind lr, $3  }
0x3a: {  	_ = 	snop  }
0x3b: {  	_ = 	snop  }
0x3c: {  	p2 =	seq.s32 s10, $0x1;
	s10 =	sld [smem:$0x3FAD]  }
0x3d: {  	_ =	shalt  }
0x3e: {  	_ =	shalt  }
0x3f: {  	_ =	shalt  }
0x40: {  	_ =	shalt  }
0x41: {  	_ =	shalt  }
0x42: {  	_ =	shalt  }
0x43: {  	_ =	shalt  }
0x44: {  	_ =	shalt  }
0x45: {  	_ =	shalt  }
0x46: {  	_ =	shalt  }
0x47: {  	_ =	shalt  }
0x48: {  	_ =	shalt  }
0x49: {  	_ =	shalt  }
0x4a: {  	_ =	shalt  }
0x4b: {  	_ =	shalt  }
0x4c: {  	_ =	shalt  }
0x4d: {  	_ =	shalt  }
0x4e: {  	_ =	shalt  }
0x4f: {  	_ =	shalt  }
0x50: {  	_ =	shalt  }
0x51: {  	_ =	shalt  }
0x52: {  	_ =	shalt  }
0x53: {  	_ =	shalt  }
0x54: {  	_ =	shalt  }
0x55: {  	_ =	shalt  }
0x56: {  	_ =	shalt  }
0x57: {  	_ =	shalt  }
0x58: {  	_ =	shalt  }
0x59: {  	_ =	shalt  }
0x5a: {  	_ =	shalt  }
0x5b: {  	_ =	shalt  }
0x5c: {  	_ =	shalt  }
0x5d: {  	_ =	shalt  }
0x5e: {  	_ =	shalt  }
0x5f: {  	_ =	shalt  }
0x60: {  	_ =	shalt  }
0x61: {  	_ =	shalt  }
0x62: {  	_ =	shalt  }
0x63: {  	_ =	shalt  }
0x64: {  	_ =	shalt  }
0x65: {  	_ =	shalt  }
0x66: {  	_ =	shalt  }
0x67: {  	_ =	shalt  }
0x68: {  	_ =	shalt  }
0x69: {  	_ =	shalt  }
0x6a: {  	_ =	shalt  }
0x6b: {  	_ =	shalt  }
0x6c: {  	_ =	shalt  }
0x6d: {  	_ =	shalt  }
0x6e: {  	_ =	shalt  }
0x6f: {  	_ =	shalt  }
0x70: {  	_ =	shalt  }
0x71: {  	_ =	shalt  }
0x72: {  	_ =	shalt  }
0x73: {  	_ =	shalt  }
0x74: {  	_ =	shalt  }
0x75: {  	_ =	shalt  }
0x76: {  	_ =	shalt  }
0x77: {  	_ =	shalt  }
0x78: {  	_ =	shalt  }
0x79: {  	_ =	shalt  }
0x7a: {  	_ =	shalt  }
0x7b: {  	_ =	shalt  }
0x7c: {  	_ =	shalt  }
0x7d: {  	_ =	shalt  }
0x7e: {  	_ =	shalt  }
0x7f: {  	_ =	shalt  }
0x80: {  	_ =	shalt  }
0x81: {  	_ =	shalt  }
0x82: {  	_ =	shalt  }
0x83: {  	_ =	shalt  }
0x84: {  	_ =	shalt  }
0x85: {  	_ =	shalt  }
0x86: {  	_ =	shalt  }
0x87: {  	_ =	shalt  }
.Lfunc_end0:
.L_simem_size_0:
called_computation.2_lowered:
.L_overlay_start_0:
0x88: {  	s2 =	sld [smem:$0x3FD9]  }
0x89: {  	s3 =	sld [smem:$0x3FFE];
	_ =	sdelay $0x1  }
0x8a: {  	s1 =	srdreg.scid  }
0x8b: {  	s0 =	sand.u32 $0x1, s1  }
0x8c: {  	s16 =	sshll.u32 s0, $0xA;
	s2 =	sadd.s32 s3, s2  }
0x8d: {  	s2 =	sadd.s32 s2, s16  }
0x8e: {  	[smem:$0x3FB9] =	sst s2  }
0x8f: {  	_ = 	snop  }
0x90: {  	(tm) =	ssettm $0x1  }
0x91: {  	s17 =	sld [smem:$0x3FFB];
	_ =	sdelay $0x3  }
0x92: {  	_ =	strace s17  }
0x93: {  	s2 =	sld [smem:$0x3FFC];
	_ =	sdelay $0x3  }
0x94: {  	_ =	strace s2  }
0x95: {  	s2 =	sld [smem:$0x3FFD];
	_ =	sdelay $0x3  }
0x96: {  	_ =	strace s2  }
0x97: {  	_ =	strace $0x8FFFFFFF  }
0x98: {  	s18 =	sld [smem:$0x3FDB];
	_ =	sdelay $0x1  }
0x99: {  	s19 =	simm.s32 $_scs_section_size  }
0x9a: {  	s4 =	simm.s32 $_size__tile_overlayer_lowered;
	s5 =	simm.s32 $_tile_overlayer_lowered  }
0x9b: {  	s22 =	simm.s32 $0x1BFF;
	s21 =	sshll.u32 s5, $0x1;
	s2 =	sadd.s32 s19, s18  }
0x9c: {  	s6 =	simm.s32 $0x0;
	s20 =	sshll.u32 s4, $0x1;
	s4 =	sadd.s32 s21, s2  }
0x9d: {  	[timem:s6], [sflag:s22] =	dma.local [hbm:s4], s20  }
0x9e: {  	_ =	swait.ge [sflag:s22], s20  }
0x9f: {  	s3 =	ssub.s32 $0x0, s20;
	[sflag:s22] =	ssyncset.done $0x0  }
0xa0: {  	[sflag:s22] =	ssyncadd.s32 s3;
	_ =	sdelay $0x1  }
0xa1: {  	s23 =	simm.s32 $0x1B8B  }
0xa2: {  	_ =	swait.ge [sflag:s23], $0x1  }
0xa3: {  	[sflag:s23] =	ssyncset.done $0x0  }
0xa4: {  	s25 =	simm.s32 $0x1B8E;
	s24 =	sld [smem:$0x3FFE];
	[sflag:s23] =	ssyncadd.s32 $0xFFFFFFFF  }
0xa5: {  	s26 =	simm.s32 $execute0_lowered;
	[smem:$0x3FD2] =	sst s25  }
0xa6: {  	s4 =	sshll.u32 s26, $0x1;
	_ =	strace $0x8000004C;
	[dreg:$0x1] =	wrdreg $0xFFFFFFFF  }
0xa7: {  	s28 =	simm.s32 $_size_execute0_lowered;
	s2 =	sadd.s32 s2, s4;
	[dreg:$0x0] =	wrdreg $0x0  }
0xa8: {  	s4 =	sshll.u32 s28, $0x1;
	[dreg:$0x2] =	wrdreg s2  }
0xa9: {  	[dreg:$0x3] =	wrdreg s4  }
0xaa: {  	[dreg:$0x4] =	wrdreg $0xC0  }
0xab: {  	_ =	task [dreg:s6], $0x5FFFF  }
0xac: {  	[dreg:$0x1] =	wrdreg $0xFFFFFFFF  }
0xad: {  	[dreg:$0x0] =	wrdreg $0x60  }
0xae: {  	[dreg:$0x2] =	wrdreg s24  }
0xaf: {  	[dreg:$0x3] =	wrdreg $0x82000  }
0xb0: {  	[dreg:$0x4] =	wrdreg $0x9  }
0xb1: {  	_ =	task.clear_ibuf [dreg:s6], $0x5FFFF;
	_ =	strace $0x9000004C  }
0xb2: {  	s29 =	simm.s32 $0x9;
	_ =	strace $0x8000004E  }
0xb3: {  	_ =	swait.ge [sflag:s29], $0x1  }
0xb4: {  	[sflag:s29] =	ssyncadd.s32 $0xFFFFFFFF  }
0xb5: {  	_ =	strace $0x9000004E  }
0xb6: {  	_ =	sfence  }
0xb7: {  	s30 =	sld [smem:$0x0];
	_ =	sdelay $0x2  }
0xb8: {  	s31 =	sshll.u32 s1, $0xD;
	s1 =	sshrl.u32 s1, $0x2  }
0xb9: {  	s3 =	sand.u32 $0x4000, s31;
	s1 =	sadd.s32 s1, s30  }
0xba: {  	s0 =	sor.u32 s3, s0;
	s1 =	sshll.u32 s1, $0x11  }
0xbb: {  	s0 =	sor.u32 s1, s0  }
0xbc: {  	s0 =	sadd.s32 $0x8F2B, s0  }
0xbd: {  	[sflag:s0] =	ssyncadd.remote.s32 $0x1  }
0xbe: {  	_ =	sfence.sel $0xFFFF  }
0xbf: {  	[dreg:$0x0] =	wrdreg $0xFFFFFFFF;
	(pc) =	sbr.abs _section_cstart, $3  }
0xc0: {  	[dreg:$0x1] =	wrdreg $0xFFFFFFFF  }
0xc1: {  	_ =	task.clear_ibuf [dreg:s6], $0x2FFFF;
	_ =	strace $0x9FFFFFFF  }
0xc2: {  	(tm) =	ssettm $0x7FFFFFFF  }
0xc3: {  	_ =	shalt  }
tec
execute0_lowered:
.L_overlay_start_1:
0x0: {  	(tag) =	ssettag $0x1  }
0x1: {  	s0 =	rddreg [dreg:$0x0]  }
0x2: {  	s2 =	rddreg [dreg:$0x1]  }
0x3: {  	s1 =	srdreg.scid;
	s11 =	stileid.u32  }
0x4: {  	s3 =	simm.s32 $0x0;
	s31 =	simm.s32 $0x8;
	s30 =	simm.s32 $0x6A00  }
0x5: {  	s1 =	sand.u32 $0x1, s1;
	s5 =	smul.u32 $0x14000, s11;
	[smem:$0x7FF] =	sst s3  }
0x6: {  	s4 =	sadd.s32 $0x3E00, s0;
	s12 =	sadd.s32 $0x6EE00, s0;
	s7 =	smul.u32 $0x50000, s11  }
0x7: {  	s8 =	sshll.u32 s11, $0x1;
	s29 =	smul.u32 $0x1A200, s11;
	s11 =	sshll.u32 s11, $0x6  }
0x8: {  	s6 =	smul.u32 $0x140000, s1;
	_ =	strace $0x8000004D;
	s9 =	ssub.s32 $0x2, s1  }
0x9: {  	s8 =	sor.u32 s1, s8;
	s1 =	smul.u32 $0xD100, s1;
	s11 =	sor.u32 $0x1C15, s11  }
0xa: {  	[dreg:$0x3] =	wrdreg s12;
	s10 =	sshrl.u32 s9, $0x1;
	s7 =	sshrl.u32 s7, $0x2  }
0xb: {  	s8 =	smul.u32 $0xD100, s8;
	[dreg:$0x6] =	wrdreg s11;
	s6 =	sadd.s32 s5, s6  }
0xc: {  	s28 =	ssub.s32 s9, s10;
	s7 =	sadd.s32 s7, s2;
	s5 =	sshrl.u32 s5, $0x3  }
0xd: {  	s15 =	sadd.s32 s1, s29;
	s9 =	simm.s32 $0xD;
	s10 =	simm.s32 $0x9  }
0xe: {  	s6 =	sshrl.u32 s6, $0x3;
	s8 =	sshrl.u32 s8, $0x3;
	s5 =	sadd.s32 s4, s5  }
0xf: {  	s14 =	smax.u32 s28, $0x1;
	s1 =	sadd.s32 $0x700, s15;
	s16 =	sadd.s32 $0x800, s15  }
0x10: {  	s17 =	sadd.s32 $0x900, s15;
	s20 =	sadd.s32 $0xA00, s15;
	s21 =	sadd.s32 $0xB00, s15  }
0x11: {  	s22 =	sadd.s32 $0x400, s15;
	s23 =	sadd.s32 $0x500, s15;
	s26 =	sadd.s32 $0x600, s15  }
0x12: {  	s28 =	sadd.s32 $0x300, s15;
	s0 =	sadd.s32 s6, s0;
	[dreg:$0x5] =	wrdreg s5  }
0x13: {  	s8 =	sadd.s32 s12, s8;
	[dreg:$0x9] =	wrdreg s14;
	s1 =	sshrl.u32 s1, $0x3  }
0x14: {  	s5 =	sshrl.u32 s16, $0x3;
	s6 =	sshrl.u32 s17, $0x3;
	[dreg:$0xd] =	wrdreg s20  }
0x15: {  	s25 =	sshrl.u32 s23, $0x3;
	s14 =	simm.s32 $0x15;
	s23 =	simm.s32 $0x5200  }
0x16: {  	s16 =	simm.s32 $0x6;
	[dreg:$0x4] =	wrdreg s8;
	s13 =	sadd.s32 $0x20, s8  }
0x17: {  	s17 =	simm.s32 $0xF;
	s0 =	sadd.s32 $0xA3200, s0;
	[dreg:$0x7] =	wrdreg s13  }
0x18: {  	s20 =	simm.s32 $0x7;
	s1 =	sadd.s32 s1, s12;
	[dreg:$0x8] =	wrdreg s0  }
0x19: {  	s18 =	sadd.s32 s5, s12;
	s19 =	sadd.s32 s6, s12;
	[dreg:$0xa] =	wrdreg s1  }
0x1a: {  	s5 =	sshrl.u32 s22, $0x3;
	s6 =	simm.s32 $0x3A00;
	[dreg:$0xb] =	wrdreg s18  }
0x1b: {  	s22 =	simm.s32 $0x4;
	s8 =	simm.s32 $0x14;
	[dreg:$0xc] =	wrdreg s19  }
0x1c: {  	s1 =	sshrl.u32 s21, $0x3;
	s24 =	sadd.s32 s5, s12;
	s5 =	sshrl.u32 s28, $0x3  }
0x1d: {  	s0 =	sadd.s32 $0x200, s15;
	s19 =	simm.s32 $0xA00;
	s15 =	simm.s32 $0xC  }
0x1e: {  	s13 =	simm.s32 $0x10;
	s18 =	simm.s32 $0x11;
	s21 =	simm.s32 $0x0  }
0x1f: {  	s1 =	sadd.s32 s1, s12;
	[dreg:$0xf] =	wrdreg s24;
	s29 =	sadd.s32 s5, s12  }
0x20: {  	s0 =	sshrl.u32 s0, $0x3;
	s5 =	sshrl.u32 s7, $0x3;
	[dreg:$0xe] =	wrdreg s1  }
.Ltmp0:
0x21: {  	s7 =	simm.s32 $0xB;
	[dreg:$0x12] =	wrdreg s29;
	(pc) =	sbr.rel .LBB2_1-.Ltmp0, $4  }
0x22: {  	s1 =	sadd.s32 s25, s12;
	s0 =	sadd.s32 s0, s12;
	[dreg:$0x14] =	wrdreg s5  }
0x23: {  	s25 =	simm.s32 $0x5;
	[dreg:$0x10] =	wrdreg s1;
	s1 =	sshrl.u32 s26, $0x3  }
0x24: {  	[dreg:$0x13] =	wrdreg s0;
	s26 =	simm.s32 $0x30;
	s1 =	sadd.s32 s1, s12  }
0x25: {  	s12 =	simm.s32 $0xE;
	[dreg:$0x11] =	wrdreg s1;
	s1 =	simm.s32 $0x2200  }
.LBB2_6:
0x26: {  	s0 =	simm.s32 $0x12  }
0x27: {  	_ =	swait.ge [sflag:s0], $0x1800  }
0x28: {  	[sflag:s0] =	ssyncset.done $0x0  }
0x29: {  	s29 =	simm.s32 $0x13;
	[sflag:s0] =	ssyncadd.s32 $0xFFFFE800  }
0x2a: {  	_ =	swait.ge [sflag:s29], $0x1800  }
0x2b: {  	[sflag:s29] =	ssyncset.done $0x0  }
0x2c: {  	[sflag:s29] =	ssyncadd.s32 $0xFFFFE800  }
.LBB2_4:
0x2d: {  	[bflag:$0x0] =	sbarrier.arrive $0xFFFF  }
0x2e: {  	s11 =	rddreg [dreg:$0x6]  }
0x2f: {  	s0 =	rddreg [dreg:$0x8]  }
0x30: {  	s14 =	simm.s32 $0x15;
	s5 =	rddreg [dreg:$0x14]  }
0x31: {  	[hbm:s0], [sflag:s11] =	dma.local [spmem:s5], $0x2800  }
0x32: {  	_ =	swait.ge [sflag:s14], $0x2800  }
0x33: {  	s21 =	rddreg [dreg:$0x15]  }
0x34: {  	s29 =	rddreg [dreg:$0x9];
	s21 =	sadd.s32 $0x1, s21  }
0x35: {  	p0 =	sne.s32 s21, s29  }
.Ltmp1:
0x36: {  	_ = 	snop;
	(pc) =	sbr.rel @!p0 .LBB2_5-.Ltmp1, $3  }
0x37: {  	_ =	sdelay $0x1  }
0x38: {  	[sflag:s14] =	ssyncset.done $0x0  }
0x39: {  	s19 =	simm.s32 $0xA00;
	[sflag:s14] =	ssyncadd.s32 $0xFFFFD800  }
.LBB2_1:
0x3a: {  	[dreg:$0x15] =	wrdreg s21  }
0x3b: {  	s0 =	rddreg [dreg:$0x5]  }
0x3c: {  	[spmem:s5], [sflag:s11] =	dma.local [hbm:s0], $0x2800  }
0x3d: {  	_ =	swait.ge [sflag:s14], $0x2800  }
0x3e: {  	[sflag:s14] =	ssyncset.done $0x0  }
0x3f: {  	[sflag:s14] =	ssyncadd.s32 $0xFFFFD800  }
0x40: {  	[bflag:$0x0] =	sbarrier.arrive $0xFFFF  }
0x41: {  	s21 =	rddreg [dreg:$0x4]  }
0x42: {  	[tilespmem:s3], [sflag:$0x1] =	stream.linear.gather [hbm4b:s21+s3], $0x100, $0x38;
	[tilespmem:$0x1C200] =	vst v63  }
0x43: {  	s28 =	simm.s32 $0x100;
	s29 =	simm.s32 $0x1;
	s24 =	rddreg [dreg:$0x7]  }
0x44: {  	[tilespmem:s28], [sflag:$0x2] =	stream.linear.gather [hbm4b:s24+s3], $0x100, $0x38;
	[tilespmem:$0x1C200] =	vst v63  }
0x45: {  	_ =	swait.ge [sflag:s29], $0x100  }
0x46: {  	[sflag:s29] =	ssyncset.done $0x0  }
0x47: {  	s14 =	simm.s32 $0x0;
	[sflag:s29] =	ssyncadd.s32 $0xFFFFFF00  }
0x48: {  	[tilespmem:s19], [sflag:$0xB] =	stream.indirect.gather [hbm4b:s4+s26], $0x80, s3, s26, $0xb8;
	[tilespmem:$0x1C200] =	vst v63  }
0x49: {  	s24 =	simm.s32 $0xFFFFFFFC;
	s5 =	rddreg [dreg:$0xd];
	s19 =	simm.s32 $0x0  }
.LBB2_2:
0x4a: {  	p1 =	seq.s32 s14, $0x1A40  }
.Ltmp2:
0x4b: {  	p0 =	sgt.u32 s24, $0xD0;
	(pc) =	sbr.rel @p1 .LBB2_6-.Ltmp2, $4  }
0x4c: {  	s21 =	simm.s32 @!p0 $0x11  }
0x4d: {  	_ =	swait.ge @!p0 [sflag:s21], $0x1800  }
0x4e: {  	[sflag:s21] =	ssyncset.done @!p0 $0x0  }
0x4f: {  	[sflag:s21] =	ssyncadd.s32 @!p0 $0xFFFFE800  }
0x50: {  	s0 =	rddreg [dreg:$0x13]  }
0x51: {  	s28 =	simm.s32 $0x200;
	s11 =	simm.s32 $0x2;
	s21 =	sadd.s32 s14, s0  }
0x52: {  	[tilespmem:s28], [sflag:$0x3] =	stream.linear.gather [hbm4b:s21+s3], $0x100, $0x38;
	[tilespmem:$0x1C200] =	vst v63  }
0x53: {  	_ =	swait.ge [sflag:s11], $0x100  }
0x54: {  	[sflag:s11] =	ssyncset.done $0x0  }
0x55: {  	s21 =	simm.s32 $0x100;
	[sflag:s11] =	ssyncadd.s32 $0xFFFFFF00  }
0x56: {  	[tilespmem:s1], [sflag:$0xC] =	stream.indirect.gather [hbm4b:s4+s26], $0x80, s21, s26, $0xb8;
	[tilespmem:$0x1C200] =	vst v63  }
0x57: {  	s0 =	sadd.s32 $0x1, s24;
	_ =	swait.ge [sflag:s7], $0x1800  }
0x58: {  	s29 =	simm.s32 $0x80;
	p0 =	sgt.u32 s0, $0xD0;
	[sflag:s7] =	ssyncset.done $0x0  }
0x59: {  	s11 =	simm.s32 $0xA00;
	s21 =	simm.s32 @!p0 $0x12;
	[sflag:s7] =	ssyncadd.s32 $0xFFFFE800  }
0x5a: {  	[spmem:s2] =	stream.indirect.scatter.add.f32 [tilespmem:s11], [sflag:$0x10], $0x80, s29, s26, $0xb8;
	[tilespmem:$0x1C200] =	vst v63  }
0x5b: {  	_ =	swait.ge @!p0 [sflag:s21], $0x1800  }
0x5c: {  	[sflag:s21] =	ssyncset.done @!p0 $0x0  }
0x5d: {  	s29 =	rddreg [dreg:$0x12];
	[sflag:s21] =	ssyncadd.s32 @!p0 $0xFFFFE800  }
0x5e: {  	s0 =	sadd.s32 s14, s29;
	s29 =	simm.s32 $0x300;
	s21 =	simm.s32 $0x3  }
0x5f: {  	[tilespmem:s29], [sflag:$0x4] =	stream.linear.gather [hbm4b:s0+s3], $0x100, $0x38;
	[tilespmem:$0x1C200] =	vst v63  }
0x60: {  	_ =	swait.ge [sflag:s21], $0x100  }
0x61: {  	[sflag:s21] =	ssyncset.done $0x0  }
0x62: {  	[sflag:s21] =	ssyncadd.s32 $0xFFFFFF00  }
0x63: {  	[tilespmem:s6], [sflag:$0xD] =	stream.indirect.gather [hbm4b:s4+s26], $0x80, s28, s26, $0xb8;
	[tilespmem:$0x1C200] =	vst v63  }
0x64: {  	s0 =	sadd.s32 $0x2, s24;
	_ =	swait.ge [sflag:s15], $0x1800  }
0x65: {  	p0 =	sgt.u32 s0, $0xD0;
	[sflag:s15] =	ssyncset.done $0x0  }
0x66: {  	s21 =	simm.s32 @!p0 $0x13;
	s28 =	simm.s32 $0x180;
	[sflag:s15] =	ssyncadd.s32 $0xFFFFE800  }
0x67: {  	[spmem:s2] =	stream.indirect.scatter.add.f32 [tilespmem:s1], [sflag:$0x11], $0x80, s28, s26, $0xb8;
	[tilespmem:$0x1C200] =	vst v63  }
0x68: {  	_ =	swait.ge @!p0 [sflag:s21], $0x1800  }
0x69: {  	[sflag:s21] =	ssyncset.done @!p0 $0x0;
	s28 =	rddreg [dreg:$0xf]  }
0x6a: {  	[sflag:s21] =	ssyncadd.s32 @!p0 $0xFFFFE800;
	s0 =	sadd.s32 s14, s28;
	s28 =	simm.s32 $0x400  }
0x6b: {  	[tilespmem:s28], [sflag:$0x5] =	stream.linear.gather [hbm4b:s0+s3], $0x100, $0x38;
	[tilespmem:$0x1C200] =	vst v63  }
0x6c: {  	_ =	swait.ge [sflag:s22], $0x100  }
0x6d: {  	[sflag:s22] =	ssyncset.done $0x0  }
0x6e: {  	[sflag:s22] =	ssyncadd.s32 $0xFFFFFF00  }
0x6f: {  	[tilespmem:s23], [sflag:$0xE] =	stream.indirect.gather [hbm4b:s4+s26], $0x80, s29, s26, $0xb8;
	[tilespmem:$0x1C200] =	vst v63  }
0x70: {  	s0 =	sadd.s32 $0x3, s24;
	_ =	swait.ge [sflag:s9], $0x1800  }
0x71: {  	p0 =	sgt.u32 s0, $0xD0;
	[sflag:s9] =	ssyncset.done $0x0  }
0x72: {  	s21 =	simm.s32 @!p0 $0x14;
	s29 =	simm.s32 $0x280;
	[sflag:s9] =	ssyncadd.s32 $0xFFFFE800  }
0x73: {  	[spmem:s2] =	stream.indirect.scatter.add.f32 [tilespmem:s6], [sflag:$0x12], $0x80, s29, s26, $0xb8;
	[tilespmem:$0x1C200] =	vst v63  }
0x74: {  	_ =	swait.ge @!p0 [sflag:s21], $0x1800  }
0x75: {  	[sflag:s21] =	ssyncset.done @!p0 $0x0;
	s29 =	rddreg [dreg:$0x10]  }
0x76: {  	[sflag:s21] =	ssyncadd.s32 @!p0 $0xFFFFE800;
	s0 =	sadd.s32 s14, s29;
	s29 =	simm.s32 $0x500  }
0x77: {  	[tilespmem:s29], [sflag:$0x6] =	stream.linear.gather [hbm4b:s0+s3], $0x100, $0x38;
	[tilespmem:$0x1C200] =	vst v63  }
0x78: {  	_ =	swait.ge [sflag:s25], $0x100  }
0x79: {  	[sflag:s25] =	ssyncset.done $0x0  }
0x7a: {  	[sflag:s25] =	ssyncadd.s32 $0xFFFFFF00  }
0x7b: {  	[tilespmem:s30], [sflag:$0xF] =	stream.indirect.gather [hbm4b:s4+s26], $0x80, s28, s26, $0xb8;
	[tilespmem:$0x1C200] =	vst v63  }
0x7c: {  	_ =	swait.ge [sflag:s12], $0x1800  }
0x7d: {  	[sflag:s12] =	ssyncset.done $0x0  }
0x7e: {  	s21 =	simm.s32 $0x380;
	[sflag:s12] =	ssyncadd.s32 $0xFFFFE800  }
0x7f: {  	[spmem:s2] =	stream.indirect.scatter.add.f32 [tilespmem:s23], [sflag:$0x13], $0x80, s21, s26, $0xb8;
	[tilespmem:$0x1C200] =	vst v63  }
0x80: {  	_ =	swait.ge [sflag:s13], $0x1800  }
0x81: {  	[sflag:s13] =	ssyncset.done $0x0;
	s28 =	rddreg [dreg:$0x11]  }
0x82: {  	[sflag:s13] =	ssyncadd.s32 $0xFFFFE800;
	s0 =	sadd.s32 s14, s28;
	s28 =	simm.s32 $0x600  }
0x83: {  	[tilespmem:s28], [sflag:$0x7] =	stream.linear.gather [hbm4b:s0+s3], $0x100, $0x38;
	[tilespmem:$0x1C200] =	vst v63  }
0x84: {  	_ =	swait.ge [sflag:s16], $0x100  }
0x85: {  	[sflag:s16] =	ssyncset.done $0x0  }
0x86: {  	[sflag:s16] =	ssyncadd.s32 $0xFFFFFF00  }
0x87: {  	[tilespmem:s11], [sflag:$0xB] =	stream.indirect.gather [hbm4b:s4+s26], $0x80, s29, s26, $0xb8;
	[tilespmem:$0x1C200] =	vst v63  }
0x88: {  	_ =	swait.ge [sflag:s17], $0x1800  }
0x89: {  	[sflag:s17] =	ssyncset.done $0x0  }
0x8a: {  	s21 =	simm.s32 $0x480;
	[sflag:s17] =	ssyncadd.s32 $0xFFFFE800  }
0x8b: {  	[spmem:s2] =	stream.indirect.scatter.add.f32 [tilespmem:s30], [sflag:$0x14], $0x80, s21, s26, $0xb8;
	[tilespmem:$0x1C200] =	vst v63  }
0x8c: {  	_ =	swait.ge [sflag:s18], $0x1800  }
0x8d: {  	[sflag:s18] =	ssyncset.done $0x0;
	s29 =	rddreg [dreg:$0xa]  }
0x8e: {  	[sflag:s18] =	ssyncadd.s32 $0xFFFFE800;
	s0 =	sadd.s32 s14, s29;
	s29 =	simm.s32 $0x700  }
0x8f: {  	[tilespmem:s29], [sflag:$0x8] =	stream.linear.gather [hbm4b:s0+s3], $0x100, $0x38;
	[tilespmem:$0x1C200] =	vst v63  }
0x90: {  	_ =	swait.ge [sflag:s20], $0x100  }
0x91: {  	[sflag:s20] =	ssyncset.done $0x0  }
0x92: {  	[sflag:s20] =	ssyncadd.s32 $0xFFFFFF00  }
0x93: {  	[tilespmem:s1], [sflag:$0xC] =	stream.indirect.gather [hbm4b:s4+s26], $0x80, s28, s26, $0xb8;
	[tilespmem:$0x1C200] =	vst v63  }
0x94: {  	_ =	swait.ge [sflag:s7], $0x1800  }
0x95: {  	[sflag:s7] =	ssyncset.done $0x0  }
0x96: {  	s21 =	simm.s32 $0x12;
	s28 =	simm.s32 $0x580;
	[sflag:s7] =	ssyncadd.s32 $0xFFFFE800  }
0x97: {  	[spmem:s2] =	stream.indirect.scatter.add.f32 [tilespmem:s11], [sflag:$0x10], $0x80, s28, s26, $0xb8;
	[tilespmem:$0x1C200] =	vst v63  }
0x98: {  	_ =	swait.ge [sflag:s21], $0x1800  }
0x99: {  	[sflag:s21] =	ssyncset.done $0x0;
	s28 =	rddreg [dreg:$0xb]  }
0x9a: {  	s11 =	simm.s32 $0x800;
	[sflag:s21] =	ssyncadd.s32 $0xFFFFE800;
	s0 =	sadd.s32 s14, s28  }
0x9b: {  	[tilespmem:s11], [sflag:$0x9] =	stream.linear.gather [hbm4b:s0+s3], $0x100, $0x38;
	[tilespmem:$0x1C200] =	vst v63  }
0x9c: {  	_ =	swait.ge [sflag:s31], $0x100  }
0x9d: {  	[sflag:s31] =	ssyncset.done $0x0  }
0x9e: {  	[sflag:s31] =	ssyncadd.s32 $0xFFFFFF00  }
0x9f: {  	[tilespmem:s6], [sflag:$0xD] =	stream.indirect.gather [hbm4b:s4+s26], $0x80, s29, s26, $0xb8;
	[tilespmem:$0x1C200] =	vst v63  }
0xa0: {  	_ =	swait.ge [sflag:s15], $0x1800  }
0xa1: {  	[sflag:s15] =	ssyncset.done $0x0  }
0xa2: {  	s21 =	simm.s32 $0x680;
	s28 =	simm.s32 $0x13;
	[sflag:s15] =	ssyncadd.s32 $0xFFFFE800  }
0xa3: {  	[spmem:s2] =	stream.indirect.scatter.add.f32 [tilespmem:s1], [sflag:$0x11], $0x80, s21, s26, $0xb8;
	[tilespmem:$0x1C200] =	vst v63  }
0xa4: {  	_ =	swait.ge [sflag:s28], $0x1800  }
0xa5: {  	[sflag:s28] =	ssyncset.done $0x0  }
0xa6: {  	p0 =	sgt.u32 s19, $0x13;
	s0 =	rddreg [dreg:$0xc];
	[sflag:s28] =	ssyncadd.s32 $0xFFFFE800  }
0xa7: {  	s21 =	sadd.s32 @!p0 s14, s0;
	s0 =	simm.s32 @!p0 $0x0;
	s28 =	simm.s32 @!p0 $0x900  }
0xa8: {  	[tilespmem:s28], [sflag:$0xA] =	stream.linear.gather @!p0 [hbm4b:s21+s0], $0x100, $0x38;
	[tilespmem:$0x1C200] =	vst v63  }
0xa9: {  	_ =	swait.ge [sflag:s10], $0x100  }
0xaa: {  	[sflag:s10] =	ssyncset.done $0x0  }
0xab: {  	[sflag:s10] =	ssyncadd.s32 $0xFFFFFF00  }
0xac: {  	[tilespmem:s23], [sflag:$0xE] =	stream.indirect.gather [hbm4b:s4+s26], $0x80, s11, s26, $0xb8;
	[tilespmem:$0x1C200] =	vst v63  }
0xad: {  	_ =	swait.ge [sflag:s9], $0x1800  }
0xae: {  	[sflag:s9] =	ssyncset.done $0x0  }
0xaf: {  	s29 =	simm.s32 $0x780;
	[sflag:s9] =	ssyncadd.s32 $0xFFFFE800  }
0xb0: {  	[spmem:s2] =	stream.indirect.scatter.add.f32 [tilespmem:s6], [sflag:$0x12], $0x80, s29, s26, $0xb8;
	[tilespmem:$0x1C200] =	vst v63  }
0xb1: {  	_ =	swait.ge [sflag:s8], $0x1800  }
0xb2: {  	[sflag:s8] =	ssyncset.done $0x0  }
0xb3: {  	s21 =	simm.s32 @p0 $0xE;
	[sflag:s8] =	ssyncadd.s32 $0xFFFFE800  }
0xb4: {  	_ =	swait.ge @p0 [sflag:s21], $0x1800  }
0xb5: {  	s11 =	simm.s32 @p0 $0x880;
	[sflag:s21] =	ssyncset.done @p0 $0x0  }
0xb6: {  	s29 =	simm.s32 @p0 $0x5200;
	[sflag:s21] =	ssyncadd.s32 @p0 $0xFFFFE800;
	s21 =	simm.s32 @p0 $0x30  }
0xb7: {  	[spmem:s2] =	stream.indirect.scatter.add.f32 @p0 [tilespmem:s29], [sflag:$0x13], $0x80, s11, s21, $0xb8;
	[tilespmem:$0x1C200] =	vst v63  }
0xb8: {  	s11 =	simm.s32 @p0 $0x10  }
0xb9: {  	_ =	swait.ge @p0 [sflag:s11], $0x1800  }
0xba: {  	[sflag:s11] =	ssyncset.done @p0 $0x0  }
0xbb: {  	s21 =	sshrl.u32 @!p0 s5, $0x3;
	[sflag:s11] =	ssyncadd.s32 @p0 $0xFFFFE800;
	s11 =	rddreg [dreg:$0x3]  }
0xbc: {  	s11 =	sadd.s32 @!p0 s11, s21  }
0xbd: {  	[tilespmem:s0], [sflag:$0x1] =	stream.linear.gather @!p0 [hbm4b:s11+s0], $0x100, $0x38;
	[tilespmem:$0x1C200] =	vst v63  }
0xbe: {  	s11 =	simm.s32 @!p0 $0xA  }
0xbf: {  	_ =	swait.ge @!p0 [sflag:s11], $0x100  }
0xc0: {  	[sflag:s11] =	ssyncset.done @!p0 $0x0  }
0xc1: {  	s21 =	simm.s32 @!p0 $0x6A00;
	[sflag:s11] =	ssyncadd.s32 @!p0 $0xFFFFFF00;
	s11 =	simm.s32 @!p0 $0x30  }
0xc2: {  	[tilespmem:s21], [sflag:$0xF] =	stream.indirect.gather @!p0 [hbm4b:s4+s11], $0x80, s28, s11, $0xb8;
	[tilespmem:$0x1C200] =	vst v63  }
0xc3: {  	s28 =	simm.s32 @!p0 $0xE  }
0xc4: {  	_ =	swait.ge @!p0 [sflag:s28], $0x1800  }
0xc5: {  	[sflag:s28] =	ssyncset.done @!p0 $0x0  }
0xc6: {  	s29 =	simm.s32 @!p0 $0x5200;
	[sflag:s28] =	ssyncadd.s32 @!p0 $0xFFFFE800;
	s28 =	simm.s32 @!p0 $0x880  }
0xc7: {  	[spmem:s2] =	stream.indirect.scatter.add.f32 @!p0 [tilespmem:s29], [sflag:$0x13], $0x80, s28, s11, $0xb8;
	[tilespmem:$0x1C200] =	vst v63  }
0xc8: {  	s28 =	simm.s32 @!p0 $0x10  }
0xc9: {  	_ =	swait.ge @!p0 [sflag:s28], $0x1800  }
0xca: {  	[sflag:s28] =	ssyncset.done @!p0 $0x0  }
0xcb: {  	[sflag:s28] =	ssyncadd.s32 @!p0 $0xFFFFE800;
	s28 =	rddreg [dreg:$0xe]  }
0xcc: {  	s29 =	simm.s32 @!p0 $0x100;
	s28 =	sadd.s32 @!p0 s14, s28  }
0xcd: {  	[tilespmem:s29], [sflag:$0x2] =	stream.linear.gather @!p0 [hbm4b:s28+s0], $0x100, $0x38;
	[tilespmem:$0x1C200] =	vst v63  }
0xce: {  	s28 =	simm.s32 @!p0 $0x1  }
0xcf: {  	_ =	swait.ge @!p0 [sflag:s28], $0x100  }
0xd0: {  	[sflag:s28] =	ssyncset.done @!p0 $0x0  }
0xd1: {  	[sflag:s28] =	ssyncadd.s32 @!p0 $0xFFFFFF00;
	s28 =	simm.s32 @!p0 $0xA00  }
0xd2: {  	[tilespmem:s28], [sflag:$0xB] =	stream.indirect.gather @!p0 [hbm4b:s4+s11], $0x80, s0, s11, $0xb8;
	[tilespmem:$0x1C200] =	vst v63  }
0xd3: {  	s0 =	simm.s32 @!p0 $0xF  }
0xd4: {  	_ =	swait.ge @!p0 [sflag:s0], $0x1800  }
0xd5: {  	[sflag:s0] =	ssyncset.done @!p0 $0x0  }
0xd6: {  	s14 =	sadd.s32 $0x140, s14;
	[sflag:s0] =	ssyncadd.s32 @!p0 $0xFFFFE800;
	s0 =	simm.s32 @!p0 $0x980  }
0xd7: {  	[spmem:s2] =	stream.indirect.scatter.add.f32 @!p0 [tilespmem:s21], [sflag:$0x14], $0x80, s0, s11, $0xb8;
	[tilespmem:$0x1C200] =	vst v63  }
0xd8: {  	p0 =	sne.s32 s14, $0x1B80  }
.Ltmp3:
0xd9: {  	_ = 	snop;
	(pc) =	sbr.rel @p0 .LBB2_2-.Ltmp3, $4  }
.Ltmp4:
0xda: {  	_ = 	snop;
	(pc) =	sbr.rel @!p0 .LBB2_4-.Ltmp4, $4  }
0xdb: {  	_ = 	snop  }
0xdc: {  	_ = 	snop  }
0xdd: {  	s24 =	sadd.s32 $0xA, s24;
	s19 =	sadd.s32 $0x1, s19;
	s5 =	sadd.s32 $0xA00, s5  }
0xde: {  	_ = 	snop  }
.LBB2_5:
0xdf: {  	_ =	sfence.sel $0x180000  }
0xe0: {  	[bflag:$0x0] =	sbarrier.arrive $0xFFFF  }
0xe1: {  	_ =	strace $0x9000004D  }
0xe2: {  	s0 =	stileid.u32;
	[bflag:$0x2] =	sbarrier.arrive $0xFFFF  }
0xe3: {  	p0 =	sne.s32 s0, $0x0;
	s0 =	rddreg [dreg:$0x2]  }
0xe4: {  	s0 =	sadd.s32 @!p0 $0x100000, s0  }
0xe5: {  	[sflag:s0] =	ssyncadd.tile.s32 @!p0 $0x1;
	_ =	shalt  }
.Lfunc_end2:
_tile_overlayer_lowered:
.L_overlay_start_2:
0xe6: {  	(tag) =	ssettag $0x2  }
0xe7: {  	s0 =	rddreg [dreg:$0x0];
	s2 =	stileid.u32  }
0xe8: {  	s1 =	rddreg [dreg:$0x1];
	p0 =	sne.s32 s2, $0x0  }
0xe9: {  	s3 =	rddreg [dreg:$0x2];
	[bflag:$0x3] =	sbarrier.arrive $0xFFFF;
	s2 =	simm.s32 @!p0 $0x1C15  }
0xea: {  	[timem:s3], [sflag:s2] =	dma.local @!p0 [hbm:s0], s1  }
0xeb: {  	s0 =	simm.s32 @!p0 $0x15  }
0xec: {  	_ =	swait.ge @!p0 [sflag:s0], s1  }
0xed: {  	s1 =	ssub.s32 @!p0 $0x0, s1;
	[sflag:s0] =	ssyncset.done @!p0 $0x0  }
0xee: {  	[sflag:s0] =	ssyncadd.s32 @!p0 s1  }
0xef: {  	[bflag:$0x3] =	sbarrier.arrive $0xFFFF  }
0xf0: {  	_ =	shalt  }

// kernel: kernel.8.cloned.1.call-start
scs
__scs_entry_jumppad:
0x0: {  	(pc) =	sbr.rel $0x88, $3  }
0x1: {  	(tag) =	ssettag $0x0;
	lr =	simm.s32 $0x1  }
0x2: {  	[smem:$0x3F92] =	sst lr;
	_ =	strace $0xD0000000  }
0x3: {  	_ = 	snop  }
0x4: {  	_ = 	snop  }
0x5: {  	_ = 	snop  }
0x6: {  	_ = 	snop  }
0x7: {  	_ = 	snop  }
__scs_overlays_trampoline_lowered:
0x8: {  	[smem:$0x3FA1] =	sst s0  }
0x9: {  	[smem:$0x3FA2] =	sst s1  }
0xa: {  	[smem:$0x3FA3] =	sst s2  }
0xb: {  	[smem:$0x3FA4] =	sst s3  }
0xc: {  	[smem:$0x3FA5] =	sst s4  }
0xd: {  	[smem:$0x3FA6] =	sst s5  }
0xe: {  	[smem:$0x3FA7] =	sst s6  }
0xf: {  	[smem:$0x3FA8] =	sst s7  }
0x10: {  	[smem:$0x3FA9] =	sst s8  }
0x11: {  	[smem:$0x3FAA] =	sst s9;
	s0 =	simm.s32 @!p0 $0x0  }
0x12: {  	s1 =	sld [smem:$0x3F90];
	s0 =	simm.s32 @p0 $0x1  }
0x13: {  	[smem:$0x3FAB] =	sst s0;
	s0 =	simm.s32 @!p1 $0x0  }
0x14: {  	s2 =	sld [smem:$0x3F8F];
	s0 =	simm.s32 @p1 $0x1  }
0x15: {  	[smem:$0x3FAC] =	sst s0;
	s0 =	simm.s32 @!p2 $0x0  }
0x16: {  	s3 =	sld [smem:$0x3FDB];
	s0 =	simm.s32 @p2 $0x1  }
0x17: {  	s4 =	simm.s32 $0x1BF5;
	[smem:$0x3FAE] =	sst s0  }
0x18: {  	s0 =	sld [smem:$0x3F91];
	_ =	swait.ge [sflag:s4], $0x0  }
0x19: {  	s7 =	sld [smem:$0x3F92]  }
0x1a: {  	s8 =	sadd.s32 $0xFFFFE003, lr  }
0x1b: {  	s9 =	sadd.s32 $0xFFFFFEF7, lr;
	s5 =	simm.s32 $0xFFFFFFFF;
	p2 =	slt.u32 s8, $0xFFFFF086  }
0x1c: {  	p1 =	slt.u32 s9, $0xF7A;
	s5 =	simm.s32 @!p2 $0x0  }
0x1d: {  	s5 =	simm.s32 @p1 $0x1;
	p0 =	seq.s32 s7, s2  }
0x1e: {  	s7 =	smul.u32 @!p0 $0xF7A, s2;
	p2 =	seq.s32 @!p0 s5, $0x0  }
0x1f: {  	s9 =	smul.u32 $0xF7A, s1;
	s8 =	simm.s32 @!p0 $0x1BF5;
	p2 =	por !p2, p0  }
0x20: {  	[sflag:s8] =	ssyncset.s32 @!p0 $0xFFFFF086;
	s6 =	sadd.s32 @!p0 s3, s7;
	s7 =	simm.s32 @!p0 $0x108  }
0x21: {  	s3 =	sadd.s32 s3, s9;
	s6 =	sadd.s32 @!p0 $0x88, s6;
	s7 =	simm.s32 @p2 $0x1082  }
0x22: {  	[simem:s7], [sflag:s8] =	dma.local @!p0 [hbm:s6], $0xF7A  }
0x23: {  	s9 =	sor.u32 $0xD0000000, s2;
	s6 =	simm.s32 $0x108;
	_ =	swait.ge @!p0 [sflag:s8], $0x0  }
0x24: {  	s3 =	sadd.s32 $0x88, s3;
	s6 =	simm.s32 @!p1 $0x1082;
	[sflag:s4] =	ssyncset.s32 $0xFFFFF086  }
0x25: {  	[simem:s6], [sflag:s4] =	dma.local [hbm:s3], $0xF7A  }
0x26: {  	[smem:$0x3F92] =	sst s1;
	(tag) =	ssettag s2;
	_ =	strace s9  }
0x27: {  	s1 =	sld [smem:$0x3FA2]  }
0x28: {  	s2 =	sld [smem:$0x3FA3]  }
0x29: {  	s4 =	sld [smem:$0x3FA5]  }
0x2a: {  	p0 =	seq.s32 s5, $0x0;
	s5 =	sld [smem:$0x3FA6]  }
0x2b: {  	s6 =	sld [smem:$0x3FA7]  }
0x2c: {  	s7 =	sld [smem:$0x3FA8]  }
0x2d: {  	s3 =	simm.s32 $0x108;
	s8 =	sld [smem:$0x3FA9]  }
0x2e: {  	s3 =	simm.s32 @!p0 $0x1082;
	s9 =	sld [smem:$0x3FAA]  }
0x2f: {  	lr =	sadd.s32 s0, s3;
	s0 =	sld [smem:$0x3FA1]  }
0x30: {  	s3 =	sld [smem:$0x3FA4]  }
0x31: {  	[smem:$0x3FAD] =	sst s10  }
0x32: {  	s10 =	sld [smem:$0x3FAB];
	_ =	sdelay $0x3  }
0x33: {  	p0 =	seq.s32 s10, $0x1;
	s10 =	sld [smem:$0x3FAD];
	_ =	sdelay $0x3  }
0x34: {  	[smem:$0x3FAD] =	sst s10  }
0x35: {  	s10 =	sld [smem:$0x3FAC];
	_ =	sdelay $0x3  }
0x36: {  	p1 =	seq.s32 s10, $0x1;
	s10 =	sld [smem:$0x3FAD];
	_ =	sdelay $0x3  }
0x37: {  	[smem:$0x3FAD] =	sst s10  }
0x38: {  	s10 =	sld [smem:$0x3FAE]  }
0x39: {  	_ = 	snop;
	(pc) =	sbr.ind lr, $3  }
0x3a: {  	_ = 	snop  }
0x3b: {  	_ = 	snop  }
0x3c: {  	p2 =	seq.s32 s10, $0x1;
	s10 =	sld [smem:$0x3FAD]  }
0x3d: {  	_ =	shalt  }
0x3e: {  	_ =	shalt  }
0x3f: {  	_ =	shalt  }
0x40: {  	_ =	shalt  }
0x41: {  	_ =	shalt  }
0x42: {  	_ =	shalt  }
0x43: {  	_ =	shalt  }
0x44: {  	_ =	shalt  }
0x45: {  	_ =	shalt  }
0x46: {  	_ =	shalt  }
0x47: {  	_ =	shalt  }
0x48: {  	_ =	shalt  }
0x49: {  	_ =	shalt  }
0x4a: {  	_ =	shalt  }
0x4b: {  	_ =	shalt  }
0x4c: {  	_ =	shalt  }
0x4d: {  	_ =	shalt  }
0x4e: {  	_ =	shalt  }
0x4f: {  	_ =	shalt  }
0x50: {  	_ =	shalt  }
0x51: {  	_ =	shalt  }
0x52: {  	_ =	shalt  }
0x53: {  	_ =	shalt  }
0x54: {  	_ =	shalt  }
0x55: {  	_ =	shalt  }
0x56: {  	_ =	shalt  }
0x57: {  	_ =	shalt  }
0x58: {  	_ =	shalt  }
0x59: {  	_ =	shalt  }
0x5a: {  	_ =	shalt  }
0x5b: {  	_ =	shalt  }
0x5c: {  	_ =	shalt  }
0x5d: {  	_ =	shalt  }
0x5e: {  	_ =	shalt  }
0x5f: {  	_ =	shalt  }
0x60: {  	_ =	shalt  }
0x61: {  	_ =	shalt  }
0x62: {  	_ =	shalt  }
0x63: {  	_ =	shalt  }
0x64: {  	_ =	shalt  }
0x65: {  	_ =	shalt  }
0x66: {  	_ =	shalt  }
0x67: {  	_ =	shalt  }
0x68: {  	_ =	shalt  }
0x69: {  	_ =	shalt  }
0x6a: {  	_ =	shalt  }
0x6b: {  	_ =	shalt  }
0x6c: {  	_ =	shalt  }
0x6d: {  	_ =	shalt  }
0x6e: {  	_ =	shalt  }
0x6f: {  	_ =	shalt  }
0x70: {  	_ =	shalt  }
0x71: {  	_ =	shalt  }
0x72: {  	_ =	shalt  }
0x73: {  	_ =	shalt  }
0x74: {  	_ =	shalt  }
0x75: {  	_ =	shalt  }
0x76: {  	_ =	shalt  }
0x77: {  	_ =	shalt  }
0x78: {  	_ =	shalt  }
0x79: {  	_ =	shalt  }
0x7a: {  	_ =	shalt  }
0x7b: {  	_ =	shalt  }
0x7c: {  	_ =	shalt  }
0x7d: {  	_ =	shalt  }
0x7e: {  	_ =	shalt  }
0x7f: {  	_ =	shalt  }
0x80: {  	_ =	shalt  }
0x81: {  	_ =	shalt  }
0x82: {  	_ =	shalt  }
0x83: {  	_ =	shalt  }
0x84: {  	_ =	shalt  }
0x85: {  	_ =	shalt  }
0x86: {  	_ =	shalt  }
0x87: {  	_ =	shalt  }
.Lfunc_end0:
.L_simem_size_0:
called_computation_lowered:
.L_overlay_start_0:
0x88: {  	s2 =	sld [smem:$0x3FD9]  }
0x89: {  	s3 =	sld [smem:$0x3FFE];
	_ =	sdelay $0x1  }
0x8a: {  	s1 =	srdreg.scid  }
0x8b: {  	s0 =	sand.u32 $0x1, s1  }
0x8c: {  	s16 =	sshll.u32 s0, $0xA;
	s2 =	sadd.s32 s3, s2  }
0x8d: {  	s2 =	sadd.s32 s2, s16  }
0x8e: {  	[smem:$0x3FB9] =	sst s2  }
0x8f: {  	_ = 	snop  }
0x90: {  	(tm) =	ssettm $0x1  }
0x91: {  	s17 =	sld [smem:$0x3FFB];
	_ =	sdelay $0x3  }
0x92: {  	_ =	strace s17  }
0x93: {  	s2 =	sld [smem:$0x3FFC];
	_ =	sdelay $0x3  }
0x94: {  	_ =	strace s2  }
0x95: {  	s2 =	sld [smem:$0x3FFD];
	_ =	sdelay $0x3  }
0x96: {  	_ =	strace s2  }
0x97: {  	_ =	strace $0x8FFFFFFF  }
0x98: {  	s18 =	sld [smem:$0x3FDB];
	_ =	sdelay $0x1  }
0x99: {  	s19 =	simm.s32 $_scs_section_size  }
0x9a: {  	s4 =	simm.s32 $_size__tile_overlayer_lowered;
	s5 =	simm.s32 $_tile_overlayer_lowered  }
0x9b: {  	s22 =	simm.s32 $0x1BFF;
	s21 =	sshll.u32 s5, $0x1;
	s2 =	sadd.s32 s19, s18  }
0x9c: {  	s6 =	simm.s32 $0x0;
	s20 =	sshll.u32 s4, $0x1;
	s4 =	sadd.s32 s21, s2  }
0x9d: {  	[timem:s6], [sflag:s22] =	dma.local [hbm:s4], s20  }
0x9e: {  	_ =	swait.ge [sflag:s22], s20  }
0x9f: {  	s3 =	ssub.s32 $0x0, s20;
	[sflag:s22] =	ssyncset.done $0x0  }
0xa0: {  	[sflag:s22] =	ssyncadd.s32 s3;
	_ =	sdelay $0x1  }
0xa1: {  	s23 =	simm.s32 $0x1B8B  }
0xa2: {  	_ =	swait.ge [sflag:s23], $0x1  }
0xa3: {  	[sflag:s23] =	ssyncset.done $0x0  }
0xa4: {  	s25 =	simm.s32 $0x1B8E;
	s24 =	sld [smem:$0x3FFE];
	[sflag:s23] =	ssyncadd.s32 $0xFFFFFFFF  }
0xa5: {  	s26 =	simm.s32 $execute0_lowered;
	[smem:$0x3FD2] =	sst s25  }
0xa6: {  	s4 =	sshll.u32 s26, $0x1;
	_ =	strace $0x80000046;
	[dreg:$0x1] =	wrdreg $0xFFFFFFFF  }
0xa7: {  	s28 =	simm.s32 $_size_execute0_lowered;
	s2 =	sadd.s32 s2, s4;
	[dreg:$0x0] =	wrdreg $0x0  }
0xa8: {  	s4 =	sshll.u32 s28, $0x1;
	[dreg:$0x2] =	wrdreg s2  }
0xa9: {  	[dreg:$0x3] =	wrdreg s4  }
0xaa: {  	[dreg:$0x4] =	wrdreg $0xC0  }
0xab: {  	_ =	task [dreg:s6], $0x5FFFF  }
0xac: {  	[dreg:$0x1] =	wrdreg $0xFFFFFFFF  }
0xad: {  	[dreg:$0x0] =	wrdreg $0x60  }
0xae: {  	[dreg:$0x2] =	wrdreg s24  }
0xaf: {  	[dreg:$0x3] =	wrdreg $0xAC000  }
0xb0: {  	[dreg:$0x4] =	wrdreg $0x9  }
0xb1: {  	_ =	task.clear_ibuf [dreg:s6], $0x5FFFF;
	_ =	strace $0x90000046  }
0xb2: {  	s29 =	simm.s32 $0x9;
	_ =	strace $0x80000048  }
0xb3: {  	_ =	swait.ge [sflag:s29], $0x1  }
0xb4: {  	[sflag:s29] =	ssyncadd.s32 $0xFFFFFFFF  }
0xb5: {  	_ =	strace $0x90000048  }
0xb6: {  	_ =	sfence  }
0xb7: {  	s30 =	sld [smem:$0x0];
	_ =	sdelay $0x2  }
0xb8: {  	s31 =	sshll.u32 s1, $0xD;
	s1 =	sshrl.u32 s1, $0x2  }
0xb9: {  	s3 =	sand.u32 $0x4000, s31;
	s1 =	sadd.s32 s1, s30  }
0xba: {  	s0 =	sor.u32 s3, s0;
	s1 =	sshll.u32 s1, $0x11  }
0xbb: {  	s0 =	sor.u32 s1, s0  }
0xbc: {  	s0 =	sadd.s32 $0x8F2B, s0  }
0xbd: {  	[sflag:s0] =	ssyncadd.remote.s32 $0x1  }
0xbe: {  	_ =	sfence.sel $0xFFFF  }
0xbf: {  	[dreg:$0x0] =	wrdreg $0xFFFFFFFF;
	(pc) =	sbr.abs _section_cstart, $3  }
0xc0: {  	[dreg:$0x1] =	wrdreg $0xFFFFFFFF  }
0xc1: {  	_ =	task.clear_ibuf [dreg:s6], $0x2FFFF;
	_ =	strace $0x9FFFFFFF  }
0xc2: {  	(tm) =	ssettm $0x7FFFFFFF  }
0xc3: {  	_ =	shalt  }
tec
execute0_lowered:
.L_overlay_start_1:
0x0: {  	(tag) =	ssettag $0x1  }
0x1: {  	s1 =	srdreg.scid  }
0x2: {  	s0 =	stileid.u32;
	s5 =	rddreg [dreg:$0x0]  }
0x3: {  	s2 =	rddreg [dreg:$0x1];
	s3 =	simm.s32 $0x0;
	s12 =	simm.s32 $0x3  }
0x4: {  	s13 =	simm.s32 $0x4000;
	s14 =	simm.s32 $0x30;
	s15 =	simm.s32 $0x4080  }
0x5: {  	s16 =	simm.s32 $0x1;
	s17 =	simm.s32 $0x2;
	s18 =	simm.s32 $0xA800  }
0x6: {  	s21 =	simm.s32 $0x0;
	s4 =	sand.u32 $0x1, s1;
	s8 =	smul.u32 $0x14000, s0  }
0x7: {  	s30 =	sshll.u32 s0, $0x1;
	[smem:$0x7FF] =	sst s3;
	s9 =	smul.u32 $0x50000, s0  }
0x8: {  	s19 =	sshll.u32 s0, $0x6;
	s1 =	sor.u32 s4, s30;
	s7 =	smul.u32 $0x140000, s4  }
0x9: {  	s4 =	ssub.s32 $0x2, s4;
	s19 =	sor.u32 $0x1C03, s19;
	s6 =	smul.u32 $0xD80, s1  }
0xa: {  	s1 =	rddreg [dreg:$0x2];
	_ =	strace $0x80000047;
	s31 =	sshrl.u32 s4, $0x1  }
0xb: {  	s9 =	sshrl.u32 s9, $0x2;
	s7 =	sadd.s32 s8, s7;
	s8 =	ssub.s32 s4, s31  }
0xc: {  	s4 =	sadd.s32 s9, s2;
	s6 =	sadd.s32 s6, s5;
	s7 =	sshrl.u32 s7, $0x3  }
0xd: {  	s9 =	sadd.s32 $0x8000, s4;
	s10 =	sadd.s32 $0xC000, s4;
	s11 =	sadd.s32 $0x10000, s4  }
0xe: {  	s20 =	sshrl.u32 s4, $0x3;
	s7 =	sadd.s32 s7, s5;
	s5 =	sadd.s32 $0x3E00, s6  }
0xf: {  	v0 =	vimm.f32 $1.000000000e+00;
	s6 =	sadd.s32 $0x1EE00, s7;
	s7 =	smax.u32 s8, $0x1;
	s8 =	sadd.s32 $0x4000, s4  }
.LBB2_1:
0x10: {  	s22 =	simm.s32 $0x200;
	s23 =	simm.s32 $0x0  }
.LBB2_2:
0x11: {  	p0 =	sne.s32 s22, $0xFE00;
	[tilespmem:s23+$0x0] =	vst v0;
	s23 =	smov.u32 s22;
	s22 =	sadd.s32 $0x200, s22  }
.Ltmp0:
0x12: {  	(pc) =	sbr.rel @p0 .LBB2_2-.Ltmp0, $2  }
0x13: {  	_ =	sdelay $0x2  }
0x14: {  	s23 =	sshra.s32 s23, $0x2  }
0x15: {  	[tilespmem:s23+$0x0] =	vst v0  }
0x16: {  	[spmem:s4] =	stream.linear.scatter [tilespmem:s3], [sflag:$0x3], $0x4000, $0x38;
	[tilespmem:$0xD400] =	vst v63  }
0x17: {  	_ =	swait.ge [sflag:s12], $0x4000  }
0x18: {  	[sflag:s12] =	ssyncset.done $0x0  }
0x19: {  	[sflag:s12] =	ssyncadd.s32 $0xFFFFC000  }
0x1a: {  	[spmem:s8] =	stream.linear.scatter [tilespmem:s3], [sflag:$0x3], $0x4000, $0x38;
	[tilespmem:$0xD400] =	vst v63  }
0x1b: {  	_ =	swait.ge [sflag:s12], $0x4000  }
0x1c: {  	[sflag:s12] =	ssyncset.done $0x0  }
0x1d: {  	[sflag:s12] =	ssyncadd.s32 $0xFFFFC000  }
0x1e: {  	[spmem:s9] =	stream.linear.scatter [tilespmem:s3], [sflag:$0x3], $0x4000, $0x38;
	[tilespmem:$0xD400] =	vst v63  }
0x1f: {  	_ =	swait.ge [sflag:s12], $0x4000  }
0x20: {  	[sflag:s12] =	ssyncset.done $0x0  }
0x21: {  	[sflag:s12] =	ssyncadd.s32 $0xFFFFC000  }
0x22: {  	[spmem:s10] =	stream.linear.scatter [tilespmem:s3], [sflag:$0x3], $0x4000, $0x38;
	[tilespmem:$0xD400] =	vst v63  }
0x23: {  	_ =	swait.ge [sflag:s12], $0x4000  }
0x24: {  	[sflag:s12] =	ssyncset.done $0x0  }
0x25: {  	[sflag:s12] =	ssyncadd.s32 $0xFFFFC000  }
0x26: {  	[spmem:s11] =	stream.linear.scatter [tilespmem:s3], [sflag:$0x3], $0x4000, $0x38;
	[tilespmem:$0xD400] =	vst v63  }
0x27: {  	_ =	swait.ge [sflag:s12], $0x4000  }
0x28: {  	[sflag:s12] =	ssyncset.done $0x0  }
0x29: {  	[sflag:s12] =	ssyncadd.s32 $0xFFFFC000  }
0x2a: {  	[tilespmem:s13], [sflag:$0x3] =	stream.linear.gather [hbm4b:s5+s3], $0x6880, $0x38;
	[tilespmem:$0xD400] =	vst v63  }
0x2b: {  	_ =	swait.ge [sflag:s12], $0x6880  }
0x2c: {  	[sflag:s12] =	ssyncset.done $0x0  }
0x2d: {  	[sflag:s12] =	ssyncadd.s32 $0xFFFF9780  }
0x2e: {  	[bflag:$0x0] =	sbarrier.arrive $0xFFFF  }
0x2f: {  	[spmem:s2] =	stream.indirect.scatter.add.f32 [tilespmem:s3], [sflag:$0x1], $0x10, s13, s14, $0xb8;
	[tilespmem:$0xD400] =	vst v63  }
0x30: {  	_ = 	snop  }
0x31: {  	[spmem:s2] =	stream.indirect.scatter.add.f32 [tilespmem:s3], [sflag:$0x2], $0x10, s15, s14, $0xb8;
	[tilespmem:$0xD400] =	vst v63  }
0x32: {  	_ =	swait.ge [sflag:s16], $0x300  }
0x33: {  	[sflag:s16] =	ssyncset.done $0x0  }
0x34: {  	s22 =	simm.s32 $0x4100;
	[sflag:s16] =	ssyncadd.s32 $0xFFFFFD00  }
0x35: {  	[spmem:s2] =	stream.indirect.scatter.add.f32 [tilespmem:s3], [sflag:$0x1], $0x10, s22, s14, $0xb8;
	[tilespmem:$0xD400] =	vst v63  }
0x36: {  	_ =	swait.ge [sflag:s17], $0x300  }
0x37: {  	[sflag:s17] =	ssyncset.done $0x0  }
0x38: {  	s23 =	simm.s32 $0x4180;
	s22 =	simm.s32 $0xFFFE6800;
	[sflag:s17] =	ssyncadd.s32 $0xFFFFFD00  }
.LBB2_4:
0x39: {  	[spmem:s2] =	stream.indirect.scatter.add.f32 [tilespmem:s3], [sflag:$0x2], $0x10, s23, s14, $0xb8;
	[tilespmem:$0xD400] =	vst v63  }
0x3a: {  	s23 =	smov.u32 s22  }
0x3b: {  	p0 =	sne.s32 s22, $0xFFFFFC00;
	s22 =	sadd.s32 $0x400, s22;
	_ =	swait.ge [sflag:s16], $0x300  }
0x3c: {  	s23 =	sshra.s32 s23, $0x2;
	[sflag:s16] =	ssyncset.done $0x0  }
.Ltmp1:
0x3d: {  	s24 =	sadd.s32 $0xA800, s23;
	[sflag:s16] =	ssyncadd.s32 $0xFFFFFD00;
	(pc) =	sbr.rel @p0 .LBB2_4-.Ltmp1, $4  }
0x3e: {  	[spmem:s2] =	stream.indirect.scatter.add.f32 [tilespmem:s3], [sflag:$0x1], $0x10, s24, s14, $0xb8;
	[tilespmem:$0xD400] =	vst v63  }
0x3f: {  	_ =	swait.ge [sflag:s17], $0x300  }
0x40: {  	[sflag:s17] =	ssyncset.done $0x0  }
0x41: {  	s23 =	sadd.s32 $0xA880, s23;
	[sflag:s17] =	ssyncadd.s32 $0xFFFFFD00  }
0x42: {  	[spmem:s2] =	stream.indirect.scatter.add.f32 [tilespmem:s3], [sflag:$0x2], $0x10, s23, s14, $0xb8;
	[tilespmem:$0xD400] =	vst v63  }
0x43: {  	_ =	swait.ge [sflag:s16], $0x300  }
0x44: {  	[sflag:s16] =	ssyncset.done $0x0  }
0x45: {  	[sflag:s16] =	ssyncadd.s32 $0xFFFFFD00  }
0x46: {  	[spmem:s2] =	stream.indirect.scatter.add.f32 [tilespmem:s3], [sflag:$0x1], $0x10, s18, s14, $0xb8;
	[tilespmem:$0xD400] =	vst v63  }
0x47: {  	_ =	swait.ge [sflag:s16], $0x300  }
0x48: {  	[sflag:s16] =	ssyncset.done $0x0  }
0x49: {  	[sflag:s16] =	ssyncadd.s32 $0xFFFFFD00  }
0x4a: {  	_ =	swait.ge [sflag:s17], $0x300  }
0x4b: {  	s21 =	sadd.s32 $0x1, s21;
	[sflag:s17] =	ssyncset.done $0x0  }
0x4c: {  	p0 =	sne.s32 s21, s7;
	[sflag:s17] =	ssyncadd.s32 $0xFFFFFD00  }
.Ltmp2:
0x4d: {  	[bflag:$0x0] =	sbarrier.arrive $0xFFFF;
	(pc) =	sbr.rel @p0 .LBB2_1-.Ltmp2, $4  }
0x4e: {  	[hbm:s6], [sflag:s19] =	dma.local [spmem:s20], $0x2800  }
0x4f: {  	_ =	swait.ge [sflag:s12], $0x2800  }
0x50: {  	[sflag:s12] =	ssyncset.done $0x0  }
0x51: {  	[sflag:s12] =	ssyncadd.s32 $0xFFFFD800  }
0x52: {  	_ =	sfence.sel $0x180000  }
0x53: {  	[bflag:$0x0] =	sbarrier.arrive $0xFFFF  }
0x54: {  	p0 =	sne.s32 s0, $0x0;
	_ =	strace $0x90000047  }
0x55: {  	s0 =	sadd.s32 @!p0 $0x100000, s1;
	[bflag:$0x2] =	sbarrier.arrive $0xFFFF  }
0x56: {  	[sflag:s0] =	ssyncadd.tile.s32 @!p0 $0x1;
	_ =	shalt  }
.Lfunc_end2:
_tile_overlayer_lowered:
.L_overlay_start_2:
0x57: {  	(tag) =	ssettag $0x2  }
0x58: {  	s0 =	rddreg [dreg:$0x0];
	s2 =	stileid.u32  }
0x59: {  	s1 =	rddreg [dreg:$0x1];
	p0 =	sne.s32 s2, $0x0  }
0x5a: {  	s3 =	rddreg [dreg:$0x2];
	[bflag:$0x3] =	sbarrier.arrive $0xFFFF;
	s2 =	simm.s32 @!p0 $0x1C03  }
0x5b: {  	[timem:s3], [sflag:s2] =	dma.local @!p0 [hbm:s0], s1  }
0x5c: {  	s0 =	simm.s32 @!p0 $0x3  }
0x5d: {  	_ =	swait.ge @!p0 [sflag:s0], s1  }
0x5e: {  	s1 =	ssub.s32 @!p0 $0x0, s1;
	[sflag:s0] =	ssyncset.done @!p0 $0x0  }
0x5f: {  	[sflag:s0] =	ssyncadd.s32 @!p0 s1  }
0x60: {  	[bflag:$0x3] =	sbarrier.arrive $0xFFFF  }
0x61: {  	_ =	shalt  }

</sc_bundles>
